<compile_context>
chip_gen: v7x
topology: tpu7x:2x2x1
jax: 0.10.2.dev20260603
libtpu: 0.0.44.dev20260713+nightly
codegen_flags: <defaults>
</compile_context>

<pallas_src>
import functools

import jax
import jax.numpy as jnp
from jax import lax
from jax.experimental import pallas as pl
from jax.experimental.pallas import tpu as pltpu
from jax.experimental.pallas import tpu_sc as plsc

N = 10000
E = 320000
DIM = 128
G = 128
L = 3

NC = 2
NS = 16
NW = NC * NS
CHUNK = 128
TPC_A = 152
TPC_B = 8
KBLK = 8
KBLK_LOG2 = 3
NBUF = 2
TOTCH = NS * (TPC_A + TPC_B)
EPAD = TOTCH * CHUNK
NPAD = 10112
ROWS_PT = NPAD // NS

_sc_mesh = plsc.VectorSubcoreMesh(core_axis_name="c", subcore_axis_name="s")


@functools.partial(
    pl.kernel,
    out_type=jax.ShapeDtypeStruct((NC * NPAD, DIM), jnp.float32),
    mesh=_sc_mesh,
    scratch_types=[
        pltpu.VMEM((2, KBLK * CHUNK), jnp.int32),
        pltpu.VMEM((2, KBLK, CHUNK), jnp.int32),
        pltpu.VMEM((NBUF, CHUNK, DIM), jnp.float32),
        pltpu.VMEM_SHARED((NPAD, DIM), jnp.float32),
        pltpu.SemaphoreType.DMA((NBUF,)),
        pltpu.SemaphoreType.DMA((2,)),
    ],
)
def _sc_agg(h_hbm, src_hbm, dst_hbm, zero_hbm, out_hbm,
            srcb_v, dstb_v, rows_v, agg_s, sem_r, sem_i):
    cid = lax.axis_index("c")
    sid = lax.axis_index("s")

    pltpu.sync_copy(zero_hbm, agg_s.at[pl.ds(sid * ROWS_PT, ROWS_PT)])

    tpc = lax.select(cid == 0, jnp.int32(TPC_A), jnp.int32(TPC_B))
    nblk = tpc // KBLK
    cbase = cid * (NS * TPC_A) + sid * tpc
    ebase = cbase * CHUNK

    def _idx_fetch(blk):
        bb = jnp.bitwise_and(blk, 1)
        off = pl.multiple_of(ebase + blk * (KBLK * CHUNK), KBLK * CHUNK)
        pltpu.async_copy(src_hbm.at[pl.ds(off, KBLK * CHUNK)],
                         srcb_v.at[bb], sem_i.at[bb])
        roff = pl.multiple_of(cbase + blk * KBLK, KBLK)
        pltpu.async_copy(dst_hbm.at[pl.ds(roff, KBLK)],
                         dstb_v.at[bb], sem_i.at[bb])

    def _idx_wait(blk):
        bb = jnp.bitwise_and(blk, 1)
        pltpu.make_async_copy(src_hbm.at[pl.ds(0, KBLK * CHUNK)],
                              srcb_v.at[bb], sem_i.at[bb]).wait()
        pltpu.make_async_copy(dst_hbm.at[pl.ds(0, KBLK)],
                              dstb_v.at[bb], sem_i.at[bb]).wait()

    def _gather_start(c, b):
        sb = jnp.bitwise_and(jnp.right_shift(c, KBLK_LOG2), 1)
        off = pl.multiple_of(jnp.bitwise_and(c, KBLK - 1) * CHUNK, CHUNK)
        pltpu.async_copy(h_hbm.at[srcb_v.at[sb, pl.ds(off, CHUNK)]],
                         rows_v.at[b], sem_r.at[b])

    def _gather_wait(b):
        pltpu.make_async_copy(h_hbm.at[srcb_v.at[0, pl.ds(0, CHUNK)]],
                              rows_v.at[b], sem_r.at[b]).wait()

    _idx_fetch(0)

    @pl.when(nblk > 1)
    def _():
        _idx_fetch(1)

    _idx_wait(0)
    for i in range(NBUF):
        _gather_start(jnp.int32(i), jnp.int32(i))
    plsc.subcore_barrier()

    def outer(blk, _):
        @pl.when(blk + 1 < nblk)
        def _():
            _idx_wait(blk + 1)

        def inner(pos, _):
            c = blk * KBLK + pos
            b = jnp.bitwise_and(c, NBUF - 1)
            _gather_wait(b)
            pltpu.sync_copy(rows_v.at[b],
                            agg_s.at[dstb_v.at[jnp.bitwise_and(blk, 1), pos]],
                            add=True)

            @pl.when(c + NBUF < tpc)
            def _():
                _gather_start(c + NBUF, b)
            return ()

        lax.fori_loop(0, KBLK, inner, (), unroll=False)

        @pl.when(blk + 2 < nblk)
        def _():
            _idx_fetch(blk + 2)
        return ()

    lax.fori_loop(0, nblk, outer, (), unroll=False)
    plsc.subcore_barrier()

    pltpu.sync_copy(
        agg_s.at[pl.ds(sid * ROWS_PT, ROWS_PT)],
        out_hbm.at[pl.ds(cid * NPAD + sid * ROWS_PT, ROWS_PT)],
    )


def _mlp_body(h_ref, a0_ref, a1_ref, w1_ref, b1_ref, w2_ref, b2_ref,
              g_ref, be_ref, o_ref):
    z = h_ref[...] + a0_ref[...] + a1_ref[...]
    z = jax.lax.dot_general(z, w1_ref[...], (((1,), (0,)), ((), ())),
                            preferred_element_type=jnp.float32)
    z = jnp.maximum(z + b1_ref[...], 0.0)
    z = jax.lax.dot_general(z, w2_ref[...], (((1,), (0,)), ((), ())),
                            preferred_element_type=jnp.float32)
    z = jnp.maximum(z + b2_ref[...], 0.0)
    m = jnp.mean(z, axis=0, keepdims=True)
    v = jnp.mean(jnp.square(z - m), axis=0, keepdims=True)
    o_ref[...] = (z - m) / jnp.sqrt(v + 1e-5) * g_ref[...] + be_ref[...]


def _mlp_pool_body(h_ref, a0_ref, a1_ref, w1_ref, b1_ref, w2_ref, b2_ref,
                   g_ref, be_ref, batch_ref, o_ref):
    z = h_ref[...] + a0_ref[...] + a1_ref[...]
    z = jax.lax.dot_general(z, w1_ref[...], (((1,), (0,)), ((), ())),
                            preferred_element_type=jnp.float32)
    z = jnp.maximum(z + b1_ref[...], 0.0)
    z = jax.lax.dot_general(z, w2_ref[...], (((1,), (0,)), ((), ())),
                            preferred_element_type=jnp.float32)
    z = jnp.maximum(z + b2_ref[...], 0.0)
    m = jnp.mean(z, axis=0, keepdims=True)
    v = jnp.mean(jnp.square(z - m), axis=0, keepdims=True)
    z = (z - m) / jnp.sqrt(v + 1e-5) * g_ref[...] + be_ref[...]
    oh = (batch_ref[...] == lax.broadcasted_iota(jnp.int32, (N, G), 1))
    o_ref[...] = jax.lax.dot_general(
        oh.astype(jnp.float32), z, (((0,), (0,)), ((), ())),
        preferred_element_type=jnp.float32,
        precision=jax.lax.Precision.HIGHEST)


_mlp = pl.pallas_call(
    _mlp_body, out_shape=jax.ShapeDtypeStruct((N, DIM), jnp.float32))
_mlp_pool = pl.pallas_call(
    _mlp_pool_body, out_shape=jax.ShapeDtypeStruct((G, DIM), jnp.float32))


def kernel(x, edge_index, batch, W1, b1, W2, b2, gamma, beta):
    src = edge_index[0]
    dst = edge_index[1]
    pad = EPAD - E
    srcp = jnp.concatenate([src, jnp.zeros((pad,), jnp.int32)])
    dstp = jnp.concatenate([dst, jnp.full((pad,), N, jnp.int32)])
    dstp = dstp.reshape(TOTCH, CHUNK)
    zero_rows = jnp.zeros((ROWS_PT, DIM), jnp.float32)
    batch2 = batch.reshape(N, 1)

    h = x
    for i in range(L):
        parts = _sc_agg(h, srcp, dstp, zero_rows)
        a0 = parts[:N]
        a1 = parts[NPAD:NPAD + N]
        w1 = W1[i]
        w2 = W2[i]
        b1r = b1[i].reshape(1, DIM)
        b2r = b2[i].reshape(1, DIM)
        gr = gamma[i].reshape(1, DIM)
        br = beta[i].reshape(1, DIM)
        if i < L - 1:
            h = _mlp(h, a0, a1, w1, b1r, w2, b2r, gr, br)
        else:
            h = _mlp_pool(h, a0, a1, w1, b1r, w2, b2r, gr, br, batch2)
    return h

# --- scband reference (transcript-rebuilt; emitter-appended) ---
"""Pipeline reference for scband-ginencoder-90228672955075 (READ-ONLY COPY).

The authoritative reference and input builder live on the scoring server;
editing this copy changes nothing except your own understanding.
"""

import jax, jax.numpy as jnp
import numpy as np

N = 10000
E = 320000
F_IN = 128
DIM = 128
L = 3
G = 128


def setup_inputs(seed: int = 0) -> dict:
    key = jax.random.key(seed)
    ks = jax.random.split(key, 8)
    x = jax.random.normal(ks[0], (N, F_IN), dtype=jnp.float32)
    edge_index = jax.random.randint(ks[1], (2, E), 0, N, dtype=jnp.int32)
    batch = jnp.sort(jax.random.randint(ks[2], (N,), 0, G, dtype=jnp.int32))
    # GIN MLP params per layer; layer 0 input dim == F_IN == DIM so stacking is valid
    W1 = jax.random.normal(ks[3], (L, F_IN, DIM), dtype=jnp.float32) * 0.05
    b1 = jnp.zeros((L, DIM), dtype=jnp.float32)
    W2 = jax.random.normal(ks[4], (L, DIM, DIM), dtype=jnp.float32) * 0.05
    b2 = jnp.zeros((L, DIM), dtype=jnp.float32)
    gamma = jnp.ones((L, DIM), dtype=jnp.float32)
    beta = jnp.zeros((L, DIM), dtype=jnp.float32)
    return {"x": x, "edge_index": edge_index, "batch": batch,
            "W1": W1, "b1": b1, "W2": W2, "b2": b2,
            "gamma": gamma, "beta": beta}


def reference(x, edge_index, batch, W1, b1, W2, b2, gamma, beta):
    src = edge_index[0]
    dst = edge_index[1]
    h = x
    for i in range(L):
        # GINConv with eps=0: out = MLP((1+eps)*x + sum_{j in N(i)} x_j)
        agg = jax.ops.segment_sum(h[src], dst, num_segments=N)
        z = h + agg
        z = jnp.maximum(jnp.dot(z, W1[i]) + b1[i], 0.0)
        z = jnp.dot(z, W2[i]) + b2[i]
        # F.relu after conv
        z = jnp.maximum(z, 0.0)
        # BatchNorm1d (training-mode batch statistics)
        mean = jnp.mean(z, axis=0)
        var = jnp.var(z, axis=0)
        z = (z - mean) / jnp.sqrt(var + 1e-5) * gamma[i] + beta[i]
        h = z
    # global_add_pool
    xpool = jax.ops.segment_sum(h, batch, num_segments=G)
    return xpool

if __name__ == "__main__":
    import jax
    _d = setup_inputs()
    print(jax.jit(kernel)(*tuple(_d.values())))

</pallas_src>

<mosaic_0001>
#map = affine_map<(d0, d1) -> (0, 0)>
#map1 = affine_map<(d0, d1) -> (0)>
module attributes {stable_mosaic.version = 14 : i64} {
  func.func @_sc_agg(%arg0: i32, %arg1: i32, %arg2: memref<10000x128xf32, #tpu.memory_space<hbm>>, %arg3: memref<327680xi32, #tpu.memory_space<hbm>>, %arg4: memref<2560x128xi32, #tpu.memory_space<hbm>>, %arg5: memref<632x128xf32, #tpu.memory_space<hbm>>, %arg6: memref<20224x128xf32, #tpu.memory_space<hbm>>, %arg7: memref<2x1024xi32, #tpu.memory_space<vmem>>, %arg8: memref<2x8x128xi32, #tpu.memory_space<vmem>>, %arg9: memref<2x128x128xf32, #tpu.memory_space<vmem>>, %arg10: memref<10112x128xf32, #tpu.memory_space<vmem_shared>>, %arg11: memref<2x!tpu.dma_semaphore, #tpu.memory_space<semaphore_mem>>, %arg12: memref<2x!tpu.dma_semaphore, #tpu.memory_space<semaphore_mem>>) attributes {dimension_semantics = [#tpu.dimension_semantics<core_parallel>, #tpu.dimension_semantics<subcore_parallel>], iteration_bounds = array<i64: 2, 16>, scalar_prefetch = 0 : i64, scratch_operands = 6 : i64, tpu.core_type = #tpu.core_type<sc_vector_subcore>, window_params = [{transform_indices = #map}, {transform_indices = #map1}, {transform_indices = #map}, {transform_indices = #map}, {transform_indices = #map}]} {
    %mul3A = arith.constant 632 : i32
    %mul3A_0 = arith.muli %arg1, %mul3A : i32
    "tpu.region"() ({
      %run_scoped3A = tpu.sem_alloc : memref<!tpu.dma_semaphore, #tpu.memory_space<semaphore_mem>>
      %dma_start3A_152 = arith.constant 0 : i32
      %dma_start3A_153 = tpu.memref_slice %arg10[%mul3A_0, %dma_start3A_152] : memref<10112x128xf32, #tpu.memory_space<vmem_shared>> -> memref<632x128xf32, #tpu.memory_space<vmem_shared>>
      tpu.enqueue_dma source(%arg5 : memref<632x128xf32, #tpu.memory_space<hbm>>) target(%dma_start3A_153 : memref<632x128xf32, #tpu.memory_space<vmem_shared>>) target_semaphore(%run_scoped3A : memref<!tpu.dma_semaphore, #tpu.memory_space<semaphore_mem>>)
      %dma_wait3A_154 = arith.constant 0 : i32
      %dma_wait3A_155 = tpu.memref_slice %arg10[%mul3A_0, %dma_wait3A_154] : memref<10112x128xf32, #tpu.memory_space<vmem_shared>> -> memref<632x128xf32, #tpu.memory_space<vmem_shared>>
      tpu.wait_dma2 semaphore(%run_scoped3A : memref<!tpu.dma_semaphore, #tpu.memory_space<semaphore_mem>>) src(%arg5 : memref<632x128xf32, #tpu.memory_space<hbm>>) dst(%dma_wait3A_155 : memref<632x128xf32, #tpu.memory_space<vmem_shared>>)
      tpu.yield
    }) : () -> ()
    %eq3A = arith.constant 0 : i32
    %eq3A_1 = arith.cmpi eq, %arg0, %eq3A : i32
    %select_n3A = arith.constant 8 : i32
    %select_n3A_2 = arith.constant 152 : i32
    %select_n3A_3 = arith.select %eq3A_1, %select_n3A_2, %select_n3A : i32
    %jit3A = arith.constant 8 : i32
    %div3A = arith.divsi %select_n3A_3, %jit3A : i32
    %sign3A = arith.constant 0 : i32
    %sign3A_4 = arith.cmpi sgt, %select_n3A_3, %sign3A : i32
    %sign3A_5 = arith.extui %sign3A_4 : i1 to i32
    %sign3A_6 = arith.constant 0 : i32
    %sign3A_7 = arith.cmpi slt, %select_n3A_3, %sign3A_6 : i32
    %sign3A_8 = arith.extui %sign3A_7 : i1 to i32
    %sign3A_9 = arith.subi %sign3A_5, %sign3A_8 : i32
    %sign3A_10 = arith.constant 0 : i32
    %sign3A_11 = arith.cmpi sgt, %jit3A, %sign3A_10 : i32
    %sign3A_12 = arith.extui %sign3A_11 : i1 to i32
    %sign3A_13 = arith.constant 0 : i32
    %sign3A_14 = arith.cmpi slt, %jit3A, %sign3A_13 : i32
    %sign3A_15 = arith.extui %sign3A_14 : i1 to i32
    %sign3A_16 = arith.subi %sign3A_12, %sign3A_15 : i32
    %ne3A = arith.cmpi ne, %sign3A_9, %sign3A_16 : i32
    %rem3A = arith.remsi %select_n3A_3, %jit3A : i32
    %ne3A_17 = arith.constant 0 : i32
    %ne3A_18 = arith.cmpi ne, %rem3A, %ne3A_17 : i32
    %and3A = arith.andi %ne3A, %ne3A_18 : i1
    %sub3A = arith.constant 1 : i32
    %sub3A_19 = arith.subi %div3A, %sub3A : i32
    %select_n3A_20 = arith.select %and3A, %sub3A_19, %div3A : i32
    %mul3A_21 = arith.constant 2432 : i32
    %mul3A_22 = arith.muli %arg0, %mul3A_21 : i32
    %mul3A_23 = arith.muli %arg1, %select_n3A_3 : i32
    %add3A = arith.addi %mul3A_22, %mul3A_23 : i32
    %mul3A_24 = arith.constant 128 : i32
    %mul3A_25 = arith.muli %add3A, %mul3A_24 : i32
    %and3A_26 = arith.constant 0 : i32
    %and3A_27 = arith.constant 1 : i32
    %and3A_28 = arith.andi %and3A_26, %and3A_27 : i32
    %add3A_29 = arith.constant 0 : i32
    %add3A_30 = arith.addi %mul3A_25, %add3A_29 : i32
    %multiple_of3A = tpu.assume_multiple %add3A_30, 1024 : i32
    %dma_start3A = arith.constant 0 : i32
    %dma_start3A_31 = tpu.memref_slice %arg7[%and3A_28, %dma_start3A] : memref<2x1024xi32, #tpu.memory_space<vmem>> -> memref<1x1024xi32, #tpu.memory_space<vmem>>
    %dma_start3A_32 = tpu.memref_squeeze %dma_start3A_31 : memref<1x1024xi32, #tpu.memory_space<vmem>> -> memref<1024xi32, #tpu.memory_space<vmem>>
    %dma_start3A_33 = tpu.memref_slice %arg3[%multiple_of3A] : memref<327680xi32, #tpu.memory_space<hbm>> -> memref<1024xi32, #tpu.memory_space<hbm>>
    %dma_start3A_34 = tpu.memref_slice %arg12[%and3A_28] : memref<2x!tpu.dma_semaphore, #tpu.memory_space<semaphore_mem>> -> memref<1x!tpu.dma_semaphore, #tpu.memory_space<semaphore_mem>>
    %dma_start3A_35 = tpu.memref_squeeze %dma_start3A_34 : memref<1x!tpu.dma_semaphore, #tpu.memory_space<semaphore_mem>> -> memref<!tpu.dma_semaphore, #tpu.memory_space<semaphore_mem>>
    %dma_start3A_36 = arith.constant 0 : i32
    %dma_start3A_37 = tpu.memref_slice %arg7[%and3A_28, %dma_start3A_36] : memref<2x1024xi32, #tpu.memory_space<vmem>> -> memref<1x1024xi32, #tpu.memory_space<vmem>>
    %dma_start3A_38 = tpu.memref_squeeze %dma_start3A_37 : memref<1x1024xi32, #tpu.memory_space<vmem>> -> memref<1024xi32, #tpu.memory_space<vmem>>
    %dma_start3A_39 = tpu.memref_slice %arg3[%multiple_of3A] : memref<327680xi32, #tpu.memory_space<hbm>> -> memref<1024xi32, #tpu.memory_space<hbm>>
    tpu.enqueue_dma source(%dma_start3A_39 : memref<1024xi32, #tpu.memory_space<hbm>>) target(%dma_start3A_38 : memref<1024xi32, #tpu.memory_space<vmem>>) target_semaphore(%dma_start3A_35 : memref<!tpu.dma_semaphore, #tpu.memory_space<semaphore_mem>>)
    %add3A_40 = arith.constant 0 : i32
    %add3A_41 = arith.addi %add3A, %add3A_40 : i32
    %multiple_of3A_42 = tpu.assume_multiple %add3A_41, 8 : i32
    %dma_start3A_43 = arith.constant 0 : i32
    %dma_start3A_44 = arith.constant 0 : i32
    %dma_start3A_45 = tpu.memref_slice %arg8[%and3A_28, %dma_start3A_43, %dma_start3A_44] : memref<2x8x128xi32, #tpu.memory_space<vmem>> -> memref<1x8x128xi32, #tpu.memory_space<vmem>>
    %dma_start3A_46 = tpu.memref_squeeze %dma_start3A_45 : memref<1x8x128xi32, #tpu.memory_space<vmem>> -> memref<8x128xi32, #tpu.memory_space<vmem>>
    %dma_start3A_47 = arith.constant 0 : i32
    %dma_start3A_48 = tpu.memref_slice %arg4[%multiple_of3A_42, %dma_start3A_47] : memref<2560x128xi32, #tpu.memory_space<hbm>> -> memref<8x128xi32, #tpu.memory_space<hbm>>
    %dma_start3A_49 = tpu.memref_slice %arg12[%and3A_28] : memref<2x!tpu.dma_semaphore, #tpu.memory_space<semaphore_mem>> -> memref<1x!tpu.dma_semaphore, #tpu.memory_space<semaphore_mem>>
    %dma_start3A_50 = tpu.memref_squeeze %dma_start3A_49 : memref<1x!tpu.dma_semaphore, #tpu.memory_space<semaphore_mem>> -> memref<!tpu.dma_semaphore, #tpu.memory_space<semaphore_mem>>
    %dma_start3A_51 = arith.constant 0 : i32
    %dma_start3A_52 = arith.constant 0 : i32
    %dma_start3A_53 = tpu.memref_slice %arg8[%and3A_28, %dma_start3A_51, %dma_start3A_52] : memref<2x8x128xi32, #tpu.memory_space<vmem>> -> memref<1x8x128xi32, #tpu.memory_space<vmem>>
    %dma_start3A_54 = tpu.memref_squeeze %dma_start3A_53 : memref<1x8x128xi32, #tpu.memory_space<vmem>> -> memref<8x128xi32, #tpu.memory_space<vmem>>
    %dma_start3A_55 = arith.constant 0 : i32
    %dma_start3A_56 = tpu.memref_slice %arg4[%multiple_of3A_42, %dma_start3A_55] : memref<2560x128xi32, #tpu.memory_space<hbm>> -> memref<8x128xi32, #tpu.memory_space<hbm>>
    tpu.enqueue_dma source(%dma_start3A_56 : memref<8x128xi32, #tpu.memory_space<hbm>>) target(%dma_start3A_54 : memref<8x128xi32, #tpu.memory_space<vmem>>) target_semaphore(%dma_start3A_50 : memref<!tpu.dma_semaphore, #tpu.memory_space<semaphore_mem>>)
    %gt3A = arith.constant 1 : i32
    %gt3A_57 = arith.cmpi sgt, %select_n3A_20, %gt3A : i32
    %convert_element_type3A = arith.extui %gt3A_57 : i1 to i32
    %cond3A = arith.constant 0 : i32
    %cond3A_58 = arith.cmpi ne, %convert_element_type3A, %cond3A : i32
    scf.if %cond3A_58 {
      %and3A_152 = arith.constant 1 : i32
      %and3A_153 = arith.constant 1 : i32
      %and3A_154 = arith.andi %and3A_152, %and3A_153 : i32
      %add3A_155 = arith.constant 1024 : i32
      %add3A_156 = arith.addi %mul3A_25, %add3A_155 : i32
      %multiple_of3A_157 = tpu.assume_multiple %add3A_156, 1024 : i32
      %dma_start3A_158 = arith.constant 0 : i32
      %dma_start3A_159 = tpu.memref_slice %arg7[%and3A_154, %dma_start3A_158] : memref<2x1024xi32, #tpu.memory_space<vmem>> -> memref<1x1024xi32, #tpu.memory_space<vmem>>
      %dma_start3A_160 = tpu.memref_squeeze %dma_start3A_159 : memref<1x1024xi32, #tpu.memory_space<vmem>> -> memref<1024xi32, #tpu.memory_space<vmem>>
      %dma_start3A_161 = tpu.memref_slice %arg3[%multiple_of3A_157] : memref<327680xi32, #tpu.memory_space<hbm>> -> memref<1024xi32, #tpu.memory_space<hbm>>
      %dma_start3A_162 = tpu.memref_slice %arg12[%and3A_154] : memref<2x!tpu.dma_semaphore, #tpu.memory_space<semaphore_mem>> -> memref<1x!tpu.dma_semaphore, #tpu.memory_space<semaphore_mem>>
      %dma_start3A_163 = tpu.memref_squeeze %dma_start3A_162 : memref<1x!tpu.dma_semaphore, #tpu.memory_space<semaphore_mem>> -> memref<!tpu.dma_semaphore, #tpu.memory_space<semaphore_mem>>
      %dma_start3A_164 = arith.constant 0 : i32
      %dma_start3A_165 = tpu.memref_slice %arg7[%and3A_154, %dma_start3A_164] : memref<2x1024xi32, #tpu.memory_space<vmem>> -> memref<1x1024xi32, #tpu.memory_space<vmem>>
      %dma_start3A_166 = tpu.memref_squeeze %dma_start3A_165 : memref<1x1024xi32, #tpu.memory_space<vmem>> -> memref<1024xi32, #tpu.memory_space<vmem>>
      %dma_start3A_167 = tpu.memref_slice %arg3[%multiple_of3A_157] : memref<327680xi32, #tpu.memory_space<hbm>> -> memref<1024xi32, #tpu.memory_space<hbm>>
      tpu.enqueue_dma source(%dma_start3A_167 : memref<1024xi32, #tpu.memory_space<hbm>>) target(%dma_start3A_166 : memref<1024xi32, #tpu.memory_space<vmem>>) target_semaphore(%dma_start3A_163 : memref<!tpu.dma_semaphore, #tpu.memory_space<semaphore_mem>>)
      %add3A_168 = arith.constant 8 : i32
      %add3A_169 = arith.addi %add3A, %add3A_168 : i32
      %multiple_of3A_170 = tpu.assume_multiple %add3A_169, 8 : i32
      %dma_start3A_171 = arith.constant 0 : i32
      %dma_start3A_172 = arith.constant 0 : i32
      %dma_start3A_173 = tpu.memref_slice %arg8[%and3A_154, %dma_start3A_171, %dma_start3A_172] : memref<2x8x128xi32, #tpu.memory_space<vmem>> -> memref<1x8x128xi32, #tpu.memory_space<vmem>>
      %dma_start3A_174 = tpu.memref_squeeze %dma_start3A_173 : memref<1x8x128xi32, #tpu.memory_space<vmem>> -> memref<8x128xi32, #tpu.memory_space<vmem>>
      %dma_start3A_175 = arith.constant 0 : i32
      %dma_start3A_176 = tpu.memref_slice %arg4[%multiple_of3A_170, %dma_start3A_175] : memref<2560x128xi32, #tpu.memory_space<hbm>> -> memref<8x128xi32, #tpu.memory_space<hbm>>
      %dma_start3A_177 = tpu.memref_slice %arg12[%and3A_154] : memref<2x!tpu.dma_semaphore, #tpu.memory_space<semaphore_mem>> -> memref<1x!tpu.dma_semaphore, #tpu.memory_space<semaphore_mem>>
      %dma_start3A_178 = tpu.memref_squeeze %dma_start3A_177 : memref<1x!tpu.dma_semaphore, #tpu.memory_space<semaphore_mem>> -> memref<!tpu.dma_semaphore, #tpu.memory_space<semaphore_mem>>
      %dma_start3A_179 = arith.constant 0 : i32
      %dma_start3A_180 = arith.constant 0 : i32
      %dma_start3A_181 = tpu.memref_slice %arg8[%and3A_154, %dma_start3A_179, %dma_start3A_180] : memref<2x8x128xi32, #tpu.memory_space<vmem>> -> memref<1x8x128xi32, #tpu.memory_space<vmem>>
      %dma_start3A_182 = tpu.memref_squeeze %dma_start3A_181 : memref<1x8x128xi32, #tpu.memory_space<vmem>> -> memref<8x128xi32, #tpu.memory_space<vmem>>
      %dma_start3A_183 = arith.constant 0 : i32
      %dma_start3A_184 = tpu.memref_slice %arg4[%multiple_of3A_170, %dma_start3A_183] : memref<2560x128xi32, #tpu.memory_space<hbm>> -> memref<8x128xi32, #tpu.memory_space<hbm>>
      tpu.enqueue_dma source(%dma_start3A_184 : memref<8x128xi32, #tpu.memory_space<hbm>>) target(%dma_start3A_182 : memref<8x128xi32, #tpu.memory_space<vmem>>) target_semaphore(%dma_start3A_178 : memref<!tpu.dma_semaphore, #tpu.memory_space<semaphore_mem>>)
    } else {
    }
    %and3A_59 = arith.constant 0 : i32
    %and3A_60 = arith.constant 1 : i32
    %and3A_61 = arith.andi %and3A_59, %and3A_60 : i32
    %dma_wait3A = arith.constant 0 : i32
    %dma_wait3A_62 = tpu.memref_slice %arg7[%and3A_61, %dma_wait3A] : memref<2x1024xi32, #tpu.memory_space<vmem>> -> memref<1x1024xi32, #tpu.memory_space<vmem>>
    %dma_wait3A_63 = tpu.memref_squeeze %dma_wait3A_62 : memref<1x1024xi32, #tpu.memory_space<vmem>> -> memref<1024xi32, #tpu.memory_space<vmem>>
    %dma_wait3A_64 = arith.constant 0 : i32
    %dma_wait3A_65 = tpu.memref_slice %arg3[%dma_wait3A_64] : memref<327680xi32, #tpu.memory_space<hbm>> -> memref<1024xi32, #tpu.memory_space<hbm>>
    %dma_wait3A_66 = tpu.memref_slice %arg12[%and3A_61] : memref<2x!tpu.dma_semaphore, #tpu.memory_space<semaphore_mem>> -> memref<1x!tpu.dma_semaphore, #tpu.memory_space<semaphore_mem>>
    %dma_wait3A_67 = tpu.memref_squeeze %dma_wait3A_66 : memref<1x!tpu.dma_semaphore, #tpu.memory_space<semaphore_mem>> -> memref<!tpu.dma_semaphore, #tpu.memory_space<semaphore_mem>>
    %dma_wait3A_68 = arith.constant 0 : i32
    %dma_wait3A_69 = tpu.memref_slice %arg7[%and3A_61, %dma_wait3A_68] : memref<2x1024xi32, #tpu.memory_space<vmem>> -> memref<1x1024xi32, #tpu.memory_space<vmem>>
    %dma_wait3A_70 = tpu.memref_squeeze %dma_wait3A_69 : memref<1x1024xi32, #tpu.memory_space<vmem>> -> memref<1024xi32, #tpu.memory_space<vmem>>
    %dma_wait3A_71 = arith.constant 0 : i32
    %dma_wait3A_72 = tpu.memref_slice %arg3[%dma_wait3A_71] : memref<327680xi32, #tpu.memory_space<hbm>> -> memref<1024xi32, #tpu.memory_space<hbm>>
    tpu.wait_dma2 semaphore(%dma_wait3A_67 : memref<!tpu.dma_semaphore, #tpu.memory_space<semaphore_mem>>) src(%dma_wait3A_72 : memref<1024xi32, #tpu.memory_space<hbm>>) dst(%dma_wait3A_70 : memref<1024xi32, #tpu.memory_space<vmem>>)
    %dma_wait3A_73 = arith.constant 0 : i32
    %dma_wait3A_74 = arith.constant 0 : i32
    %dma_wait3A_75 = tpu.memref_slice %arg8[%and3A_61, %dma_wait3A_73, %dma_wait3A_74] : memref<2x8x128xi32, #tpu.memory_space<vmem>> -> memref<1x8x128xi32, #tpu.memory_space<vmem>>
    %dma_wait3A_76 = tpu.memref_squeeze %dma_wait3A_75 : memref<1x8x128xi32, #tpu.memory_space<vmem>> -> memref<8x128xi32, #tpu.memory_space<vmem>>
    %dma_wait3A_77 = arith.constant 0 : i32
    %dma_wait3A_78 = arith.constant 0 : i32
    %dma_wait3A_79 = tpu.memref_slice %arg4[%dma_wait3A_77, %dma_wait3A_78] : memref<2560x128xi32, #tpu.memory_space<hbm>> -> memref<8x128xi32, #tpu.memory_space<hbm>>
    %dma_wait3A_80 = tpu.memref_slice %arg12[%and3A_61] : memref<2x!tpu.dma_semaphore, #tpu.memory_space<semaphore_mem>> -> memref<1x!tpu.dma_semaphore, #tpu.memory_space<semaphore_mem>>
    %dma_wait3A_81 = tpu.memref_squeeze %dma_wait3A_80 : memref<1x!tpu.dma_semaphore, #tpu.memory_space<semaphore_mem>> -> memref<!tpu.dma_semaphore, #tpu.memory_space<semaphore_mem>>
    %dma_wait3A_82 = arith.constant 0 : i32
    %dma_wait3A_83 = arith.constant 0 : i32
    %dma_wait3A_84 = tpu.memref_slice %arg8[%and3A_61, %dma_wait3A_82, %dma_wait3A_83] : memref<2x8x128xi32, #tpu.memory_space<vmem>> -> memref<1x8x128xi32, #tpu.memory_space<vmem>>
    %dma_wait3A_85 = tpu.memref_squeeze %dma_wait3A_84 : memref<1x8x128xi32, #tpu.memory_space<vmem>> -> memref<8x128xi32, #tpu.memory_space<vmem>>
    %dma_wait3A_86 = arith.constant 0 : i32
    %dma_wait3A_87 = arith.constant 0 : i32
    %dma_wait3A_88 = tpu.memref_slice %arg4[%dma_wait3A_86, %dma_wait3A_87] : memref<2560x128xi32, #tpu.memory_space<hbm>> -> memref<8x128xi32, #tpu.memory_space<hbm>>
    tpu.wait_dma2 semaphore(%dma_wait3A_81 : memref<!tpu.dma_semaphore, #tpu.memory_space<semaphore_mem>>) src(%dma_wait3A_88 : memref<8x128xi32, #tpu.memory_space<hbm>>) dst(%dma_wait3A_85 : memref<8x128xi32, #tpu.memory_space<vmem>>)
    %shift_right_arithmetic3A = arith.constant 0 : i32
    %shift_right_arithmetic3A_89 = arith.constant 3 : i32
    %shift_right_arithmetic3A_90 = arith.shrsi %shift_right_arithmetic3A, %shift_right_arithmetic3A_89 : i32
    %and3A_91 = arith.constant 1 : i32
    %and3A_92 = arith.andi %shift_right_arithmetic3A_90, %and3A_91 : i32
    %and3A_93 = arith.constant 0 : i32
    %and3A_94 = arith.constant 7 : i32
    %and3A_95 = arith.andi %and3A_93, %and3A_94 : i32
    %mul3A_96 = arith.constant 128 : i32
    %mul3A_97 = arith.muli %and3A_95, %mul3A_96 : i32
    %multiple_of3A_98 = tpu.assume_multiple %mul3A_97, 128 : i32
    %dma_start3A_99 = arith.constant 0 : i32
    %dma_start3A_100 = arith.constant 0 : i32
    %dma_start3A_101 = arith.constant 0 : i32
    %dma_start3A_102 = arith.constant 0 : i32
    %dma_start3A_103 = tpu.memref_slice %arg9[%dma_start3A_99, %dma_start3A_101, %dma_start3A_102] : memref<2x128x128xf32, #tpu.memory_space<vmem>> -> memref<1x128x128xf32, #tpu.memory_space<vmem>>
    %dma_start3A_104 = tpu.memref_squeeze %dma_start3A_103 : memref<1x128x128xf32, #tpu.memory_space<vmem>> -> memref<128x128xf32, #tpu.memory_space<vmem>>
    %dma_start3A_105 = tpu.memref_slice %arg7[%and3A_92, %multiple_of3A_98] : memref<2x1024xi32, #tpu.memory_space<vmem>> -> memref<1x128xi32, #tpu.memory_space<vmem>>
    %dma_start3A_106 = tpu.memref_squeeze %dma_start3A_105 : memref<1x128xi32, #tpu.memory_space<vmem>> -> memref<128xi32, #tpu.memory_space<vmem>>
    %dma_start3A_107 = arith.constant 0 : i32
    %dma_start3A_108 = arith.constant 0 : i32
    %dma_start3A_109 = tpu.memref_slice %arg2[%dma_start3A_107, %dma_start3A_108] : memref<10000x128xf32, #tpu.memory_space<hbm>> -> memref<10000x128xf32, #tpu.memory_space<hbm>>
    %dma_start3A_110 = tpu.memref_slice %arg11[%dma_start3A_100] : memref<2x!tpu.dma_semaphore, #tpu.memory_space<semaphore_mem>> -> memref<1x!tpu.dma_semaphore, #tpu.memory_space<semaphore_mem>>
    %dma_start3A_111 = tpu.memref_squeeze %dma_start3A_110 : memref<1x!tpu.dma_semaphore, #tpu.memory_space<semaphore_mem>> -> memref<!tpu.dma_semaphore, #tpu.memory_space<semaphore_mem>>
    tpu.enqueue_indirect_dma source(%dma_start3A_109 : memref<10000x128xf32, #tpu.memory_space<hbm>>) target(%dma_start3A_104 : memref<128x128xf32, #tpu.memory_space<vmem>>) offsets(%dma_start3A_106 : memref<128xi32, #tpu.memory_space<vmem>>) semaphore(%dma_start3A_111 : memref<!tpu.dma_semaphore, #tpu.memory_space<semaphore_mem>>)
    %shift_right_arithmetic3A_112 = arith.constant 1 : i32
    %shift_right_arithmetic3A_113 = arith.constant 3 : i32
    %shift_right_arithmetic3A_114 = arith.shrsi %shift_right_arithmetic3A_112, %shift_right_arithmetic3A_113 : i32
    %and3A_115 = arith.constant 1 : i32
    %and3A_116 = arith.andi %shift_right_arithmetic3A_114, %and3A_115 : i32
    %and3A_117 = arith.constant 1 : i32
    %and3A_118 = arith.constant 7 : i32
    %and3A_119 = arith.andi %and3A_117, %and3A_118 : i32
    %mul3A_120 = arith.constant 128 : i32
    %mul3A_121 = arith.muli %and3A_119, %mul3A_120 : i32
    %multiple_of3A_122 = tpu.assume_multiple %mul3A_121, 128 : i32
    %dma_start3A_123 = arith.constant 1 : i32
    %dma_start3A_124 = arith.constant 1 : i32
    %dma_start3A_125 = arith.constant 0 : i32
    %dma_start3A_126 = arith.constant 0 : i32
    %dma_start3A_127 = tpu.memref_slice %arg9[%dma_start3A_123, %dma_start3A_125, %dma_start3A_126] : memref<2x128x128xf32, #tpu.memory_space<vmem>> -> memref<1x128x128xf32, #tpu.memory_space<vmem>>
    %dma_start3A_128 = tpu.memref_squeeze %dma_start3A_127 : memref<1x128x128xf32, #tpu.memory_space<vmem>> -> memref<128x128xf32, #tpu.memory_space<vmem>>
    %dma_start3A_129 = tpu.memref_slice %arg7[%and3A_116, %multiple_of3A_122] : memref<2x1024xi32, #tpu.memory_space<vmem>> -> memref<1x128xi32, #tpu.memory_space<vmem>>
    %dma_start3A_130 = tpu.memref_squeeze %dma_start3A_129 : memref<1x128xi32, #tpu.memory_space<vmem>> -> memref<128xi32, #tpu.memory_space<vmem>>
    %dma_start3A_131 = arith.constant 0 : i32
    %dma_start3A_132 = arith.constant 0 : i32
    %dma_start3A_133 = tpu.memref_slice %arg2[%dma_start3A_131, %dma_start3A_132] : memref<10000x128xf32, #tpu.memory_space<hbm>> -> memref<10000x128xf32, #tpu.memory_space<hbm>>
    %dma_start3A_134 = tpu.memref_slice %arg11[%dma_start3A_124] : memref<2x!tpu.dma_semaphore, #tpu.memory_space<semaphore_mem>> -> memref<1x!tpu.dma_semaphore, #tpu.memory_space<semaphore_mem>>
    %dma_start3A_135 = tpu.memref_squeeze %dma_start3A_134 : memref<1x!tpu.dma_semaphore, #tpu.memory_space<semaphore_mem>> -> memref<!tpu.dma_semaphore, #tpu.memory_space<semaphore_mem>>
    tpu.enqueue_indirect_dma source(%dma_start3A_133 : memref<10000x128xf32, #tpu.memory_space<hbm>>) target(%dma_start3A_128 : memref<128x128xf32, #tpu.memory_space<vmem>>) offsets(%dma_start3A_130 : memref<128xi32, #tpu.memory_space<vmem>>) semaphore(%dma_start3A_135 : memref<!tpu.dma_semaphore, #tpu.memory_space<semaphore_mem>>)
    %barrier3A = arith.constant 0 : index
    tpu.barrier barrier_id(%barrier3A)
    %while3A = arith.constant 0 : i32
    %while3A_136 = arith.subi %select_n3A_20, %while3A : i32
    %while3A_137 = arith.addi %while3A, %while3A_136 : i32
    %while3A_138 = arith.constant 1 : i32
    %while3A_139 = arith.divsi %while3A_136, %while3A_138 : i32
    %while3A_140 = arith.muli %while3A_139, %while3A_138 : i32
    %while3A_141 = arith.addi %while3A, %while3A_140 : i32
    %while3A_142 = arith.constant 1 : i32
    scf.for %while3A_152 = %while3A to %while3A_141 step %while3A_142  : i32 {
      %add3A_153 = arith.constant 1 : i32
      %add3A_154 = arith.addi %while3A_152, %add3A_153 : i32
      %lt3A = arith.cmpi slt, %add3A_154, %select_n3A_20 : i32
      %convert_element_type3A_155 = arith.extui %lt3A : i1 to i32
      %cond3A_156 = arith.constant 0 : i32
      %cond3A_157 = arith.cmpi ne, %convert_element_type3A_155, %cond3A_156 : i32
      scf.if %cond3A_157 {
        %add3A_168 = arith.constant 1 : i32
        %add3A_169 = arith.addi %while3A_152, %add3A_168 : i32
        %and3A_170 = arith.constant 1 : i32
        %and3A_171 = arith.andi %add3A_169, %and3A_170 : i32
        %dma_wait3A_172 = arith.constant 0 : i32
        %dma_wait3A_173 = tpu.memref_slice %arg7[%and3A_171, %dma_wait3A_172] : memref<2x1024xi32, #tpu.memory_space<vmem>> -> memref<1x1024xi32, #tpu.memory_space<vmem>>
        %dma_wait3A_174 = tpu.memref_squeeze %dma_wait3A_173 : memref<1x1024xi32, #tpu.memory_space<vmem>> -> memref<1024xi32, #tpu.memory_space<vmem>>
        %dma_wait3A_175 = arith.constant 0 : i32
        %dma_wait3A_176 = tpu.memref_slice %arg3[%dma_wait3A_175] : memref<327680xi32, #tpu.memory_space<hbm>> -> memref<1024xi32, #tpu.memory_space<hbm>>
        %dma_wait3A_177 = tpu.memref_slice %arg12[%and3A_171] : memref<2x!tpu.dma_semaphore, #tpu.memory_space<semaphore_mem>> -> memref<1x!tpu.dma_semaphore, #tpu.memory_space<semaphore_mem>>
        %dma_wait3A_178 = tpu.memref_squeeze %dma_wait3A_177 : memref<1x!tpu.dma_semaphore, #tpu.memory_space<semaphore_mem>> -> memref<!tpu.dma_semaphore, #tpu.memory_space<semaphore_mem>>
        %dma_wait3A_179 = arith.constant 0 : i32
        %dma_wait3A_180 = tpu.memref_slice %arg7[%and3A_171, %dma_wait3A_179] : memref<2x1024xi32, #tpu.memory_space<vmem>> -> memref<1x1024xi32, #tpu.memory_space<vmem>>
        %dma_wait3A_181 = tpu.memref_squeeze %dma_wait3A_180 : memref<1x1024xi32, #tpu.memory_space<vmem>> -> memref<1024xi32, #tpu.memory_space<vmem>>
        %dma_wait3A_182 = arith.constant 0 : i32
        %dma_wait3A_183 = tpu.memref_slice %arg3[%dma_wait3A_182] : memref<327680xi32, #tpu.memory_space<hbm>> -> memref<1024xi32, #tpu.memory_space<hbm>>
        tpu.wait_dma2 semaphore(%dma_wait3A_178 : memref<!tpu.dma_semaphore, #tpu.memory_space<semaphore_mem>>) src(%dma_wait3A_183 : memref<1024xi32, #tpu.memory_space<hbm>>) dst(%dma_wait3A_181 : memref<1024xi32, #tpu.memory_space<vmem>>)
        %dma_wait3A_184 = arith.constant 0 : i32
        %dma_wait3A_185 = arith.constant 0 : i32
        %dma_wait3A_186 = tpu.memref_slice %arg8[%and3A_171, %dma_wait3A_184, %dma_wait3A_185] : memref<2x8x128xi32, #tpu.memory_space<vmem>> -> memref<1x8x128xi32, #tpu.memory_space<vmem>>
        %dma_wait3A_187 = tpu.memref_squeeze %dma_wait3A_186 : memref<1x8x128xi32, #tpu.memory_space<vmem>> -> memref<8x128xi32, #tpu.memory_space<vmem>>
        %dma_wait3A_188 = arith.constant 0 : i32
        %dma_wait3A_189 = arith.constant 0 : i32
        %dma_wait3A_190 = tpu.memref_slice %arg4[%dma_wait3A_188, %dma_wait3A_189] : memref<2560x128xi32, #tpu.memory_space<hbm>> -> memref<8x128xi32, #tpu.memory_space<hbm>>
        %dma_wait3A_191 = tpu.memref_slice %arg12[%and3A_171] : memref<2x!tpu.dma_semaphore, #tpu.memory_space<semaphore_mem>> -> memref<1x!tpu.dma_semaphore, #tpu.memory_space<semaphore_mem>>
        %dma_wait3A_192 = tpu.memref_squeeze %dma_wait3A_191 : memref<1x!tpu.dma_semaphore, #tpu.memory_space<semaphore_mem>> -> memref<!tpu.dma_semaphore, #tpu.memory_space<semaphore_mem>>
        %dma_wait3A_193 = arith.constant 0 : i32
        %dma_wait3A_194 = arith.constant 0 : i32
        %dma_wait3A_195 = tpu.memref_slice %arg8[%and3A_171, %dma_wait3A_193, %dma_wait3A_194] : memref<2x8x128xi32, #tpu.memory_space<vmem>> -> memref<1x8x128xi32, #tpu.memory_space<vmem>>
        %dma_wait3A_196 = tpu.memref_squeeze %dma_wait3A_195 : memref<1x8x128xi32, #tpu.memory_space<vmem>> -> memref<8x128xi32, #tpu.memory_space<vmem>>
        %dma_wait3A_197 = arith.constant 0 : i32
        %dma_wait3A_198 = arith.constant 0 : i32
        %dma_wait3A_199 = tpu.memref_slice %arg4[%dma_wait3A_197, %dma_wait3A_198] : memref<2560x128xi32, #tpu.memory_space<hbm>> -> memref<8x128xi32, #tpu.memory_space<hbm>>
        tpu.wait_dma2 semaphore(%dma_wait3A_192 : memref<!tpu.dma_semaphore, #tpu.memory_space<semaphore_mem>>) src(%dma_wait3A_199 : memref<8x128xi32, #tpu.memory_space<hbm>>) dst(%dma_wait3A_196 : memref<8x128xi32, #tpu.memory_space<vmem>>)
      } else {
      }
      %scan3A = arith.constant 0 : i32
      %scan3A_158 = arith.constant 8 : i32
      %scan3A_159 = arith.addi %scan3A, %scan3A_158 : i32
      %scan3A_160 = arith.constant 1 : i32
      scf.for %scan3A_168 = %scan3A to %scan3A_159 step %scan3A_160  : i32 {
        %mul3A_169 = arith.constant 8 : i32
        %mul3A_170 = arith.muli %while3A_152, %mul3A_169 : i32
        %add3A_171 = arith.addi %mul3A_170, %scan3A_168 : i32
        %and3A_172 = arith.constant 1 : i32
        %and3A_173 = arith.andi %add3A_171, %and3A_172 : i32
        %dma_wait3A_174 = arith.constant 0 : i32
        %dma_wait3A_175 = arith.constant 0 : i32
        %dma_wait3A_176 = arith.constant 0 : i32
        %dma_wait3A_177 = tpu.memref_slice %arg9[%and3A_173, %dma_wait3A_175, %dma_wait3A_176] : memref<2x128x128xf32, #tpu.memory_space<vmem>> -> memref<1x128x128xf32, #tpu.memory_space<vmem>>
        %dma_wait3A_178 = tpu.memref_squeeze %dma_wait3A_177 : memref<1x128x128xf32, #tpu.memory_space<vmem>> -> memref<128x128xf32, #tpu.memory_space<vmem>>
        %dma_wait3A_179 = arith.constant 0 : i32
        %dma_wait3A_180 = tpu.memref_slice %arg7[%dma_wait3A_174, %dma_wait3A_179] : memref<2x1024xi32, #tpu.memory_space<vmem>> -> memref<1x128xi32, #tpu.memory_space<vmem>>
        %dma_wait3A_181 = tpu.memref_squeeze %dma_wait3A_180 : memref<1x128xi32, #tpu.memory_space<vmem>> -> memref<128xi32, #tpu.memory_space<vmem>>
        %dma_wait3A_182 = arith.constant 0 : i32
        %dma_wait3A_183 = arith.constant 0 : i32
        %dma_wait3A_184 = tpu.memref_slice %arg2[%dma_wait3A_182, %dma_wait3A_183] : memref<10000x128xf32, #tpu.memory_space<hbm>> -> memref<10000x128xf32, #tpu.memory_space<hbm>>
        %dma_wait3A_185 = tpu.memref_slice %arg11[%and3A_173] : memref<2x!tpu.dma_semaphore, #tpu.memory_space<semaphore_mem>> -> memref<1x!tpu.dma_semaphore, #tpu.memory_space<semaphore_mem>>
        %dma_wait3A_186 = tpu.memref_squeeze %dma_wait3A_185 : memref<1x!tpu.dma_semaphore, #tpu.memory_space<semaphore_mem>> -> memref<!tpu.dma_semaphore, #tpu.memory_space<semaphore_mem>>
        tpu.wait_indirect_dma semaphore(%dma_wait3A_186 : memref<!tpu.dma_semaphore, #tpu.memory_space<semaphore_mem>>) src(%dma_wait3A_184 : memref<10000x128xf32, #tpu.memory_space<hbm>>) dst(%dma_wait3A_178 : memref<128x128xf32, #tpu.memory_space<vmem>>)
        %and3A_187 = arith.constant 1 : i32
        %and3A_188 = arith.andi %while3A_152, %and3A_187 : i32
        "tpu.region"() ({
          %run_scoped3A = tpu.sem_alloc : memref<!tpu.dma_semaphore, #tpu.memory_space<semaphore_mem>>
          %dma_start3A_195 = arith.constant 0 : i32
          %dma_start3A_196 = arith.constant 0 : i32
          %dma_start3A_197 = tpu.memref_slice %arg9[%and3A_173, %dma_start3A_195, %dma_start3A_196] : memref<2x128x128xf32, #tpu.memory_space<vmem>> -> memref<1x128x128xf32, #tpu.memory_space<vmem>>
          %dma_start3A_198 = tpu.memref_squeeze %dma_start3A_197 : memref<1x128x128xf32, #tpu.memory_space<vmem>> -> memref<128x128xf32, #tpu.memory_space<vmem>>
          %dma_start3A_199 = arith.constant 0 : i32
          %dma_start3A_200 = tpu.memref_slice %arg8[%and3A_188, %scan3A_168, %dma_start3A_199] : memref<2x8x128xi32, #tpu.memory_space<vmem>> -> memref<1x1x128xi32, #tpu.memory_space<vmem>>
          %dma_start3A_201 = tpu.memref_squeeze %dma_start3A_200 : memref<1x1x128xi32, #tpu.memory_space<vmem>> -> memref<128xi32, #tpu.memory_space<vmem>>
          %dma_start3A_202 = arith.constant 0 : i32
          %dma_start3A_203 = arith.constant 0 : i32
          %dma_start3A_204 = tpu.memref_slice %arg10[%dma_start3A_202, %dma_start3A_203] : memref<10112x128xf32, #tpu.memory_space<vmem_shared>> -> memref<10112x128xf32, #tpu.memory_space<vmem_shared>>
          tpu.enqueue_indirect_dma source(%dma_start3A_198 : memref<128x128xf32, #tpu.memory_space<vmem>>) target(%dma_start3A_204 : memref<10112x128xf32, #tpu.memory_space<vmem_shared>>) offsets(%dma_start3A_201 : memref<128xi32, #tpu.memory_space<vmem>>) semaphore(%run_scoped3A : memref<!tpu.dma_semaphore, #tpu.memory_space<semaphore_mem>>) {add = true}
          %dma_wait3A_205 = arith.constant 0 : i32
          %dma_wait3A_206 = arith.constant 0 : i32
          %dma_wait3A_207 = tpu.memref_slice %arg9[%and3A_173, %dma_wait3A_205, %dma_wait3A_206] : memref<2x128x128xf32, #tpu.memory_space<vmem>> -> memref<1x128x128xf32, #tpu.memory_space<vmem>>
          %dma_wait3A_208 = tpu.memref_squeeze %dma_wait3A_207 : memref<1x128x128xf32, #tpu.memory_space<vmem>> -> memref<128x128xf32, #tpu.memory_space<vmem>>
          %dma_wait3A_209 = arith.constant 0 : i32
          %dma_wait3A_210 = tpu.memref_slice %arg8[%and3A_188, %scan3A_168, %dma_wait3A_209] : memref<2x8x128xi32, #tpu.memory_space<vmem>> -> memref<1x1x128xi32, #tpu.memory_space<vmem>>
          %dma_wait3A_211 = tpu.memref_squeeze %dma_wait3A_210 : memref<1x1x128xi32, #tpu.memory_space<vmem>> -> memref<128xi32, #tpu.memory_space<vmem>>
          %dma_wait3A_212 = arith.constant 0 : i32
          %dma_wait3A_213 = arith.constant 0 : i32
          %dma_wait3A_214 = tpu.memref_slice %arg10[%dma_wait3A_212, %dma_wait3A_213] : memref<10112x128xf32, #tpu.memory_space<vmem_shared>> -> memref<10112x128xf32, #tpu.memory_space<vmem_shared>>
          tpu.wait_indirect_dma semaphore(%run_scoped3A : memref<!tpu.dma_semaphore, #tpu.memory_space<semaphore_mem>>) src(%dma_wait3A_208 : memref<128x128xf32, #tpu.memory_space<vmem>>) dst(%dma_wait3A_214 : memref<10112x128xf32, #tpu.memory_space<vmem_shared>>)
          tpu.yield
        }) : () -> ()
        %add3A_189 = arith.constant 2 : i32
        %add3A_190 = arith.addi %add3A_171, %add3A_189 : i32
        %lt3A_191 = arith.cmpi slt, %add3A_190, %select_n3A_3 : i32
        %convert_element_type3A_192 = arith.extui %lt3A_191 : i1 to i32
        %cond3A_193 = arith.constant 0 : i32
        %cond3A_194 = arith.cmpi ne, %convert_element_type3A_192, %cond3A_193 : i32
        scf.if %cond3A_194 {
          %add3A_195 = arith.constant 2 : i32
          %add3A_196 = arith.addi %add3A_171, %add3A_195 : i32
          %shift_right_arithmetic3A_197 = arith.constant 3 : i32
          %shift_right_arithmetic3A_198 = arith.shrsi %add3A_196, %shift_right_arithmetic3A_197 : i32
          %and3A_199 = arith.constant 1 : i32
          %and3A_200 = arith.andi %shift_right_arithmetic3A_198, %and3A_199 : i32
          %and3A_201 = arith.constant 7 : i32
          %and3A_202 = arith.andi %add3A_196, %and3A_201 : i32
          %mul3A_203 = arith.constant 128 : i32
          %mul3A_204 = arith.muli %and3A_202, %mul3A_203 : i32
          %multiple_of3A_205 = tpu.assume_multiple %mul3A_204, 128 : i32
          %dma_start3A_206 = arith.constant 0 : i32
          %dma_start3A_207 = arith.constant 0 : i32
          %dma_start3A_208 = tpu.memref_slice %arg9[%and3A_173, %dma_start3A_206, %dma_start3A_207] : memref<2x128x128xf32, #tpu.memory_space<vmem>> -> memref<1x128x128xf32, #tpu.memory_space<vmem>>
          %dma_start3A_209 = tpu.memref_squeeze %dma_start3A_208 : memref<1x128x128xf32, #tpu.memory_space<vmem>> -> memref<128x128xf32, #tpu.memory_space<vmem>>
          %dma_start3A_210 = tpu.memref_slice %arg7[%and3A_200, %multiple_of3A_205] : memref<2x1024xi32, #tpu.memory_space<vmem>> -> memref<1x128xi32, #tpu.memory_space<vmem>>
          %dma_start3A_211 = tpu.memref_squeeze %dma_start3A_210 : memref<1x128xi32, #tpu.memory_space<vmem>> -> memref<128xi32, #tpu.memory_space<vmem>>
          %dma_start3A_212 = arith.constant 0 : i32
          %dma_start3A_213 = arith.constant 0 : i32
          %dma_start3A_214 = tpu.memref_slice %arg2[%dma_start3A_212, %dma_start3A_213] : memref<10000x128xf32, #tpu.memory_space<hbm>> -> memref<10000x128xf32, #tpu.memory_space<hbm>>
          %dma_start3A_215 = tpu.memref_slice %arg11[%and3A_173] : memref<2x!tpu.dma_semaphore, #tpu.memory_space<semaphore_mem>> -> memref<1x!tpu.dma_semaphore, #tpu.memory_space<semaphore_mem>>
          %dma_start3A_216 = tpu.memref_squeeze %dma_start3A_215 : memref<1x!tpu.dma_semaphore, #tpu.memory_space<semaphore_mem>> -> memref<!tpu.dma_semaphore, #tpu.memory_space<semaphore_mem>>
          tpu.enqueue_indirect_dma source(%dma_start3A_214 : memref<10000x128xf32, #tpu.memory_space<hbm>>) target(%dma_start3A_209 : memref<128x128xf32, #tpu.memory_space<vmem>>) offsets(%dma_start3A_211 : memref<128xi32, #tpu.memory_space<vmem>>) semaphore(%dma_start3A_216 : memref<!tpu.dma_semaphore, #tpu.memory_space<semaphore_mem>>)
        } else {
        }
      }
      %scan3A_161 = arith.constant 8 : i32
      %add3A_162 = arith.constant 2 : i32
      %add3A_163 = arith.addi %while3A_152, %add3A_162 : i32
      %lt3A_164 = arith.cmpi slt, %add3A_163, %select_n3A_20 : i32
      %convert_element_type3A_165 = arith.extui %lt3A_164 : i1 to i32
      %cond3A_166 = arith.constant 0 : i32
      %cond3A_167 = arith.cmpi ne, %convert_element_type3A_165, %cond3A_166 : i32
      scf.if %cond3A_167 {
        %add3A_168 = arith.constant 2 : i32
        %add3A_169 = arith.addi %while3A_152, %add3A_168 : i32
        %and3A_170 = arith.constant 1 : i32
        %and3A_171 = arith.andi %add3A_169, %and3A_170 : i32
        %mul3A_172 = arith.constant 1024 : i32
        %mul3A_173 = arith.muli %add3A_169, %mul3A_172 : i32
        %add3A_174 = arith.addi %mul3A_25, %mul3A_173 : i32
        %multiple_of3A_175 = tpu.assume_multiple %add3A_174, 1024 : i32
        %dma_start3A_176 = arith.constant 0 : i32
        %dma_start3A_177 = tpu.memref_slice %arg7[%and3A_171, %dma_start3A_176] : memref<2x1024xi32, #tpu.memory_space<vmem>> -> memref<1x1024xi32, #tpu.memory_space<vmem>>
        %dma_start3A_178 = tpu.memref_squeeze %dma_start3A_177 : memref<1x1024xi32, #tpu.memory_space<vmem>> -> memref<1024xi32, #tpu.memory_space<vmem>>
        %dma_start3A_179 = tpu.memref_slice %arg3[%multiple_of3A_175] : memref<327680xi32, #tpu.memory_space<hbm>> -> memref<1024xi32, #tpu.memory_space<hbm>>
        %dma_start3A_180 = tpu.memref_slice %arg12[%and3A_171] : memref<2x!tpu.dma_semaphore, #tpu.memory_space<semaphore_mem>> -> memref<1x!tpu.dma_semaphore, #tpu.memory_space<semaphore_mem>>
        %dma_start3A_181 = tpu.memref_squeeze %dma_start3A_180 : memref<1x!tpu.dma_semaphore, #tpu.memory_space<semaphore_mem>> -> memref<!tpu.dma_semaphore, #tpu.memory_space<semaphore_mem>>
        %dma_start3A_182 = arith.constant 0 : i32
        %dma_start3A_183 = tpu.memref_slice %arg7[%and3A_171, %dma_start3A_182] : memref<2x1024xi32, #tpu.memory_space<vmem>> -> memref<1x1024xi32, #tpu.memory_space<vmem>>
        %dma_start3A_184 = tpu.memref_squeeze %dma_start3A_183 : memref<1x1024xi32, #tpu.memory_space<vmem>> -> memref<1024xi32, #tpu.memory_space<vmem>>
        %dma_start3A_185 = tpu.memref_slice %arg3[%multiple_of3A_175] : memref<327680xi32, #tpu.memory_space<hbm>> -> memref<1024xi32, #tpu.memory_space<hbm>>
        tpu.enqueue_dma source(%dma_start3A_185 : memref<1024xi32, #tpu.memory_space<hbm>>) target(%dma_start3A_184 : memref<1024xi32, #tpu.memory_space<vmem>>) target_semaphore(%dma_start3A_181 : memref<!tpu.dma_semaphore, #tpu.memory_space<semaphore_mem>>)
        %mul3A_186 = arith.constant 8 : i32
        %mul3A_187 = arith.muli %add3A_169, %mul3A_186 : i32
        %add3A_188 = arith.addi %add3A, %mul3A_187 : i32
        %multiple_of3A_189 = tpu.assume_multiple %add3A_188, 8 : i32
        %dma_start3A_190 = arith.constant 0 : i32
        %dma_start3A_191 = arith.constant 0 : i32
        %dma_start3A_192 = tpu.memref_slice %arg8[%and3A_171, %dma_start3A_190, %dma_start3A_191] : memref<2x8x128xi32, #tpu.memory_space<vmem>> -> memref<1x8x128xi32, #tpu.memory_space<vmem>>
        %dma_start3A_193 = tpu.memref_squeeze %dma_start3A_192 : memref<1x8x128xi32, #tpu.memory_space<vmem>> -> memref<8x128xi32, #tpu.memory_space<vmem>>
        %dma_start3A_194 = arith.constant 0 : i32
        %dma_start3A_195 = tpu.memref_slice %arg4[%multiple_of3A_189, %dma_start3A_194] : memref<2560x128xi32, #tpu.memory_space<hbm>> -> memref<8x128xi32, #tpu.memory_space<hbm>>
        %dma_start3A_196 = tpu.memref_slice %arg12[%and3A_171] : memref<2x!tpu.dma_semaphore, #tpu.memory_space<semaphore_mem>> -> memref<1x!tpu.dma_semaphore, #tpu.memory_space<semaphore_mem>>
        %dma_start3A_197 = tpu.memref_squeeze %dma_start3A_196 : memref<1x!tpu.dma_semaphore, #tpu.memory_space<semaphore_mem>> -> memref<!tpu.dma_semaphore, #tpu.memory_space<semaphore_mem>>
        %dma_start3A_198 = arith.constant 0 : i32
        %dma_start3A_199 = arith.constant 0 : i32
        %dma_start3A_200 = tpu.memref_slice %arg8[%and3A_171, %dma_start3A_198, %dma_start3A_199] : memref<2x8x128xi32, #tpu.memory_space<vmem>> -> memref<1x8x128xi32, #tpu.memory_space<vmem>>
        %dma_start3A_201 = tpu.memref_squeeze %dma_start3A_200 : memref<1x8x128xi32, #tpu.memory_space<vmem>> -> memref<8x128xi32, #tpu.memory_space<vmem>>
        %dma_start3A_202 = arith.constant 0 : i32
        %dma_start3A_203 = tpu.memref_slice %arg4[%multiple_of3A_189, %dma_start3A_202] : memref<2560x128xi32, #tpu.memory_space<hbm>> -> memref<8x128xi32, #tpu.memory_space<hbm>>
        tpu.enqueue_dma source(%dma_start3A_203 : memref<8x128xi32, #tpu.memory_space<hbm>>) target(%dma_start3A_201 : memref<8x128xi32, #tpu.memory_space<vmem>>) target_semaphore(%dma_start3A_197 : memref<!tpu.dma_semaphore, #tpu.memory_space<semaphore_mem>>)
      } else {
      }
    }
    %while3A_143 = arith.constant 1 : i32
    scf.for %while3A_152 = %while3A_141 to %while3A_137 step %while3A_143  : i32 {
      %add3A_153 = arith.constant 1 : i32
      %add3A_154 = arith.addi %while3A_152, %add3A_153 : i32
      %lt3A = arith.cmpi slt, %add3A_154, %select_n3A_20 : i32
      %convert_element_type3A_155 = arith.extui %lt3A : i1 to i32
      %cond3A_156 = arith.constant 0 : i32
      %cond3A_157 = arith.cmpi ne, %convert_element_type3A_155, %cond3A_156 : i32
      scf.if %cond3A_157 {
        %add3A_168 = arith.constant 1 : i32
        %add3A_169 = arith.addi %while3A_152, %add3A_168 : i32
        %and3A_170 = arith.constant 1 : i32
        %and3A_171 = arith.andi %add3A_169, %and3A_170 : i32
        %dma_wait3A_172 = arith.constant 0 : i32
        %dma_wait3A_173 = tpu.memref_slice %arg7[%and3A_171, %dma_wait3A_172] : memref<2x1024xi32, #tpu.memory_space<vmem>> -> memref<1x1024xi32, #tpu.memory_space<vmem>>
        %dma_wait3A_174 = tpu.memref_squeeze %dma_wait3A_173 : memref<1x1024xi32, #tpu.memory_space<vmem>> -> memref<1024xi32, #tpu.memory_space<vmem>>
        %dma_wait3A_175 = arith.constant 0 : i32
        %dma_wait3A_176 = tpu.memref_slice %arg3[%dma_wait3A_175] : memref<327680xi32, #tpu.memory_space<hbm>> -> memref<1024xi32, #tpu.memory_space<hbm>>
        %dma_wait3A_177 = tpu.memref_slice %arg12[%and3A_171] : memref<2x!tpu.dma_semaphore, #tpu.memory_space<semaphore_mem>> -> memref<1x!tpu.dma_semaphore, #tpu.memory_space<semaphore_mem>>
        %dma_wait3A_178 = tpu.memref_squeeze %dma_wait3A_177 : memref<1x!tpu.dma_semaphore, #tpu.memory_space<semaphore_mem>> -> memref<!tpu.dma_semaphore, #tpu.memory_space<semaphore_mem>>
        %dma_wait3A_179 = arith.constant 0 : i32
        %dma_wait3A_180 = tpu.memref_slice %arg7[%and3A_171, %dma_wait3A_179] : memref<2x1024xi32, #tpu.memory_space<vmem>> -> memref<1x1024xi32, #tpu.memory_space<vmem>>
        %dma_wait3A_181 = tpu.memref_squeeze %dma_wait3A_180 : memref<1x1024xi32, #tpu.memory_space<vmem>> -> memref<1024xi32, #tpu.memory_space<vmem>>
        %dma_wait3A_182 = arith.constant 0 : i32
        %dma_wait3A_183 = tpu.memref_slice %arg3[%dma_wait3A_182] : memref<327680xi32, #tpu.memory_space<hbm>> -> memref<1024xi32, #tpu.memory_space<hbm>>
        tpu.wait_dma2 semaphore(%dma_wait3A_178 : memref<!tpu.dma_semaphore, #tpu.memory_space<semaphore_mem>>) src(%dma_wait3A_183 : memref<1024xi32, #tpu.memory_space<hbm>>) dst(%dma_wait3A_181 : memref<1024xi32, #tpu.memory_space<vmem>>)
        %dma_wait3A_184 = arith.constant 0 : i32
        %dma_wait3A_185 = arith.constant 0 : i32
        %dma_wait3A_186 = tpu.memref_slice %arg8[%and3A_171, %dma_wait3A_184, %dma_wait3A_185] : memref<2x8x128xi32, #tpu.memory_space<vmem>> -> memref<1x8x128xi32, #tpu.memory_space<vmem>>
        %dma_wait3A_187 = tpu.memref_squeeze %dma_wait3A_186 : memref<1x8x128xi32, #tpu.memory_space<vmem>> -> memref<8x128xi32, #tpu.memory_space<vmem>>
        %dma_wait3A_188 = arith.constant 0 : i32
        %dma_wait3A_189 = arith.constant 0 : i32
        %dma_wait3A_190 = tpu.memref_slice %arg4[%dma_wait3A_188, %dma_wait3A_189] : memref<2560x128xi32, #tpu.memory_space<hbm>> -> memref<8x128xi32, #tpu.memory_space<hbm>>
        %dma_wait3A_191 = tpu.memref_slice %arg12[%and3A_171] : memref<2x!tpu.dma_semaphore, #tpu.memory_space<semaphore_mem>> -> memref<1x!tpu.dma_semaphore, #tpu.memory_space<semaphore_mem>>
        %dma_wait3A_192 = tpu.memref_squeeze %dma_wait3A_191 : memref<1x!tpu.dma_semaphore, #tpu.memory_space<semaphore_mem>> -> memref<!tpu.dma_semaphore, #tpu.memory_space<semaphore_mem>>
        %dma_wait3A_193 = arith.constant 0 : i32
        %dma_wait3A_194 = arith.constant 0 : i32
        %dma_wait3A_195 = tpu.memref_slice %arg8[%and3A_171, %dma_wait3A_193, %dma_wait3A_194] : memref<2x8x128xi32, #tpu.memory_space<vmem>> -> memref<1x8x128xi32, #tpu.memory_space<vmem>>
        %dma_wait3A_196 = tpu.memref_squeeze %dma_wait3A_195 : memref<1x8x128xi32, #tpu.memory_space<vmem>> -> memref<8x128xi32, #tpu.memory_space<vmem>>
        %dma_wait3A_197 = arith.constant 0 : i32
        %dma_wait3A_198 = arith.constant 0 : i32
        %dma_wait3A_199 = tpu.memref_slice %arg4[%dma_wait3A_197, %dma_wait3A_198] : memref<2560x128xi32, #tpu.memory_space<hbm>> -> memref<8x128xi32, #tpu.memory_space<hbm>>
        tpu.wait_dma2 semaphore(%dma_wait3A_192 : memref<!tpu.dma_semaphore, #tpu.memory_space<semaphore_mem>>) src(%dma_wait3A_199 : memref<8x128xi32, #tpu.memory_space<hbm>>) dst(%dma_wait3A_196 : memref<8x128xi32, #tpu.memory_space<vmem>>)
      } else {
      }
      %scan3A = arith.constant 0 : i32
      %scan3A_158 = arith.constant 8 : i32
      %scan3A_159 = arith.addi %scan3A, %scan3A_158 : i32
      %scan3A_160 = arith.constant 1 : i32
      scf.for %scan3A_168 = %scan3A to %scan3A_159 step %scan3A_160  : i32 {
        %mul3A_169 = arith.constant 8 : i32
        %mul3A_170 = arith.muli %while3A_152, %mul3A_169 : i32
        %add3A_171 = arith.addi %mul3A_170, %scan3A_168 : i32
        %and3A_172 = arith.constant 1 : i32
        %and3A_173 = arith.andi %add3A_171, %and3A_172 : i32
        %dma_wait3A_174 = arith.constant 0 : i32
        %dma_wait3A_175 = arith.constant 0 : i32
        %dma_wait3A_176 = arith.constant 0 : i32
        %dma_wait3A_177 = tpu.memref_slice %arg9[%and3A_173, %dma_wait3A_175, %dma_wait3A_176] : memref<2x128x128xf32, #tpu.memory_space<vmem>> -> memref<1x128x128xf32, #tpu.memory_space<vmem>>
        %dma_wait3A_178 = tpu.memref_squeeze %dma_wait3A_177 : memref<1x128x128xf32, #tpu.memory_space<vmem>> -> memref<128x128xf32, #tpu.memory_space<vmem>>
        %dma_wait3A_179 = arith.constant 0 : i32
        %dma_wait3A_180 = tpu.memref_slice %arg7[%dma_wait3A_174, %dma_wait3A_179] : memref<2x1024xi32, #tpu.memory_space<vmem>> -> memref<1x128xi32, #tpu.memory_space<vmem>>
        %dma_wait3A_181 = tpu.memref_squeeze %dma_wait3A_180 : memref<1x128xi32, #tpu.memory_space<vmem>> -> memref<128xi32, #tpu.memory_space<vmem>>
        %dma_wait3A_182 = arith.constant 0 : i32
        %dma_wait3A_183 = arith.constant 0 : i32
        %dma_wait3A_184 = tpu.memref_slice %arg2[%dma_wait3A_182, %dma_wait3A_183] : memref<10000x128xf32, #tpu.memory_space<hbm>> -> memref<10000x128xf32, #tpu.memory_space<hbm>>
        %dma_wait3A_185 = tpu.memref_slice %arg11[%and3A_173] : memref<2x!tpu.dma_semaphore, #tpu.memory_space<semaphore_mem>> -> memref<1x!tpu.dma_semaphore, #tpu.memory_space<semaphore_mem>>
        %dma_wait3A_186 = tpu.memref_squeeze %dma_wait3A_185 : memref<1x!tpu.dma_semaphore, #tpu.memory_space<semaphore_mem>> -> memref<!tpu.dma_semaphore, #tpu.memory_space<semaphore_mem>>
        tpu.wait_indirect_dma semaphore(%dma_wait3A_186 : memref<!tpu.dma_semaphore, #tpu.memory_space<semaphore_mem>>) src(%dma_wait3A_184 : memref<10000x128xf32, #tpu.memory_space<hbm>>) dst(%dma_wait3A_178 : memref<128x128xf32, #tpu.memory_space<vmem>>)
        %and3A_187 = arith.constant 1 : i32
        %and3A_188 = arith.andi %while3A_152, %and3A_187 : i32
        "tpu.region"() ({
          %run_scoped3A = tpu.sem_alloc : memref<!tpu.dma_semaphore, #tpu.memory_space<semaphore_mem>>
          %dma_start3A_195 = arith.constant 0 : i32
          %dma_start3A_196 = arith.constant 0 : i32
          %dma_start3A_197 = tpu.memref_slice %arg9[%and3A_173, %dma_start3A_195, %dma_start3A_196] : memref<2x128x128xf32, #tpu.memory_space<vmem>> -> memref<1x128x128xf32, #tpu.memory_space<vmem>>
          %dma_start3A_198 = tpu.memref_squeeze %dma_start3A_197 : memref<1x128x128xf32, #tpu.memory_space<vmem>> -> memref<128x128xf32, #tpu.memory_space<vmem>>
          %dma_start3A_199 = arith.constant 0 : i32
          %dma_start3A_200 = tpu.memref_slice %arg8[%and3A_188, %scan3A_168, %dma_start3A_199] : memref<2x8x128xi32, #tpu.memory_space<vmem>> -> memref<1x1x128xi32, #tpu.memory_space<vmem>>
          %dma_start3A_201 = tpu.memref_squeeze %dma_start3A_200 : memref<1x1x128xi32, #tpu.memory_space<vmem>> -> memref<128xi32, #tpu.memory_space<vmem>>
          %dma_start3A_202 = arith.constant 0 : i32
          %dma_start3A_203 = arith.constant 0 : i32
          %dma_start3A_204 = tpu.memref_slice %arg10[%dma_start3A_202, %dma_start3A_203] : memref<10112x128xf32, #tpu.memory_space<vmem_shared>> -> memref<10112x128xf32, #tpu.memory_space<vmem_shared>>
          tpu.enqueue_indirect_dma source(%dma_start3A_198 : memref<128x128xf32, #tpu.memory_space<vmem>>) target(%dma_start3A_204 : memref<10112x128xf32, #tpu.memory_space<vmem_shared>>) offsets(%dma_start3A_201 : memref<128xi32, #tpu.memory_space<vmem>>) semaphore(%run_scoped3A : memref<!tpu.dma_semaphore, #tpu.memory_space<semaphore_mem>>) {add = true}
          %dma_wait3A_205 = arith.constant 0 : i32
          %dma_wait3A_206 = arith.constant 0 : i32
          %dma_wait3A_207 = tpu.memref_slice %arg9[%and3A_173, %dma_wait3A_205, %dma_wait3A_206] : memref<2x128x128xf32, #tpu.memory_space<vmem>> -> memref<1x128x128xf32, #tpu.memory_space<vmem>>
          %dma_wait3A_208 = tpu.memref_squeeze %dma_wait3A_207 : memref<1x128x128xf32, #tpu.memory_space<vmem>> -> memref<128x128xf32, #tpu.memory_space<vmem>>
          %dma_wait3A_209 = arith.constant 0 : i32
          %dma_wait3A_210 = tpu.memref_slice %arg8[%and3A_188, %scan3A_168, %dma_wait3A_209] : memref<2x8x128xi32, #tpu.memory_space<vmem>> -> memref<1x1x128xi32, #tpu.memory_space<vmem>>
          %dma_wait3A_211 = tpu.memref_squeeze %dma_wait3A_210 : memref<1x1x128xi32, #tpu.memory_space<vmem>> -> memref<128xi32, #tpu.memory_space<vmem>>
          %dma_wait3A_212 = arith.constant 0 : i32
          %dma_wait3A_213 = arith.constant 0 : i32
          %dma_wait3A_214 = tpu.memref_slice %arg10[%dma_wait3A_212, %dma_wait3A_213] : memref<10112x128xf32, #tpu.memory_space<vmem_shared>> -> memref<10112x128xf32, #tpu.memory_space<vmem_shared>>
          tpu.wait_indirect_dma semaphore(%run_scoped3A : memref<!tpu.dma_semaphore, #tpu.memory_space<semaphore_mem>>) src(%dma_wait3A_208 : memref<128x128xf32, #tpu.memory_space<vmem>>) dst(%dma_wait3A_214 : memref<10112x128xf32, #tpu.memory_space<vmem_shared>>)
          tpu.yield
        }) : () -> ()
        %add3A_189 = arith.constant 2 : i32
        %add3A_190 = arith.addi %add3A_171, %add3A_189 : i32
        %lt3A_191 = arith.cmpi slt, %add3A_190, %select_n3A_3 : i32
        %convert_element_type3A_192 = arith.extui %lt3A_191 : i1 to i32
        %cond3A_193 = arith.constant 0 : i32
        %cond3A_194 = arith.cmpi ne, %convert_element_type3A_192, %cond3A_193 : i32
        scf.if %cond3A_194 {
          %add3A_195 = arith.constant 2 : i32
          %add3A_196 = arith.addi %add3A_171, %add3A_195 : i32
          %shift_right_arithmetic3A_197 = arith.constant 3 : i32
          %shift_right_arithmetic3A_198 = arith.shrsi %add3A_196, %shift_right_arithmetic3A_197 : i32
          %and3A_199 = arith.constant 1 : i32
          %and3A_200 = arith.andi %shift_right_arithmetic3A_198, %and3A_199 : i32
          %and3A_201 = arith.constant 7 : i32
          %and3A_202 = arith.andi %add3A_196, %and3A_201 : i32
          %mul3A_203 = arith.constant 128 : i32
          %mul3A_204 = arith.muli %and3A_202, %mul3A_203 : i32
          %multiple_of3A_205 = tpu.assume_multiple %mul3A_204, 128 : i32
          %dma_start3A_206 = arith.constant 0 : i32
          %dma_start3A_207 = arith.constant 0 : i32
          %dma_start3A_208 = tpu.memref_slice %arg9[%and3A_173, %dma_start3A_206, %dma_start3A_207] : memref<2x128x128xf32, #tpu.memory_space<vmem>> -> memref<1x128x128xf32, #tpu.memory_space<vmem>>
          %dma_start3A_209 = tpu.memref_squeeze %dma_start3A_208 : memref<1x128x128xf32, #tpu.memory_space<vmem>> -> memref<128x128xf32, #tpu.memory_space<vmem>>
          %dma_start3A_210 = tpu.memref_slice %arg7[%and3A_200, %multiple_of3A_205] : memref<2x1024xi32, #tpu.memory_space<vmem>> -> memref<1x128xi32, #tpu.memory_space<vmem>>
          %dma_start3A_211 = tpu.memref_squeeze %dma_start3A_210 : memref<1x128xi32, #tpu.memory_space<vmem>> -> memref<128xi32, #tpu.memory_space<vmem>>
          %dma_start3A_212 = arith.constant 0 : i32
          %dma_start3A_213 = arith.constant 0 : i32
          %dma_start3A_214 = tpu.memref_slice %arg2[%dma_start3A_212, %dma_start3A_213] : memref<10000x128xf32, #tpu.memory_space<hbm>> -> memref<10000x128xf32, #tpu.memory_space<hbm>>
          %dma_start3A_215 = tpu.memref_slice %arg11[%and3A_173] : memref<2x!tpu.dma_semaphore, #tpu.memory_space<semaphore_mem>> -> memref<1x!tpu.dma_semaphore, #tpu.memory_space<semaphore_mem>>
          %dma_start3A_216 = tpu.memref_squeeze %dma_start3A_215 : memref<1x!tpu.dma_semaphore, #tpu.memory_space<semaphore_mem>> -> memref<!tpu.dma_semaphore, #tpu.memory_space<semaphore_mem>>
          tpu.enqueue_indirect_dma source(%dma_start3A_214 : memref<10000x128xf32, #tpu.memory_space<hbm>>) target(%dma_start3A_209 : memref<128x128xf32, #tpu.memory_space<vmem>>) offsets(%dma_start3A_211 : memref<128xi32, #tpu.memory_space<vmem>>) semaphore(%dma_start3A_216 : memref<!tpu.dma_semaphore, #tpu.memory_space<semaphore_mem>>)
        } else {
        }
      }
      %scan3A_161 = arith.constant 8 : i32
      %add3A_162 = arith.constant 2 : i32
      %add3A_163 = arith.addi %while3A_152, %add3A_162 : i32
      %lt3A_164 = arith.cmpi slt, %add3A_163, %select_n3A_20 : i32
      %convert_element_type3A_165 = arith.extui %lt3A_164 : i1 to i32
      %cond3A_166 = arith.constant 0 : i32
      %cond3A_167 = arith.cmpi ne, %convert_element_type3A_165, %cond3A_166 : i32
      scf.if %cond3A_167 {
        %add3A_168 = arith.constant 2 : i32
        %add3A_169 = arith.addi %while3A_152, %add3A_168 : i32
        %and3A_170 = arith.constant 1 : i32
        %and3A_171 = arith.andi %add3A_169, %and3A_170 : i32
        %mul3A_172 = arith.constant 1024 : i32
        %mul3A_173 = arith.muli %add3A_169, %mul3A_172 : i32
        %add3A_174 = arith.addi %mul3A_25, %mul3A_173 : i32
        %multiple_of3A_175 = tpu.assume_multiple %add3A_174, 1024 : i32
        %dma_start3A_176 = arith.constant 0 : i32
        %dma_start3A_177 = tpu.memref_slice %arg7[%and3A_171, %dma_start3A_176] : memref<2x1024xi32, #tpu.memory_space<vmem>> -> memref<1x1024xi32, #tpu.memory_space<vmem>>
        %dma_start3A_178 = tpu.memref_squeeze %dma_start3A_177 : memref<1x1024xi32, #tpu.memory_space<vmem>> -> memref<1024xi32, #tpu.memory_space<vmem>>
        %dma_start3A_179 = tpu.memref_slice %arg3[%multiple_of3A_175] : memref<327680xi32, #tpu.memory_space<hbm>> -> memref<1024xi32, #tpu.memory_space<hbm>>
        %dma_start3A_180 = tpu.memref_slice %arg12[%and3A_171] : memref<2x!tpu.dma_semaphore, #tpu.memory_space<semaphore_mem>> -> memref<1x!tpu.dma_semaphore, #tpu.memory_space<semaphore_mem>>
        %dma_start3A_181 = tpu.memref_squeeze %dma_start3A_180 : memref<1x!tpu.dma_semaphore, #tpu.memory_space<semaphore_mem>> -> memref<!tpu.dma_semaphore, #tpu.memory_space<semaphore_mem>>
        %dma_start3A_182 = arith.constant 0 : i32
        %dma_start3A_183 = tpu.memref_slice %arg7[%and3A_171, %dma_start3A_182] : memref<2x1024xi32, #tpu.memory_space<vmem>> -> memref<1x1024xi32, #tpu.memory_space<vmem>>
        %dma_start3A_184 = tpu.memref_squeeze %dma_start3A_183 : memref<1x1024xi32, #tpu.memory_space<vmem>> -> memref<1024xi32, #tpu.memory_space<vmem>>
        %dma_start3A_185 = tpu.memref_slice %arg3[%multiple_of3A_175] : memref<327680xi32, #tpu.memory_space<hbm>> -> memref<1024xi32, #tpu.memory_space<hbm>>
        tpu.enqueue_dma source(%dma_start3A_185 : memref<1024xi32, #tpu.memory_space<hbm>>) target(%dma_start3A_184 : memref<1024xi32, #tpu.memory_space<vmem>>) target_semaphore(%dma_start3A_181 : memref<!tpu.dma_semaphore, #tpu.memory_space<semaphore_mem>>)
        %mul3A_186 = arith.constant 8 : i32
        %mul3A_187 = arith.muli %add3A_169, %mul3A_186 : i32
        %add3A_188 = arith.addi %add3A, %mul3A_187 : i32
        %multiple_of3A_189 = tpu.assume_multiple %add3A_188, 8 : i32
        %dma_start3A_190 = arith.constant 0 : i32
        %dma_start3A_191 = arith.constant 0 : i32
        %dma_start3A_192 = tpu.memref_slice %arg8[%and3A_171, %dma_start3A_190, %dma_start3A_191] : memref<2x8x128xi32, #tpu.memory_space<vmem>> -> memref<1x8x128xi32, #tpu.memory_space<vmem>>
        %dma_start3A_193 = tpu.memref_squeeze %dma_start3A_192 : memref<1x8x128xi32, #tpu.memory_space<vmem>> -> memref<8x128xi32, #tpu.memory_space<vmem>>
        %dma_start3A_194 = arith.constant 0 : i32
        %dma_start3A_195 = tpu.memref_slice %arg4[%multiple_of3A_189, %dma_start3A_194] : memref<2560x128xi32, #tpu.memory_space<hbm>> -> memref<8x128xi32, #tpu.memory_space<hbm>>
        %dma_start3A_196 = tpu.memref_slice %arg12[%and3A_171] : memref<2x!tpu.dma_semaphore, #tpu.memory_space<semaphore_mem>> -> memref<1x!tpu.dma_semaphore, #tpu.memory_space<semaphore_mem>>
        %dma_start3A_197 = tpu.memref_squeeze %dma_start3A_196 : memref<1x!tpu.dma_semaphore, #tpu.memory_space<semaphore_mem>> -> memref<!tpu.dma_semaphore, #tpu.memory_space<semaphore_mem>>
        %dma_start3A_198 = arith.constant 0 : i32
        %dma_start3A_199 = arith.constant 0 : i32
        %dma_start3A_200 = tpu.memref_slice %arg8[%and3A_171, %dma_start3A_198, %dma_start3A_199] : memref<2x8x128xi32, #tpu.memory_space<vmem>> -> memref<1x8x128xi32, #tpu.memory_space<vmem>>
        %dma_start3A_201 = tpu.memref_squeeze %dma_start3A_200 : memref<1x8x128xi32, #tpu.memory_space<vmem>> -> memref<8x128xi32, #tpu.memory_space<vmem>>
        %dma_start3A_202 = arith.constant 0 : i32
        %dma_start3A_203 = tpu.memref_slice %arg4[%multiple_of3A_189, %dma_start3A_202] : memref<2560x128xi32, #tpu.memory_space<hbm>> -> memref<8x128xi32, #tpu.memory_space<hbm>>
        tpu.enqueue_dma source(%dma_start3A_203 : memref<8x128xi32, #tpu.memory_space<hbm>>) target(%dma_start3A_201 : memref<8x128xi32, #tpu.memory_space<vmem>>) target_semaphore(%dma_start3A_197 : memref<!tpu.dma_semaphore, #tpu.memory_space<semaphore_mem>>)
      } else {
      }
    }
    %barrier3A_144 = arith.constant 0 : index
    tpu.barrier barrier_id(%barrier3A_144)
    %mul3A_145 = arith.constant 632 : i32
    %mul3A_146 = arith.muli %arg1, %mul3A_145 : i32
    %mul3A_147 = arith.constant 10112 : i32
    %mul3A_148 = arith.muli %arg0, %mul3A_147 : i32
    %mul3A_149 = arith.constant 632 : i32
    %mul3A_150 = arith.muli %arg1, %mul3A_149 : i32
    %add3A_151 = arith.addi %mul3A_148, %mul3A_150 : i32
    "tpu.region"() ({
      %run_scoped3A = tpu.sem_alloc : memref<!tpu.dma_semaphore, #tpu.memory_space<semaphore_mem>>
      %dma_start3A_152 = arith.constant 0 : i32
      %dma_start3A_153 = tpu.memref_slice %arg6[%add3A_151, %dma_start3A_152] : memref<20224x128xf32, #tpu.memory_space<hbm>> -> memref<632x128xf32, #tpu.memory_space<hbm>>
      %dma_start3A_154 = arith.constant 0 : i32
      %dma_start3A_155 = tpu.memref_slice %arg10[%mul3A_146, %dma_start3A_154] : memref<10112x128xf32, #tpu.memory_space<vmem_shared>> -> memref<632x128xf32, #tpu.memory_space<vmem_shared>>
      tpu.enqueue_dma source(%dma_start3A_155 : memref<632x128xf32, #tpu.memory_space<vmem_shared>>) target(%dma_start3A_153 : memref<632x128xf32, #tpu.memory_space<hbm>>) target_semaphore(%run_scoped3A : memref<!tpu.dma_semaphore, #tpu.memory_space<semaphore_mem>>)
      %dma_wait3A_156 = arith.constant 0 : i32
      %dma_wait3A_157 = tpu.memref_slice %arg6[%add3A_151, %dma_wait3A_156] : memref<20224x128xf32, #tpu.memory_space<hbm>> -> memref<632x128xf32, #tpu.memory_space<hbm>>
      %dma_wait3A_158 = arith.constant 0 : i32
      %dma_wait3A_159 = tpu.memref_slice %arg10[%mul3A_146, %dma_wait3A_158] : memref<10112x128xf32, #tpu.memory_space<vmem_shared>> -> memref<632x128xf32, #tpu.memory_space<vmem_shared>>
      tpu.wait_dma2 semaphore(%run_scoped3A : memref<!tpu.dma_semaphore, #tpu.memory_space<semaphore_mem>>) src(%dma_wait3A_159 : memref<632x128xf32, #tpu.memory_space<vmem_shared>>) dst(%dma_wait3A_157 : memref<632x128xf32, #tpu.memory_space<hbm>>)
      tpu.yield
    }) : () -> ()
    return
  }
}

#map = affine_map<(d0, d1) -> (0, 0)>
#map1 = affine_map<(d0, d1) -> (0)>
module attributes {stable_mosaic.version = 14 : i64} {
  func.func @_sc_agg(%arg0: i32, %arg1: i32, %arg2: memref<10000x128xf32, #tpu.memory_space<hbm>>, %arg3: memref<327680xi32, #tpu.memory_space<hbm>>, %arg4: memref<2560x128xi32, #tpu.memory_space<hbm>>, %arg5: memref<632x128xf32, #tpu.memory_space<hbm>>, %arg6: memref<20224x128xf32, #tpu.memory_space<hbm>>, %arg7: memref<2x1024xi32, #tpu.memory_space<vmem>>, %arg8: memref<2x8x128xi32, #tpu.memory_space<vmem>>, %arg9: memref<2x128x128xf32, #tpu.memory_space<vmem>>, %arg10: memref<10112x128xf32, #tpu.memory_space<vmem_shared>>, %arg11: memref<2x!tpu.dma_semaphore, #tpu.memory_space<semaphore_mem>>, %arg12: memref<2x!tpu.dma_semaphore, #tpu.memory_space<semaphore_mem>>) attributes {dimension_semantics = [#tpu.dimension_semantics<core_parallel>, #tpu.dimension_semantics<subcore_parallel>], iteration_bounds = array<i64: 2, 16>, scalar_prefetch = 0 : i64, scratch_operands = 6 : i64, tpu.core_type = #tpu.core_type<sc_vector_subcore>, window_params = [{transform_indices = #map}, {transform_indices = #map1}, {transform_indices = #map}, {transform_indices = #map}, {transform_indices = #map}]} {
    %mul3A = arith.constant 632 : i32
    %mul3A_0 = arith.muli %arg1, %mul3A : i32
    "tpu.region"() ({
      %run_scoped3A = tpu.sem_alloc : memref<!tpu.dma_semaphore, #tpu.memory_space<semaphore_mem>>
      %dma_start3A_152 = arith.constant 0 : i32
      %dma_start3A_153 = tpu.memref_slice %arg10[%mul3A_0, %dma_start3A_152] : memref<10112x128xf32, #tpu.memory_space<vmem_shared>> -> memref<632x128xf32, #tpu.memory_space<vmem_shared>>
      tpu.enqueue_dma source(%arg5 : memref<632x128xf32, #tpu.memory_space<hbm>>) target(%dma_start3A_153 : memref<632x128xf32, #tpu.memory_space<vmem_shared>>) target_semaphore(%run_scoped3A : memref<!tpu.dma_semaphore, #tpu.memory_space<semaphore_mem>>)
      %dma_wait3A_154 = arith.constant 0 : i32
      %dma_wait3A_155 = tpu.memref_slice %arg10[%mul3A_0, %dma_wait3A_154] : memref<10112x128xf32, #tpu.memory_space<vmem_shared>> -> memref<632x128xf32, #tpu.memory_space<vmem_shared>>
      tpu.wait_dma2 semaphore(%run_scoped3A : memref<!tpu.dma_semaphore, #tpu.memory_space<semaphore_mem>>) src(%arg5 : memref<632x128xf32, #tpu.memory_space<hbm>>) dst(%dma_wait3A_155 : memref<632x128xf32, #tpu.memory_space<vmem_shared>>)
      tpu.yield
    }) : () -> ()
    %eq3A = arith.constant 0 : i32
    %eq3A_1 = arith.cmpi eq, %arg0, %eq3A : i32
    %select_n3A = arith.constant 8 : i32
    %select_n3A_2 = arith.constant 152 : i32
    %select_n3A_3 = arith.select %eq3A_1, %select_n3A_2, %select_n3A : i32
    %jit3A = arith.constant 8 : i32
    %div3A = arith.divsi %select_n3A_3, %jit3A : i32
    %sign3A = arith.constant 0 : i32
    %sign3A_4 = arith.cmpi sgt, %select_n3A_3, %sign3A : i32
    %sign3A_5 = arith.extui %sign3A_4 : i1 to i32
    %sign3A_6 = arith.constant 0 : i32
    %sign3A_7 = arith.cmpi slt, %select_n3A_3, %sign3A_6 : i32
    %sign3A_8 = arith.extui %sign3A_7 : i1 to i32
    %sign3A_9 = arith.subi %sign3A_5, %sign3A_8 : i32
    %sign3A_10 = arith.constant 0 : i32
    %sign3A_11 = arith.cmpi sgt, %jit3A, %sign3A_10 : i32
    %sign3A_12 = arith.extui %sign3A_11 : i1 to i32
    %sign3A_13 = arith.constant 0 : i32
    %sign3A_14 = arith.cmpi slt, %jit3A, %sign3A_13 : i32
    %sign3A_15 = arith.extui %sign3A_14 : i1 to i32
    %sign3A_16 = arith.subi %sign3A_12, %sign3A_15 : i32
    %ne3A = arith.cmpi ne, %sign3A_9, %sign3A_16 : i32
    %rem3A = arith.remsi %select_n3A_3, %jit3A : i32
    %ne3A_17 = arith.constant 0 : i32
    %ne3A_18 = arith.cmpi ne, %rem3A, %ne3A_17 : i32
    %and3A = arith.andi %ne3A, %ne3A_18 : i1
    %sub3A = arith.constant 1 : i32
    %sub3A_19 = arith.subi %div3A, %sub3A : i32
    %select_n3A_20 = arith.select %and3A, %sub3A_19, %div3A : i32
    %mul3A_21 = arith.constant 2432 : i32
    %mul3A_22 = arith.muli %arg0, %mul3A_21 : i32
    %mul3A_23 = arith.muli %arg1, %select_n3A_3 : i32
    %add3A = arith.addi %mul3A_22, %mul3A_23 : i32
    %mul3A_24 = arith.constant 128 : i32
    %mul3A_25 = arith.muli %add3A, %mul3A_24 : i32
    %and3A_26 = arith.constant 0 : i32
    %and3A_27 = arith.constant 1 : i32
    %and3A_28 = arith.andi %and3A_26, %and3A_27 : i32
    %add3A_29 = arith.constant 0 : i32
    %add3A_30 = arith.addi %mul3A_25, %add3A_29 : i32
    %multiple_of3A = tpu.assume_multiple %add3A_30, 1024 : i32
    %dma_start3A = arith.constant 0 : i32
    %dma_start3A_31 = tpu.memref_slice %arg7[%and3A_28, %dma_start3A] : memref<2x1024xi32, #tpu.memory_space<vmem>> -> memref<1x1024xi32, #tpu.memory_space<vmem>>
    %dma_start3A_32 = tpu.memref_squeeze %dma_start3A_31 : memref<1x1024xi32, #tpu.memory_space<vmem>> -> memref<1024xi32, #tpu.memory_space<vmem>>
    %dma_start3A_33 = tpu.memref_slice %arg3[%multiple_of3A] : memref<327680xi32, #tpu.memory_space<hbm>> -> memref<1024xi32, #tpu.memory_space<hbm>>
    %dma_start3A_34 = tpu.memref_slice %arg12[%and3A_28] : memref<2x!tpu.dma_semaphore, #tpu.memory_space<semaphore_mem>> -> memref<1x!tpu.dma_semaphore, #tpu.memory_space<semaphore_mem>>
    %dma_start3A_35 = tpu.memref_squeeze %dma_start3A_34 : memref<1x!tpu.dma_semaphore, #tpu.memory_space<semaphore_mem>> -> memref<!tpu.dma_semaphore, #tpu.memory_space<semaphore_mem>>
    %dma_start3A_36 = arith.constant 0 : i32
    %dma_start3A_37 = tpu.memref_slice %arg7[%and3A_28, %dma_start3A_36] : memref<2x1024xi32, #tpu.memory_space<vmem>> -> memref<1x1024xi32, #tpu.memory_space<vmem>>
    %dma_start3A_38 = tpu.memref_squeeze %dma_start3A_37 : memref<1x1024xi32, #tpu.memory_space<vmem>> -> memref<1024xi32, #tpu.memory_space<vmem>>
    %dma_start3A_39 = tpu.memref_slice %arg3[%multiple_of3A] : memref<327680xi32, #tpu.memory_space<hbm>> -> memref<1024xi32, #tpu.memory_space<hbm>>
    tpu.enqueue_dma source(%dma_start3A_39 : memref<1024xi32, #tpu.memory_space<hbm>>) target(%dma_start3A_38 : memref<1024xi32, #tpu.memory_space<vmem>>) target_semaphore(%dma_start3A_35 : memref<!tpu.dma_semaphore, #tpu.memory_space<semaphore_mem>>)
    %add3A_40 = arith.constant 0 : i32
    %add3A_41 = arith.addi %add3A, %add3A_40 : i32
    %multiple_of3A_42 = tpu.assume_multiple %add3A_41, 8 : i32
    %dma_start3A_43 = arith.constant 0 : i32
    %dma_start3A_44 = arith.constant 0 : i32
    %dma_start3A_45 = tpu.memref_slice %arg8[%and3A_28, %dma_start3A_43, %dma_start3A_44] : memref<2x8x128xi32, #tpu.memory_space<vmem>> -> memref<1x8x128xi32, #tpu.memory_space<vmem>>
    %dma_start3A_46 = tpu.memref_squeeze %dma_start3A_45 : memref<1x8x128xi32, #tpu.memory_space<vmem>> -> memref<8x128xi32, #tpu.memory_space<vmem>>
    %dma_start3A_47 = arith.constant 0 : i32
    %dma_start3A_48 = tpu.memref_slice %arg4[%multiple_of3A_42, %dma_start3A_47] : memref<2560x128xi32, #tpu.memory_space<hbm>> -> memref<8x128xi32, #tpu.memory_space<hbm>>
    %dma_start3A_49 = tpu.memref_slice %arg12[%and3A_28] : memref<2x!tpu.dma_semaphore, #tpu.memory_space<semaphore_mem>> -> memref<1x!tpu.dma_semaphore, #tpu.memory_space<semaphore_mem>>
    %dma_start3A_50 = tpu.memref_squeeze %dma_start3A_49 : memref<1x!tpu.dma_semaphore, #tpu.memory_space<semaphore_mem>> -> memref<!tpu.dma_semaphore, #tpu.memory_space<semaphore_mem>>
    %dma_start3A_51 = arith.constant 0 : i32
    %dma_start3A_52 = arith.constant 0 : i32
    %dma_start3A_53 = tpu.memref_slice %arg8[%and3A_28, %dma_start3A_51, %dma_start3A_52] : memref<2x8x128xi32, #tpu.memory_space<vmem>> -> memref<1x8x128xi32, #tpu.memory_space<vmem>>
    %dma_start3A_54 = tpu.memref_squeeze %dma_start3A_53 : memref<1x8x128xi32, #tpu.memory_space<vmem>> -> memref<8x128xi32, #tpu.memory_space<vmem>>
    %dma_start3A_55 = arith.constant 0 : i32
    %dma_start3A_56 = tpu.memref_slice %arg4[%multiple_of3A_42, %dma_start3A_55] : memref<2560x128xi32, #tpu.memory_space<hbm>> -> memref<8x128xi32, #tpu.memory_space<hbm>>
    tpu.enqueue_dma source(%dma_start3A_56 : memref<8x128xi32, #tpu.memory_space<hbm>>) target(%dma_start3A_54 : memref<8x128xi32, #tpu.memory_space<vmem>>) target_semaphore(%dma_start3A_50 : memref<!tpu.dma_semaphore, #tpu.memory_space<semaphore_mem>>)
    %gt3A = arith.constant 1 : i32
    %gt3A_57 = arith.cmpi sgt, %select_n3A_20, %gt3A : i32
    %convert_element_type3A = arith.extui %gt3A_57 : i1 to i32
    %cond3A = arith.constant 0 : i32
    %cond3A_58 = arith.cmpi ne, %convert_element_type3A, %cond3A : i32
    scf.if %cond3A_58 {
      %and3A_152 = arith.constant 1 : i32
      %and3A_153 = arith.constant 1 : i32
      %and3A_154 = arith.andi %and3A_152, %and3A_153 : i32
      %add3A_155 = arith.constant 1024 : i32
      %add3A_156 = arith.addi %mul3A_25, %add3A_155 : i32
      %multiple_of3A_157 = tpu.assume_multiple %add3A_156, 1024 : i32
      %dma_start3A_158 = arith.constant 0 : i32
      %dma_start3A_159 = tpu.memref_slice %arg7[%and3A_154, %dma_start3A_158] : memref<2x1024xi32, #tpu.memory_space<vmem>> -> memref<1x1024xi32, #tpu.memory_space<vmem>>
      %dma_start3A_160 = tpu.memref_squeeze %dma_start3A_159 : memref<1x1024xi32, #tpu.memory_space<vmem>> -> memref<1024xi32, #tpu.memory_space<vmem>>
      %dma_start3A_161 = tpu.memref_slice %arg3[%multiple_of3A_157] : memref<327680xi32, #tpu.memory_space<hbm>> -> memref<1024xi32, #tpu.memory_space<hbm>>
      %dma_start3A_162 = tpu.memref_slice %arg12[%and3A_154] : memref<2x!tpu.dma_semaphore, #tpu.memory_space<semaphore_mem>> -> memref<1x!tpu.dma_semaphore, #tpu.memory_space<semaphore_mem>>
      %dma_start3A_163 = tpu.memref_squeeze %dma_start3A_162 : memref<1x!tpu.dma_semaphore, #tpu.memory_space<semaphore_mem>> -> memref<!tpu.dma_semaphore, #tpu.memory_space<semaphore_mem>>
      %dma_start3A_164 = arith.constant 0 : i32
      %dma_start3A_165 = tpu.memref_slice %arg7[%and3A_154, %dma_start3A_164] : memref<2x1024xi32, #tpu.memory_space<vmem>> -> memref<1x1024xi32, #tpu.memory_space<vmem>>
      %dma_start3A_166 = tpu.memref_squeeze %dma_start3A_165 : memref<1x1024xi32, #tpu.memory_space<vmem>> -> memref<1024xi32, #tpu.memory_space<vmem>>
      %dma_start3A_167 = tpu.memref_slice %arg3[%multiple_of3A_157] : memref<327680xi32, #tpu.memory_space<hbm>> -> memref<1024xi32, #tpu.memory_space<hbm>>
      tpu.enqueue_dma source(%dma_start3A_167 : memref<1024xi32, #tpu.memory_space<hbm>>) target(%dma_start3A_166 : memref<1024xi32, #tpu.memory_space<vmem>>) target_semaphore(%dma_start3A_163 : memref<!tpu.dma_semaphore, #tpu.memory_space<semaphore_mem>>)
      %add3A_168 = arith.constant 8 : i32
      %add3A_169 = arith.addi %add3A, %add3A_168 : i32
      %multiple_of3A_170 = tpu.assume_multiple %add3A_169, 8 : i32
      %dma_start3A_171 = arith.constant 0 : i32
      %dma_start3A_172 = arith.constant 0 : i32
      %dma_start3A_173 = tpu.memref_slice %arg8[%and3A_154, %dma_start3A_171, %dma_start3A_172] : memref<2x8x128xi32, #tpu.memory_space<vmem>> -> memref<1x8x128xi32, #tpu.memory_space<vmem>>
      %dma_start3A_174 = tpu.memref_squeeze %dma_start3A_173 : memref<1x8x128xi32, #tpu.memory_space<vmem>> -> memref<8x128xi32, #tpu.memory_space<vmem>>
      %dma_start3A_175 = arith.constant 0 : i32
      %dma_start3A_176 = tpu.memref_slice %arg4[%multiple_of3A_170, %dma_start3A_175] : memref<2560x128xi32, #tpu.memory_space<hbm>> -> memref<8x128xi32, #tpu.memory_space<hbm>>
      %dma_start3A_177 = tpu.memref_slice %arg12[%and3A_154] : memref<2x!tpu.dma_semaphore, #tpu.memory_space<semaphore_mem>> -> memref<1x!tpu.dma_semaphore, #tpu.memory_space<semaphore_mem>>
      %dma_start3A_178 = tpu.memref_squeeze %dma_start3A_177 : memref<1x!tpu.dma_semaphore, #tpu.memory_space<semaphore_mem>> -> memref<!tpu.dma_semaphore, #tpu.memory_space<semaphore_mem>>
      %dma_start3A_179 = arith.constant 0 : i32
      %dma_start3A_180 = arith.constant 0 : i32
      %dma_start3A_181 = tpu.memref_slice %arg8[%and3A_154, %dma_start3A_179, %dma_start3A_180] : memref<2x8x128xi32, #tpu.memory_space<vmem>> -> memref<1x8x128xi32, #tpu.memory_space<vmem>>
      %dma_start3A_182 = tpu.memref_squeeze %dma_start3A_181 : memref<1x8x128xi32, #tpu.memory_space<vmem>> -> memref<8x128xi32, #tpu.memory_space<vmem>>
      %dma_start3A_183 = arith.constant 0 : i32
      %dma_start3A_184 = tpu.memref_slice %arg4[%multiple_of3A_170, %dma_start3A_183] : memref<2560x128xi32, #tpu.memory_space<hbm>> -> memref<8x128xi32, #tpu.memory_space<hbm>>
      tpu.enqueue_dma source(%dma_start3A_184 : memref<8x128xi32, #tpu.memory_space<hbm>>) target(%dma_start3A_182 : memref<8x128xi32, #tpu.memory_space<vmem>>) target_semaphore(%dma_start3A_178 : memref<!tpu.dma_semaphore, #tpu.memory_space<semaphore_mem>>)
    } else {
    }
    %and3A_59 = arith.constant 0 : i32
    %and3A_60 = arith.constant 1 : i32
    %and3A_61 = arith.andi %and3A_59, %and3A_60 : i32
    %dma_wait3A = arith.constant 0 : i32
    %dma_wait3A_62 = tpu.memref_slice %arg7[%and3A_61, %dma_wait3A] : memref<2x1024xi32, #tpu.memory_space<vmem>> -> memref<1x1024xi32, #tpu.memory_space<vmem>>
    %dma_wait3A_63 = tpu.memref_squeeze %dma_wait3A_62 : memref<1x1024xi32, #tpu.memory_space<vmem>> -> memref<1024xi32, #tpu.memory_space<vmem>>
    %dma_wait3A_64 = arith.constant 0 : i32
    %dma_wait3A_65 = tpu.memref_slice %arg3[%dma_wait3A_64] : memref<327680xi32, #tpu.memory_space<hbm>> -> memref<1024xi32, #tpu.memory_space<hbm>>
    %dma_wait3A_66 = tpu.memref_slice %arg12[%and3A_61] : memref<2x!tpu.dma_semaphore, #tpu.memory_space<semaphore_mem>> -> memref<1x!tpu.dma_semaphore, #tpu.memory_space<semaphore_mem>>
    %dma_wait3A_67 = tpu.memref_squeeze %dma_wait3A_66 : memref<1x!tpu.dma_semaphore, #tpu.memory_space<semaphore_mem>> -> memref<!tpu.dma_semaphore, #tpu.memory_space<semaphore_mem>>
    %dma_wait3A_68 = arith.constant 0 : i32
    %dma_wait3A_69 = tpu.memref_slice %arg7[%and3A_61, %dma_wait3A_68] : memref<2x1024xi32, #tpu.memory_space<vmem>> -> memref<1x1024xi32, #tpu.memory_space<vmem>>
    %dma_wait3A_70 = tpu.memref_squeeze %dma_wait3A_69 : memref<1x1024xi32, #tpu.memory_space<vmem>> -> memref<1024xi32, #tpu.memory_space<vmem>>
    %dma_wait3A_71 = arith.constant 0 : i32
    %dma_wait3A_72 = tpu.memref_slice %arg3[%dma_wait3A_71] : memref<327680xi32, #tpu.memory_space<hbm>> -> memref<1024xi32, #tpu.memory_space<hbm>>
    tpu.wait_dma2 semaphore(%dma_wait3A_67 : memref<!tpu.dma_semaphore, #tpu.memory_space<semaphore_mem>>) src(%dma_wait3A_72 : memref<1024xi32, #tpu.memory_space<hbm>>) dst(%dma_wait3A_70 : memref<1024xi32, #tpu.memory_space<vmem>>)
    %dma_wait3A_73 = arith.constant 0 : i32
    %dma_wait3A_74 = arith.constant 0 : i32
    %dma_wait3A_75 = tpu.memref_slice %arg8[%and3A_61, %dma_wait3A_73, %dma_wait3A_74] : memref<2x8x128xi32, #tpu.memory_space<vmem>> -> memref<1x8x128xi32, #tpu.memory_space<vmem>>
    %dma_wait3A_76 = tpu.memref_squeeze %dma_wait3A_75 : memref<1x8x128xi32, #tpu.memory_space<vmem>> -> memref<8x128xi32, #tpu.memory_space<vmem>>
    %dma_wait3A_77 = arith.constant 0 : i32
    %dma_wait3A_78 = arith.constant 0 : i32
    %dma_wait3A_79 = tpu.memref_slice %arg4[%dma_wait3A_77, %dma_wait3A_78] : memref<2560x128xi32, #tpu.memory_space<hbm>> -> memref<8x128xi32, #tpu.memory_space<hbm>>
    %dma_wait3A_80 = tpu.memref_slice %arg12[%and3A_61] : memref<2x!tpu.dma_semaphore, #tpu.memory_space<semaphore_mem>> -> memref<1x!tpu.dma_semaphore, #tpu.memory_space<semaphore_mem>>
    %dma_wait3A_81 = tpu.memref_squeeze %dma_wait3A_80 : memref<1x!tpu.dma_semaphore, #tpu.memory_space<semaphore_mem>> -> memref<!tpu.dma_semaphore, #tpu.memory_space<semaphore_mem>>
    %dma_wait3A_82 = arith.constant 0 : i32
    %dma_wait3A_83 = arith.constant 0 : i32
    %dma_wait3A_84 = tpu.memref_slice %arg8[%and3A_61, %dma_wait3A_82, %dma_wait3A_83] : memref<2x8x128xi32, #tpu.memory_space<vmem>> -> memref<1x8x128xi32, #tpu.memory_space<vmem>>
    %dma_wait3A_85 = tpu.memref_squeeze %dma_wait3A_84 : memref<1x8x128xi32, #tpu.memory_space<vmem>> -> memref<8x128xi32, #tpu.memory_space<vmem>>
    %dma_wait3A_86 = arith.constant 0 : i32
    %dma_wait3A_87 = arith.constant 0 : i32
    %dma_wait3A_88 = tpu.memref_slice %arg4[%dma_wait3A_86, %dma_wait3A_87] : memref<2560x128xi32, #tpu.memory_space<hbm>> -> memref<8x128xi32, #tpu.memory_space<hbm>>
    tpu.wait_dma2 semaphore(%dma_wait3A_81 : memref<!tpu.dma_semaphore, #tpu.memory_space<semaphore_mem>>) src(%dma_wait3A_88 : memref<8x128xi32, #tpu.memory_space<hbm>>) dst(%dma_wait3A_85 : memref<8x128xi32, #tpu.memory_space<vmem>>)
    %shift_right_arithmetic3A = arith.constant 0 : i32
    %shift_right_arithmetic3A_89 = arith.constant 3 : i32
    %shift_right_arithmetic3A_90 = arith.shrsi %shift_right_arithmetic3A, %shift_right_arithmetic3A_89 : i32
    %and3A_91 = arith.constant 1 : i32
    %and3A_92 = arith.andi %shift_right_arithmetic3A_90, %and3A_91 : i32
    %and3A_93 = arith.constant 0 : i32
    %and3A_94 = arith.constant 7 : i32
    %and3A_95 = arith.andi %and3A_93, %and3A_94 : i32
    %mul3A_96 = arith.constant 128 : i32
    %mul3A_97 = arith.muli %and3A_95, %mul3A_96 : i32
    %multiple_of3A_98 = tpu.assume_multiple %mul3A_97, 128 : i32
    %dma_start3A_99 = arith.constant 0 : i32
    %dma_start3A_100 = arith.constant 0 : i32
    %dma_start3A_101 = arith.constant 0 : i32
    %dma_start3A_102 = arith.constant 0 : i32
    %dma_start3A_103 = tpu.memref_slice %arg9[%dma_start3A_99, %dma_start3A_101, %dma_start3A_102] : memref<2x128x128xf32, #tpu.memory_space<vmem>> -> memref<1x128x128xf32, #tpu.memory_space<vmem>>
    %dma_start3A_104 = tpu.memref_squeeze %dma_start3A_103 : memref<1x128x128xf32, #tpu.memory_space<vmem>> -> memref<128x128xf32, #tpu.memory_space<vmem>>
    %dma_start3A_105 = tpu.memref_slice %arg7[%and3A_92, %multiple_of3A_98] : memref<2x1024xi32, #tpu.memory_space<vmem>> -> memref<1x128xi32, #tpu.memory_space<vmem>>
    %dma_start3A_106 = tpu.memref_squeeze %dma_start3A_105 : memref<1x128xi32, #tpu.memory_space<vmem>> -> memref<128xi32, #tpu.memory_space<vmem>>
    %dma_start3A_107 = arith.constant 0 : i32
    %dma_start3A_108 = arith.constant 0 : i32
    %dma_start3A_109 = tpu.memref_slice %arg2[%dma_start3A_107, %dma_start3A_108] : memref<10000x128xf32, #tpu.memory_space<hbm>> -> memref<10000x128xf32, #tpu.memory_space<hbm>>
    %dma_start3A_110 = tpu.memref_slice %arg11[%dma_start3A_100] : memref<2x!tpu.dma_semaphore, #tpu.memory_space<semaphore_mem>> -> memref<1x!tpu.dma_semaphore, #tpu.memory_space<semaphore_mem>>
    %dma_start3A_111 = tpu.memref_squeeze %dma_start3A_110 : memref<1x!tpu.dma_semaphore, #tpu.memory_space<semaphore_mem>> -> memref<!tpu.dma_semaphore, #tpu.memory_space<semaphore_mem>>
    tpu.enqueue_indirect_dma source(%dma_start3A_109 : memref<10000x128xf32, #tpu.memory_space<hbm>>) target(%dma_start3A_104 : memref<128x128xf32, #tpu.memory_space<vmem>>) offsets(%dma_start3A_106 : memref<128xi32, #tpu.memory_space<vmem>>) semaphore(%dma_start3A_111 : memref<!tpu.dma_semaphore, #tpu.memory_space<semaphore_mem>>)
    %shift_right_arithmetic3A_112 = arith.constant 1 : i32
    %shift_right_arithmetic3A_113 = arith.constant 3 : i32
    %shift_right_arithmetic3A_114 = arith.shrsi %shift_right_arithmetic3A_112, %shift_right_arithmetic3A_113 : i32
    %and3A_115 = arith.constant 1 : i32
    %and3A_116 = arith.andi %shift_right_arithmetic3A_114, %and3A_115 : i32
    %and3A_117 = arith.constant 1 : i32
    %and3A_118 = arith.constant 7 : i32
    %and3A_119 = arith.andi %and3A_117, %and3A_118 : i32
    %mul3A_120 = arith.constant 128 : i32
    %mul3A_121 = arith.muli %and3A_119, %mul3A_120 : i32
    %multiple_of3A_122 = tpu.assume_multiple %mul3A_121, 128 : i32
    %dma_start3A_123 = arith.constant 1 : i32
    %dma_start3A_124 = arith.constant 1 : i32
    %dma_start3A_125 = arith.constant 0 : i32
    %dma_start3A_126 = arith.constant 0 : i32
    %dma_start3A_127 = tpu.memref_slice %arg9[%dma_start3A_123, %dma_start3A_125, %dma_start3A_126] : memref<2x128x128xf32, #tpu.memory_space<vmem>> -> memref<1x128x128xf32, #tpu.memory_space<vmem>>
    %dma_start3A_128 = tpu.memref_squeeze %dma_start3A_127 : memref<1x128x128xf32, #tpu.memory_space<vmem>> -> memref<128x128xf32, #tpu.memory_space<vmem>>
    %dma_start3A_129 = tpu.memref_slice %arg7[%and3A_116, %multiple_of3A_122] : memref<2x1024xi32, #tpu.memory_space<vmem>> -> memref<1x128xi32, #tpu.memory_space<vmem>>
    %dma_start3A_130 = tpu.memref_squeeze %dma_start3A_129 : memref<1x128xi32, #tpu.memory_space<vmem>> -> memref<128xi32, #tpu.memory_space<vmem>>
    %dma_start3A_131 = arith.constant 0 : i32
    %dma_start3A_132 = arith.constant 0 : i32
    %dma_start3A_133 = tpu.memref_slice %arg2[%dma_start3A_131, %dma_start3A_132] : memref<10000x128xf32, #tpu.memory_space<hbm>> -> memref<10000x128xf32, #tpu.memory_space<hbm>>
    %dma_start3A_134 = tpu.memref_slice %arg11[%dma_start3A_124] : memref<2x!tpu.dma_semaphore, #tpu.memory_space<semaphore_mem>> -> memref<1x!tpu.dma_semaphore, #tpu.memory_space<semaphore_mem>>
    %dma_start3A_135 = tpu.memref_squeeze %dma_start3A_134 : memref<1x!tpu.dma_semaphore, #tpu.memory_space<semaphore_mem>> -> memref<!tpu.dma_semaphore, #tpu.memory_space<semaphore_mem>>
    tpu.enqueue_indirect_dma source(%dma_start3A_133 : memref<10000x128xf32, #tpu.memory_space<hbm>>) target(%dma_start3A_128 : memref<128x128xf32, #tpu.memory_space<vmem>>) offsets(%dma_start3A_130 : memref<128xi32, #tpu.memory_space<vmem>>) semaphore(%dma_start3A_135 : memref<!tpu.dma_semaphore, #tpu.memory_space<semaphore_mem>>)
    %barrier3A = arith.constant 0 : index
    tpu.barrier barrier_id(%barrier3A)
    %while3A = arith.constant 0 : i32
    %while3A_136 = arith.subi %select_n3A_20, %while3A : i32
    %while3A_137 = arith.addi %while3A, %while3A_136 : i32
    %while3A_138 = arith.constant 1 : i32
    %while3A_139 = arith.divsi %while3A_136, %while3A_138 : i32
    %while3A_140 = arith.muli %while3A_139, %while3A_138 : i32
    %while3A_141 = arith.addi %while3A, %while3A_140 : i32
    %while3A_142 = arith.constant 1 : i32
    scf.for %while3A_152 = %while3A to %while3A_141 step %while3A_142  : i32 {
      %add3A_153 = arith.constant 1 : i32
      %add3A_154 = arith.addi %while3A_152, %add3A_153 : i32
      %lt3A = arith.cmpi slt, %add3A_154, %select_n3A_20 : i32
      %convert_element_type3A_155 = arith.extui %lt3A : i1 to i32
      %cond3A_156 = arith.constant 0 : i32
      %cond3A_157 = arith.cmpi ne, %convert_element_type3A_155, %cond3A_156 : i32
      scf.if %cond3A_157 {
        %add3A_168 = arith.constant 1 : i32
        %add3A_169 = arith.addi %while3A_152, %add3A_168 : i32
        %and3A_170 = arith.constant 1 : i32
        %and3A_171 = arith.andi %add3A_169, %and3A_170 : i32
        %dma_wait3A_172 = arith.constant 0 : i32
        %dma_wait3A_173 = tpu.memref_slice %arg7[%and3A_171, %dma_wait3A_172] : memref<2x1024xi32, #tpu.memory_space<vmem>> -> memref<1x1024xi32, #tpu.memory_space<vmem>>
        %dma_wait3A_174 = tpu.memref_squeeze %dma_wait3A_173 : memref<1x1024xi32, #tpu.memory_space<vmem>> -> memref<1024xi32, #tpu.memory_space<vmem>>
        %dma_wait3A_175 = arith.constant 0 : i32
        %dma_wait3A_176 = tpu.memref_slice %arg3[%dma_wait3A_175] : memref<327680xi32, #tpu.memory_space<hbm>> -> memref<1024xi32, #tpu.memory_space<hbm>>
        %dma_wait3A_177 = tpu.memref_slice %arg12[%and3A_171] : memref<2x!tpu.dma_semaphore, #tpu.memory_space<semaphore_mem>> -> memref<1x!tpu.dma_semaphore, #tpu.memory_space<semaphore_mem>>
        %dma_wait3A_178 = tpu.memref_squeeze %dma_wait3A_177 : memref<1x!tpu.dma_semaphore, #tpu.memory_space<semaphore_mem>> -> memref<!tpu.dma_semaphore, #tpu.memory_space<semaphore_mem>>
        %dma_wait3A_179 = arith.constant 0 : i32
        %dma_wait3A_180 = tpu.memref_slice %arg7[%and3A_171, %dma_wait3A_179] : memref<2x1024xi32, #tpu.memory_space<vmem>> -> memref<1x1024xi32, #tpu.memory_space<vmem>>
        %dma_wait3A_181 = tpu.memref_squeeze %dma_wait3A_180 : memref<1x1024xi32, #tpu.memory_space<vmem>> -> memref<1024xi32, #tpu.memory_space<vmem>>
        %dma_wait3A_182 = arith.constant 0 : i32
        %dma_wait3A_183 = tpu.memref_slice %arg3[%dma_wait3A_182] : memref<327680xi32, #tpu.memory_space<hbm>> -> memref<1024xi32, #tpu.memory_space<hbm>>
        tpu.wait_dma2 semaphore(%dma_wait3A_178 : memref<!tpu.dma_semaphore, #tpu.memory_space<semaphore_mem>>) src(%dma_wait3A_183 : memref<1024xi32, #tpu.memory_space<hbm>>) dst(%dma_wait3A_181 : memref<1024xi32, #tpu.memory_space<vmem>>)
        %dma_wait3A_184 = arith.constant 0 : i32
        %dma_wait3A_185 = arith.constant 0 : i32
        %dma_wait3A_186 = tpu.memref_slice %arg8[%and3A_171, %dma_wait3A_184, %dma_wait3A_185] : memref<2x8x128xi32, #tpu.memory_space<vmem>> -> memref<1x8x128xi32, #tpu.memory_space<vmem>>
        %dma_wait3A_187 = tpu.memref_squeeze %dma_wait3A_186 : memref<1x8x128xi32, #tpu.memory_space<vmem>> -> memref<8x128xi32, #tpu.memory_space<vmem>>
        %dma_wait3A_188 = arith.constant 0 : i32
        %dma_wait3A_189 = arith.constant 0 : i32
        %dma_wait3A_190 = tpu.memref_slice %arg4[%dma_wait3A_188, %dma_wait3A_189] : memref<2560x128xi32, #tpu.memory_space<hbm>> -> memref<8x128xi32, #tpu.memory_space<hbm>>
        %dma_wait3A_191 = tpu.memref_slice %arg12[%and3A_171] : memref<2x!tpu.dma_semaphore, #tpu.memory_space<semaphore_mem>> -> memref<1x!tpu.dma_semaphore, #tpu.memory_space<semaphore_mem>>
        %dma_wait3A_192 = tpu.memref_squeeze %dma_wait3A_191 : memref<1x!tpu.dma_semaphore, #tpu.memory_space<semaphore_mem>> -> memref<!tpu.dma_semaphore, #tpu.memory_space<semaphore_mem>>
        %dma_wait3A_193 = arith.constant 0 : i32
        %dma_wait3A_194 = arith.constant 0 : i32
        %dma_wait3A_195 = tpu.memref_slice %arg8[%and3A_171, %dma_wait3A_193, %dma_wait3A_194] : memref<2x8x128xi32, #tpu.memory_space<vmem>> -> memref<1x8x128xi32, #tpu.memory_space<vmem>>
        %dma_wait3A_196 = tpu.memref_squeeze %dma_wait3A_195 : memref<1x8x128xi32, #tpu.memory_space<vmem>> -> memref<8x128xi32, #tpu.memory_space<vmem>>
        %dma_wait3A_197 = arith.constant 0 : i32
        %dma_wait3A_198 = arith.constant 0 : i32
        %dma_wait3A_199 = tpu.memref_slice %arg4[%dma_wait3A_197, %dma_wait3A_198] : memref<2560x128xi32, #tpu.memory_space<hbm>> -> memref<8x128xi32, #tpu.memory_space<hbm>>
        tpu.wait_dma2 semaphore(%dma_wait3A_192 : memref<!tpu.dma_semaphore, #tpu.memory_space<semaphore_mem>>) src(%dma_wait3A_199 : memref<8x128xi32, #tpu.memory_space<hbm>>) dst(%dma_wait3A_196 : memref<8x128xi32, #tpu.memory_space<vmem>>)
      } else {
      }
      %scan3A = arith.constant 0 : i32
      %scan3A_158 = arith.constant 8 : i32
      %scan3A_159 = arith.addi %scan3A, %scan3A_158 : i32
      %scan3A_160 = arith.constant 1 : i32
      scf.for %scan3A_168 = %scan3A to %scan3A_159 step %scan3A_160  : i32 {
        %mul3A_169 = arith.constant 8 : i32
        %mul3A_170 = arith.muli %while3A_152, %mul3A_169 : i32
        %add3A_171 = arith.addi %mul3A_170, %scan3A_168 : i32
        %and3A_172 = arith.constant 1 : i32
        %and3A_173 = arith.andi %add3A_171, %and3A_172 : i32
        %dma_wait3A_174 = arith.constant 0 : i32
        %dma_wait3A_175 = arith.constant 0 : i32
        %dma_wait3A_176 = arith.constant 0 : i32
        %dma_wait3A_177 = tpu.memref_slice %arg9[%and3A_173, %dma_wait3A_175, %dma_wait3A_176] : memref<2x128x128xf32, #tpu.memory_space<vmem>> -> memref<1x128x128xf32, #tpu.memory_space<vmem>>
        %dma_wait3A_178 = tpu.memref_squeeze %dma_wait3A_177 : memref<1x128x128xf32, #tpu.memory_space<vmem>> -> memref<128x128xf32, #tpu.memory_space<vmem>>
        %dma_wait3A_179 = arith.constant 0 : i32
        %dma_wait3A_180 = tpu.memref_slice %arg7[%dma_wait3A_174, %dma_wait3A_179] : memref<2x1024xi32, #tpu.memory_space<vmem>> -> memref<1x128xi32, #tpu.memory_space<vmem>>
        %dma_wait3A_181 = tpu.memref_squeeze %dma_wait3A_180 : memref<1x128xi32, #tpu.memory_space<vmem>> -> memref<128xi32, #tpu.memory_space<vmem>>
        %dma_wait3A_182 = arith.constant 0 : i32
        %dma_wait3A_183 = arith.constant 0 : i32
        %dma_wait3A_184 = tpu.memref_slice %arg2[%dma_wait3A_182, %dma_wait3A_183] : memref<10000x128xf32, #tpu.memory_space<hbm>> -> memref<10000x128xf32, #tpu.memory_space<hbm>>
        %dma_wait3A_185 = tpu.memref_slice %arg11[%and3A_173] : memref<2x!tpu.dma_semaphore, #tpu.memory_space<semaphore_mem>> -> memref<1x!tpu.dma_semaphore, #tpu.memory_space<semaphore_mem>>
        %dma_wait3A_186 = tpu.memref_squeeze %dma_wait3A_185 : memref<1x!tpu.dma_semaphore, #tpu.memory_space<semaphore_mem>> -> memref<!tpu.dma_semaphore, #tpu.memory_space<semaphore_mem>>
        tpu.wait_indirect_dma semaphore(%dma_wait3A_186 : memref<!tpu.dma_semaphore, #tpu.memory_space<semaphore_mem>>) src(%dma_wait3A_184 : memref<10000x128xf32, #tpu.memory_space<hbm>>) dst(%dma_wait3A_178 : memref<128x128xf32, #tpu.memory_space<vmem>>)
        %and3A_187 = arith.constant 1 : i32
        %and3A_188 = arith.andi %while3A_152, %and3A_187 : i32
        "tpu.region"() ({
          %run_scoped3A = tpu.sem_alloc : memref<!tpu.dma_semaphore, #tpu.memory_space<semaphore_mem>>
          %dma_start3A_195 = arith.constant 0 : i32
          %dma_start3A_196 = arith.constant 0 : i32
          %dma_start3A_197 = tpu.memref_slice %arg9[%and3A_173, %dma_start3A_195, %dma_start3A_196] : memref<2x128x128xf32, #tpu.memory_space<vmem>> -> memref<1x128x128xf32, #tpu.memory_space<vmem>>
          %dma_start3A_198 = tpu.memref_squeeze %dma_start3A_197 : memref<1x128x128xf32, #tpu.memory_space<vmem>> -> memref<128x128xf32, #tpu.memory_space<vmem>>
          %dma_start3A_199 = arith.constant 0 : i32
          %dma_start3A_200 = tpu.memref_slice %arg8[%and3A_188, %scan3A_168, %dma_start3A_199] : memref<2x8x128xi32, #tpu.memory_space<vmem>> -> memref<1x1x128xi32, #tpu.memory_space<vmem>>
          %dma_start3A_201 = tpu.memref_squeeze %dma_start3A_200 : memref<1x1x128xi32, #tpu.memory_space<vmem>> -> memref<128xi32, #tpu.memory_space<vmem>>
          %dma_start3A_202 = arith.constant 0 : i32
          %dma_start3A_203 = arith.constant 0 : i32
          %dma_start3A_204 = tpu.memref_slice %arg10[%dma_start3A_202, %dma_start3A_203] : memref<10112x128xf32, #tpu.memory_space<vmem_shared>> -> memref<10112x128xf32, #tpu.memory_space<vmem_shared>>
          tpu.enqueue_indirect_dma source(%dma_start3A_198 : memref<128x128xf32, #tpu.memory_space<vmem>>) target(%dma_start3A_204 : memref<10112x128xf32, #tpu.memory_space<vmem_shared>>) offsets(%dma_start3A_201 : memref<128xi32, #tpu.memory_space<vmem>>) semaphore(%run_scoped3A : memref<!tpu.dma_semaphore, #tpu.memory_space<semaphore_mem>>) {add = true}
          %dma_wait3A_205 = arith.constant 0 : i32
          %dma_wait3A_206 = arith.constant 0 : i32
          %dma_wait3A_207 = tpu.memref_slice %arg9[%and3A_173, %dma_wait3A_205, %dma_wait3A_206] : memref<2x128x128xf32, #tpu.memory_space<vmem>> -> memref<1x128x128xf32, #tpu.memory_space<vmem>>
          %dma_wait3A_208 = tpu.memref_squeeze %dma_wait3A_207 : memref<1x128x128xf32, #tpu.memory_space<vmem>> -> memref<128x128xf32, #tpu.memory_space<vmem>>
          %dma_wait3A_209 = arith.constant 0 : i32
          %dma_wait3A_210 = tpu.memref_slice %arg8[%and3A_188, %scan3A_168, %dma_wait3A_209] : memref<2x8x128xi32, #tpu.memory_space<vmem>> -> memref<1x1x128xi32, #tpu.memory_space<vmem>>
          %dma_wait3A_211 = tpu.memref_squeeze %dma_wait3A_210 : memref<1x1x128xi32, #tpu.memory_space<vmem>> -> memref<128xi32, #tpu.memory_space<vmem>>
          %dma_wait3A_212 = arith.constant 0 : i32
          %dma_wait3A_213 = arith.constant 0 : i32
          %dma_wait3A_214 = tpu.memref_slice %arg10[%dma_wait3A_212, %dma_wait3A_213] : memref<10112x128xf32, #tpu.memory_space<vmem_shared>> -> memref<10112x128xf32, #tpu.memory_space<vmem_shared>>
          tpu.wait_indirect_dma semaphore(%run_scoped3A : memref<!tpu.dma_semaphore, #tpu.memory_space<semaphore_mem>>) src(%dma_wait3A_208 : memref<128x128xf32, #tpu.memory_space<vmem>>) dst(%dma_wait3A_214 : memref<10112x128xf32, #tpu.memory_space<vmem_shared>>)
          tpu.yield
        }) : () -> ()
        %add3A_189 = arith.constant 2 : i32
        %add3A_190 = arith.addi %add3A_171, %add3A_189 : i32
        %lt3A_191 = arith.cmpi slt, %add3A_190, %select_n3A_3 : i32
        %convert_element_type3A_192 = arith.extui %lt3A_191 : i1 to i32
        %cond3A_193 = arith.constant 0 : i32
        %cond3A_194 = arith.cmpi ne, %convert_element_type3A_192, %cond3A_193 : i32
        scf.if %cond3A_194 {
          %add3A_195 = arith.constant 2 : i32
          %add3A_196 = arith.addi %add3A_171, %add3A_195 : i32
          %shift_right_arithmetic3A_197 = arith.constant 3 : i32
          %shift_right_arithmetic3A_198 = arith.shrsi %add3A_196, %shift_right_arithmetic3A_197 : i32
          %and3A_199 = arith.constant 1 : i32
          %and3A_200 = arith.andi %shift_right_arithmetic3A_198, %and3A_199 : i32
          %and3A_201 = arith.constant 7 : i32
          %and3A_202 = arith.andi %add3A_196, %and3A_201 : i32
          %mul3A_203 = arith.constant 128 : i32
          %mul3A_204 = arith.muli %and3A_202, %mul3A_203 : i32
          %multiple_of3A_205 = tpu.assume_multiple %mul3A_204, 128 : i32
          %dma_start3A_206 = arith.constant 0 : i32
          %dma_start3A_207 = arith.constant 0 : i32
          %dma_start3A_208 = tpu.memref_slice %arg9[%and3A_173, %dma_start3A_206, %dma_start3A_207] : memref<2x128x128xf32, #tpu.memory_space<vmem>> -> memref<1x128x128xf32, #tpu.memory_space<vmem>>
          %dma_start3A_209 = tpu.memref_squeeze %dma_start3A_208 : memref<1x128x128xf32, #tpu.memory_space<vmem>> -> memref<128x128xf32, #tpu.memory_space<vmem>>
          %dma_start3A_210 = tpu.memref_slice %arg7[%and3A_200, %multiple_of3A_205] : memref<2x1024xi32, #tpu.memory_space<vmem>> -> memref<1x128xi32, #tpu.memory_space<vmem>>
          %dma_start3A_211 = tpu.memref_squeeze %dma_start3A_210 : memref<1x128xi32, #tpu.memory_space<vmem>> -> memref<128xi32, #tpu.memory_space<vmem>>
          %dma_start3A_212 = arith.constant 0 : i32
          %dma_start3A_213 = arith.constant 0 : i32
          %dma_start3A_214 = tpu.memref_slice %arg2[%dma_start3A_212, %dma_start3A_213] : memref<10000x128xf32, #tpu.memory_space<hbm>> -> memref<10000x128xf32, #tpu.memory_space<hbm>>
          %dma_start3A_215 = tpu.memref_slice %arg11[%and3A_173] : memref<2x!tpu.dma_semaphore, #tpu.memory_space<semaphore_mem>> -> memref<1x!tpu.dma_semaphore, #tpu.memory_space<semaphore_mem>>
          %dma_start3A_216 = tpu.memref_squeeze %dma_start3A_215 : memref<1x!tpu.dma_semaphore, #tpu.memory_space<semaphore_mem>> -> memref<!tpu.dma_semaphore, #tpu.memory_space<semaphore_mem>>
          tpu.enqueue_indirect_dma source(%dma_start3A_214 : memref<10000x128xf32, #tpu.memory_space<hbm>>) target(%dma_start3A_209 : memref<128x128xf32, #tpu.memory_space<vmem>>) offsets(%dma_start3A_211 : memref<128xi32, #tpu.memory_space<vmem>>) semaphore(%dma_start3A_216 : memref<!tpu.dma_semaphore, #tpu.memory_space<semaphore_mem>>)
        } else {
        }
      }
      %scan3A_161 = arith.constant 8 : i32
      %add3A_162 = arith.constant 2 : i32
      %add3A_163 = arith.addi %while3A_152, %add3A_162 : i32
      %lt3A_164 = arith.cmpi slt, %add3A_163, %select_n3A_20 : i32
      %convert_element_type3A_165 = arith.extui %lt3A_164 : i1 to i32
      %cond3A_166 = arith.constant 0 : i32
      %cond3A_167 = arith.cmpi ne, %convert_element_type3A_165, %cond3A_166 : i32
      scf.if %cond3A_167 {
        %add3A_168 = arith.constant 2 : i32
        %add3A_169 = arith.addi %while3A_152, %add3A_168 : i32
        %and3A_170 = arith.constant 1 : i32
        %and3A_171 = arith.andi %add3A_169, %and3A_170 : i32
        %mul3A_172 = arith.constant 1024 : i32
        %mul3A_173 = arith.muli %add3A_169, %mul3A_172 : i32
        %add3A_174 = arith.addi %mul3A_25, %mul3A_173 : i32
        %multiple_of3A_175 = tpu.assume_multiple %add3A_174, 1024 : i32
        %dma_start3A_176 = arith.constant 0 : i32
        %dma_start3A_177 = tpu.memref_slice %arg7[%and3A_171, %dma_start3A_176] : memref<2x1024xi32, #tpu.memory_space<vmem>> -> memref<1x1024xi32, #tpu.memory_space<vmem>>
        %dma_start3A_178 = tpu.memref_squeeze %dma_start3A_177 : memref<1x1024xi32, #tpu.memory_space<vmem>> -> memref<1024xi32, #tpu.memory_space<vmem>>
        %dma_start3A_179 = tpu.memref_slice %arg3[%multiple_of3A_175] : memref<327680xi32, #tpu.memory_space<hbm>> -> memref<1024xi32, #tpu.memory_space<hbm>>
        %dma_start3A_180 = tpu.memref_slice %arg12[%and3A_171] : memref<2x!tpu.dma_semaphore, #tpu.memory_space<semaphore_mem>> -> memref<1x!tpu.dma_semaphore, #tpu.memory_space<semaphore_mem>>
        %dma_start3A_181 = tpu.memref_squeeze %dma_start3A_180 : memref<1x!tpu.dma_semaphore, #tpu.memory_space<semaphore_mem>> -> memref<!tpu.dma_semaphore, #tpu.memory_space<semaphore_mem>>
        %dma_start3A_182 = arith.constant 0 : i32
        %dma_start3A_183 = tpu.memref_slice %arg7[%and3A_171, %dma_start3A_182] : memref<2x1024xi32, #tpu.memory_space<vmem>> -> memref<1x1024xi32, #tpu.memory_space<vmem>>
        %dma_start3A_184 = tpu.memref_squeeze %dma_start3A_183 : memref<1x1024xi32, #tpu.memory_space<vmem>> -> memref<1024xi32, #tpu.memory_space<vmem>>
        %dma_start3A_185 = tpu.memref_slice %arg3[%multiple_of3A_175] : memref<327680xi32, #tpu.memory_space<hbm>> -> memref<1024xi32, #tpu.memory_space<hbm>>
        tpu.enqueue_dma source(%dma_start3A_185 : memref<1024xi32, #tpu.memory_space<hbm>>) target(%dma_start3A_184 : memref<1024xi32, #tpu.memory_space<vmem>>) target_semaphore(%dma_start3A_181 : memref<!tpu.dma_semaphore, #tpu.memory_space<semaphore_mem>>)
        %mul3A_186 = arith.constant 8 : i32
        %mul3A_187 = arith.muli %add3A_169, %mul3A_186 : i32
        %add3A_188 = arith.addi %add3A, %mul3A_187 : i32
        %multiple_of3A_189 = tpu.assume_multiple %add3A_188, 8 : i32
        %dma_start3A_190 = arith.constant 0 : i32
        %dma_start3A_191 = arith.constant 0 : i32
        %dma_start3A_192 = tpu.memref_slice %arg8[%and3A_171, %dma_start3A_190, %dma_start3A_191] : memref<2x8x128xi32, #tpu.memory_space<vmem>> -> memref<1x8x128xi32, #tpu.memory_space<vmem>>
        %dma_start3A_193 = tpu.memref_squeeze %dma_start3A_192 : memref<1x8x128xi32, #tpu.memory_space<vmem>> -> memref<8x128xi32, #tpu.memory_space<vmem>>
        %dma_start3A_194 = arith.constant 0 : i32
        %dma_start3A_195 = tpu.memref_slice %arg4[%multiple_of3A_189, %dma_start3A_194] : memref<2560x128xi32, #tpu.memory_space<hbm>> -> memref<8x128xi32, #tpu.memory_space<hbm>>
        %dma_start3A_196 = tpu.memref_slice %arg12[%and3A_171] : memref<2x!tpu.dma_semaphore, #tpu.memory_space<semaphore_mem>> -> memref<1x!tpu.dma_semaphore, #tpu.memory_space<semaphore_mem>>
        %dma_start3A_197 = tpu.memref_squeeze %dma_start3A_196 : memref<1x!tpu.dma_semaphore, #tpu.memory_space<semaphore_mem>> -> memref<!tpu.dma_semaphore, #tpu.memory_space<semaphore_mem>>
        %dma_start3A_198 = arith.constant 0 : i32
        %dma_start3A_199 = arith.constant 0 : i32
        %dma_start3A_200 = tpu.memref_slice %arg8[%and3A_171, %dma_start3A_198, %dma_start3A_199] : memref<2x8x128xi32, #tpu.memory_space<vmem>> -> memref<1x8x128xi32, #tpu.memory_space<vmem>>
        %dma_start3A_201 = tpu.memref_squeeze %dma_start3A_200 : memref<1x8x128xi32, #tpu.memory_space<vmem>> -> memref<8x128xi32, #tpu.memory_space<vmem>>
        %dma_start3A_202 = arith.constant 0 : i32
        %dma_start3A_203 = tpu.memref_slice %arg4[%multiple_of3A_189, %dma_start3A_202] : memref<2560x128xi32, #tpu.memory_space<hbm>> -> memref<8x128xi32, #tpu.memory_space<hbm>>
        tpu.enqueue_dma source(%dma_start3A_203 : memref<8x128xi32, #tpu.memory_space<hbm>>) target(%dma_start3A_201 : memref<8x128xi32, #tpu.memory_space<vmem>>) target_semaphore(%dma_start3A_197 : memref<!tpu.dma_semaphore, #tpu.memory_space<semaphore_mem>>)
      } else {
      }
    }
    %while3A_143 = arith.constant 1 : i32
    scf.for %while3A_152 = %while3A_141 to %while3A_137 step %while3A_143  : i32 {
      %add3A_153 = arith.constant 1 : i32
      %add3A_154 = arith.addi %while3A_152, %add3A_153 : i32
      %lt3A = arith.cmpi slt, %add3A_154, %select_n3A_20 : i32
      %convert_element_type3A_155 = arith.extui %lt3A : i1 to i32
      %cond3A_156 = arith.constant 0 : i32
      %cond3A_157 = arith.cmpi ne, %convert_element_type3A_155, %cond3A_156 : i32
      scf.if %cond3A_157 {
        %add3A_168 = arith.constant 1 : i32
        %add3A_169 = arith.addi %while3A_152, %add3A_168 : i32
        %and3A_170 = arith.constant 1 : i32
        %and3A_171 = arith.andi %add3A_169, %and3A_170 : i32
        %dma_wait3A_172 = arith.constant 0 : i32
        %dma_wait3A_173 = tpu.memref_slice %arg7[%and3A_171, %dma_wait3A_172] : memref<2x1024xi32, #tpu.memory_space<vmem>> -> memref<1x1024xi32, #tpu.memory_space<vmem>>
        %dma_wait3A_174 = tpu.memref_squeeze %dma_wait3A_173 : memref<1x1024xi32, #tpu.memory_space<vmem>> -> memref<1024xi32, #tpu.memory_space<vmem>>
        %dma_wait3A_175 = arith.constant 0 : i32
        %dma_wait3A_176 = tpu.memref_slice %arg3[%dma_wait3A_175] : memref<327680xi32, #tpu.memory_space<hbm>> -> memref<1024xi32, #tpu.memory_space<hbm>>
        %dma_wait3A_177 = tpu.memref_slice %arg12[%and3A_171] : memref<2x!tpu.dma_semaphore, #tpu.memory_space<semaphore_mem>> -> memref<1x!tpu.dma_semaphore, #tpu.memory_space<semaphore_mem>>
        %dma_wait3A_178 = tpu.memref_squeeze %dma_wait3A_177 : memref<1x!tpu.dma_semaphore, #tpu.memory_space<semaphore_mem>> -> memref<!tpu.dma_semaphore, #tpu.memory_space<semaphore_mem>>
        %dma_wait3A_179 = arith.constant 0 : i32
        %dma_wait3A_180 = tpu.memref_slice %arg7[%and3A_171, %dma_wait3A_179] : memref<2x1024xi32, #tpu.memory_space<vmem>> -> memref<1x1024xi32, #tpu.memory_space<vmem>>
        %dma_wait3A_181 = tpu.memref_squeeze %dma_wait3A_180 : memref<1x1024xi32, #tpu.memory_space<vmem>> -> memref<1024xi32, #tpu.memory_space<vmem>>
        %dma_wait3A_182 = arith.constant 0 : i32
        %dma_wait3A_183 = tpu.memref_slice %arg3[%dma_wait3A_182] : memref<327680xi32, #tpu.memory_space<hbm>> -> memref<1024xi32, #tpu.memory_space<hbm>>
        tpu.wait_dma2 semaphore(%dma_wait3A_178 : memref<!tpu.dma_semaphore, #tpu.memory_space<semaphore_mem>>) src(%dma_wait3A_183 : memref<1024xi32, #tpu.memory_space<hbm>>) dst(%dma_wait3A_181 : memref<1024xi32, #tpu.memory_space<vmem>>)
        %dma_wait3A_184 = arith.constant 0 : i32
        %dma_wait3A_185 = arith.constant 0 : i32
        %dma_wait3A_186 = tpu.memref_slice %arg8[%and3A_171, %dma_wait3A_184, %dma_wait3A_185] : memref<2x8x128xi32, #tpu.memory_space<vmem>> -> memref<1x8x128xi32, #tpu.memory_space<vmem>>
        %dma_wait3A_187 = tpu.memref_squeeze %dma_wait3A_186 : memref<1x8x128xi32, #tpu.memory_space<vmem>> -> memref<8x128xi32, #tpu.memory_space<vmem>>
        %dma_wait3A_188 = arith.constant 0 : i32
        %dma_wait3A_189 = arith.constant 0 : i32
        %dma_wait3A_190 = tpu.memref_slice %arg4[%dma_wait3A_188, %dma_wait3A_189] : memref<2560x128xi32, #tpu.memory_space<hbm>> -> memref<8x128xi32, #tpu.memory_space<hbm>>
        %dma_wait3A_191 = tpu.memref_slice %arg12[%and3A_171] : memref<2x!tpu.dma_semaphore, #tpu.memory_space<semaphore_mem>> -> memref<1x!tpu.dma_semaphore, #tpu.memory_space<semaphore_mem>>
        %dma_wait3A_192 = tpu.memref_squeeze %dma_wait3A_191 : memref<1x!tpu.dma_semaphore, #tpu.memory_space<semaphore_mem>> -> memref<!tpu.dma_semaphore, #tpu.memory_space<semaphore_mem>>
        %dma_wait3A_193 = arith.constant 0 : i32
        %dma_wait3A_194 = arith.constant 0 : i32
        %dma_wait3A_195 = tpu.memref_slice %arg8[%and3A_171, %dma_wait3A_193, %dma_wait3A_194] : memref<2x8x128xi32, #tpu.memory_space<vmem>> -> memref<1x8x128xi32, #tpu.memory_space<vmem>>
        %dma_wait3A_196 = tpu.memref_squeeze %dma_wait3A_195 : memref<1x8x128xi32, #tpu.memory_space<vmem>> -> memref<8x128xi32, #tpu.memory_space<vmem>>
        %dma_wait3A_197 = arith.constant 0 : i32
        %dma_wait3A_198 = arith.constant 0 : i32
        %dma_wait3A_199 = tpu.memref_slice %arg4[%dma_wait3A_197, %dma_wait3A_198] : memref<2560x128xi32, #tpu.memory_space<hbm>> -> memref<8x128xi32, #tpu.memory_space<hbm>>
        tpu.wait_dma2 semaphore(%dma_wait3A_192 : memref<!tpu.dma_semaphore, #tpu.memory_space<semaphore_mem>>) src(%dma_wait3A_199 : memref<8x128xi32, #tpu.memory_space<hbm>>) dst(%dma_wait3A_196 : memref<8x128xi32, #tpu.memory_space<vmem>>)
      } else {
      }
      %scan3A = arith.constant 0 : i32
      %scan3A_158 = arith.constant 8 : i32
      %scan3A_159 = arith.addi %scan3A, %scan3A_158 : i32
      %scan3A_160 = arith.constant 1 : i32
      scf.for %scan3A_168 = %scan3A to %scan3A_159 step %scan3A_160  : i32 {
        %mul3A_169 = arith.constant 8 : i32
        %mul3A_170 = arith.muli %while3A_152, %mul3A_169 : i32
        %add3A_171 = arith.addi %mul3A_170, %scan3A_168 : i32
        %and3A_172 = arith.constant 1 : i32
        %and3A_173 = arith.andi %add3A_171, %and3A_172 : i32
        %dma_wait3A_174 = arith.constant 0 : i32
        %dma_wait3A_175 = arith.constant 0 : i32
        %dma_wait3A_176 = arith.constant 0 : i32
        %dma_wait3A_177 = tpu.memref_slice %arg9[%and3A_173, %dma_wait3A_175, %dma_wait3A_176] : memref<2x128x128xf32, #tpu.memory_space<vmem>> -> memref<1x128x128xf32, #tpu.memory_space<vmem>>
        %dma_wait3A_178 = tpu.memref_squeeze %dma_wait3A_177 : memref<1x128x128xf32, #tpu.memory_space<vmem>> -> memref<128x128xf32, #tpu.memory_space<vmem>>
        %dma_wait3A_179 = arith.constant 0 : i32
        %dma_wait3A_180 = tpu.memref_slice %arg7[%dma_wait3A_174, %dma_wait3A_179] : memref<2x1024xi32, #tpu.memory_space<vmem>> -> memref<1x128xi32, #tpu.memory_space<vmem>>
        %dma_wait3A_181 = tpu.memref_squeeze %dma_wait3A_180 : memref<1x128xi32, #tpu.memory_space<vmem>> -> memref<128xi32, #tpu.memory_space<vmem>>
        %dma_wait3A_182 = arith.constant 0 : i32
        %dma_wait3A_183 = arith.constant 0 : i32
        %dma_wait3A_184 = tpu.memref_slice %arg2[%dma_wait3A_182, %dma_wait3A_183] : memref<10000x128xf32, #tpu.memory_space<hbm>> -> memref<10000x128xf32, #tpu.memory_space<hbm>>
        %dma_wait3A_185 = tpu.memref_slice %arg11[%and3A_173] : memref<2x!tpu.dma_semaphore, #tpu.memory_space<semaphore_mem>> -> memref<1x!tpu.dma_semaphore, #tpu.memory_space<semaphore_mem>>
        %dma_wait3A_186 = tpu.memref_squeeze %dma_wait3A_185 : memref<1x!tpu.dma_semaphore, #tpu.memory_space<semaphore_mem>> -> memref<!tpu.dma_semaphore, #tpu.memory_space<semaphore_mem>>
        tpu.wait_indirect_dma semaphore(%dma_wait3A_186 : memref<!tpu.dma_semaphore, #tpu.memory_space<semaphore_mem>>) src(%dma_wait3A_184 : memref<10000x128xf32, #tpu.memory_space<hbm>>) dst(%dma_wait3A_178 : memref<128x128xf32, #tpu.memory_space<vmem>>)
        %and3A_187 = arith.constant 1 : i32
        %and3A_188 = arith.andi %while3A_152, %and3A_187 : i32
        "tpu.region"() ({
          %run_scoped3A = tpu.sem_alloc : memref<!tpu.dma_semaphore, #tpu.memory_space<semaphore_mem>>
          %dma_start3A_195 = arith.constant 0 : i32
          %dma_start3A_196 = arith.constant 0 : i32
          %dma_start3A_197 = tpu.memref_slice %arg9[%and3A_173, %dma_start3A_195, %dma_start3A_196] : memref<2x128x128xf32, #tpu.memory_space<vmem>> -> memref<1x128x128xf32, #tpu.memory_space<vmem>>
          %dma_start3A_198 = tpu.memref_squeeze %dma_start3A_197 : memref<1x128x128xf32, #tpu.memory_space<vmem>> -> memref<128x128xf32, #tpu.memory_space<vmem>>
          %dma_start3A_199 = arith.constant 0 : i32
          %dma_start3A_200 = tpu.memref_slice %arg8[%and3A_188, %scan3A_168, %dma_start3A_199] : memref<2x8x128xi32, #tpu.memory_space<vmem>> -> memref<1x1x128xi32, #tpu.memory_space<vmem>>
          %dma_start3A_201 = tpu.memref_squeeze %dma_start3A_200 : memref<1x1x128xi32, #tpu.memory_space<vmem>> -> memref<128xi32, #tpu.memory_space<vmem>>
          %dma_start3A_202 = arith.constant 0 : i32
          %dma_start3A_203 = arith.constant 0 : i32
          %dma_start3A_204 = tpu.memref_slice %arg10[%dma_start3A_202, %dma_start3A_203] : memref<10112x128xf32, #tpu.memory_space<vmem_shared>> -> memref<10112x128xf32, #tpu.memory_space<vmem_shared>>
          tpu.enqueue_indirect_dma source(%dma_start3A_198 : memref<128x128xf32, #tpu.memory_space<vmem>>) target(%dma_start3A_204 : memref<10112x128xf32, #tpu.memory_space<vmem_shared>>) offsets(%dma_start3A_201 : memref<128xi32, #tpu.memory_space<vmem>>) semaphore(%run_scoped3A : memref<!tpu.dma_semaphore, #tpu.memory_space<semaphore_mem>>) {add = true}
          %dma_wait3A_205 = arith.constant 0 : i32
          %dma_wait3A_206 = arith.constant 0 : i32
          %dma_wait3A_207 = tpu.memref_slice %arg9[%and3A_173, %dma_wait3A_205, %dma_wait3A_206] : memref<2x128x128xf32, #tpu.memory_space<vmem>> -> memref<1x128x128xf32, #tpu.memory_space<vmem>>
          %dma_wait3A_208 = tpu.memref_squeeze %dma_wait3A_207 : memref<1x128x128xf32, #tpu.memory_space<vmem>> -> memref<128x128xf32, #tpu.memory_space<vmem>>
          %dma_wait3A_209 = arith.constant 0 : i32
          %dma_wait3A_210 = tpu.memref_slice %arg8[%and3A_188, %scan3A_168, %dma_wait3A_209] : memref<2x8x128xi32, #tpu.memory_space<vmem>> -> memref<1x1x128xi32, #tpu.memory_space<vmem>>
          %dma_wait3A_211 = tpu.memref_squeeze %dma_wait3A_210 : memref<1x1x128xi32, #tpu.memory_space<vmem>> -> memref<128xi32, #tpu.memory_space<vmem>>
          %dma_wait3A_212 = arith.constant 0 : i32
          %dma_wait3A_213 = arith.constant 0 : i32
          %dma_wait3A_214 = tpu.memref_slice %arg10[%dma_wait3A_212, %dma_wait3A_213] : memref<10112x128xf32, #tpu.memory_space<vmem_shared>> -> memref<10112x128xf32, #tpu.memory_space<vmem_shared>>
          tpu.wait_indirect_dma semaphore(%run_scoped3A : memref<!tpu.dma_semaphore, #tpu.memory_space<semaphore_mem>>) src(%dma_wait3A_208 : memref<128x128xf32, #tpu.memory_space<vmem>>) dst(%dma_wait3A_214 : memref<10112x128xf32, #tpu.memory_space<vmem_shared>>)
          tpu.yield
        }) : () -> ()
        %add3A_189 = arith.constant 2 : i32
        %add3A_190 = arith.addi %add3A_171, %add3A_189 : i32
        %lt3A_191 = arith.cmpi slt, %add3A_190, %select_n3A_3 : i32
        %convert_element_type3A_192 = arith.extui %lt3A_191 : i1 to i32
        %cond3A_193 = arith.constant 0 : i32
        %cond3A_194 = arith.cmpi ne, %convert_element_type3A_192, %cond3A_193 : i32
        scf.if %cond3A_194 {
          %add3A_195 = arith.constant 2 : i32
          %add3A_196 = arith.addi %add3A_171, %add3A_195 : i32
          %shift_right_arithmetic3A_197 = arith.constant 3 : i32
          %shift_right_arithmetic3A_198 = arith.shrsi %add3A_196, %shift_right_arithmetic3A_197 : i32
          %and3A_199 = arith.constant 1 : i32
          %and3A_200 = arith.andi %shift_right_arithmetic3A_198, %and3A_199 : i32
          %and3A_201 = arith.constant 7 : i32
          %and3A_202 = arith.andi %add3A_196, %and3A_201 : i32
          %mul3A_203 = arith.constant 128 : i32
          %mul3A_204 = arith.muli %and3A_202, %mul3A_203 : i32
          %multiple_of3A_205 = tpu.assume_multiple %mul3A_204, 128 : i32
          %dma_start3A_206 = arith.constant 0 : i32
          %dma_start3A_207 = arith.constant 0 : i32
          %dma_start3A_208 = tpu.memref_slice %arg9[%and3A_173, %dma_start3A_206, %dma_start3A_207] : memref<2x128x128xf32, #tpu.memory_space<vmem>> -> memref<1x128x128xf32, #tpu.memory_space<vmem>>
          %dma_start3A_209 = tpu.memref_squeeze %dma_start3A_208 : memref<1x128x128xf32, #tpu.memory_space<vmem>> -> memref<128x128xf32, #tpu.memory_space<vmem>>
          %dma_start3A_210 = tpu.memref_slice %arg7[%and3A_200, %multiple_of3A_205] : memref<2x1024xi32, #tpu.memory_space<vmem>> -> memref<1x128xi32, #tpu.memory_space<vmem>>
          %dma_start3A_211 = tpu.memref_squeeze %dma_start3A_210 : memref<1x128xi32, #tpu.memory_space<vmem>> -> memref<128xi32, #tpu.memory_space<vmem>>
          %dma_start3A_212 = arith.constant 0 : i32
          %dma_start3A_213 = arith.constant 0 : i32
          %dma_start3A_214 = tpu.memref_slice %arg2[%dma_start3A_212, %dma_start3A_213] : memref<10000x128xf32, #tpu.memory_space<hbm>> -> memref<10000x128xf32, #tpu.memory_space<hbm>>
          %dma_start3A_215 = tpu.memref_slice %arg11[%and3A_173] : memref<2x!tpu.dma_semaphore, #tpu.memory_space<semaphore_mem>> -> memref<1x!tpu.dma_semaphore, #tpu.memory_space<semaphore_mem>>
          %dma_start3A_216 = tpu.memref_squeeze %dma_start3A_215 : memref<1x!tpu.dma_semaphore, #tpu.memory_space<semaphore_mem>> -> memref<!tpu.dma_semaphore, #tpu.memory_space<semaphore_mem>>
          tpu.enqueue_indirect_dma source(%dma_start3A_214 : memref<10000x128xf32, #tpu.memory_space<hbm>>) target(%dma_start3A_209 : memref<128x128xf32, #tpu.memory_space<vmem>>) offsets(%dma_start3A_211 : memref<128xi32, #tpu.memory_space<vmem>>) semaphore(%dma_start3A_216 : memref<!tpu.dma_semaphore, #tpu.memory_space<semaphore_mem>>)
        } else {
        }
      }
      %scan3A_161 = arith.constant 8 : i32
      %add3A_162 = arith.constant 2 : i32
      %add3A_163 = arith.addi %while3A_152, %add3A_162 : i32
      %lt3A_164 = arith.cmpi slt, %add3A_163, %select_n3A_20 : i32
      %convert_element_type3A_165 = arith.extui %lt3A_164 : i1 to i32
      %cond3A_166 = arith.constant 0 : i32
      %cond3A_167 = arith.cmpi ne, %convert_element_type3A_165, %cond3A_166 : i32
      scf.if %cond3A_167 {
        %add3A_168 = arith.constant 2 : i32
        %add3A_169 = arith.addi %while3A_152, %add3A_168 : i32
        %and3A_170 = arith.constant 1 : i32
        %and3A_171 = arith.andi %add3A_169, %and3A_170 : i32
        %mul3A_172 = arith.constant 1024 : i32
        %mul3A_173 = arith.muli %add3A_169, %mul3A_172 : i32
        %add3A_174 = arith.addi %mul3A_25, %mul3A_173 : i32
        %multiple_of3A_175 = tpu.assume_multiple %add3A_174, 1024 : i32
        %dma_start3A_176 = arith.constant 0 : i32
        %dma_start3A_177 = tpu.memref_slice %arg7[%and3A_171, %dma_start3A_176] : memref<2x1024xi32, #tpu.memory_space<vmem>> -> memref<1x1024xi32, #tpu.memory_space<vmem>>
        %dma_start3A_178 = tpu.memref_squeeze %dma_start3A_177 : memref<1x1024xi32, #tpu.memory_space<vmem>> -> memref<1024xi32, #tpu.memory_space<vmem>>
        %dma_start3A_179 = tpu.memref_slice %arg3[%multiple_of3A_175] : memref<327680xi32, #tpu.memory_space<hbm>> -> memref<1024xi32, #tpu.memory_space<hbm>>
        %dma_start3A_180 = tpu.memref_slice %arg12[%and3A_171] : memref<2x!tpu.dma_semaphore, #tpu.memory_space<semaphore_mem>> -> memref<1x!tpu.dma_semaphore, #tpu.memory_space<semaphore_mem>>
        %dma_start3A_181 = tpu.memref_squeeze %dma_start3A_180 : memref<1x!tpu.dma_semaphore, #tpu.memory_space<semaphore_mem>> -> memref<!tpu.dma_semaphore, #tpu.memory_space<semaphore_mem>>
        %dma_start3A_182 = arith.constant 0 : i32
        %dma_start3A_183 = tpu.memref_slice %arg7[%and3A_171, %dma_start3A_182] : memref<2x1024xi32, #tpu.memory_space<vmem>> -> memref<1x1024xi32, #tpu.memory_space<vmem>>
        %dma_start3A_184 = tpu.memref_squeeze %dma_start3A_183 : memref<1x1024xi32, #tpu.memory_space<vmem>> -> memref<1024xi32, #tpu.memory_space<vmem>>
        %dma_start3A_185 = tpu.memref_slice %arg3[%multiple_of3A_175] : memref<327680xi32, #tpu.memory_space<hbm>> -> memref<1024xi32, #tpu.memory_space<hbm>>
        tpu.enqueue_dma source(%dma_start3A_185 : memref<1024xi32, #tpu.memory_space<hbm>>) target(%dma_start3A_184 : memref<1024xi32, #tpu.memory_space<vmem>>) target_semaphore(%dma_start3A_181 : memref<!tpu.dma_semaphore, #tpu.memory_space<semaphore_mem>>)
        %mul3A_186 = arith.constant 8 : i32
        %mul3A_187 = arith.muli %add3A_169, %mul3A_186 : i32
        %add3A_188 = arith.addi %add3A, %mul3A_187 : i32
        %multiple_of3A_189 = tpu.assume_multiple %add3A_188, 8 : i32
        %dma_start3A_190 = arith.constant 0 : i32
        %dma_start3A_191 = arith.constant 0 : i32
        %dma_start3A_192 = tpu.memref_slice %arg8[%and3A_171, %dma_start3A_190, %dma_start3A_191] : memref<2x8x128xi32, #tpu.memory_space<vmem>> -> memref<1x8x128xi32, #tpu.memory_space<vmem>>
        %dma_start3A_193 = tpu.memref_squeeze %dma_start3A_192 : memref<1x8x128xi32, #tpu.memory_space<vmem>> -> memref<8x128xi32, #tpu.memory_space<vmem>>
        %dma_start3A_194 = arith.constant 0 : i32
        %dma_start3A_195 = tpu.memref_slice %arg4[%multiple_of3A_189, %dma_start3A_194] : memref<2560x128xi32, #tpu.memory_space<hbm>> -> memref<8x128xi32, #tpu.memory_space<hbm>>
        %dma_start3A_196 = tpu.memref_slice %arg12[%and3A_171] : memref<2x!tpu.dma_semaphore, #tpu.memory_space<semaphore_mem>> -> memref<1x!tpu.dma_semaphore, #tpu.memory_space<semaphore_mem>>
        %dma_start3A_197 = tpu.memref_squeeze %dma_start3A_196 : memref<1x!tpu.dma_semaphore, #tpu.memory_space<semaphore_mem>> -> memref<!tpu.dma_semaphore, #tpu.memory_space<semaphore_mem>>
        %dma_start3A_198 = arith.constant 0 : i32
        %dma_start3A_199 = arith.constant 0 : i32
        %dma_start3A_200 = tpu.memref_slice %arg8[%and3A_171, %dma_start3A_198, %dma_start3A_199] : memref<2x8x128xi32, #tpu.memory_space<vmem>> -> memref<1x8x128xi32, #tpu.memory_space<vmem>>
        %dma_start3A_201 = tpu.memref_squeeze %dma_start3A_200 : memref<1x8x128xi32, #tpu.memory_space<vmem>> -> memref<8x128xi32, #tpu.memory_space<vmem>>
        %dma_start3A_202 = arith.constant 0 : i32
        %dma_start3A_203 = tpu.memref_slice %arg4[%multiple_of3A_189, %dma_start3A_202] : memref<2560x128xi32, #tpu.memory_space<hbm>> -> memref<8x128xi32, #tpu.memory_space<hbm>>
        tpu.enqueue_dma source(%dma_start3A_203 : memref<8x128xi32, #tpu.memory_space<hbm>>) target(%dma_start3A_201 : memref<8x128xi32, #tpu.memory_space<vmem>>) target_semaphore(%dma_start3A_197 : memref<!tpu.dma_semaphore, #tpu.memory_space<semaphore_mem>>)
      } else {
      }
    }
    %barrier3A_144 = arith.constant 0 : index
    tpu.barrier barrier_id(%barrier3A_144)
    %mul3A_145 = arith.constant 632 : i32
    %mul3A_146 = arith.muli %arg1, %mul3A_145 : i32
    %mul3A_147 = arith.constant 10112 : i32
    %mul3A_148 = arith.muli %arg0, %mul3A_147 : i32
    %mul3A_149 = arith.constant 632 : i32
    %mul3A_150 = arith.muli %arg1, %mul3A_149 : i32
    %add3A_151 = arith.addi %mul3A_148, %mul3A_150 : i32
    "tpu.region"() ({
      %run_scoped3A = tpu.sem_alloc : memref<!tpu.dma_semaphore, #tpu.memory_space<semaphore_mem>>
      %dma_start3A_152 = arith.constant 0 : i32
      %dma_start3A_153 = tpu.memref_slice %arg6[%add3A_151, %dma_start3A_152] : memref<20224x128xf32, #tpu.memory_space<hbm>> -> memref<632x128xf32, #tpu.memory_space<hbm>>
      %dma_start3A_154 = arith.constant 0 : i32
      %dma_start3A_155 = tpu.memref_slice %arg10[%mul3A_146, %dma_start3A_154] : memref<10112x128xf32, #tpu.memory_space<vmem_shared>> -> memref<632x128xf32, #tpu.memory_space<vmem_shared>>
      tpu.enqueue_dma source(%dma_start3A_155 : memref<632x128xf32, #tpu.memory_space<vmem_shared>>) target(%dma_start3A_153 : memref<632x128xf32, #tpu.memory_space<hbm>>) target_semaphore(%run_scoped3A : memref<!tpu.dma_semaphore, #tpu.memory_space<semaphore_mem>>)
      %dma_wait3A_156 = arith.constant 0 : i32
      %dma_wait3A_157 = tpu.memref_slice %arg6[%add3A_151, %dma_wait3A_156] : memref<20224x128xf32, #tpu.memory_space<hbm>> -> memref<632x128xf32, #tpu.memory_space<hbm>>
      %dma_wait3A_158 = arith.constant 0 : i32
      %dma_wait3A_159 = tpu.memref_slice %arg10[%mul3A_146, %dma_wait3A_158] : memref<10112x128xf32, #tpu.memory_space<vmem_shared>> -> memref<632x128xf32, #tpu.memory_space<vmem_shared>>
      tpu.wait_dma2 semaphore(%run_scoped3A : memref<!tpu.dma_semaphore, #tpu.memory_space<semaphore_mem>>) src(%dma_wait3A_159 : memref<632x128xf32, #tpu.memory_space<vmem_shared>>) dst(%dma_wait3A_157 : memref<632x128xf32, #tpu.memory_space<hbm>>)
      tpu.yield
    }) : () -> ()
    return
  }
}

#map = affine_map<(d0, d1) -> (0, 0)>
#map1 = affine_map<(d0, d1) -> (0)>
module attributes {stable_mosaic.version = 14 : i64} {
  func.func @_sc_agg(%arg0: i32, %arg1: i32, %arg2: memref<10000x128xf32, #tpu.memory_space<hbm>>, %arg3: memref<327680xi32, #tpu.memory_space<hbm>>, %arg4: memref<2560x128xi32, #tpu.memory_space<hbm>>, %arg5: memref<632x128xf32, #tpu.memory_space<hbm>>, %arg6: memref<20224x128xf32, #tpu.memory_space<hbm>>, %arg7: memref<2x1024xi32, #tpu.memory_space<vmem>>, %arg8: memref<2x8x128xi32, #tpu.memory_space<vmem>>, %arg9: memref<2x128x128xf32, #tpu.memory_space<vmem>>, %arg10: memref<10112x128xf32, #tpu.memory_space<vmem_shared>>, %arg11: memref<2x!tpu.dma_semaphore, #tpu.memory_space<semaphore_mem>>, %arg12: memref<2x!tpu.dma_semaphore, #tpu.memory_space<semaphore_mem>>) attributes {dimension_semantics = [#tpu.dimension_semantics<core_parallel>, #tpu.dimension_semantics<subcore_parallel>], iteration_bounds = array<i64: 2, 16>, scalar_prefetch = 0 : i64, scratch_operands = 6 : i64, tpu.core_type = #tpu.core_type<sc_vector_subcore>, window_params = [{transform_indices = #map}, {transform_indices = #map1}, {transform_indices = #map}, {transform_indices = #map}, {transform_indices = #map}]} {
    %mul3A = arith.constant 632 : i32
    %mul3A_0 = arith.muli %arg1, %mul3A : i32
    "tpu.region"() ({
      %run_scoped3A = tpu.sem_alloc : memref<!tpu.dma_semaphore, #tpu.memory_space<semaphore_mem>>
      %dma_start3A_152 = arith.constant 0 : i32
      %dma_start3A_153 = tpu.memref_slice %arg10[%mul3A_0, %dma_start3A_152] : memref<10112x128xf32, #tpu.memory_space<vmem_shared>> -> memref<632x128xf32, #tpu.memory_space<vmem_shared>>
      tpu.enqueue_dma source(%arg5 : memref<632x128xf32, #tpu.memory_space<hbm>>) target(%dma_start3A_153 : memref<632x128xf32, #tpu.memory_space<vmem_shared>>) target_semaphore(%run_scoped3A : memref<!tpu.dma_semaphore, #tpu.memory_space<semaphore_mem>>)
      %dma_wait3A_154 = arith.constant 0 : i32
      %dma_wait3A_155 = tpu.memref_slice %arg10[%mul3A_0, %dma_wait3A_154] : memref<10112x128xf32, #tpu.memory_space<vmem_shared>> -> memref<632x128xf32, #tpu.memory_space<vmem_shared>>
      tpu.wait_dma2 semaphore(%run_scoped3A : memref<!tpu.dma_semaphore, #tpu.memory_space<semaphore_mem>>) src(%arg5 : memref<632x128xf32, #tpu.memory_space<hbm>>) dst(%dma_wait3A_155 : memref<632x128xf32, #tpu.memory_space<vmem_shared>>)
      tpu.yield
    }) : () -> ()
    %eq3A = arith.constant 0 : i32
    %eq3A_1 = arith.cmpi eq, %arg0, %eq3A : i32
    %select_n3A = arith.constant 8 : i32
    %select_n3A_2 = arith.constant 152 : i32
    %select_n3A_3 = arith.select %eq3A_1, %select_n3A_2, %select_n3A : i32
    %jit3A = arith.constant 8 : i32
    %div3A = arith.divsi %select_n3A_3, %jit3A : i32
    %sign3A = arith.constant 0 : i32
    %sign3A_4 = arith.cmpi sgt, %select_n3A_3, %sign3A : i32
    %sign3A_5 = arith.extui %sign3A_4 : i1 to i32
    %sign3A_6 = arith.constant 0 : i32
    %sign3A_7 = arith.cmpi slt, %select_n3A_3, %sign3A_6 : i32
    %sign3A_8 = arith.extui %sign3A_7 : i1 to i32
    %sign3A_9 = arith.subi %sign3A_5, %sign3A_8 : i32
    %sign3A_10 = arith.constant 0 : i32
    %sign3A_11 = arith.cmpi sgt, %jit3A, %sign3A_10 : i32
    %sign3A_12 = arith.extui %sign3A_11 : i1 to i32
    %sign3A_13 = arith.constant 0 : i32
    %sign3A_14 = arith.cmpi slt, %jit3A, %sign3A_13 : i32
    %sign3A_15 = arith.extui %sign3A_14 : i1 to i32
    %sign3A_16 = arith.subi %sign3A_12, %sign3A_15 : i32
    %ne3A = arith.cmpi ne, %sign3A_9, %sign3A_16 : i32
    %rem3A = arith.remsi %select_n3A_3, %jit3A : i32
    %ne3A_17 = arith.constant 0 : i32
    %ne3A_18 = arith.cmpi ne, %rem3A, %ne3A_17 : i32
    %and3A = arith.andi %ne3A, %ne3A_18 : i1
    %sub3A = arith.constant 1 : i32
    %sub3A_19 = arith.subi %div3A, %sub3A : i32
    %select_n3A_20 = arith.select %and3A, %sub3A_19, %div3A : i32
    %mul3A_21 = arith.constant 2432 : i32
    %mul3A_22 = arith.muli %arg0, %mul3A_21 : i32
    %mul3A_23 = arith.muli %arg1, %select_n3A_3 : i32
    %add3A = arith.addi %mul3A_22, %mul3A_23 : i32
    %mul3A_24 = arith.constant 128 : i32
    %mul3A_25 = arith.muli %add3A, %mul3A_24 : i32
    %and3A_26 = arith.constant 0 : i32
    %and3A_27 = arith.constant 1 : i32
    %and3A_28 = arith.andi %and3A_26, %and3A_27 : i32
    %add3A_29 = arith.constant 0 : i32
    %add3A_30 = arith.addi %mul3A_25, %add3A_29 : i32
    %multiple_of3A = tpu.assume_multiple %add3A_30, 1024 : i32
    %dma_start3A = arith.constant 0 : i32
    %dma_start3A_31 = tpu.memref_slice %arg7[%and3A_28, %dma_start3A] : memref<2x1024xi32, #tpu.memory_space<vmem>> -> memref<1x1024xi32, #tpu.memory_space<vmem>>
    %dma_start3A_32 = tpu.memref_squeeze %dma_start3A_31 : memref<1x1024xi32, #tpu.memory_space<vmem>> -> memref<1024xi32, #tpu.memory_space<vmem>>
    %dma_start3A_33 = tpu.memref_slice %arg3[%multiple_of3A] : memref<327680xi32, #tpu.memory_space<hbm>> -> memref<1024xi32, #tpu.memory_space<hbm>>
    %dma_start3A_34 = tpu.memref_slice %arg12[%and3A_28] : memref<2x!tpu.dma_semaphore, #tpu.memory_space<semaphore_mem>> -> memref<1x!tpu.dma_semaphore, #tpu.memory_space<semaphore_mem>>
    %dma_start3A_35 = tpu.memref_squeeze %dma_start3A_34 : memref<1x!tpu.dma_semaphore, #tpu.memory_space<semaphore_mem>> -> memref<!tpu.dma_semaphore, #tpu.memory_space<semaphore_mem>>
    %dma_start3A_36 = arith.constant 0 : i32
    %dma_start3A_37 = tpu.memref_slice %arg7[%and3A_28, %dma_start3A_36] : memref<2x1024xi32, #tpu.memory_space<vmem>> -> memref<1x1024xi32, #tpu.memory_space<vmem>>
    %dma_start3A_38 = tpu.memref_squeeze %dma_start3A_37 : memref<1x1024xi32, #tpu.memory_space<vmem>> -> memref<1024xi32, #tpu.memory_space<vmem>>
    %dma_start3A_39 = tpu.memref_slice %arg3[%multiple_of3A] : memref<327680xi32, #tpu.memory_space<hbm>> -> memref<1024xi32, #tpu.memory_space<hbm>>
    tpu.enqueue_dma source(%dma_start3A_39 : memref<1024xi32, #tpu.memory_space<hbm>>) target(%dma_start3A_38 : memref<1024xi32, #tpu.memory_space<vmem>>) target_semaphore(%dma_start3A_35 : memref<!tpu.dma_semaphore, #tpu.memory_space<semaphore_mem>>)
    %add3A_40 = arith.constant 0 : i32
    %add3A_41 = arith.addi %add3A, %add3A_40 : i32
    %multiple_of3A_42 = tpu.assume_multiple %add3A_41, 8 : i32
    %dma_start3A_43 = arith.constant 0 : i32
    %dma_start3A_44 = arith.constant 0 : i32
    %dma_start3A_45 = tpu.memref_slice %arg8[%and3A_28, %dma_start3A_43, %dma_start3A_44] : memref<2x8x128xi32, #tpu.memory_space<vmem>> -> memref<1x8x128xi32, #tpu.memory_space<vmem>>
    %dma_start3A_46 = tpu.memref_squeeze %dma_start3A_45 : memref<1x8x128xi32, #tpu.memory_space<vmem>> -> memref<8x128xi32, #tpu.memory_space<vmem>>
    %dma_start3A_47 = arith.constant 0 : i32
    %dma_start3A_48 = tpu.memref_slice %arg4[%multiple_of3A_42, %dma_start3A_47] : memref<2560x128xi32, #tpu.memory_space<hbm>> -> memref<8x128xi32, #tpu.memory_space<hbm>>
    %dma_start3A_49 = tpu.memref_slice %arg12[%and3A_28] : memref<2x!tpu.dma_semaphore, #tpu.memory_space<semaphore_mem>> -> memref<1x!tpu.dma_semaphore, #tpu.memory_space<semaphore_mem>>
    %dma_start3A_50 = tpu.memref_squeeze %dma_start3A_49 : memref<1x!tpu.dma_semaphore, #tpu.memory_space<semaphore_mem>> -> memref<!tpu.dma_semaphore, #tpu.memory_space<semaphore_mem>>
    %dma_start3A_51 = arith.constant 0 : i32
    %dma_start3A_52 = arith.constant 0 : i32
    %dma_start3A_53 = tpu.memref_slice %arg8[%and3A_28, %dma_start3A_51, %dma_start3A_52] : memref<2x8x128xi32, #tpu.memory_space<vmem>> -> memref<1x8x128xi32, #tpu.memory_space<vmem>>
    %dma_start3A_54 = tpu.memref_squeeze %dma_start3A_53 : memref<1x8x128xi32, #tpu.memory_space<vmem>> -> memref<8x128xi32, #tpu.memory_space<vmem>>
    %dma_start3A_55 = arith.constant 0 : i32
    %dma_start3A_56 = tpu.memref_slice %arg4[%multiple_of3A_42, %dma_start3A_55] : memref<2560x128xi32, #tpu.memory_space<hbm>> -> memref<8x128xi32, #tpu.memory_space<hbm>>
    tpu.enqueue_dma source(%dma_start3A_56 : memref<8x128xi32, #tpu.memory_space<hbm>>) target(%dma_start3A_54 : memref<8x128xi32, #tpu.memory_space<vmem>>) target_semaphore(%dma_start3A_50 : memref<!tpu.dma_semaphore, #tpu.memory_space<semaphore_mem>>)
    %gt3A = arith.constant 1 : i32
    %gt3A_57 = arith.cmpi sgt, %select_n3A_20, %gt3A : i32
    %convert_element_type3A = arith.extui %gt3A_57 : i1 to i32
    %cond3A = arith.constant 0 : i32
    %cond3A_58 = arith.cmpi ne, %convert_element_type3A, %cond3A : i32
    scf.if %cond3A_58 {
      %and3A_152 = arith.constant 1 : i32
      %and3A_153 = arith.constant 1 : i32
      %and3A_154 = arith.andi %and3A_152, %and3A_153 : i32
      %add3A_155 = arith.constant 1024 : i32
      %add3A_156 = arith.addi %mul3A_25, %add3A_155 : i32
      %multiple_of3A_157 = tpu.assume_multiple %add3A_156, 1024 : i32
      %dma_start3A_158 = arith.constant 0 : i32
      %dma_start3A_159 = tpu.memref_slice %arg7[%and3A_154, %dma_start3A_158] : memref<2x1024xi32, #tpu.memory_space<vmem>> -> memref<1x1024xi32, #tpu.memory_space<vmem>>
      %dma_start3A_160 = tpu.memref_squeeze %dma_start3A_159 : memref<1x1024xi32, #tpu.memory_space<vmem>> -> memref<1024xi32, #tpu.memory_space<vmem>>
      %dma_start3A_161 = tpu.memref_slice %arg3[%multiple_of3A_157] : memref<327680xi32, #tpu.memory_space<hbm>> -> memref<1024xi32, #tpu.memory_space<hbm>>
      %dma_start3A_162 = tpu.memref_slice %arg12[%and3A_154] : memref<2x!tpu.dma_semaphore, #tpu.memory_space<semaphore_mem>> -> memref<1x!tpu.dma_semaphore, #tpu.memory_space<semaphore_mem>>
      %dma_start3A_163 = tpu.memref_squeeze %dma_start3A_162 : memref<1x!tpu.dma_semaphore, #tpu.memory_space<semaphore_mem>> -> memref<!tpu.dma_semaphore, #tpu.memory_space<semaphore_mem>>
      %dma_start3A_164 = arith.constant 0 : i32
      %dma_start3A_165 = tpu.memref_slice %arg7[%and3A_154, %dma_start3A_164] : memref<2x1024xi32, #tpu.memory_space<vmem>> -> memref<1x1024xi32, #tpu.memory_space<vmem>>
      %dma_start3A_166 = tpu.memref_squeeze %dma_start3A_165 : memref<1x1024xi32, #tpu.memory_space<vmem>> -> memref<1024xi32, #tpu.memory_space<vmem>>
      %dma_start3A_167 = tpu.memref_slice %arg3[%multiple_of3A_157] : memref<327680xi32, #tpu.memory_space<hbm>> -> memref<1024xi32, #tpu.memory_space<hbm>>
      tpu.enqueue_dma source(%dma_start3A_167 : memref<1024xi32, #tpu.memory_space<hbm>>) target(%dma_start3A_166 : memref<1024xi32, #tpu.memory_space<vmem>>) target_semaphore(%dma_start3A_163 : memref<!tpu.dma_semaphore, #tpu.memory_space<semaphore_mem>>)
      %add3A_168 = arith.constant 8 : i32
      %add3A_169 = arith.addi %add3A, %add3A_168 : i32
      %multiple_of3A_170 = tpu.assume_multiple %add3A_169, 8 : i32
      %dma_start3A_171 = arith.constant 0 : i32
      %dma_start3A_172 = arith.constant 0 : i32
      %dma_start3A_173 = tpu.memref_slice %arg8[%and3A_154, %dma_start3A_171, %dma_start3A_172] : memref<2x8x128xi32, #tpu.memory_space<vmem>> -> memref<1x8x128xi32, #tpu.memory_space<vmem>>
      %dma_start3A_174 = tpu.memref_squeeze %dma_start3A_173 : memref<1x8x128xi32, #tpu.memory_space<vmem>> -> memref<8x128xi32, #tpu.memory_space<vmem>>
      %dma_start3A_175 = arith.constant 0 : i32
      %dma_start3A_176 = tpu.memref_slice %arg4[%multiple_of3A_170, %dma_start3A_175] : memref<2560x128xi32, #tpu.memory_space<hbm>> -> memref<8x128xi32, #tpu.memory_space<hbm>>
      %dma_start3A_177 = tpu.memref_slice %arg12[%and3A_154] : memref<2x!tpu.dma_semaphore, #tpu.memory_space<semaphore_mem>> -> memref<1x!tpu.dma_semaphore, #tpu.memory_space<semaphore_mem>>
      %dma_start3A_178 = tpu.memref_squeeze %dma_start3A_177 : memref<1x!tpu.dma_semaphore, #tpu.memory_space<semaphore_mem>> -> memref<!tpu.dma_semaphore, #tpu.memory_space<semaphore_mem>>
      %dma_start3A_179 = arith.constant 0 : i32
      %dma_start3A_180 = arith.constant 0 : i32
      %dma_start3A_181 = tpu.memref_slice %arg8[%and3A_154, %dma_start3A_179, %dma_start3A_180] : memref<2x8x128xi32, #tpu.memory_space<vmem>> -> memref<1x8x128xi32, #tpu.memory_space<vmem>>
      %dma_start3A_182 = tpu.memref_squeeze %dma_start3A_181 : memref<1x8x128xi32, #tpu.memory_space<vmem>> -> memref<8x128xi32, #tpu.memory_space<vmem>>
      %dma_start3A_183 = arith.constant 0 : i32
      %dma_start3A_184 = tpu.memref_slice %arg4[%multiple_of3A_170, %dma_start3A_183] : memref<2560x128xi32, #tpu.memory_space<hbm>> -> memref<8x128xi32, #tpu.memory_space<hbm>>
      tpu.enqueue_dma source(%dma_start3A_184 : memref<8x128xi32, #tpu.memory_space<hbm>>) target(%dma_start3A_182 : memref<8x128xi32, #tpu.memory_space<vmem>>) target_semaphore(%dma_start3A_178 : memref<!tpu.dma_semaphore, #tpu.memory_space<semaphore_mem>>)
    } else {
    }
    %and3A_59 = arith.constant 0 : i32
    %and3A_60 = arith.constant 1 : i32
    %and3A_61 = arith.andi %and3A_59, %and3A_60 : i32
    %dma_wait3A = arith.constant 0 : i32
    %dma_wait3A_62 = tpu.memref_slice %arg7[%and3A_61, %dma_wait3A] : memref<2x1024xi32, #tpu.memory_space<vmem>> -> memref<1x1024xi32, #tpu.memory_space<vmem>>
    %dma_wait3A_63 = tpu.memref_squeeze %dma_wait3A_62 : memref<1x1024xi32, #tpu.memory_space<vmem>> -> memref<1024xi32, #tpu.memory_space<vmem>>
    %dma_wait3A_64 = arith.constant 0 : i32
    %dma_wait3A_65 = tpu.memref_slice %arg3[%dma_wait3A_64] : memref<327680xi32, #tpu.memory_space<hbm>> -> memref<1024xi32, #tpu.memory_space<hbm>>
    %dma_wait3A_66 = tpu.memref_slice %arg12[%and3A_61] : memref<2x!tpu.dma_semaphore, #tpu.memory_space<semaphore_mem>> -> memref<1x!tpu.dma_semaphore, #tpu.memory_space<semaphore_mem>>
    %dma_wait3A_67 = tpu.memref_squeeze %dma_wait3A_66 : memref<1x!tpu.dma_semaphore, #tpu.memory_space<semaphore_mem>> -> memref<!tpu.dma_semaphore, #tpu.memory_space<semaphore_mem>>
    %dma_wait3A_68 = arith.constant 0 : i32
    %dma_wait3A_69 = tpu.memref_slice %arg7[%and3A_61, %dma_wait3A_68] : memref<2x1024xi32, #tpu.memory_space<vmem>> -> memref<1x1024xi32, #tpu.memory_space<vmem>>
    %dma_wait3A_70 = tpu.memref_squeeze %dma_wait3A_69 : memref<1x1024xi32, #tpu.memory_space<vmem>> -> memref<1024xi32, #tpu.memory_space<vmem>>
    %dma_wait3A_71 = arith.constant 0 : i32
    %dma_wait3A_72 = tpu.memref_slice %arg3[%dma_wait3A_71] : memref<327680xi32, #tpu.memory_space<hbm>> -> memref<1024xi32, #tpu.memory_space<hbm>>
    tpu.wait_dma2 semaphore(%dma_wait3A_67 : memref<!tpu.dma_semaphore, #tpu.memory_space<semaphore_mem>>) src(%dma_wait3A_72 : memref<1024xi32, #tpu.memory_space<hbm>>) dst(%dma_wait3A_70 : memref<1024xi32, #tpu.memory_space<vmem>>)
    %dma_wait3A_73 = arith.constant 0 : i32
    %dma_wait3A_74 = arith.constant 0 : i32
    %dma_wait3A_75 = tpu.memref_slice %arg8[%and3A_61, %dma_wait3A_73, %dma_wait3A_74] : memref<2x8x128xi32, #tpu.memory_space<vmem>> -> memref<1x8x128xi32, #tpu.memory_space<vmem>>
    %dma_wait3A_76 = tpu.memref_squeeze %dma_wait3A_75 : memref<1x8x128xi32, #tpu.memory_space<vmem>> -> memref<8x128xi32, #tpu.memory_space<vmem>>
    %dma_wait3A_77 = arith.constant 0 : i32
    %dma_wait3A_78 = arith.constant 0 : i32
    %dma_wait3A_79 = tpu.memref_slice %arg4[%dma_wait3A_77, %dma_wait3A_78] : memref<2560x128xi32, #tpu.memory_space<hbm>> -> memref<8x128xi32, #tpu.memory_space<hbm>>
    %dma_wait3A_80 = tpu.memref_slice %arg12[%and3A_61] : memref<2x!tpu.dma_semaphore, #tpu.memory_space<semaphore_mem>> -> memref<1x!tpu.dma_semaphore, #tpu.memory_space<semaphore_mem>>
    %dma_wait3A_81 = tpu.memref_squeeze %dma_wait3A_80 : memref<1x!tpu.dma_semaphore, #tpu.memory_space<semaphore_mem>> -> memref<!tpu.dma_semaphore, #tpu.memory_space<semaphore_mem>>
    %dma_wait3A_82 = arith.constant 0 : i32
    %dma_wait3A_83 = arith.constant 0 : i32
    %dma_wait3A_84 = tpu.memref_slice %arg8[%and3A_61, %dma_wait3A_82, %dma_wait3A_83] : memref<2x8x128xi32, #tpu.memory_space<vmem>> -> memref<1x8x128xi32, #tpu.memory_space<vmem>>
    %dma_wait3A_85 = tpu.memref_squeeze %dma_wait3A_84 : memref<1x8x128xi32, #tpu.memory_space<vmem>> -> memref<8x128xi32, #tpu.memory_space<vmem>>
    %dma_wait3A_86 = arith.constant 0 : i32
    %dma_wait3A_87 = arith.constant 0 : i32
    %dma_wait3A_88 = tpu.memref_slice %arg4[%dma_wait3A_86, %dma_wait3A_87] : memref<2560x128xi32, #tpu.memory_space<hbm>> -> memref<8x128xi32, #tpu.memory_space<hbm>>
    tpu.wait_dma2 semaphore(%dma_wait3A_81 : memref<!tpu.dma_semaphore, #tpu.memory_space<semaphore_mem>>) src(%dma_wait3A_88 : memref<8x128xi32, #tpu.memory_space<hbm>>) dst(%dma_wait3A_85 : memref<8x128xi32, #tpu.memory_space<vmem>>)
    %shift_right_arithmetic3A = arith.constant 0 : i32
    %shift_right_arithmetic3A_89 = arith.constant 3 : i32
    %shift_right_arithmetic3A_90 = arith.shrsi %shift_right_arithmetic3A, %shift_right_arithmetic3A_89 : i32
    %and3A_91 = arith.constant 1 : i32
    %and3A_92 = arith.andi %shift_right_arithmetic3A_90, %and3A_91 : i32
    %and3A_93 = arith.constant 0 : i32
    %and3A_94 = arith.constant 7 : i32
    %and3A_95 = arith.andi %and3A_93, %and3A_94 : i32
    %mul3A_96 = arith.constant 128 : i32
    %mul3A_97 = arith.muli %and3A_95, %mul3A_96 : i32
    %multiple_of3A_98 = tpu.assume_multiple %mul3A_97, 128 : i32
    %dma_start3A_99 = arith.constant 0 : i32
    %dma_start3A_100 = arith.constant 0 : i32
    %dma_start3A_101 = arith.constant 0 : i32
    %dma_start3A_102 = arith.constant 0 : i32
    %dma_start3A_103 = tpu.memref_slice %arg9[%dma_start3A_99, %dma_start3A_101, %dma_start3A_102] : memref<2x128x128xf32, #tpu.memory_space<vmem>> -> memref<1x128x128xf32, #tpu.memory_space<vmem>>
    %dma_start3A_104 = tpu.memref_squeeze %dma_start3A_103 : memref<1x128x128xf32, #tpu.memory_space<vmem>> -> memref<128x128xf32, #tpu.memory_space<vmem>>
    %dma_start3A_105 = tpu.memref_slice %arg7[%and3A_92, %multiple_of3A_98] : memref<2x1024xi32, #tpu.memory_space<vmem>> -> memref<1x128xi32, #tpu.memory_space<vmem>>
    %dma_start3A_106 = tpu.memref_squeeze %dma_start3A_105 : memref<1x128xi32, #tpu.memory_space<vmem>> -> memref<128xi32, #tpu.memory_space<vmem>>
    %dma_start3A_107 = arith.constant 0 : i32
    %dma_start3A_108 = arith.constant 0 : i32
    %dma_start3A_109 = tpu.memref_slice %arg2[%dma_start3A_107, %dma_start3A_108] : memref<10000x128xf32, #tpu.memory_space<hbm>> -> memref<10000x128xf32, #tpu.memory_space<hbm>>
    %dma_start3A_110 = tpu.memref_slice %arg11[%dma_start3A_100] : memref<2x!tpu.dma_semaphore, #tpu.memory_space<semaphore_mem>> -> memref<1x!tpu.dma_semaphore, #tpu.memory_space<semaphore_mem>>
    %dma_start3A_111 = tpu.memref_squeeze %dma_start3A_110 : memref<1x!tpu.dma_semaphore, #tpu.memory_space<semaphore_mem>> -> memref<!tpu.dma_semaphore, #tpu.memory_space<semaphore_mem>>
    tpu.enqueue_indirect_dma source(%dma_start3A_109 : memref<10000x128xf32, #tpu.memory_space<hbm>>) target(%dma_start3A_104 : memref<128x128xf32, #tpu.memory_space<vmem>>) offsets(%dma_start3A_106 : memref<128xi32, #tpu.memory_space<vmem>>) semaphore(%dma_start3A_111 : memref<!tpu.dma_semaphore, #tpu.memory_space<semaphore_mem>>)
    %shift_right_arithmetic3A_112 = arith.constant 1 : i32
    %shift_right_arithmetic3A_113 = arith.constant 3 : i32
    %shift_right_arithmetic3A_114 = arith.shrsi %shift_right_arithmetic3A_112, %shift_right_arithmetic3A_113 : i32
    %and3A_115 = arith.constant 1 : i32
    %and3A_116 = arith.andi %shift_right_arithmetic3A_114, %and3A_115 : i32
    %and3A_117 = arith.constant 1 : i32
    %and3A_118 = arith.constant 7 : i32
    %and3A_119 = arith.andi %and3A_117, %and3A_118 : i32
    %mul3A_120 = arith.constant 128 : i32
    %mul3A_121 = arith.muli %and3A_119, %mul3A_120 : i32
    %multiple_of3A_122 = tpu.assume_multiple %mul3A_121, 128 : i32
    %dma_start3A_123 = arith.constant 1 : i32
    %dma_start3A_124 = arith.constant 1 : i32
    %dma_start3A_125 = arith.constant 0 : i32
    %dma_start3A_126 = arith.constant 0 : i32
    %dma_start3A_127 = tpu.memref_slice %arg9[%dma_start3A_123, %dma_start3A_125, %dma_start3A_126] : memref<2x128x128xf32, #tpu.memory_space<vmem>> -> memref<1x128x128xf32, #tpu.memory_space<vmem>>
    %dma_start3A_128 = tpu.memref_squeeze %dma_start3A_127 : memref<1x128x128xf32, #tpu.memory_space<vmem>> -> memref<128x128xf32, #tpu.memory_space<vmem>>
    %dma_start3A_129 = tpu.memref_slice %arg7[%and3A_116, %multiple_of3A_122] : memref<2x1024xi32, #tpu.memory_space<vmem>> -> memref<1x128xi32, #tpu.memory_space<vmem>>
    %dma_start3A_130 = tpu.memref_squeeze %dma_start3A_129 : memref<1x128xi32, #tpu.memory_space<vmem>> -> memref<128xi32, #tpu.memory_space<vmem>>
    %dma_start3A_131 = arith.constant 0 : i32
    %dma_start3A_132 = arith.constant 0 : i32
    %dma_start3A_133 = tpu.memref_slice %arg2[%dma_start3A_131, %dma_start3A_132] : memref<10000x128xf32, #tpu.memory_space<hbm>> -> memref<10000x128xf32, #tpu.memory_space<hbm>>
    %dma_start3A_134 = tpu.memref_slice %arg11[%dma_start3A_124] : memref<2x!tpu.dma_semaphore, #tpu.memory_space<semaphore_mem>> -> memref<1x!tpu.dma_semaphore, #tpu.memory_space<semaphore_mem>>
    %dma_start3A_135 = tpu.memref_squeeze %dma_start3A_134 : memref<1x!tpu.dma_semaphore, #tpu.memory_space<semaphore_mem>> -> memref<!tpu.dma_semaphore, #tpu.memory_space<semaphore_mem>>
    tpu.enqueue_indirect_dma source(%dma_start3A_133 : memref<10000x128xf32, #tpu.memory_space<hbm>>) target(%dma_start3A_128 : memref<128x128xf32, #tpu.memory_space<vmem>>) offsets(%dma_start3A_130 : memref<128xi32, #tpu.memory_space<vmem>>) semaphore(%dma_start3A_135 : memref<!tpu.dma_semaphore, #tpu.memory_space<semaphore_mem>>)
    %barrier3A = arith.constant 0 : index
    tpu.barrier barrier_id(%barrier3A)
    %while3A = arith.constant 0 : i32
    %while3A_136 = arith.subi %select_n3A_20, %while3A : i32
    %while3A_137 = arith.addi %while3A, %while3A_136 : i32
    %while3A_138 = arith.constant 1 : i32
    %while3A_139 = arith.divsi %while3A_136, %while3A_138 : i32
    %while3A_140 = arith.muli %while3A_139, %while3A_138 : i32
    %while3A_141 = arith.addi %while3A, %while3A_140 : i32
    %while3A_142 = arith.constant 1 : i32
    scf.for %while3A_152 = %while3A to %while3A_141 step %while3A_142  : i32 {
      %add3A_153 = arith.constant 1 : i32
      %add3A_154 = arith.addi %while3A_152, %add3A_153 : i32
      %lt3A = arith.cmpi slt, %add3A_154, %select_n3A_20 : i32
      %convert_element_type3A_155 = arith.extui %lt3A : i1 to i32
      %cond3A_156 = arith.constant 0 : i32
      %cond3A_157 = arith.cmpi ne, %convert_element_type3A_155, %cond3A_156 : i32
      scf.if %cond3A_157 {
        %add3A_168 = arith.constant 1 : i32
        %add3A_169 = arith.addi %while3A_152, %add3A_168 : i32
        %and3A_170 = arith.constant 1 : i32
        %and3A_171 = arith.andi %add3A_169, %and3A_170 : i32
        %dma_wait3A_172 = arith.constant 0 : i32
        %dma_wait3A_173 = tpu.memref_slice %arg7[%and3A_171, %dma_wait3A_172] : memref<2x1024xi32, #tpu.memory_space<vmem>> -> memref<1x1024xi32, #tpu.memory_space<vmem>>
        %dma_wait3A_174 = tpu.memref_squeeze %dma_wait3A_173 : memref<1x1024xi32, #tpu.memory_space<vmem>> -> memref<1024xi32, #tpu.memory_space<vmem>>
        %dma_wait3A_175 = arith.constant 0 : i32
        %dma_wait3A_176 = tpu.memref_slice %arg3[%dma_wait3A_175] : memref<327680xi32, #tpu.memory_space<hbm>> -> memref<1024xi32, #tpu.memory_space<hbm>>
        %dma_wait3A_177 = tpu.memref_slice %arg12[%and3A_171] : memref<2x!tpu.dma_semaphore, #tpu.memory_space<semaphore_mem>> -> memref<1x!tpu.dma_semaphore, #tpu.memory_space<semaphore_mem>>
        %dma_wait3A_178 = tpu.memref_squeeze %dma_wait3A_177 : memref<1x!tpu.dma_semaphore, #tpu.memory_space<semaphore_mem>> -> memref<!tpu.dma_semaphore, #tpu.memory_space<semaphore_mem>>
        %dma_wait3A_179 = arith.constant 0 : i32
        %dma_wait3A_180 = tpu.memref_slice %arg7[%and3A_171, %dma_wait3A_179] : memref<2x1024xi32, #tpu.memory_space<vmem>> -> memref<1x1024xi32, #tpu.memory_space<vmem>>
        %dma_wait3A_181 = tpu.memref_squeeze %dma_wait3A_180 : memref<1x1024xi32, #tpu.memory_space<vmem>> -> memref<1024xi32, #tpu.memory_space<vmem>>
        %dma_wait3A_182 = arith.constant 0 : i32
        %dma_wait3A_183 = tpu.memref_slice %arg3[%dma_wait3A_182] : memref<327680xi32, #tpu.memory_space<hbm>> -> memref<1024xi32, #tpu.memory_space<hbm>>
        tpu.wait_dma2 semaphore(%dma_wait3A_178 : memref<!tpu.dma_semaphore, #tpu.memory_space<semaphore_mem>>) src(%dma_wait3A_183 : memref<1024xi32, #tpu.memory_space<hbm>>) dst(%dma_wait3A_181 : memref<1024xi32, #tpu.memory_space<vmem>>)
        %dma_wait3A_184 = arith.constant 0 : i32
        %dma_wait3A_185 = arith.constant 0 : i32
        %dma_wait3A_186 = tpu.memref_slice %arg8[%and3A_171, %dma_wait3A_184, %dma_wait3A_185] : memref<2x8x128xi32, #tpu.memory_space<vmem>> -> memref<1x8x128xi32, #tpu.memory_space<vmem>>
        %dma_wait3A_187 = tpu.memref_squeeze %dma_wait3A_186 : memref<1x8x128xi32, #tpu.memory_space<vmem>> -> memref<8x128xi32, #tpu.memory_space<vmem>>
        %dma_wait3A_188 = arith.constant 0 : i32
        %dma_wait3A_189 = arith.constant 0 : i32
        %dma_wait3A_190 = tpu.memref_slice %arg4[%dma_wait3A_188, %dma_wait3A_189] : memref<2560x128xi32, #tpu.memory_space<hbm>> -> memref<8x128xi32, #tpu.memory_space<hbm>>
        %dma_wait3A_191 = tpu.memref_slice %arg12[%and3A_171] : memref<2x!tpu.dma_semaphore, #tpu.memory_space<semaphore_mem>> -> memref<1x!tpu.dma_semaphore, #tpu.memory_space<semaphore_mem>>
        %dma_wait3A_192 = tpu.memref_squeeze %dma_wait3A_191 : memref<1x!tpu.dma_semaphore, #tpu.memory_space<semaphore_mem>> -> memref<!tpu.dma_semaphore, #tpu.memory_space<semaphore_mem>>
        %dma_wait3A_193 = arith.constant 0 : i32
        %dma_wait3A_194 = arith.constant 0 : i32
        %dma_wait3A_195 = tpu.memref_slice %arg8[%and3A_171, %dma_wait3A_193, %dma_wait3A_194] : memref<2x8x128xi32, #tpu.memory_space<vmem>> -> memref<1x8x128xi32, #tpu.memory_space<vmem>>
        %dma_wait3A_196 = tpu.memref_squeeze %dma_wait3A_195 : memref<1x8x128xi32, #tpu.memory_space<vmem>> -> memref<8x128xi32, #tpu.memory_space<vmem>>
        %dma_wait3A_197 = arith.constant 0 : i32
        %dma_wait3A_198 = arith.constant 0 : i32
        %dma_wait3A_199 = tpu.memref_slice %arg4[%dma_wait3A_197, %dma_wait3A_198] : memref<2560x128xi32, #tpu.memory_space<hbm>> -> memref<8x128xi32, #tpu.memory_space<hbm>>
        tpu.wait_dma2 semaphore(%dma_wait3A_192 : memref<!tpu.dma_semaphore, #tpu.memory_space<semaphore_mem>>) src(%dma_wait3A_199 : memref<8x128xi32, #tpu.memory_space<hbm>>) dst(%dma_wait3A_196 : memref<8x128xi32, #tpu.memory_space<vmem>>)
      } else {
      }
      %scan3A = arith.constant 0 : i32
      %scan3A_158 = arith.constant 8 : i32
      %scan3A_159 = arith.addi %scan3A, %scan3A_158 : i32
      %scan3A_160 = arith.constant 1 : i32
      scf.for %scan3A_168 = %scan3A to %scan3A_159 step %scan3A_160  : i32 {
        %mul3A_169 = arith.constant 8 : i32
        %mul3A_170 = arith.muli %while3A_152, %mul3A_169 : i32
        %add3A_171 = arith.addi %mul3A_170, %scan3A_168 : i32
        %and3A_172 = arith.constant 1 : i32
        %and3A_173 = arith.andi %add3A_171, %and3A_172 : i32
        %dma_wait3A_174 = arith.constant 0 : i32
        %dma_wait3A_175 = arith.constant 0 : i32
        %dma_wait3A_176 = arith.constant 0 : i32
        %dma_wait3A_177 = tpu.memref_slice %arg9[%and3A_173, %dma_wait3A_175, %dma_wait3A_176] : memref<2x128x128xf32, #tpu.memory_space<vmem>> -> memref<1x128x128xf32, #tpu.memory_space<vmem>>
        %dma_wait3A_178 = tpu.memref_squeeze %dma_wait3A_177 : memref<1x128x128xf32, #tpu.memory_space<vmem>> -> memref<128x128xf32, #tpu.memory_space<vmem>>
        %dma_wait3A_179 = arith.constant 0 : i32
        %dma_wait3A_180 = tpu.memref_slice %arg7[%dma_wait3A_174, %dma_wait3A_179] : memref<2x1024xi32, #tpu.memory_space<vmem>> -> memref<1x128xi32, #tpu.memory_space<vmem>>
        %dma_wait3A_181 = tpu.memref_squeeze %dma_wait3A_180 : memref<1x128xi32, #tpu.memory_space<vmem>> -> memref<128xi32, #tpu.memory_space<vmem>>
        %dma_wait3A_182 = arith.constant 0 : i32
        %dma_wait3A_183 = arith.constant 0 : i32
        %dma_wait3A_184 = tpu.memref_slice %arg2[%dma_wait3A_182, %dma_wait3A_183] : memref<10000x128xf32, #tpu.memory_space<hbm>> -> memref<10000x128xf32, #tpu.memory_space<hbm>>
        %dma_wait3A_185 = tpu.memref_slice %arg11[%and3A_173] : memref<2x!tpu.dma_semaphore, #tpu.memory_space<semaphore_mem>> -> memref<1x!tpu.dma_semaphore, #tpu.memory_space<semaphore_mem>>
        %dma_wait3A_186 = tpu.memref_squeeze %dma_wait3A_185 : memref<1x!tpu.dma_semaphore, #tpu.memory_space<semaphore_mem>> -> memref<!tpu.dma_semaphore, #tpu.memory_space<semaphore_mem>>
        tpu.wait_indirect_dma semaphore(%dma_wait3A_186 : memref<!tpu.dma_semaphore, #tpu.memory_space<semaphore_mem>>) src(%dma_wait3A_184 : memref<10000x128xf32, #tpu.memory_space<hbm>>) dst(%dma_wait3A_178 : memref<128x128xf32, #tpu.memory_space<vmem>>)
        %and3A_187 = arith.constant 1 : i32
        %and3A_188 = arith.andi %while3A_152, %and3A_187 : i32
        "tpu.region"() ({
          %run_scoped3A = tpu.sem_alloc : memref<!tpu.dma_semaphore, #tpu.memory_space<semaphore_mem>>
          %dma_start3A_195 = arith.constant 0 : i32
          %dma_start3A_196 = arith.constant 0 : i32
          %dma_start3A_197 = tpu.memref_slice %arg9[%and3A_173, %dma_start3A_195, %dma_start3A_196] : memref<2x128x128xf32, #tpu.memory_space<vmem>> -> memref<1x128x128xf32, #tpu.memory_space<vmem>>
          %dma_start3A_198 = tpu.memref_squeeze %dma_start3A_197 : memref<1x128x128xf32, #tpu.memory_space<vmem>> -> memref<128x128xf32, #tpu.memory_space<vmem>>
          %dma_start3A_199 = arith.constant 0 : i32
          %dma_start3A_200 = tpu.memref_slice %arg8[%and3A_188, %scan3A_168, %dma_start3A_199] : memref<2x8x128xi32, #tpu.memory_space<vmem>> -> memref<1x1x128xi32, #tpu.memory_space<vmem>>
          %dma_start3A_201 = tpu.memref_squeeze %dma_start3A_200 : memref<1x1x128xi32, #tpu.memory_space<vmem>> -> memref<128xi32, #tpu.memory_space<vmem>>
          %dma_start3A_202 = arith.constant 0 : i32
          %dma_start3A_203 = arith.constant 0 : i32
          %dma_start3A_204 = tpu.memref_slice %arg10[%dma_start3A_202, %dma_start3A_203] : memref<10112x128xf32, #tpu.memory_space<vmem_shared>> -> memref<10112x128xf32, #tpu.memory_space<vmem_shared>>
          tpu.enqueue_indirect_dma source(%dma_start3A_198 : memref<128x128xf32, #tpu.memory_space<vmem>>) target(%dma_start3A_204 : memref<10112x128xf32, #tpu.memory_space<vmem_shared>>) offsets(%dma_start3A_201 : memref<128xi32, #tpu.memory_space<vmem>>) semaphore(%run_scoped3A : memref<!tpu.dma_semaphore, #tpu.memory_space<semaphore_mem>>) {add = true}
          %dma_wait3A_205 = arith.constant 0 : i32
          %dma_wait3A_206 = arith.constant 0 : i32
          %dma_wait3A_207 = tpu.memref_slice %arg9[%and3A_173, %dma_wait3A_205, %dma_wait3A_206] : memref<2x128x128xf32, #tpu.memory_space<vmem>> -> memref<1x128x128xf32, #tpu.memory_space<vmem>>
          %dma_wait3A_208 = tpu.memref_squeeze %dma_wait3A_207 : memref<1x128x128xf32, #tpu.memory_space<vmem>> -> memref<128x128xf32, #tpu.memory_space<vmem>>
          %dma_wait3A_209 = arith.constant 0 : i32
          %dma_wait3A_210 = tpu.memref_slice %arg8[%and3A_188, %scan3A_168, %dma_wait3A_209] : memref<2x8x128xi32, #tpu.memory_space<vmem>> -> memref<1x1x128xi32, #tpu.memory_space<vmem>>
          %dma_wait3A_211 = tpu.memref_squeeze %dma_wait3A_210 : memref<1x1x128xi32, #tpu.memory_space<vmem>> -> memref<128xi32, #tpu.memory_space<vmem>>
          %dma_wait3A_212 = arith.constant 0 : i32
          %dma_wait3A_213 = arith.constant 0 : i32
          %dma_wait3A_214 = tpu.memref_slice %arg10[%dma_wait3A_212, %dma_wait3A_213] : memref<10112x128xf32, #tpu.memory_space<vmem_shared>> -> memref<10112x128xf32, #tpu.memory_space<vmem_shared>>
          tpu.wait_indirect_dma semaphore(%run_scoped3A : memref<!tpu.dma_semaphore, #tpu.memory_space<semaphore_mem>>) src(%dma_wait3A_208 : memref<128x128xf32, #tpu.memory_space<vmem>>) dst(%dma_wait3A_214 : memref<10112x128xf32, #tpu.memory_space<vmem_shared>>)
          tpu.yield
        }) : () -> ()
        %add3A_189 = arith.constant 2 : i32
        %add3A_190 = arith.addi %add3A_171, %add3A_189 : i32
        %lt3A_191 = arith.cmpi slt, %add3A_190, %select_n3A_3 : i32
        %convert_element_type3A_192 = arith.extui %lt3A_191 : i1 to i32
        %cond3A_193 = arith.constant 0 : i32
        %cond3A_194 = arith.cmpi ne, %convert_element_type3A_192, %cond3A_193 : i32
        scf.if %cond3A_194 {
          %add3A_195 = arith.constant 2 : i32
          %add3A_196 = arith.addi %add3A_171, %add3A_195 : i32
          %shift_right_arithmetic3A_197 = arith.constant 3 : i32
          %shift_right_arithmetic3A_198 = arith.shrsi %add3A_196, %shift_right_arithmetic3A_197 : i32
          %and3A_199 = arith.constant 1 : i32
          %and3A_200 = arith.andi %shift_right_arithmetic3A_198, %and3A_199 : i32
          %and3A_201 = arith.constant 7 : i32
          %and3A_202 = arith.andi %add3A_196, %and3A_201 : i32
          %mul3A_203 = arith.constant 128 : i32
          %mul3A_204 = arith.muli %and3A_202, %mul3A_203 : i32
          %multiple_of3A_205 = tpu.assume_multiple %mul3A_204, 128 : i32
          %dma_start3A_206 = arith.constant 0 : i32
          %dma_start3A_207 = arith.constant 0 : i32
          %dma_start3A_208 = tpu.memref_slice %arg9[%and3A_173, %dma_start3A_206, %dma_start3A_207] : memref<2x128x128xf32, #tpu.memory_space<vmem>> -> memref<1x128x128xf32, #tpu.memory_space<vmem>>
          %dma_start3A_209 = tpu.memref_squeeze %dma_start3A_208 : memref<1x128x128xf32, #tpu.memory_space<vmem>> -> memref<128x128xf32, #tpu.memory_space<vmem>>
          %dma_start3A_210 = tpu.memref_slice %arg7[%and3A_200, %multiple_of3A_205] : memref<2x1024xi32, #tpu.memory_space<vmem>> -> memref<1x128xi32, #tpu.memory_space<vmem>>
          %dma_start3A_211 = tpu.memref_squeeze %dma_start3A_210 : memref<1x128xi32, #tpu.memory_space<vmem>> -> memref<128xi32, #tpu.memory_space<vmem>>
          %dma_start3A_212 = arith.constant 0 : i32
          %dma_start3A_213 = arith.constant 0 : i32
          %dma_start3A_214 = tpu.memref_slice %arg2[%dma_start3A_212, %dma_start3A_213] : memref<10000x128xf32, #tpu.memory_space<hbm>> -> memref<10000x128xf32, #tpu.memory_space<hbm>>
          %dma_start3A_215 = tpu.memref_slice %arg11[%and3A_173] : memref<2x!tpu.dma_semaphore, #tpu.memory_space<semaphore_mem>> -> memref<1x!tpu.dma_semaphore, #tpu.memory_space<semaphore_mem>>
          %dma_start3A_216 = tpu.memref_squeeze %dma_start3A_215 : memref<1x!tpu.dma_semaphore, #tpu.memory_space<semaphore_mem>> -> memref<!tpu.dma_semaphore, #tpu.memory_space<semaphore_mem>>
          tpu.enqueue_indirect_dma source(%dma_start3A_214 : memref<10000x128xf32, #tpu.memory_space<hbm>>) target(%dma_start3A_209 : memref<128x128xf32, #tpu.memory_space<vmem>>) offsets(%dma_start3A_211 : memref<128xi32, #tpu.memory_space<vmem>>) semaphore(%dma_start3A_216 : memref<!tpu.dma_semaphore, #tpu.memory_space<semaphore_mem>>)
        } else {
        }
      }
      %scan3A_161 = arith.constant 8 : i32
      %add3A_162 = arith.constant 2 : i32
      %add3A_163 = arith.addi %while3A_152, %add3A_162 : i32
      %lt3A_164 = arith.cmpi slt, %add3A_163, %select_n3A_20 : i32
      %convert_element_type3A_165 = arith.extui %lt3A_164 : i1 to i32
      %cond3A_166 = arith.constant 0 : i32
      %cond3A_167 = arith.cmpi ne, %convert_element_type3A_165, %cond3A_166 : i32
      scf.if %cond3A_167 {
        %add3A_168 = arith.constant 2 : i32
        %add3A_169 = arith.addi %while3A_152, %add3A_168 : i32
        %and3A_170 = arith.constant 1 : i32
        %and3A_171 = arith.andi %add3A_169, %and3A_170 : i32
        %mul3A_172 = arith.constant 1024 : i32
        %mul3A_173 = arith.muli %add3A_169, %mul3A_172 : i32
        %add3A_174 = arith.addi %mul3A_25, %mul3A_173 : i32
        %multiple_of3A_175 = tpu.assume_multiple %add3A_174, 1024 : i32
        %dma_start3A_176 = arith.constant 0 : i32
        %dma_start3A_177 = tpu.memref_slice %arg7[%and3A_171, %dma_start3A_176] : memref<2x1024xi32, #tpu.memory_space<vmem>> -> memref<1x1024xi32, #tpu.memory_space<vmem>>
        %dma_start3A_178 = tpu.memref_squeeze %dma_start3A_177 : memref<1x1024xi32, #tpu.memory_space<vmem>> -> memref<1024xi32, #tpu.memory_space<vmem>>
        %dma_start3A_179 = tpu.memref_slice %arg3[%multiple_of3A_175] : memref<327680xi32, #tpu.memory_space<hbm>> -> memref<1024xi32, #tpu.memory_space<hbm>>
        %dma_start3A_180 = tpu.memref_slice %arg12[%and3A_171] : memref<2x!tpu.dma_semaphore, #tpu.memory_space<semaphore_mem>> -> memref<1x!tpu.dma_semaphore, #tpu.memory_space<semaphore_mem>>
        %dma_start3A_181 = tpu.memref_squeeze %dma_start3A_180 : memref<1x!tpu.dma_semaphore, #tpu.memory_space<semaphore_mem>> -> memref<!tpu.dma_semaphore, #tpu.memory_space<semaphore_mem>>
        %dma_start3A_182 = arith.constant 0 : i32
        %dma_start3A_183 = tpu.memref_slice %arg7[%and3A_171, %dma_start3A_182] : memref<2x1024xi32, #tpu.memory_space<vmem>> -> memref<1x1024xi32, #tpu.memory_space<vmem>>
        %dma_start3A_184 = tpu.memref_squeeze %dma_start3A_183 : memref<1x1024xi32, #tpu.memory_space<vmem>> -> memref<1024xi32, #tpu.memory_space<vmem>>
        %dma_start3A_185 = tpu.memref_slice %arg3[%multiple_of3A_175] : memref<327680xi32, #tpu.memory_space<hbm>> -> memref<1024xi32, #tpu.memory_space<hbm>>
        tpu.enqueue_dma source(%dma_start3A_185 : memref<1024xi32, #tpu.memory_space<hbm>>) target(%dma_start3A_184 : memref<1024xi32, #tpu.memory_space<vmem>>) target_semaphore(%dma_start3A_181 : memref<!tpu.dma_semaphore, #tpu.memory_space<semaphore_mem>>)
        %mul3A_186 = arith.constant 8 : i32
        %mul3A_187 = arith.muli %add3A_169, %mul3A_186 : i32
        %add3A_188 = arith.addi %add3A, %mul3A_187 : i32
        %multiple_of3A_189 = tpu.assume_multiple %add3A_188, 8 : i32
        %dma_start3A_190 = arith.constant 0 : i32
        %dma_start3A_191 = arith.constant 0 : i32
        %dma_start3A_192 = tpu.memref_slice %arg8[%and3A_171, %dma_start3A_190, %dma_start3A_191] : memref<2x8x128xi32, #tpu.memory_space<vmem>> -> memref<1x8x128xi32, #tpu.memory_space<vmem>>
        %dma_start3A_193 = tpu.memref_squeeze %dma_start3A_192 : memref<1x8x128xi32, #tpu.memory_space<vmem>> -> memref<8x128xi32, #tpu.memory_space<vmem>>
        %dma_start3A_194 = arith.constant 0 : i32
        %dma_start3A_195 = tpu.memref_slice %arg4[%multiple_of3A_189, %dma_start3A_194] : memref<2560x128xi32, #tpu.memory_space<hbm>> -> memref<8x128xi32, #tpu.memory_space<hbm>>
        %dma_start3A_196 = tpu.memref_slice %arg12[%and3A_171] : memref<2x!tpu.dma_semaphore, #tpu.memory_space<semaphore_mem>> -> memref<1x!tpu.dma_semaphore, #tpu.memory_space<semaphore_mem>>
        %dma_start3A_197 = tpu.memref_squeeze %dma_start3A_196 : memref<1x!tpu.dma_semaphore, #tpu.memory_space<semaphore_mem>> -> memref<!tpu.dma_semaphore, #tpu.memory_space<semaphore_mem>>
        %dma_start3A_198 = arith.constant 0 : i32
        %dma_start3A_199 = arith.constant 0 : i32
        %dma_start3A_200 = tpu.memref_slice %arg8[%and3A_171, %dma_start3A_198, %dma_start3A_199] : memref<2x8x128xi32, #tpu.memory_space<vmem>> -> memref<1x8x128xi32, #tpu.memory_space<vmem>>
        %dma_start3A_201 = tpu.memref_squeeze %dma_start3A_200 : memref<1x8x128xi32, #tpu.memory_space<vmem>> -> memref<8x128xi32, #tpu.memory_space<vmem>>
        %dma_start3A_202 = arith.constant 0 : i32
        %dma_start3A_203 = tpu.memref_slice %arg4[%multiple_of3A_189, %dma_start3A_202] : memref<2560x128xi32, #tpu.memory_space<hbm>> -> memref<8x128xi32, #tpu.memory_space<hbm>>
        tpu.enqueue_dma source(%dma_start3A_203 : memref<8x128xi32, #tpu.memory_space<hbm>>) target(%dma_start3A_201 : memref<8x128xi32, #tpu.memory_space<vmem>>) target_semaphore(%dma_start3A_197 : memref<!tpu.dma_semaphore, #tpu.memory_space<semaphore_mem>>)
      } else {
      }
    }
    %while3A_143 = arith.constant 1 : i32
    scf.for %while3A_152 = %while3A_141 to %while3A_137 step %while3A_143  : i32 {
      %add3A_153 = arith.constant 1 : i32
      %add3A_154 = arith.addi %while3A_152, %add3A_153 : i32
      %lt3A = arith.cmpi slt, %add3A_154, %select_n3A_20 : i32
      %convert_element_type3A_155 = arith.extui %lt3A : i1 to i32
      %cond3A_156 = arith.constant 0 : i32
      %cond3A_157 = arith.cmpi ne, %convert_element_type3A_155, %cond3A_156 : i32
      scf.if %cond3A_157 {
        %add3A_168 = arith.constant 1 : i32
        %add3A_169 = arith.addi %while3A_152, %add3A_168 : i32
        %and3A_170 = arith.constant 1 : i32
        %and3A_171 = arith.andi %add3A_169, %and3A_170 : i32
        %dma_wait3A_172 = arith.constant 0 : i32
        %dma_wait3A_173 = tpu.memref_slice %arg7[%and3A_171, %dma_wait3A_172] : memref<2x1024xi32, #tpu.memory_space<vmem>> -> memref<1x1024xi32, #tpu.memory_space<vmem>>
        %dma_wait3A_174 = tpu.memref_squeeze %dma_wait3A_173 : memref<1x1024xi32, #tpu.memory_space<vmem>> -> memref<1024xi32, #tpu.memory_space<vmem>>
        %dma_wait3A_175 = arith.constant 0 : i32
        %dma_wait3A_176 = tpu.memref_slice %arg3[%dma_wait3A_175] : memref<327680xi32, #tpu.memory_space<hbm>> -> memref<1024xi32, #tpu.memory_space<hbm>>
        %dma_wait3A_177 = tpu.memref_slice %arg12[%and3A_171] : memref<2x!tpu.dma_semaphore, #tpu.memory_space<semaphore_mem>> -> memref<1x!tpu.dma_semaphore, #tpu.memory_space<semaphore_mem>>
        %dma_wait3A_178 = tpu.memref_squeeze %dma_wait3A_177 : memref<1x!tpu.dma_semaphore, #tpu.memory_space<semaphore_mem>> -> memref<!tpu.dma_semaphore, #tpu.memory_space<semaphore_mem>>
        %dma_wait3A_179 = arith.constant 0 : i32
        %dma_wait3A_180 = tpu.memref_slice %arg7[%and3A_171, %dma_wait3A_179] : memref<2x1024xi32, #tpu.memory_space<vmem>> -> memref<1x1024xi32, #tpu.memory_space<vmem>>
        %dma_wait3A_181 = tpu.memref_squeeze %dma_wait3A_180 : memref<1x1024xi32, #tpu.memory_space<vmem>> -> memref<1024xi32, #tpu.memory_space<vmem>>
        %dma_wait3A_182 = arith.constant 0 : i32
        %dma_wait3A_183 = tpu.memref_slice %arg3[%dma_wait3A_182] : memref<327680xi32, #tpu.memory_space<hbm>> -> memref<1024xi32, #tpu.memory_space<hbm>>
        tpu.wait_dma2 semaphore(%dma_wait3A_178 : memref<!tpu.dma_semaphore, #tpu.memory_space<semaphore_mem>>) src(%dma_wait3A_183 : memref<1024xi32, #tpu.memory_space<hbm>>) dst(%dma_wait3A_181 : memref<1024xi32, #tpu.memory_space<vmem>>)
        %dma_wait3A_184 = arith.constant 0 : i32
        %dma_wait3A_185 = arith.constant 0 : i32
        %dma_wait3A_186 = tpu.memref_slice %arg8[%and3A_171, %dma_wait3A_184, %dma_wait3A_185] : memref<2x8x128xi32, #tpu.memory_space<vmem>> -> memref<1x8x128xi32, #tpu.memory_space<vmem>>
        %dma_wait3A_187 = tpu.memref_squeeze %dma_wait3A_186 : memref<1x8x128xi32, #tpu.memory_space<vmem>> -> memref<8x128xi32, #tpu.memory_space<vmem>>
        %dma_wait3A_188 = arith.constant 0 : i32
        %dma_wait3A_189 = arith.constant 0 : i32
        %dma_wait3A_190 = tpu.memref_slice %arg4[%dma_wait3A_188, %dma_wait3A_189] : memref<2560x128xi32, #tpu.memory_space<hbm>> -> memref<8x128xi32, #tpu.memory_space<hbm>>
        %dma_wait3A_191 = tpu.memref_slice %arg12[%and3A_171] : memref<2x!tpu.dma_semaphore, #tpu.memory_space<semaphore_mem>> -> memref<1x!tpu.dma_semaphore, #tpu.memory_space<semaphore_mem>>
        %dma_wait3A_192 = tpu.memref_squeeze %dma_wait3A_191 : memref<1x!tpu.dma_semaphore, #tpu.memory_space<semaphore_mem>> -> memref<!tpu.dma_semaphore, #tpu.memory_space<semaphore_mem>>
        %dma_wait3A_193 = arith.constant 0 : i32
        %dma_wait3A_194 = arith.constant 0 : i32
        %dma_wait3A_195 = tpu.memref_slice %arg8[%and3A_171, %dma_wait3A_193, %dma_wait3A_194] : memref<2x8x128xi32, #tpu.memory_space<vmem>> -> memref<1x8x128xi32, #tpu.memory_space<vmem>>
        %dma_wait3A_196 = tpu.memref_squeeze %dma_wait3A_195 : memref<1x8x128xi32, #tpu.memory_space<vmem>> -> memref<8x128xi32, #tpu.memory_space<vmem>>
        %dma_wait3A_197 = arith.constant 0 : i32
        %dma_wait3A_198 = arith.constant 0 : i32
        %dma_wait3A_199 = tpu.memref_slice %arg4[%dma_wait3A_197, %dma_wait3A_198] : memref<2560x128xi32, #tpu.memory_space<hbm>> -> memref<8x128xi32, #tpu.memory_space<hbm>>
        tpu.wait_dma2 semaphore(%dma_wait3A_192 : memref<!tpu.dma_semaphore, #tpu.memory_space<semaphore_mem>>) src(%dma_wait3A_199 : memref<8x128xi32, #tpu.memory_space<hbm>>) dst(%dma_wait3A_196 : memref<8x128xi32, #tpu.memory_space<vmem>>)
      } else {
      }
      %scan3A = arith.constant 0 : i32
      %scan3A_158 = arith.constant 8 : i32
      %scan3A_159 = arith.addi %scan3A, %scan3A_158 : i32
      %scan3A_160 = arith.constant 1 : i32
      scf.for %scan3A_168 = %scan3A to %scan3A_159 step %scan3A_160  : i32 {
        %mul3A_169 = arith.constant 8 : i32
        %mul3A_170 = arith.muli %while3A_152, %mul3A_169 : i32
        %add3A_171 = arith.addi %mul3A_170, %scan3A_168 : i32
        %and3A_172 = arith.constant 1 : i32
        %and3A_173 = arith.andi %add3A_171, %and3A_172 : i32
        %dma_wait3A_174 = arith.constant 0 : i32
        %dma_wait3A_175 = arith.constant 0 : i32
        %dma_wait3A_176 = arith.constant 0 : i32
        %dma_wait3A_177 = tpu.memref_slice %arg9[%and3A_173, %dma_wait3A_175, %dma_wait3A_176] : memref<2x128x128xf32, #tpu.memory_space<vmem>> -> memref<1x128x128xf32, #tpu.memory_space<vmem>>
        %dma_wait3A_178 = tpu.memref_squeeze %dma_wait3A_177 : memref<1x128x128xf32, #tpu.memory_space<vmem>> -> memref<128x128xf32, #tpu.memory_space<vmem>>
        %dma_wait3A_179 = arith.constant 0 : i32
        %dma_wait3A_180 = tpu.memref_slice %arg7[%dma_wait3A_174, %dma_wait3A_179] : memref<2x1024xi32, #tpu.memory_space<vmem>> -> memref<1x128xi32, #tpu.memory_space<vmem>>
        %dma_wait3A_181 = tpu.memref_squeeze %dma_wait3A_180 : memref<1x128xi32, #tpu.memory_space<vmem>> -> memref<128xi32, #tpu.memory_space<vmem>>
        %dma_wait3A_182 = arith.constant 0 : i32
        %dma_wait3A_183 = arith.constant 0 : i32
        %dma_wait3A_184 = tpu.memref_slice %arg2[%dma_wait3A_182, %dma_wait3A_183] : memref<10000x128xf32, #tpu.memory_space<hbm>> -> memref<10000x128xf32, #tpu.memory_space<hbm>>
        %dma_wait3A_185 = tpu.memref_slice %arg11[%and3A_173] : memref<2x!tpu.dma_semaphore, #tpu.memory_space<semaphore_mem>> -> memref<1x!tpu.dma_semaphore, #tpu.memory_space<semaphore_mem>>
        %dma_wait3A_186 = tpu.memref_squeeze %dma_wait3A_185 : memref<1x!tpu.dma_semaphore, #tpu.memory_space<semaphore_mem>> -> memref<!tpu.dma_semaphore, #tpu.memory_space<semaphore_mem>>
        tpu.wait_indirect_dma semaphore(%dma_wait3A_186 : memref<!tpu.dma_semaphore, #tpu.memory_space<semaphore_mem>>) src(%dma_wait3A_184 : memref<10000x128xf32, #tpu.memory_space<hbm>>) dst(%dma_wait3A_178 : memref<128x128xf32, #tpu.memory_space<vmem>>)
        %and3A_187 = arith.constant 1 : i32
        %and3A_188 = arith.andi %while3A_152, %and3A_187 : i32
        "tpu.region"() ({
          %run_scoped3A = tpu.sem_alloc : memref<!tpu.dma_semaphore, #tpu.memory_space<semaphore_mem>>
          %dma_start3A_195 = arith.constant 0 : i32
          %dma_start3A_196 = arith.constant 0 : i32
          %dma_start3A_197 = tpu.memref_slice %arg9[%and3A_173, %dma_start3A_195, %dma_start3A_196] : memref<2x128x128xf32, #tpu.memory_space<vmem>> -> memref<1x128x128xf32, #tpu.memory_space<vmem>>
          %dma_start3A_198 = tpu.memref_squeeze %dma_start3A_197 : memref<1x128x128xf32, #tpu.memory_space<vmem>> -> memref<128x128xf32, #tpu.memory_space<vmem>>
          %dma_start3A_199 = arith.constant 0 : i32
          %dma_start3A_200 = tpu.memref_slice %arg8[%and3A_188, %scan3A_168, %dma_start3A_199] : memref<2x8x128xi32, #tpu.memory_space<vmem>> -> memref<1x1x128xi32, #tpu.memory_space<vmem>>
          %dma_start3A_201 = tpu.memref_squeeze %dma_start3A_200 : memref<1x1x128xi32, #tpu.memory_space<vmem>> -> memref<128xi32, #tpu.memory_space<vmem>>
          %dma_start3A_202 = arith.constant 0 : i32
          %dma_start3A_203 = arith.constant 0 : i32
          %dma_start3A_204 = tpu.memref_slice %arg10[%dma_start3A_202, %dma_start3A_203] : memref<10112x128xf32, #tpu.memory_space<vmem_shared>> -> memref<10112x128xf32, #tpu.memory_space<vmem_shared>>
          tpu.enqueue_indirect_dma source(%dma_start3A_198 : memref<128x128xf32, #tpu.memory_space<vmem>>) target(%dma_start3A_204 : memref<10112x128xf32, #tpu.memory_space<vmem_shared>>) offsets(%dma_start3A_201 : memref<128xi32, #tpu.memory_space<vmem>>) semaphore(%run_scoped3A : memref<!tpu.dma_semaphore, #tpu.memory_space<semaphore_mem>>) {add = true}
          %dma_wait3A_205 = arith.constant 0 : i32
          %dma_wait3A_206 = arith.constant 0 : i32
          %dma_wait3A_207 = tpu.memref_slice %arg9[%and3A_173, %dma_wait3A_205, %dma_wait3A_206] : memref<2x128x128xf32, #tpu.memory_space<vmem>> -> memref<1x128x128xf32, #tpu.memory_space<vmem>>
          %dma_wait3A_208 = tpu.memref_squeeze %dma_wait3A_207 : memref<1x128x128xf32, #tpu.memory_space<vmem>> -> memref<128x128xf32, #tpu.memory_space<vmem>>
          %dma_wait3A_209 = arith.constant 0 : i32
          %dma_wait3A_210 = tpu.memref_slice %arg8[%and3A_188, %scan3A_168, %dma_wait3A_209] : memref<2x8x128xi32, #tpu.memory_space<vmem>> -> memref<1x1x128xi32, #tpu.memory_space<vmem>>
          %dma_wait3A_211 = tpu.memref_squeeze %dma_wait3A_210 : memref<1x1x128xi32, #tpu.memory_space<vmem>> -> memref<128xi32, #tpu.memory_space<vmem>>
          %dma_wait3A_212 = arith.constant 0 : i32
          %dma_wait3A_213 = arith.constant 0 : i32
          %dma_wait3A_214 = tpu.memref_slice %arg10[%dma_wait3A_212, %dma_wait3A_213] : memref<10112x128xf32, #tpu.memory_space<vmem_shared>> -> memref<10112x128xf32, #tpu.memory_space<vmem_shared>>
          tpu.wait_indirect_dma semaphore(%run_scoped3A : memref<!tpu.dma_semaphore, #tpu.memory_space<semaphore_mem>>) src(%dma_wait3A_208 : memref<128x128xf32, #tpu.memory_space<vmem>>) dst(%dma_wait3A_214 : memref<10112x128xf32, #tpu.memory_space<vmem_shared>>)
          tpu.yield
        }) : () -> ()
        %add3A_189 = arith.constant 2 : i32
        %add3A_190 = arith.addi %add3A_171, %add3A_189 : i32
        %lt3A_191 = arith.cmpi slt, %add3A_190, %select_n3A_3 : i32
        %convert_element_type3A_192 = arith.extui %lt3A_191 : i1 to i32
        %cond3A_193 = arith.constant 0 : i32
        %cond3A_194 = arith.cmpi ne, %convert_element_type3A_192, %cond3A_193 : i32
        scf.if %cond3A_194 {
          %add3A_195 = arith.constant 2 : i32
          %add3A_196 = arith.addi %add3A_171, %add3A_195 : i32
          %shift_right_arithmetic3A_197 = arith.constant 3 : i32
          %shift_right_arithmetic3A_198 = arith.shrsi %add3A_196, %shift_right_arithmetic3A_197 : i32
          %and3A_199 = arith.constant 1 : i32
          %and3A_200 = arith.andi %shift_right_arithmetic3A_198, %and3A_199 : i32
          %and3A_201 = arith.constant 7 : i32
          %and3A_202 = arith.andi %add3A_196, %and3A_201 : i32
          %mul3A_203 = arith.constant 128 : i32
          %mul3A_204 = arith.muli %and3A_202, %mul3A_203 : i32
          %multiple_of3A_205 = tpu.assume_multiple %mul3A_204, 128 : i32
          %dma_start3A_206 = arith.constant 0 : i32
          %dma_start3A_207 = arith.constant 0 : i32
          %dma_start3A_208 = tpu.memref_slice %arg9[%and3A_173, %dma_start3A_206, %dma_start3A_207] : memref<2x128x128xf32, #tpu.memory_space<vmem>> -> memref<1x128x128xf32, #tpu.memory_space<vmem>>
          %dma_start3A_209 = tpu.memref_squeeze %dma_start3A_208 : memref<1x128x128xf32, #tpu.memory_space<vmem>> -> memref<128x128xf32, #tpu.memory_space<vmem>>
          %dma_start3A_210 = tpu.memref_slice %arg7[%and3A_200, %multiple_of3A_205] : memref<2x1024xi32, #tpu.memory_space<vmem>> -> memref<1x128xi32, #tpu.memory_space<vmem>>
          %dma_start3A_211 = tpu.memref_squeeze %dma_start3A_210 : memref<1x128xi32, #tpu.memory_space<vmem>> -> memref<128xi32, #tpu.memory_space<vmem>>
          %dma_start3A_212 = arith.constant 0 : i32
          %dma_start3A_213 = arith.constant 0 : i32
          %dma_start3A_214 = tpu.memref_slice %arg2[%dma_start3A_212, %dma_start3A_213] : memref<10000x128xf32, #tpu.memory_space<hbm>> -> memref<10000x128xf32, #tpu.memory_space<hbm>>
          %dma_start3A_215 = tpu.memref_slice %arg11[%and3A_173] : memref<2x!tpu.dma_semaphore, #tpu.memory_space<semaphore_mem>> -> memref<1x!tpu.dma_semaphore, #tpu.memory_space<semaphore_mem>>
          %dma_start3A_216 = tpu.memref_squeeze %dma_start3A_215 : memref<1x!tpu.dma_semaphore, #tpu.memory_space<semaphore_mem>> -> memref<!tpu.dma_semaphore, #tpu.memory_space<semaphore_mem>>
          tpu.enqueue_indirect_dma source(%dma_start3A_214 : memref<10000x128xf32, #tpu.memory_space<hbm>>) target(%dma_start3A_209 : memref<128x128xf32, #tpu.memory_space<vmem>>) offsets(%dma_start3A_211 : memref<128xi32, #tpu.memory_space<vmem>>) semaphore(%dma_start3A_216 : memref<!tpu.dma_semaphore, #tpu.memory_space<semaphore_mem>>)
        } else {
        }
      }
      %scan3A_161 = arith.constant 8 : i32
      %add3A_162 = arith.constant 2 : i32
      %add3A_163 = arith.addi %while3A_152, %add3A_162 : i32
      %lt3A_164 = arith.cmpi slt, %add3A_163, %select_n3A_20 : i32
      %convert_element_type3A_165 = arith.extui %lt3A_164 : i1 to i32
      %cond3A_166 = arith.constant 0 : i32
      %cond3A_167 = arith.cmpi ne, %convert_element_type3A_165, %cond3A_166 : i32
      scf.if %cond3A_167 {
        %add3A_168 = arith.constant 2 : i32
        %add3A_169 = arith.addi %while3A_152, %add3A_168 : i32
        %and3A_170 = arith.constant 1 : i32
        %and3A_171 = arith.andi %add3A_169, %and3A_170 : i32
        %mul3A_172 = arith.constant 1024 : i32
        %mul3A_173 = arith.muli %add3A_169, %mul3A_172 : i32
        %add3A_174 = arith.addi %mul3A_25, %mul3A_173 : i32
        %multiple_of3A_175 = tpu.assume_multiple %add3A_174, 1024 : i32
        %dma_start3A_176 = arith.constant 0 : i32
        %dma_start3A_177 = tpu.memref_slice %arg7[%and3A_171, %dma_start3A_176] : memref<2x1024xi32, #tpu.memory_space<vmem>> -> memref<1x1024xi32, #tpu.memory_space<vmem>>
        %dma_start3A_178 = tpu.memref_squeeze %dma_start3A_177 : memref<1x1024xi32, #tpu.memory_space<vmem>> -> memref<1024xi32, #tpu.memory_space<vmem>>
        %dma_start3A_179 = tpu.memref_slice %arg3[%multiple_of3A_175] : memref<327680xi32, #tpu.memory_space<hbm>> -> memref<1024xi32, #tpu.memory_space<hbm>>
        %dma_start3A_180 = tpu.memref_slice %arg12[%and3A_171] : memref<2x!tpu.dma_semaphore, #tpu.memory_space<semaphore_mem>> -> memref<1x!tpu.dma_semaphore, #tpu.memory_space<semaphore_mem>>
        %dma_start3A_181 = tpu.memref_squeeze %dma_start3A_180 : memref<1x!tpu.dma_semaphore, #tpu.memory_space<semaphore_mem>> -> memref<!tpu.dma_semaphore, #tpu.memory_space<semaphore_mem>>
        %dma_start3A_182 = arith.constant 0 : i32
        %dma_start3A_183 = tpu.memref_slice %arg7[%and3A_171, %dma_start3A_182] : memref<2x1024xi32, #tpu.memory_space<vmem>> -> memref<1x1024xi32, #tpu.memory_space<vmem>>
        %dma_start3A_184 = tpu.memref_squeeze %dma_start3A_183 : memref<1x1024xi32, #tpu.memory_space<vmem>> -> memref<1024xi32, #tpu.memory_space<vmem>>
        %dma_start3A_185 = tpu.memref_slice %arg3[%multiple_of3A_175] : memref<327680xi32, #tpu.memory_space<hbm>> -> memref<1024xi32, #tpu.memory_space<hbm>>
        tpu.enqueue_dma source(%dma_start3A_185 : memref<1024xi32, #tpu.memory_space<hbm>>) target(%dma_start3A_184 : memref<1024xi32, #tpu.memory_space<vmem>>) target_semaphore(%dma_start3A_181 : memref<!tpu.dma_semaphore, #tpu.memory_space<semaphore_mem>>)
        %mul3A_186 = arith.constant 8 : i32
        %mul3A_187 = arith.muli %add3A_169, %mul3A_186 : i32
        %add3A_188 = arith.addi %add3A, %mul3A_187 : i32
        %multiple_of3A_189 = tpu.assume_multiple %add3A_188, 8 : i32
        %dma_start3A_190 = arith.constant 0 : i32
        %dma_start3A_191 = arith.constant 0 : i32
        %dma_start3A_192 = tpu.memref_slice %arg8[%and3A_171, %dma_start3A_190, %dma_start3A_191] : memref<2x8x128xi32, #tpu.memory_space<vmem>> -> memref<1x8x128xi32, #tpu.memory_space<vmem>>
        %dma_start3A_193 = tpu.memref_squeeze %dma_start3A_192 : memref<1x8x128xi32, #tpu.memory_space<vmem>> -> memref<8x128xi32, #tpu.memory_space<vmem>>
        %dma_start3A_194 = arith.constant 0 : i32
        %dma_start3A_195 = tpu.memref_slice %arg4[%multiple_of3A_189, %dma_start3A_194] : memref<2560x128xi32, #tpu.memory_space<hbm>> -> memref<8x128xi32, #tpu.memory_space<hbm>>
        %dma_start3A_196 = tpu.memref_slice %arg12[%and3A_171] : memref<2x!tpu.dma_semaphore, #tpu.memory_space<semaphore_mem>> -> memref<1x!tpu.dma_semaphore, #tpu.memory_space<semaphore_mem>>
        %dma_start3A_197 = tpu.memref_squeeze %dma_start3A_196 : memref<1x!tpu.dma_semaphore, #tpu.memory_space<semaphore_mem>> -> memref<!tpu.dma_semaphore, #tpu.memory_space<semaphore_mem>>
        %dma_start3A_198 = arith.constant 0 : i32
        %dma_start3A_199 = arith.constant 0 : i32
        %dma_start3A_200 = tpu.memref_slice %arg8[%and3A_171, %dma_start3A_198, %dma_start3A_199] : memref<2x8x128xi32, #tpu.memory_space<vmem>> -> memref<1x8x128xi32, #tpu.memory_space<vmem>>
        %dma_start3A_201 = tpu.memref_squeeze %dma_start3A_200 : memref<1x8x128xi32, #tpu.memory_space<vmem>> -> memref<8x128xi32, #tpu.memory_space<vmem>>
        %dma_start3A_202 = arith.constant 0 : i32
        %dma_start3A_203 = tpu.memref_slice %arg4[%multiple_of3A_189, %dma_start3A_202] : memref<2560x128xi32, #tpu.memory_space<hbm>> -> memref<8x128xi32, #tpu.memory_space<hbm>>
        tpu.enqueue_dma source(%dma_start3A_203 : memref<8x128xi32, #tpu.memory_space<hbm>>) target(%dma_start3A_201 : memref<8x128xi32, #tpu.memory_space<vmem>>) target_semaphore(%dma_start3A_197 : memref<!tpu.dma_semaphore, #tpu.memory_space<semaphore_mem>>)
      } else {
      }
    }
    %barrier3A_144 = arith.constant 0 : index
    tpu.barrier barrier_id(%barrier3A_144)
    %mul3A_145 = arith.constant 632 : i32
    %mul3A_146 = arith.muli %arg1, %mul3A_145 : i32
    %mul3A_147 = arith.constant 10112 : i32
    %mul3A_148 = arith.muli %arg0, %mul3A_147 : i32
    %mul3A_149 = arith.constant 632 : i32
    %mul3A_150 = arith.muli %arg1, %mul3A_149 : i32
    %add3A_151 = arith.addi %mul3A_148, %mul3A_150 : i32
    "tpu.region"() ({
      %run_scoped3A = tpu.sem_alloc : memref<!tpu.dma_semaphore, #tpu.memory_space<semaphore_mem>>
      %dma_start3A_152 = arith.constant 0 : i32
      %dma_start3A_153 = tpu.memref_slice %arg6[%add3A_151, %dma_start3A_152] : memref<20224x128xf32, #tpu.memory_space<hbm>> -> memref<632x128xf32, #tpu.memory_space<hbm>>
      %dma_start3A_154 = arith.constant 0 : i32
      %dma_start3A_155 = tpu.memref_slice %arg10[%mul3A_146, %dma_start3A_154] : memref<10112x128xf32, #tpu.memory_space<vmem_shared>> -> memref<632x128xf32, #tpu.memory_space<vmem_shared>>
      tpu.enqueue_dma source(%dma_start3A_155 : memref<632x128xf32, #tpu.memory_space<vmem_shared>>) target(%dma_start3A_153 : memref<632x128xf32, #tpu.memory_space<hbm>>) target_semaphore(%run_scoped3A : memref<!tpu.dma_semaphore, #tpu.memory_space<semaphore_mem>>)
      %dma_wait3A_156 = arith.constant 0 : i32
      %dma_wait3A_157 = tpu.memref_slice %arg6[%add3A_151, %dma_wait3A_156] : memref<20224x128xf32, #tpu.memory_space<hbm>> -> memref<632x128xf32, #tpu.memory_space<hbm>>
      %dma_wait3A_158 = arith.constant 0 : i32
      %dma_wait3A_159 = tpu.memref_slice %arg10[%mul3A_146, %dma_wait3A_158] : memref<10112x128xf32, #tpu.memory_space<vmem_shared>> -> memref<632x128xf32, #tpu.memory_space<vmem_shared>>
      tpu.wait_dma2 semaphore(%run_scoped3A : memref<!tpu.dma_semaphore, #tpu.memory_space<semaphore_mem>>) src(%dma_wait3A_159 : memref<632x128xf32, #tpu.memory_space<vmem_shared>>) dst(%dma_wait3A_157 : memref<632x128xf32, #tpu.memory_space<hbm>>)
      tpu.yield
    }) : () -> ()
    return
  }
}

module attributes {stable_mosaic.version = 14 : i64} {
  func.func @_mlp_body(%arg0: memref<10000x128xf32, #tpu.memory_space<vmem>>, %arg1: memref<10000x128xf32, #tpu.memory_space<vmem>>, %arg2: memref<10000x128xf32, #tpu.memory_space<vmem>>, %arg3: memref<128x128xf32, #tpu.memory_space<vmem>>, %arg4: memref<1x128xf32, #tpu.memory_space<vmem>>, %arg5: memref<128x128xf32, #tpu.memory_space<vmem>>, %arg6: memref<1x128xf32, #tpu.memory_space<vmem>>, %arg7: memref<1x128xf32, #tpu.memory_space<vmem>>, %arg8: memref<1x128xf32, #tpu.memory_space<vmem>>, %arg9: memref<10000x128xf32, #tpu.memory_space<vmem>>) attributes {dimension_semantics = [], scalar_prefetch = 0 : i64, scratch_operands = 0 : i64, tpu.core_type = #tpu.core_type<tc>} {
    %get3A = arith.constant 0 : index
    %get3A_0 = arith.constant 0 : index
    %get3A_1 = vector.load %arg0[%get3A, %get3A_0] : memref<10000x128xf32, #tpu.memory_space<vmem>>, vector<10000x128xf32>
    %get3A_2 = arith.constant 0 : index
    %get3A_3 = arith.constant 0 : index
    %get3A_4 = vector.load %arg1[%get3A_2, %get3A_3] : memref<10000x128xf32, #tpu.memory_space<vmem>>, vector<10000x128xf32>
    %add3A = arith.addf %get3A_1, %get3A_4 : vector<10000x128xf32>
    %get3A_5 = arith.constant 0 : index
    %get3A_6 = arith.constant 0 : index
    %get3A_7 = vector.load %arg2[%get3A_5, %get3A_6] : memref<10000x128xf32, #tpu.memory_space<vmem>>, vector<10000x128xf32>
    %add3A_8 = arith.addf %add3A, %get3A_7 : vector<10000x128xf32>
    %get3A_9 = arith.constant 0 : index
    %get3A_10 = arith.constant 0 : index
    %get3A_11 = vector.load %arg3[%get3A_9, %get3A_10] : memref<128x128xf32, #tpu.memory_space<vmem>>, vector<128x128xf32>
    %dot_general3A = arith.constant dense<0.000000e+00> : vector<10000x128xf32>
    %dot_general3A_12 = tpu.matmul %add3A_8, %get3A_11, %dot_general3A {dimension_numbers = #tpu.dot_dimension_numbers<[1], [0], [0], [1], [0, 0, 1, 1], [], []>, transpose_lhs_hint = false} : vector<10000x128xf32>, vector<128x128xf32>, vector<10000x128xf32> -> vector<10000x128xf32>
    %get3A_13 = arith.constant 0 : index
    %get3A_14 = arith.constant 0 : index
    %get3A_15 = vector.load %arg4[%get3A_13, %get3A_14] : memref<1x128xf32, #tpu.memory_space<vmem>>, vector<1x128xf32>
    %add3A_16 = vector.broadcast %get3A_15 : vector<1x128xf32> to vector<10000x128xf32>
    %add3A_17 = arith.addf %dot_general3A_12, %add3A_16 : vector<10000x128xf32>
    %max3A = arith.constant 0.000000e+00 : f32
    %max3A_18 = vector.broadcast %max3A : f32 to vector<10000x128xf32>
    %max3A_19 = arith.maximumf %add3A_17, %max3A_18 : vector<10000x128xf32>
    %get3A_20 = arith.constant 0 : index
    %get3A_21 = arith.constant 0 : index
    %get3A_22 = vector.load %arg5[%get3A_20, %get3A_21] : memref<128x128xf32, #tpu.memory_space<vmem>>, vector<128x128xf32>
    %dot_general3A_23 = arith.constant dense<0.000000e+00> : vector<10000x128xf32>
    %dot_general3A_24 = tpu.matmul %max3A_19, %get3A_22, %dot_general3A_23 {dimension_numbers = #tpu.dot_dimension_numbers<[1], [0], [0], [1], [0, 0, 1, 1], [], []>, transpose_lhs_hint = false} : vector<10000x128xf32>, vector<128x128xf32>, vector<10000x128xf32> -> vector<10000x128xf32>
    %get3A_25 = arith.constant 0 : index
    %get3A_26 = arith.constant 0 : index
    %get3A_27 = vector.load %arg6[%get3A_25, %get3A_26] : memref<1x128xf32, #tpu.memory_space<vmem>>, vector<1x128xf32>
    %add3A_28 = vector.broadcast %get3A_27 : vector<1x128xf32> to vector<10000x128xf32>
    %add3A_29 = arith.addf %dot_general3A_24, %add3A_28 : vector<10000x128xf32>
    %max3A_30 = arith.constant 0.000000e+00 : f32
    %max3A_31 = vector.broadcast %max3A_30 : f32 to vector<10000x128xf32>
    %max3A_32 = arith.maximumf %add3A_29, %max3A_31 : vector<10000x128xf32>
    %reduce_sum3A = arith.constant dense<0.000000e+00> : vector<128xf32>
    %reduce_sum3A_33 = vector.multi_reduction <add>, %max3A_32, %reduce_sum3A [0] : vector<10000x128xf32> to vector<128xf32>
    %broadcast_in_dim3A = vector.shape_cast %reduce_sum3A_33 : vector<128xf32> to vector<1x128xf32>
    %div3A = arith.constant 1.000000e+04 : f32
    %div3A_34 = vector.broadcast %div3A : f32 to vector<1x128xf32>
    %div3A_35 = arith.divf %broadcast_in_dim3A, %div3A_34 : vector<1x128xf32>
    %sub3A = vector.broadcast %div3A_35 : vector<1x128xf32> to vector<10000x128xf32>
    %sub3A_36 = arith.subf %max3A_32, %sub3A : vector<10000x128xf32>
    %square3A = arith.mulf %sub3A_36, %sub3A_36 : vector<10000x128xf32>
    %reduce_sum3A_37 = arith.constant dense<0.000000e+00> : vector<128xf32>
    %reduce_sum3A_38 = vector.multi_reduction <add>, %square3A, %reduce_sum3A_37 [0] : vector<10000x128xf32> to vector<128xf32>
    %broadcast_in_dim3A_39 = vector.shape_cast %reduce_sum3A_38 : vector<128xf32> to vector<1x128xf32>
    %div3A_40 = arith.constant 1.000000e+04 : f32
    %div3A_41 = vector.broadcast %div3A_40 : f32 to vector<1x128xf32>
    %div3A_42 = arith.divf %broadcast_in_dim3A_39, %div3A_41 : vector<1x128xf32>
    %sub3A_43 = vector.broadcast %div3A_35 : vector<1x128xf32> to vector<10000x128xf32>
    %sub3A_44 = arith.subf %max3A_32, %sub3A_43 : vector<10000x128xf32>
    %add3A_45 = arith.constant 9.99999974E-6 : f32
    %add3A_46 = vector.broadcast %add3A_45 : f32 to vector<1x128xf32>
    %add3A_47 = arith.addf %div3A_42, %add3A_46 : vector<1x128xf32>
    %sqrt3A = math.sqrt %add3A_47 : vector<1x128xf32>
    %div3A_48 = vector.broadcast %sqrt3A : vector<1x128xf32> to vector<10000x128xf32>
    %div3A_49 = arith.divf %sub3A_44, %div3A_48 : vector<10000x128xf32>
    %get3A_50 = arith.constant 0 : index
    %get3A_51 = arith.constant 0 : index
    %get3A_52 = vector.load %arg7[%get3A_50, %get3A_51] : memref<1x128xf32, #tpu.memory_space<vmem>>, vector<1x128xf32>
    %mul3A = vector.broadcast %get3A_52 : vector<1x128xf32> to vector<10000x128xf32>
    %mul3A_53 = arith.mulf %div3A_49, %mul3A : vector<10000x128xf32>
    %get3A_54 = arith.constant 0 : index
    %get3A_55 = arith.constant 0 : index
    %get3A_56 = vector.load %arg8[%get3A_54, %get3A_55] : memref<1x128xf32, #tpu.memory_space<vmem>>, vector<1x128xf32>
    %add3A_57 = vector.broadcast %get3A_56 : vector<1x128xf32> to vector<10000x128xf32>
    %add3A_58 = arith.addf %mul3A_53, %add3A_57 : vector<10000x128xf32>
    %swap3A = arith.constant 0 : index
    %swap3A_59 = arith.constant 0 : index
    %swap3A_60 = vector.load %arg9[%swap3A, %swap3A_59] : memref<10000x128xf32, #tpu.memory_space<vmem>>, vector<10000x128xf32>
    tpu.vector_store %arg9[%swap3A, %swap3A_59], %add3A_58 {strides = array<i32>} : memref<10000x128xf32, #tpu.memory_space<vmem>>, vector<10000x128xf32>,
    return
  }
}

module attributes {stable_mosaic.version = 14 : i64} {
  func.func @_mlp_pool_body(%arg0: memref<10000x128xf32, #tpu.memory_space<vmem>>, %arg1: memref<10000x128xf32, #tpu.memory_space<vmem>>, %arg2: memref<10000x128xf32, #tpu.memory_space<vmem>>, %arg3: memref<128x128xf32, #tpu.memory_space<vmem>>, %arg4: memref<1x128xf32, #tpu.memory_space<vmem>>, %arg5: memref<128x128xf32, #tpu.memory_space<vmem>>, %arg6: memref<1x128xf32, #tpu.memory_space<vmem>>, %arg7: memref<1x128xf32, #tpu.memory_space<vmem>>, %arg8: memref<1x128xf32, #tpu.memory_space<vmem>>, %arg9: memref<10000x1xi32, #tpu.memory_space<vmem>>, %arg10: memref<128x128xf32, #tpu.memory_space<vmem>>) attributes {dimension_semantics = [], scalar_prefetch = 0 : i64, scratch_operands = 0 : i64, tpu.core_type = #tpu.core_type<tc>} {
    %get3A = arith.constant 0 : index
    %get3A_0 = arith.constant 0 : index
    %get3A_1 = vector.load %arg0[%get3A, %get3A_0] : memref<10000x128xf32, #tpu.memory_space<vmem>>, vector<10000x128xf32>
    %get3A_2 = arith.constant 0 : index
    %get3A_3 = arith.constant 0 : index
    %get3A_4 = vector.load %arg1[%get3A_2, %get3A_3] : memref<10000x128xf32, #tpu.memory_space<vmem>>, vector<10000x128xf32>
    %add3A = arith.addf %get3A_1, %get3A_4 : vector<10000x128xf32>
    %get3A_5 = arith.constant 0 : index
    %get3A_6 = arith.constant 0 : index
    %get3A_7 = vector.load %arg2[%get3A_5, %get3A_6] : memref<10000x128xf32, #tpu.memory_space<vmem>>, vector<10000x128xf32>
    %add3A_8 = arith.addf %add3A, %get3A_7 : vector<10000x128xf32>
    %get3A_9 = arith.constant 0 : index
    %get3A_10 = arith.constant 0 : index
    %get3A_11 = vector.load %arg3[%get3A_9, %get3A_10] : memref<128x128xf32, #tpu.memory_space<vmem>>, vector<128x128xf32>
    %dot_general3A = arith.constant dense<0.000000e+00> : vector<10000x128xf32>
    %dot_general3A_12 = tpu.matmul %add3A_8, %get3A_11, %dot_general3A {dimension_numbers = #tpu.dot_dimension_numbers<[1], [0], [0], [1], [0, 0, 1, 1], [], []>, transpose_lhs_hint = false} : vector<10000x128xf32>, vector<128x128xf32>, vector<10000x128xf32> -> vector<10000x128xf32>
    %get3A_13 = arith.constant 0 : index
    %get3A_14 = arith.constant 0 : index
    %get3A_15 = vector.load %arg4[%get3A_13, %get3A_14] : memref<1x128xf32, #tpu.memory_space<vmem>>, vector<1x128xf32>
    %add3A_16 = vector.broadcast %get3A_15 : vector<1x128xf32> to vector<10000x128xf32>
    %add3A_17 = arith.addf %dot_general3A_12, %add3A_16 : vector<10000x128xf32>
    %max3A = arith.constant 0.000000e+00 : f32
    %max3A_18 = vector.broadcast %max3A : f32 to vector<10000x128xf32>
    %max3A_19 = arith.maximumf %add3A_17, %max3A_18 : vector<10000x128xf32>
    %get3A_20 = arith.constant 0 : index
    %get3A_21 = arith.constant 0 : index
    %get3A_22 = vector.load %arg5[%get3A_20, %get3A_21] : memref<128x128xf32, #tpu.memory_space<vmem>>, vector<128x128xf32>
    %dot_general3A_23 = arith.constant dense<0.000000e+00> : vector<10000x128xf32>
    %dot_general3A_24 = tpu.matmul %max3A_19, %get3A_22, %dot_general3A_23 {dimension_numbers = #tpu.dot_dimension_numbers<[1], [0], [0], [1], [0, 0, 1, 1], [], []>, transpose_lhs_hint = false} : vector<10000x128xf32>, vector<128x128xf32>, vector<10000x128xf32> -> vector<10000x128xf32>
    %get3A_25 = arith.constant 0 : index
    %get3A_26 = arith.constant 0 : index
    %get3A_27 = vector.load %arg6[%get3A_25, %get3A_26] : memref<1x128xf32, #tpu.memory_space<vmem>>, vector<1x128xf32>
    %add3A_28 = vector.broadcast %get3A_27 : vector<1x128xf32> to vector<10000x128xf32>
    %add3A_29 = arith.addf %dot_general3A_24, %add3A_28 : vector<10000x128xf32>
    %max3A_30 = arith.constant 0.000000e+00 : f32
    %max3A_31 = vector.broadcast %max3A_30 : f32 to vector<10000x128xf32>
    %max3A_32 = arith.maximumf %add3A_29, %max3A_31 : vector<10000x128xf32>
    %reduce_sum3A = arith.constant dense<0.000000e+00> : vector<128xf32>
    %reduce_sum3A_33 = vector.multi_reduction <add>, %max3A_32, %reduce_sum3A [0] : vector<10000x128xf32> to vector<128xf32>
    %broadcast_in_dim3A = vector.shape_cast %reduce_sum3A_33 : vector<128xf32> to vector<1x128xf32>
    %div3A = arith.constant 1.000000e+04 : f32
    %div3A_34 = vector.broadcast %div3A : f32 to vector<1x128xf32>
    %div3A_35 = arith.divf %broadcast_in_dim3A, %div3A_34 : vector<1x128xf32>
    %sub3A = vector.broadcast %div3A_35 : vector<1x128xf32> to vector<10000x128xf32>
    %sub3A_36 = arith.subf %max3A_32, %sub3A : vector<10000x128xf32>
    %square3A = arith.mulf %sub3A_36, %sub3A_36 : vector<10000x128xf32>
    %reduce_sum3A_37 = arith.constant dense<0.000000e+00> : vector<128xf32>
    %reduce_sum3A_38 = vector.multi_reduction <add>, %square3A, %reduce_sum3A_37 [0] : vector<10000x128xf32> to vector<128xf32>
    %broadcast_in_dim3A_39 = vector.shape_cast %reduce_sum3A_38 : vector<128xf32> to vector<1x128xf32>
    %div3A_40 = arith.constant 1.000000e+04 : f32
    %div3A_41 = vector.broadcast %div3A_40 : f32 to vector<1x128xf32>
    %div3A_42 = arith.divf %broadcast_in_dim3A_39, %div3A_41 : vector<1x128xf32>
    %sub3A_43 = vector.broadcast %div3A_35 : vector<1x128xf32> to vector<10000x128xf32>
    %sub3A_44 = arith.subf %max3A_32, %sub3A_43 : vector<10000x128xf32>
    %add3A_45 = arith.constant 9.99999974E-6 : f32
    %add3A_46 = vector.broadcast %add3A_45 : f32 to vector<1x128xf32>
    %add3A_47 = arith.addf %div3A_42, %add3A_46 : vector<1x128xf32>
    %sqrt3A = math.sqrt %add3A_47 : vector<1x128xf32>
    %div3A_48 = vector.broadcast %sqrt3A : vector<1x128xf32> to vector<10000x128xf32>
    %div3A_49 = arith.divf %sub3A_44, %div3A_48 : vector<10000x128xf32>
    %get3A_50 = arith.constant 0 : index
    %get3A_51 = arith.constant 0 : index
    %get3A_52 = vector.load %arg7[%get3A_50, %get3A_51] : memref<1x128xf32, #tpu.memory_space<vmem>>, vector<1x128xf32>
    %mul3A = vector.broadcast %get3A_52 : vector<1x128xf32> to vector<10000x128xf32>
    %mul3A_53 = arith.mulf %div3A_49, %mul3A : vector<10000x128xf32>
    %get3A_54 = arith.constant 0 : index
    %get3A_55 = arith.constant 0 : index
    %get3A_56 = vector.load %arg8[%get3A_54, %get3A_55] : memref<1x128xf32, #tpu.memory_space<vmem>>, vector<1x128xf32>
    %add3A_57 = vector.broadcast %get3A_56 : vector<1x128xf32> to vector<10000x128xf32>
    %add3A_58 = arith.addf %mul3A_53, %add3A_57 : vector<10000x128xf32>
    %get3A_59 = arith.constant 0 : index
    %get3A_60 = arith.constant 0 : index
    %get3A_61 = vector.load %arg9[%get3A_59, %get3A_60] : memref<10000x1xi32, #tpu.memory_space<vmem>>, vector<10000x1xi32>
    %iota3A = tpu.iota {dimensions = array<i32: 1>} : vector<10000x128xi32>
    %eq3A = vector.broadcast %get3A_61 : vector<10000x1xi32> to vector<10000x128xi32>
    %eq3A_62 = arith.cmpi eq, %eq3A, %iota3A : vector<10000x128xi32>
    %convert_element_type3A = arith.extui %eq3A_62 : vector<10000x128xi1> to vector<10000x128xi32>
    %convert_element_type3A_63 = arith.sitofp %convert_element_type3A : vector<10000x128xi32> to vector<10000x128xf32>
    %dot_general3A_64 = arith.constant dense<0.000000e+00> : vector<128x128xf32>
    %dot_general3A_65 = tpu.matmul %convert_element_type3A_63, %add3A_58, %dot_general3A_64 {dimension_numbers = #tpu.dot_dimension_numbers<[0], [0], [1], [1], [0, 1, 1, 1], [], []>, precision = #tpu.contract_precision<fp32>, transpose_lhs_hint = false} : vector<10000x128xf32>, vector<10000x128xf32>, vector<128x128xf32> -> vector<128x128xf32>
    %swap3A = arith.constant 0 : index
    %swap3A_66 = arith.constant 0 : index
    %swap3A_67 = vector.load %arg10[%swap3A, %swap3A_66] : memref<128x128xf32, #tpu.memory_space<vmem>>, vector<128x128xf32>
    tpu.vector_store %arg10[%swap3A, %swap3A_66], %dot_general3A_65 {strides = array<i32>} : memref<128x128xf32, #tpu.memory_space<vmem>>, vector<128x128xf32>,
    return
  }
}

</mosaic_0001>

<sc_bundles>
// kernel: kernel.11.cloned.1.call-start
scs
__scs_entry_jumppad:
0x0: {  	(pc) =	sbr.rel $0x88, $3  }
0x1: {  	(tag) =	ssettag $0x0;
	lr =	simm.s32 $0x1  }
0x2: {  	[smem:$0x3F98] =	sst lr;
	_ =	strace $0xD0000000  }
0x3: {  	_ = 	snop  }
0x4: {  	_ = 	snop  }
0x5: {  	_ = 	snop  }
0x6: {  	_ = 	snop  }
0x7: {  	_ = 	snop  }
__scs_overlays_trampoline_lowered:
0x8: {  	[smem:$0x3FA7] =	sst s0  }
0x9: {  	[smem:$0x3FA8] =	sst s1  }
0xa: {  	[smem:$0x3FA9] =	sst s2  }
0xb: {  	[smem:$0x3FAA] =	sst s3  }
0xc: {  	[smem:$0x3FAB] =	sst s4  }
0xd: {  	[smem:$0x3FAC] =	sst s5  }
0xe: {  	[smem:$0x3FAD] =	sst s6  }
0xf: {  	[smem:$0x3FAE] =	sst s7  }
0x10: {  	[smem:$0x3FAF] =	sst s8  }
0x11: {  	[smem:$0x3FB0] =	sst s9;
	s0 =	simm.s32 @!p0 $0x0  }
0x12: {  	s1 =	sld [smem:$0x3F96];
	s0 =	simm.s32 @p0 $0x1  }
0x13: {  	[smem:$0x3FB1] =	sst s0;
	s0 =	simm.s32 @!p1 $0x0  }
0x14: {  	s2 =	sld [smem:$0x3F95];
	s0 =	simm.s32 @p1 $0x1  }
0x15: {  	[smem:$0x3FB2] =	sst s0;
	s0 =	simm.s32 @!p2 $0x0  }
0x16: {  	s3 =	sld [smem:$0x3FDB];
	s0 =	simm.s32 @p2 $0x1  }
0x17: {  	s4 =	simm.s32 $0x1BF5;
	[smem:$0x3FB4] =	sst s0  }
0x18: {  	s0 =	sld [smem:$0x3F97];
	_ =	swait.ge [sflag:s4], $0x0  }
0x19: {  	s7 =	sld [smem:$0x3F98]  }
0x1a: {  	s8 =	sadd.s32 $0xFFFFE003, lr  }
0x1b: {  	s9 =	sadd.s32 $0xFFFFFEF7, lr;
	s5 =	simm.s32 $0xFFFFFFFF;
	p2 =	slt.u32 s8, $0xFFFFF086  }
0x1c: {  	p1 =	slt.u32 s9, $0xF7A;
	s5 =	simm.s32 @!p2 $0x0  }
0x1d: {  	s5 =	simm.s32 @p1 $0x1;
	p0 =	seq.s32 s7, s2  }
0x1e: {  	s7 =	smul.u32 @!p0 $0xF7A, s2;
	p2 =	seq.s32 @!p0 s5, $0x0  }
0x1f: {  	s9 =	smul.u32 $0xF7A, s1;
	s8 =	simm.s32 @!p0 $0x1BF5;
	p2 =	por !p2, p0  }
0x20: {  	[sflag:s8] =	ssyncset.s32 @!p0 $0xFFFFF086;
	s6 =	sadd.s32 @!p0 s3, s7;
	s7 =	simm.s32 @!p0 $0x108  }
0x21: {  	s3 =	sadd.s32 s3, s9;
	s6 =	sadd.s32 @!p0 $0x88, s6;
	s7 =	simm.s32 @p2 $0x1082  }
0x22: {  	[simem:s7], [sflag:s8] =	dma.local @!p0 [hbm:s6], $0xF7A  }
0x23: {  	s9 =	sor.u32 $0xD0000000, s2;
	s6 =	simm.s32 $0x108;
	_ =	swait.ge @!p0 [sflag:s8], $0x0  }
0x24: {  	s3 =	sadd.s32 $0x88, s3;
	s6 =	simm.s32 @!p1 $0x1082;
	[sflag:s4] =	ssyncset.s32 $0xFFFFF086  }
0x25: {  	[simem:s6], [sflag:s4] =	dma.local [hbm:s3], $0xF7A  }
0x26: {  	[smem:$0x3F98] =	sst s1;
	(tag) =	ssettag s2;
	_ =	strace s9  }
0x27: {  	s1 =	sld [smem:$0x3FA8]  }
0x28: {  	s2 =	sld [smem:$0x3FA9]  }
0x29: {  	s4 =	sld [smem:$0x3FAB]  }
0x2a: {  	p0 =	seq.s32 s5, $0x0;
	s5 =	sld [smem:$0x3FAC]  }
0x2b: {  	s6 =	sld [smem:$0x3FAD]  }
0x2c: {  	s7 =	sld [smem:$0x3FAE]  }
0x2d: {  	s3 =	simm.s32 $0x108;
	s8 =	sld [smem:$0x3FAF]  }
0x2e: {  	s3 =	simm.s32 @!p0 $0x1082;
	s9 =	sld [smem:$0x3FB0]  }
0x2f: {  	lr =	sadd.s32 s0, s3;
	s0 =	sld [smem:$0x3FA7]  }
0x30: {  	s3 =	sld [smem:$0x3FAA]  }
0x31: {  	[smem:$0x3FB3] =	sst s10  }
0x32: {  	s10 =	sld [smem:$0x3FB1];
	_ =	sdelay $0x3  }
0x33: {  	p0 =	seq.s32 s10, $0x1;
	s10 =	sld [smem:$0x3FB3];
	_ =	sdelay $0x3  }
0x34: {  	[smem:$0x3FB3] =	sst s10  }
0x35: {  	s10 =	sld [smem:$0x3FB2];
	_ =	sdelay $0x3  }
0x36: {  	p1 =	seq.s32 s10, $0x1;
	s10 =	sld [smem:$0x3FB3];
	_ =	sdelay $0x3  }
0x37: {  	[smem:$0x3FB3] =	sst s10  }
0x38: {  	s10 =	sld [smem:$0x3FB4]  }
0x39: {  	_ = 	snop;
	(pc) =	sbr.ind lr, $3  }
0x3a: {  	_ = 	snop  }
0x3b: {  	_ = 	snop  }
0x3c: {  	p2 =	seq.s32 s10, $0x1;
	s10 =	sld [smem:$0x3FB3]  }
0x3d: {  	_ =	shalt  }
0x3e: {  	_ =	shalt  }
0x3f: {  	_ =	shalt  }
0x40: {  	_ =	shalt  }
0x41: {  	_ =	shalt  }
0x42: {  	_ =	shalt  }
0x43: {  	_ =	shalt  }
0x44: {  	_ =	shalt  }
0x45: {  	_ =	shalt  }
0x46: {  	_ =	shalt  }
0x47: {  	_ =	shalt  }
0x48: {  	_ =	shalt  }
0x49: {  	_ =	shalt  }
0x4a: {  	_ =	shalt  }
0x4b: {  	_ =	shalt  }
0x4c: {  	_ =	shalt  }
0x4d: {  	_ =	shalt  }
0x4e: {  	_ =	shalt  }
0x4f: {  	_ =	shalt  }
0x50: {  	_ =	shalt  }
0x51: {  	_ =	shalt  }
0x52: {  	_ =	shalt  }
0x53: {  	_ =	shalt  }
0x54: {  	_ =	shalt  }
0x55: {  	_ =	shalt  }
0x56: {  	_ =	shalt  }
0x57: {  	_ =	shalt  }
0x58: {  	_ =	shalt  }
0x59: {  	_ =	shalt  }
0x5a: {  	_ =	shalt  }
0x5b: {  	_ =	shalt  }
0x5c: {  	_ =	shalt  }
0x5d: {  	_ =	shalt  }
0x5e: {  	_ =	shalt  }
0x5f: {  	_ =	shalt  }
0x60: {  	_ =	shalt  }
0x61: {  	_ =	shalt  }
0x62: {  	_ =	shalt  }
0x63: {  	_ =	shalt  }
0x64: {  	_ =	shalt  }
0x65: {  	_ =	shalt  }
0x66: {  	_ =	shalt  }
0x67: {  	_ =	shalt  }
0x68: {  	_ =	shalt  }
0x69: {  	_ =	shalt  }
0x6a: {  	_ =	shalt  }
0x6b: {  	_ =	shalt  }
0x6c: {  	_ =	shalt  }
0x6d: {  	_ =	shalt  }
0x6e: {  	_ =	shalt  }
0x6f: {  	_ =	shalt  }
0x70: {  	_ =	shalt  }
0x71: {  	_ =	shalt  }
0x72: {  	_ =	shalt  }
0x73: {  	_ =	shalt  }
0x74: {  	_ =	shalt  }
0x75: {  	_ =	shalt  }
0x76: {  	_ =	shalt  }
0x77: {  	_ =	shalt  }
0x78: {  	_ =	shalt  }
0x79: {  	_ =	shalt  }
0x7a: {  	_ =	shalt  }
0x7b: {  	_ =	shalt  }
0x7c: {  	_ =	shalt  }
0x7d: {  	_ =	shalt  }
0x7e: {  	_ =	shalt  }
0x7f: {  	_ =	shalt  }
0x80: {  	_ =	shalt  }
0x81: {  	_ =	shalt  }
0x82: {  	_ =	shalt  }
0x83: {  	_ =	shalt  }
0x84: {  	_ =	shalt  }
0x85: {  	_ =	shalt  }
0x86: {  	_ =	shalt  }
0x87: {  	_ =	shalt  }
.Lfunc_end0:
.L_simem_size_0:
called_computation.1_lowered:
.L_overlay_start_0:
0x88: {  	s2 =	sld [smem:$0x3FD9]  }
0x89: {  	s3 =	sld [smem:$0x3FFE];
	_ =	sdelay $0x1  }
0x8a: {  	s1 =	srdreg.scid  }
0x8b: {  	s0 =	sand.u32 $0x1, s1  }
0x8c: {  	s16 =	sshll.u32 s0, $0xA;
	s2 =	sadd.s32 s3, s2  }
0x8d: {  	s2 =	sadd.s32 s2, s16  }
0x8e: {  	[smem:$0x3FBF] =	sst s2  }
0x8f: {  	_ = 	snop  }
0x90: {  	(tm) =	ssettm $0x1  }
0x91: {  	s17 =	sld [smem:$0x3FFB];
	_ =	sdelay $0x3  }
0x92: {  	_ =	strace s17  }
0x93: {  	s2 =	sld [smem:$0x3FFC];
	_ =	sdelay $0x3  }
0x94: {  	_ =	strace s2  }
0x95: {  	s2 =	sld [smem:$0x3FFD];
	_ =	sdelay $0x3  }
0x96: {  	_ =	strace s2  }
0x97: {  	_ =	strace $0x8FFFFFFF  }
0x98: {  	s18 =	sld [smem:$0x3FDB];
	_ =	sdelay $0x1  }
0x99: {  	s19 =	simm.s32 $_scs_section_size  }
0x9a: {  	s4 =	simm.s32 $_size__tile_overlayer_lowered;
	s5 =	simm.s32 $_tile_overlayer_lowered  }
0x9b: {  	s22 =	simm.s32 $0x1BFF;
	s21 =	sshll.u32 s5, $0x1;
	s2 =	sadd.s32 s19, s18  }
0x9c: {  	s6 =	simm.s32 $0x0;
	s20 =	sshll.u32 s4, $0x1;
	s4 =	sadd.s32 s21, s2  }
0x9d: {  	[timem:s6], [sflag:s22] =	dma.local [hbm:s4], s20  }
0x9e: {  	_ =	swait.ge [sflag:s22], s20  }
0x9f: {  	s3 =	ssub.s32 $0x0, s20;
	[sflag:s22] =	ssyncset.done $0x0  }
0xa0: {  	[sflag:s22] =	ssyncadd.s32 s3;
	_ =	sdelay $0x1  }
0xa1: {  	s23 =	simm.s32 $0x1B8B  }
0xa2: {  	_ =	swait.ge [sflag:s23], $0x1  }
0xa3: {  	[sflag:s23] =	ssyncset.done $0x0  }
0xa4: {  	s25 =	simm.s32 $0x1B8E;
	s24 =	sld [smem:$0x3FFE];
	[sflag:s23] =	ssyncadd.s32 $0xFFFFFFFF  }
0xa5: {  	s26 =	simm.s32 $execute0_lowered;
	[smem:$0x3FD2] =	sst s25  }
0xa6: {  	s4 =	sshll.u32 s26, $0x1;
	_ =	strace $0x80000049;
	[dreg:$0x1] =	wrdreg $0xFFFFFFFF  }
0xa7: {  	s28 =	simm.s32 $_size_execute0_lowered;
	s2 =	sadd.s32 s2, s4;
	[dreg:$0x0] =	wrdreg $0x0  }
0xa8: {  	s4 =	sshll.u32 s28, $0x1;
	[dreg:$0x2] =	wrdreg s2  }
0xa9: {  	[dreg:$0x3] =	wrdreg s4  }
0xaa: {  	[dreg:$0x4] =	wrdreg $0xC0  }
0xab: {  	_ =	task [dreg:s6], $0x5FFFF  }
0xac: {  	[dreg:$0x1] =	wrdreg $0xFFFFFFFF  }
0xad: {  	[dreg:$0x0] =	wrdreg $0x60  }
0xae: {  	[dreg:$0x2] =	wrdreg s24  }
0xaf: {  	[dreg:$0x3] =	wrdreg $0x90000  }
0xb0: {  	[dreg:$0x4] =	wrdreg $0x9  }
0xb1: {  	_ =	task.clear_ibuf [dreg:s6], $0x5FFFF;
	_ =	strace $0x90000049  }
0xb2: {  	s29 =	simm.s32 $0x9;
	_ =	strace $0x8000004B  }
0xb3: {  	_ =	swait.ge [sflag:s29], $0x1  }
0xb4: {  	[sflag:s29] =	ssyncadd.s32 $0xFFFFFFFF  }
0xb5: {  	_ =	strace $0x9000004B  }
0xb6: {  	_ =	sfence  }
0xb7: {  	s30 =	sld [smem:$0x0];
	_ =	sdelay $0x2  }
0xb8: {  	s31 =	sshll.u32 s1, $0xD;
	s1 =	sshrl.u32 s1, $0x2  }
0xb9: {  	s3 =	sand.u32 $0x4000, s31;
	s1 =	sadd.s32 s1, s30  }
0xba: {  	s0 =	sor.u32 s3, s0;
	s1 =	sshll.u32 s1, $0x11  }
0xbb: {  	s0 =	sor.u32 s1, s0  }
0xbc: {  	s0 =	sadd.s32 $0x8F2B, s0  }
0xbd: {  	[sflag:s0] =	ssyncadd.remote.s32 $0x1  }
0xbe: {  	_ =	sfence.sel $0xFFFF  }
0xbf: {  	[dreg:$0x0] =	wrdreg $0xFFFFFFFF;
	(pc) =	sbr.abs _section_cstart, $3  }
0xc0: {  	[dreg:$0x1] =	wrdreg $0xFFFFFFFF  }
0xc1: {  	_ =	task.clear_ibuf [dreg:s6], $0x2FFFF;
	_ =	strace $0x9FFFFFFF  }
0xc2: {  	(tm) =	ssettm $0x7FFFFFFF  }
0xc3: {  	_ =	shalt  }
tec
execute0_lowered:
.L_overlay_start_1:
0x0: {  	(tag) =	ssettag $0x1  }
0x1: {  	s0 =	rddreg [dreg:$0x0]  }
0x2: {  	s1 =	rddreg [dreg:$0x1];
	s2 =	simm.s32 $0x0  }
0x3: {  	s3 =	srdreg.scid;
	s14 =	stileid.u32;
	s28 =	simm.s32 $0x1000  }
0x4: {  	s29 =	simm.s32 $0x5000;
	s30 =	simm.s32 $0x1;
	s31 =	simm.s32 $0x2  }
0x5: {  	[smem:$0x7FF] =	sst s2;
	s4 =	sadd.s32 $0x1A200, s0;
	s5 =	sadd.s32 $0xDA00, s0  }
0x6: {  	s3 =	sand.u32 $0x1, s3;
	s7 =	smul.u32 $0x2780, s14;
	s11 =	sadd.s32 $0x3A00, s0  }
0x7: {  	s6 =	sadd.s32 $0x17A00, s0;
	s9 =	smul.u32 $0x4F000, s14;
	s15 =	sshll.u32 s14, $0x6  }
0x8: {  	_ =	strace $0x8000004A;
	[dreg:$0xc] =	wrdreg s6;
	s8 =	smul.u32 $0x27800, s3  }
0x9: {  	p0 =	seq.s32 s3, $0x0;
	s6 =	simm.s32 $0x98;
	s10 =	ssub.s32 $0x2, s3  }
0xa: {  	s12 =	smul.u32 $0x980, s3;
	s6 =	simm.s32 @!p0 $0x8;
	s25 =	sshrl.u32 s10, $0x1  }
0xb: {  	p0 =	sne.s32 s3, $0x0;
	s7 =	sadd.s32 s7, s8;
	s18 =	sadd.s32 $0xFFFFFFFE, s6  }
0xc: {  	s13 =	smul.u32 s14, s6;
	s19 =	sadd.s32 $0xFFFFFFFD, s6;
	[dreg:$0x3] =	wrdreg s18  }
0xd: {  	s26 =	ssub.s32 s10, s25;
	s20 =	sadd.s32 $0xFFFFFFFC, s6;
	[dreg:$0x4] =	wrdreg s19  }
0xe: {  	s10 =	sshrl.u32 s9, $0x2;
	s21 =	sadd.s32 $0xFFFFFFFB, s6;
	[dreg:$0x5] =	wrdreg s20  }
0xf: {  	s9 =	sshrl.u32 s6, $0x3;
	s22 =	sadd.s32 $0xFFFFFFFA, s6;
	[dreg:$0x6] =	wrdreg s21  }
0x10: {  	s23 =	sadd.s32 $0xFFFFFFF9, s6;
	s0 =	sadd.s32 s7, s0;
	[dreg:$0x7] =	wrdreg s22  }
0x11: {  	s8 =	sadd.s32 s10, s1;
	[dreg:$0x8] =	wrdreg s23;
	s25 =	smax.u32 s26, $0x1  }
0x12: {  	s26 =	sshll.u32 s9, $0x7;
	[dreg:$0xd] =	wrdreg s8;
	s16 =	sadd.s32 s12, s13  }
0x13: {  	s8 =	sor.u32 $0x1C05, s15;
	s17 =	sshll.u32 s13, $0x4;
	[dreg:$0x12] =	wrdreg s25  }
0x14: {  	s15 =	smul.u32 $0x4C000, s3;
	s0 =	sadd.s32 $0x41400, s0;
	[dreg:$0xb] =	wrdreg s26  }
0x15: {  	s13 =	sshll.u32 s13, $0x7;
	s26 =	simm.s32 $0x80;
	[dreg:$0x11] =	wrdreg s0  }
0x16: {  	s3 =	simm.s32 $0x0;
	s12 =	sshll.u32 s16, $0x4;
	[dreg:$0xe] =	wrdreg s8  }
0x17: {  	s16 =	sadd.s32 s11, s12;
	s11 =	sadd.s32 s17, s11;
	s13 =	sadd.s32 s15, s13  }
0x18: {  	s13 =	sadd.s32 $0x800, s13;
	s11 =	sadd.s32 $0x80, s11;
	[dreg:$0xf] =	wrdreg s16  }
0x19: {  	s24 =	sadd.s32 $0x100, s16;
	s13 =	sshrl.u32 s13, $0x3;
	[dreg:$0x10] =	wrdreg s11  }
0x1a: {  	s10 =	sadd.s32 s5, s12;
	[dreg:$0xa] =	wrdreg s24;
	s5 =	sadd.s32 s13, s5  }
0x1b: {  	s12 =	sadd.s32 $0x80, s10;
	s16 =	simm.s32 $0x5;
	[dreg:$0x9] =	wrdreg s5  }
.LBB2_1:
0x1c: {  	[dreg:$0x13] =	wrdreg s3  }
0x1d: {  	s0 =	rddreg [dreg:$0xd]  }
0x1e: {  	s5 =	rddreg [dreg:$0xc];
	s0 =	sshrl.u32 s0, $0x3  }
0x1f: {  	[dreg:$0x14] =	wrdreg s0  }
0x20: {  	[spmem:s0], [sflag:s8] =	dma.local [hbm:s5], $0x2780  }
0x21: {  	_ =	swait.ge [sflag:s16], $0x2780  }
0x22: {  	[sflag:s16] =	ssyncset.done $0x0  }
0x23: {  	[sflag:s16] =	ssyncadd.s32 $0xFFFFD880  }
0x24: {  	[tilespmem:s2], [sflag:$0x3] =	stream.linear.gather [hbm4b:s10+s2], $0x80, $0x38;
	[tilespmem:$0x1CC00] =	vst v63  }
0x25: {  	s3 =	simm.s32 $0x100;
	s5 =	sadd.s32 $0x10, s10  }
0x26: {  	[tilespmem:s3], [sflag:$0x3] =	stream.linear.gather [hbm4b:s5+s2], $0x80, $0x38;
	[tilespmem:$0x1CC00] =	vst v63  }
0x27: {  	s7 =	sadd.s32 $0x20, s10;
	s8 =	simm.s32 $0x200  }
0x28: {  	[tilespmem:s8], [sflag:$0x3] =	stream.linear.gather [hbm4b:s7+s2], $0x80, $0x38;
	[tilespmem:$0x1CC00] =	vst v63  }
0x29: {  	s11 =	sadd.s32 $0x30, s10;
	s13 =	simm.s32 $0x300  }
0x2a: {  	[tilespmem:s13], [sflag:$0x3] =	stream.linear.gather [hbm4b:s11+s2], $0x80, $0x38;
	[tilespmem:$0x1CC00] =	vst v63  }
0x2b: {  	s14 =	sadd.s32 $0x40, s10;
	s15 =	simm.s32 $0x400  }
0x2c: {  	[tilespmem:s15], [sflag:$0x3] =	stream.linear.gather [hbm4b:s14+s2], $0x80, $0x38;
	[tilespmem:$0x1CC00] =	vst v63  }
0x2d: {  	s17 =	sadd.s32 $0x50, s10;
	s18 =	simm.s32 $0x500  }
0x2e: {  	[tilespmem:s18], [sflag:$0x3] =	stream.linear.gather [hbm4b:s17+s2], $0x80, $0x38;
	[tilespmem:$0x1CC00] =	vst v63  }
0x2f: {  	s19 =	sadd.s32 $0x60, s10;
	s20 =	simm.s32 $0x600  }
0x30: {  	[tilespmem:s20], [sflag:$0x3] =	stream.linear.gather [hbm4b:s19+s2], $0x80, $0x38;
	[tilespmem:$0x1CC00] =	vst v63  }
0x31: {  	s21 =	sadd.s32 $0x70, s10;
	s22 =	simm.s32 $0x700  }
0x32: {  	[tilespmem:s22], [sflag:$0x3] =	stream.linear.gather [hbm4b:s21+s2], $0x80, $0x38;
	[tilespmem:$0x1CC00] =	vst v63  }
0x33: {  	s24 =	simm.s32 $0x800;
	s23 =	rddreg [dreg:$0xf]  }
0x34: {  	[tilespmem:s24], [sflag:$0x3] =	stream.linear.gather [hbm4b:s23+s2], $0x400, $0x38;
	[tilespmem:$0x1CC00] =	vst v63  }
0x35: {  	s5 =	simm.s32 @!p0 $0x0;
	s7 =	simm.s32 @!p0 $0x80  }
0x36: {  	[tilespmem:s7], [sflag:$0x4] =	stream.linear.gather @!p0 [hbm4b:s12+s5], $0x80, $0x38;
	[tilespmem:$0x1CC00] =	vst v63  }
0x37: {  	s11 =	simm.s32 @!p0 $0x180;
	s7 =	sadd.s32 @!p0 $0x10, s12  }
0x38: {  	[tilespmem:s11], [sflag:$0x4] =	stream.linear.gather @!p0 [hbm4b:s7+s5], $0x80, $0x38;
	[tilespmem:$0x1CC00] =	vst v63  }
0x39: {  	s7 =	sadd.s32 @!p0 $0x20, s12;
	s11 =	simm.s32 @!p0 $0x280  }
0x3a: {  	[tilespmem:s11], [sflag:$0x4] =	stream.linear.gather @!p0 [hbm4b:s7+s5], $0x80, $0x38;
	[tilespmem:$0x1CC00] =	vst v63  }
0x3b: {  	s7 =	sadd.s32 @!p0 $0x30, s12;
	s11 =	simm.s32 @!p0 $0x380  }
0x3c: {  	[tilespmem:s11], [sflag:$0x4] =	stream.linear.gather @!p0 [hbm4b:s7+s5], $0x80, $0x38;
	[tilespmem:$0x1CC00] =	vst v63  }
0x3d: {  	s7 =	sadd.s32 @!p0 $0x40, s12;
	s11 =	simm.s32 @!p0 $0x480  }
0x3e: {  	[tilespmem:s11], [sflag:$0x4] =	stream.linear.gather @!p0 [hbm4b:s7+s5], $0x80, $0x38;
	[tilespmem:$0x1CC00] =	vst v63  }
0x3f: {  	s7 =	sadd.s32 @!p0 $0x50, s12;
	s11 =	simm.s32 @!p0 $0x580  }
0x40: {  	[tilespmem:s11], [sflag:$0x4] =	stream.linear.gather @!p0 [hbm4b:s7+s5], $0x80, $0x38;
	[tilespmem:$0x1CC00] =	vst v63  }
0x41: {  	s7 =	sadd.s32 @!p0 $0x60, s12;
	s11 =	simm.s32 @!p0 $0x680  }
0x42: {  	[tilespmem:s11], [sflag:$0x4] =	stream.linear.gather @!p0 [hbm4b:s7+s5], $0x80, $0x38;
	[tilespmem:$0x1CC00] =	vst v63  }
0x43: {  	s7 =	sadd.s32 @!p0 $0x70, s12;
	s11 =	simm.s32 @!p0 $0x780  }
0x44: {  	[tilespmem:s11], [sflag:$0x4] =	stream.linear.gather @!p0 [hbm4b:s7+s5], $0x80, $0x38;
	[tilespmem:$0x1CC00] =	vst v63  }
0x45: {  	s25 =	simm.s32 $0x3;
	s0 =	rddreg [dreg:$0x10];
	s7 =	simm.s32 @!p0 $0xC00  }
0x46: {  	[tilespmem:s7], [sflag:$0x4] =	stream.linear.gather @!p0 [hbm4b:s0+s5], $0x400, $0x38;
	[tilespmem:$0x1CC00] =	vst v63  }
0x47: {  	_ =	swait.ge [sflag:s25], $0x400  }
0x48: {  	[sflag:s25] =	ssyncset.done $0x0  }
0x49: {  	[sflag:s25] =	ssyncadd.s32 $0xFFFFFC00  }
0x4a: {  	_ =	swait.ge [sflag:s25], $0x400  }
0x4b: {  	[sflag:s25] =	ssyncset.done $0x0  }
0x4c: {  	p1 =	sle.u32 s9, $0x1;
	s18 =	simm.s32 $0x1;
	[sflag:s25] =	ssyncadd.s32 $0xFFFFFC00  }
0x4d: {  	[tilespmem:s28], [sflag:$0x1] =	stream.indirect.gather [hbm4b:s4+s26], $0x80, s2, s26, $0xb8;
	[tilespmem:$0x1CC00] =	vst v63  }
0x4e: {  	s5 =	sand.u32 @!p1 $0x1, s18  }
0x4f: {  	[tilespmem:s29], [sflag:$0x2] =	stream.indirect.gather [hbm4b:s4+s26], $0x80, s3, s26, $0xb8;
	[tilespmem:$0x1CC00] =	vst v63  }
0x50: {  	s5 =	sadd.s32 @!p1 $0x3, s5;
	[bflag:$0x0] =	sbarrier.arrive $0xFFFF  }
0x51: {  	_ =	swait.ge @!p1 [sflag:s5], $0x400  }
0x52: {  	[sflag:s5] =	ssyncset.done @!p1 $0x0  }
0x53: {  	[sflag:s5] =	ssyncadd.s32 @!p1 $0xFFFFFC00  }
0x54: {  	_ =	swait.ge @!p1 [sflag:s5], $0x400  }
0x55: {  	[sflag:s5] =	ssyncset.done @!p1 $0x0  }
0x56: {  	[sflag:s5] =	ssyncadd.s32 @!p1 $0xFFFFFC00  }
0x57: {  	_ =	swait.ge [sflag:s30], $0x4000  }
0x58: {  	s0 =	sand.u32 $0x400, s2;
	[sflag:s30] =	ssyncset.done $0x0  }
0x59: {  	s3 =	sor.u32 $0x800, s0;
	[sflag:s30] =	ssyncadd.s32 $0xFFFFC000  }
0x5a: {  	[spmem:s1] =	stream.indirect.scatter.add.f32 [tilespmem:s28], [sflag:$0x5], $0x80, s3, s26, $0xb8;
	[tilespmem:$0x1CC00] =	vst v63  }
0x5b: {  	_ =	swait.ge [sflag:s16], $0x4000  }
0x5c: {  	s8 =	rddreg [dreg:$0x3]  }
0x5d: {  	[sflag:s16] =	ssyncset.done $0x0;
	p1 =	sle.u32 s8, $0x0  }
0x5e: {  	[sflag:s16] =	ssyncadd.s32 $0xFFFFC000;
	s7 =	sand.u32 @!p1 $0x80, s2  }
0x5f: {  	s11 =	simm.s32 @!p1 $0x80;
	s13 =	simm.s32 @!p1 $0x1000;
	s7 =	sor.u32 @!p1 $0x200, s7  }
0x60: {  	[tilespmem:s13], [sflag:$0x1] =	stream.indirect.gather @!p1 [hbm4b:s4+s11], $0x80, s7, s11, $0xb8;
	[tilespmem:$0x1CC00] =	vst v63  }
0x61: {  	_ =	swait.ge [sflag:s31], $0x4000  }
0x62: {  	[sflag:s31] =	ssyncset.done $0x0  }
0x63: {  	s11 =	sadd.s32 $0x880, s0;
	[sflag:s31] =	ssyncadd.s32 $0xFFFFC000  }
0x64: {  	[spmem:s1] =	stream.indirect.scatter.add.f32 [tilespmem:s29], [sflag:$0x5], $0x80, s11, s26, $0xb8;
	[tilespmem:$0x1CC00] =	vst v63  }
0x65: {  	_ =	swait.ge [sflag:s16], $0x4000  }
0x66: {  	s13 =	rddreg [dreg:$0x4]  }
0x67: {  	[sflag:s16] =	ssyncset.done $0x0;
	p1 =	sle.u32 s13, $0x0  }
0x68: {  	[sflag:s16] =	ssyncadd.s32 $0xFFFFC000;
	s7 =	sand.u32 @!p1 $0x80, s2  }
0x69: {  	s11 =	simm.s32 @!p1 $0x80;
	s13 =	simm.s32 @!p1 $0x5000;
	s7 =	sor.u32 @!p1 $0x300, s7  }
0x6a: {  	[tilespmem:s13], [sflag:$0x2] =	stream.indirect.gather @!p1 [hbm4b:s4+s11], $0x80, s7, s11, $0xb8;
	[tilespmem:$0x1CC00] =	vst v63  }
0x6b: {  	_ =	swait.ge [sflag:s30], $0x4000  }
0x6c: {  	[sflag:s30] =	ssyncset.done $0x0  }
0x6d: {  	s14 =	sadd.s32 $0x900, s0;
	[sflag:s30] =	ssyncadd.s32 $0xFFFFC000  }
0x6e: {  	[spmem:s1] =	stream.indirect.scatter.add.f32 [tilespmem:s28], [sflag:$0x5], $0x80, s14, s26, $0xb8;
	[tilespmem:$0x1CC00] =	vst v63  }
0x6f: {  	_ =	swait.ge [sflag:s16], $0x4000  }
0x70: {  	s15 =	rddreg [dreg:$0x5]  }
0x71: {  	[sflag:s16] =	ssyncset.done $0x0;
	p1 =	sle.u32 s15, $0x0  }
0x72: {  	[sflag:s16] =	ssyncadd.s32 $0xFFFFC000;
	s7 =	sand.u32 @!p1 $0x80, s2  }
0x73: {  	s11 =	simm.s32 @!p1 $0x80;
	s13 =	simm.s32 @!p1 $0x1000;
	s7 =	sor.u32 @!p1 $0x400, s7  }
0x74: {  	[tilespmem:s13], [sflag:$0x1] =	stream.indirect.gather @!p1 [hbm4b:s4+s11], $0x80, s7, s11, $0xb8;
	[tilespmem:$0x1CC00] =	vst v63  }
0x75: {  	_ =	swait.ge [sflag:s31], $0x4000  }
0x76: {  	[sflag:s31] =	ssyncset.done $0x0  }
0x77: {  	s17 =	sadd.s32 $0x980, s0;
	[sflag:s31] =	ssyncadd.s32 $0xFFFFC000  }
0x78: {  	[spmem:s1] =	stream.indirect.scatter.add.f32 [tilespmem:s29], [sflag:$0x5], $0x80, s17, s26, $0xb8;
	[tilespmem:$0x1CC00] =	vst v63  }
0x79: {  	_ =	swait.ge [sflag:s16], $0x4000  }
0x7a: {  	s19 =	rddreg [dreg:$0x6]  }
0x7b: {  	[sflag:s16] =	ssyncset.done $0x0;
	p1 =	sle.u32 s19, $0x0  }
0x7c: {  	[sflag:s16] =	ssyncadd.s32 $0xFFFFC000;
	s7 =	sand.u32 @!p1 $0x80, s2  }
0x7d: {  	s11 =	simm.s32 @!p1 $0x80;
	s13 =	simm.s32 @!p1 $0x5000;
	s7 =	sor.u32 @!p1 $0x500, s7  }
0x7e: {  	[tilespmem:s13], [sflag:$0x2] =	stream.indirect.gather @!p1 [hbm4b:s4+s11], $0x80, s7, s11, $0xb8;
	[tilespmem:$0x1CC00] =	vst v63  }
0x7f: {  	_ =	swait.ge [sflag:s30], $0x4000  }
0x80: {  	[sflag:s30] =	ssyncset.done $0x0  }
0x81: {  	s20 =	sadd.s32 $0xA00, s0;
	[sflag:s30] =	ssyncadd.s32 $0xFFFFC000  }
0x82: {  	[spmem:s1] =	stream.indirect.scatter.add.f32 [tilespmem:s28], [sflag:$0x5], $0x80, s20, s26, $0xb8;
	[tilespmem:$0x1CC00] =	vst v63  }
0x83: {  	_ =	swait.ge [sflag:s16], $0x4000  }
0x84: {  	s21 =	rddreg [dreg:$0x7]  }
0x85: {  	[sflag:s16] =	ssyncset.done $0x0;
	p1 =	sle.u32 s21, $0x0  }
0x86: {  	[sflag:s16] =	ssyncadd.s32 $0xFFFFC000;
	s7 =	sand.u32 @!p1 $0x80, s2  }
0x87: {  	s11 =	simm.s32 @!p1 $0x80;
	s13 =	simm.s32 @!p1 $0x1000;
	s7 =	sor.u32 @!p1 $0x600, s7  }
0x88: {  	[tilespmem:s13], [sflag:$0x1] =	stream.indirect.gather @!p1 [hbm4b:s4+s11], $0x80, s7, s11, $0xb8;
	[tilespmem:$0x1CC00] =	vst v63  }
0x89: {  	_ =	swait.ge [sflag:s31], $0x4000  }
0x8a: {  	[sflag:s31] =	ssyncset.done $0x0  }
0x8b: {  	s22 =	sadd.s32 $0xA80, s0;
	[sflag:s31] =	ssyncadd.s32 $0xFFFFC000  }
0x8c: {  	[spmem:s1] =	stream.indirect.scatter.add.f32 [tilespmem:s29], [sflag:$0x5], $0x80, s22, s26, $0xb8;
	[tilespmem:$0x1CC00] =	vst v63  }
0x8d: {  	_ =	swait.ge [sflag:s16], $0x4000  }
0x8e: {  	s23 =	rddreg [dreg:$0x8]  }
0x8f: {  	[sflag:s16] =	ssyncset.done $0x0;
	p1 =	sle.u32 s23, $0x0  }
0x90: {  	[sflag:s16] =	ssyncadd.s32 $0xFFFFC000;
	s7 =	sand.u32 @!p1 $0x80, s2  }
0x91: {  	s11 =	simm.s32 @!p1 $0x80;
	s13 =	simm.s32 @!p1 $0x5000;
	s7 =	sor.u32 @!p1 $0x700, s7  }
0x92: {  	[tilespmem:s13], [sflag:$0x2] =	stream.indirect.gather @!p1 [hbm4b:s4+s11], $0x80, s7, s11, $0xb8;
	[tilespmem:$0x1CC00] =	vst v63  }
0x93: {  	_ =	swait.ge [sflag:s30], $0x4000  }
0x94: {  	[sflag:s30] =	ssyncset.done $0x0  }
0x95: {  	s24 =	sadd.s32 $0xB00, s0;
	[sflag:s30] =	ssyncadd.s32 $0xFFFFC000  }
0x96: {  	[spmem:s1] =	stream.indirect.scatter.add.f32 [tilespmem:s28], [sflag:$0x5], $0x80, s24, s26, $0xb8;
	[tilespmem:$0x1CC00] =	vst v63  }
0x97: {  	p1 =	sle.u32 s6, $0x8;
	_ =	swait.ge [sflag:s16], $0x4000  }
0x98: {  	s7 =	sxor.u32 @!p1 $0xFFFFFFFF, s2;
	s11 =	simm.s32 @!p1 $0x1000;
	[sflag:s16] =	ssyncset.done $0x0  }
0x99: {  	s13 =	simm.s32 @!p1 $0x80;
	s7 =	sand.u32 @!p1 $0x80, s7;
	[sflag:s16] =	ssyncadd.s32 $0xFFFFC000  }
0x9a: {  	[tilespmem:s11], [sflag:$0x1] =	stream.indirect.gather @!p1 [hbm4b:s4+s13], $0x80, s7, s13, $0xb8;
	[tilespmem:$0x1CC00] =	vst v63  }
0x9b: {  	p2 =	sle.u32 s6, $0x9;
	_ =	swait.ge [sflag:s31], $0x4000  }
0x9c: {  	s5 =	sadd.s32 $0xB80, s0;
	s14 =	simm.s32 @!p2 $0x5000;
	[sflag:s31] =	ssyncset.done $0x0  }
0x9d: {  	p1 =	sle.u32 s9, $0x2;
	s13 =	simm.s32 @!p2 $0x80;
	[sflag:s31] =	ssyncadd.s32 $0xFFFFC000  }
0x9e: {  	[spmem:s1] =	stream.indirect.scatter.add.f32 [tilespmem:s29], [sflag:$0x5], $0x80, s5, s26, $0xb8;
	[tilespmem:$0x1CC00] =	vst v63  }
0x9f: {  	s21 =	sand.u32 @!p1 $0x1, s2;
	s5 =	simm.s32 @!p2 $0x90;
	_ =	swait.ge [sflag:s16], $0x4000  }
0xa0: {  	s7 =	sand.u32 @!p2 $0x80, s5;
	s5 =	simm.s32 @!p1 $0x0;
	[sflag:s16] =	ssyncset.done $0x0  }
0xa1: {  	s11 =	rddreg [dreg:$0x9];
	s7 =	sor.u32 @!p2 $0x100, s7;
	[sflag:s16] =	ssyncadd.s32 $0xFFFFC000  }
0xa2: {  	[tilespmem:s14], [sflag:$0x2] =	stream.indirect.gather @!p2 [hbm4b:s4+s13], $0x80, s7, s13, $0xb8;
	[tilespmem:$0x1CC00] =	vst v63  }
0xa3: {  	s25 =	rddreg [dreg:$0xb];
	s11 =	sadd.s32 @!p1 $0x0, s11;
	s7 =	sadd.s32 @!p1 $0x3, s21  }
0xa4: {  	s13 =	sshll.u32 @!p1 s21, $0x7;
	s19 =	sadd.s32 @!p1 $0x10, s11;
	s22 =	sadd.s32 @!p1 $0x60, s11  }
0xa5: {  	[tilespmem:s13], [sflag:s7] =	stream.linear.gather @!p1 [hbm4b:s11+s5], $0x80, $0x38;
	[tilespmem:$0x1CC00] =	vst v63  }
0xa6: {  	s21 =	sshll.u32 @!p1 s21, $0xA;
	p2 =	sne.s32 s25, $0x80;
	s14 =	sor.u32 @!p1 $0x100, s13  }
0xa7: {  	[tilespmem:s14], [sflag:s7] =	stream.linear.gather @!p1 [hbm4b:s19+s5], $0x80, $0x38;
	[tilespmem:$0x1CC00] =	vst v63  }
0xa8: {  	s20 =	sor.u32 @!p1 $0x500, s13;
	s14 =	sor.u32 @!p1 $0x200, s13;
	s19 =	sadd.s32 @!p1 $0x20, s11  }
0xa9: {  	[tilespmem:s14], [sflag:s7] =	stream.linear.gather @!p1 [hbm4b:s19+s5], $0x80, $0x38;
	[tilespmem:$0x1CC00] =	vst v63  }
0xaa: {  	s23 =	sor.u32 @!p1 $0x600, s13;
	s14 =	sadd.s32 @!p1 $0x30, s11;
	s19 =	sor.u32 @!p1 $0x300, s13  }
0xab: {  	[tilespmem:s19], [sflag:s7] =	stream.linear.gather @!p1 [hbm4b:s14+s5], $0x80, $0x38;
	[tilespmem:$0x1CC00] =	vst v63  }
0xac: {  	s14 =	sadd.s32 @!p1 $0x40, s11;
	s19 =	sor.u32 @!p1 $0x400, s13;
	s13 =	sor.u32 @!p1 $0x700, s13  }
0xad: {  	[tilespmem:s19], [sflag:s7] =	stream.linear.gather @!p1 [hbm4b:s14+s5], $0x80, $0x38;
	[tilespmem:$0x1CC00] =	vst v63  }
.Ltmp0:
0xae: {  	s19 =	simm.s32 $0x80;
	s14 =	sadd.s32 @!p1 $0x50, s11;
	(pc) =	sbr.rel @!p2 .LBB2_3-.Ltmp0, $4  }
0xaf: {  	[tilespmem:s20], [sflag:s7] =	stream.linear.gather @!p1 [hbm4b:s14+s5], $0x80, $0x38;
	[tilespmem:$0x1CC00] =	vst v63  }
0xb0: {  	s11 =	sadd.s32 @!p1 $0x70, s11;
	s20 =	simm.s32 $0x8;
	s14 =	sor.u32 @!p1 $0x800, s21  }
0xb1: {  	[tilespmem:s23], [sflag:s7] =	stream.linear.gather @!p1 [hbm4b:s22+s5], $0x80, $0x38;
	[tilespmem:$0x1CC00] =	vst v63  }
0xb2: {  	s21 =	simm.s32 $0x0;
	s23 =	rddreg [dreg:$0xa];
	s22 =	simm.s32 $0x0  }
.LBB2_2:
0xb3: {  	[tilespmem:s13], [sflag:s7] =	stream.linear.gather @!p1 [hbm4b:s11+s5], $0x80, $0x38;
	[tilespmem:$0x1CC00] =	vst v63  }
0xb4: {  	s17 =	sadd.s32 @!p1 s21, s23;
	s23 =	smov.u32 s18;
	s18 =	sadd.s32 $0x1, s18  }
0xb5: {  	p2 =	sge.u32 s18, s9  }
0xb6: {  	s11 =	sand.u32 @!p2 $0x1, s18  }
0xb7: {  	[tilespmem:s14], [sflag:s7] =	stream.linear.gather @!p1 [hbm4b:s17+s5], $0x400, $0x38;
	[tilespmem:$0x1CC00] =	vst v63  }
0xb8: {  	s11 =	sadd.s32 @!p2 $0x3, s11  }
0xb9: {  	_ =	swait.ge @!p2 [sflag:s11], $0x400  }
0xba: {  	[sflag:s11] =	ssyncset.done @!p2 $0x0  }
0xbb: {  	[sflag:s11] =	ssyncadd.s32 @!p2 $0xFFFFFC00  }
0xbc: {  	_ =	swait.ge @!p2 [sflag:s11], $0x400  }
0xbd: {  	[sflag:s11] =	ssyncset.done @!p2 $0x0  }
0xbe: {  	[sflag:s11] =	ssyncadd.s32 @!p2 $0xFFFFFC00  }
0xbf: {  	s22 =	sadd.s32 $0x400, s22;
	_ =	swait.ge [sflag:s30], $0x4000  }
0xc0: {  	s5 =	sand.u32 $0x400, s22;
	[sflag:s30] =	ssyncset.done $0x0  }
0xc1: {  	s13 =	sor.u32 $0x800, s5;
	[sflag:s30] =	ssyncadd.s32 $0xFFFFC000  }
0xc2: {  	[spmem:s1] =	stream.indirect.scatter.add.f32 [tilespmem:s28], [sflag:$0x5], $0x80, s13, s26, $0xb8;
	[tilespmem:$0x1CC00] =	vst v63  }
0xc3: {  	_ =	swait.ge [sflag:s16], $0x4000  }
0xc4: {  	s14 =	rddreg [dreg:$0x3]  }
0xc5: {  	s21 =	smov.u32 s19;
	[sflag:s16] =	ssyncset.done $0x0;
	p1 =	sge.u32 s20, s14  }
0xc6: {  	[sflag:s16] =	ssyncadd.s32 $0xFFFFC000;
	s7 =	sand.u32 @!p1 $0x80, s21  }
0xc7: {  	s11 =	simm.s32 @!p1 $0x80;
	s13 =	simm.s32 @!p1 $0x1000;
	s7 =	sor.u32 @!p1 $0x200, s7  }
0xc8: {  	[tilespmem:s13], [sflag:$0x1] =	stream.indirect.gather @!p1 [hbm4b:s4+s11], $0x80, s7, s11, $0xb8;
	[tilespmem:$0x1CC00] =	vst v63  }
0xc9: {  	_ =	swait.ge [sflag:s31], $0x4000  }
0xca: {  	[sflag:s31] =	ssyncset.done $0x0  }
0xcb: {  	s15 =	sadd.s32 $0x880, s5;
	[sflag:s31] =	ssyncadd.s32 $0xFFFFC000  }
0xcc: {  	[spmem:s1] =	stream.indirect.scatter.add.f32 [tilespmem:s29], [sflag:$0x5], $0x80, s15, s26, $0xb8;
	[tilespmem:$0x1CC00] =	vst v63  }
0xcd: {  	_ =	swait.ge [sflag:s16], $0x4000  }
0xce: {  	s17 =	rddreg [dreg:$0x4]  }
0xcf: {  	[sflag:s16] =	ssyncset.done $0x0;
	p1 =	sge.u32 s20, s17  }
0xd0: {  	[sflag:s16] =	ssyncadd.s32 $0xFFFFC000;
	s7 =	sand.u32 @!p1 $0x80, s21  }
0xd1: {  	s11 =	simm.s32 @!p1 $0x80;
	s13 =	simm.s32 @!p1 $0x5000;
	s7 =	sor.u32 @!p1 $0x300, s7  }
0xd2: {  	[tilespmem:s13], [sflag:$0x2] =	stream.indirect.gather @!p1 [hbm4b:s4+s11], $0x80, s7, s11, $0xb8;
	[tilespmem:$0x1CC00] =	vst v63  }
0xd3: {  	_ =	swait.ge [sflag:s30], $0x4000  }
0xd4: {  	[sflag:s30] =	ssyncset.done $0x0  }
0xd5: {  	s25 =	sadd.s32 $0x900, s5;
	[sflag:s30] =	ssyncadd.s32 $0xFFFFC000  }
0xd6: {  	[spmem:s1] =	stream.indirect.scatter.add.f32 [tilespmem:s28], [sflag:$0x5], $0x80, s25, s26, $0xb8;
	[tilespmem:$0x1CC00] =	vst v63  }
0xd7: {  	_ =	swait.ge [sflag:s16], $0x4000  }
0xd8: {  	s0 =	rddreg [dreg:$0x5]  }
0xd9: {  	[sflag:s16] =	ssyncset.done $0x0;
	p1 =	sge.u32 s20, s0  }
0xda: {  	[sflag:s16] =	ssyncadd.s32 $0xFFFFC000;
	s7 =	sand.u32 @!p1 $0x80, s21  }
0xdb: {  	s11 =	simm.s32 @!p1 $0x80;
	s13 =	simm.s32 @!p1 $0x1000;
	s7 =	sor.u32 @!p1 $0x400, s7  }
0xdc: {  	[tilespmem:s13], [sflag:$0x1] =	stream.indirect.gather @!p1 [hbm4b:s4+s11], $0x80, s7, s11, $0xb8;
	[tilespmem:$0x1CC00] =	vst v63  }
0xdd: {  	_ =	swait.ge [sflag:s31], $0x4000  }
0xde: {  	[sflag:s31] =	ssyncset.done $0x0  }
0xdf: {  	s3 =	sadd.s32 $0x980, s5;
	[sflag:s31] =	ssyncadd.s32 $0xFFFFC000  }
0xe0: {  	[spmem:s1] =	stream.indirect.scatter.add.f32 [tilespmem:s29], [sflag:$0x5], $0x80, s3, s26, $0xb8;
	[tilespmem:$0x1CC00] =	vst v63  }
0xe1: {  	_ =	swait.ge [sflag:s16], $0x4000  }
0xe2: {  	s8 =	rddreg [dreg:$0x6]  }
0xe3: {  	[sflag:s16] =	ssyncset.done $0x0;
	p1 =	sge.u32 s20, s8  }
0xe4: {  	[sflag:s16] =	ssyncadd.s32 $0xFFFFC000;
	s7 =	sand.u32 @!p1 $0x80, s21  }
0xe5: {  	s11 =	simm.s32 @!p1 $0x80;
	s13 =	simm.s32 @!p1 $0x5000;
	s7 =	sor.u32 @!p1 $0x500, s7  }
0xe6: {  	[tilespmem:s13], [sflag:$0x2] =	stream.indirect.gather @!p1 [hbm4b:s4+s11], $0x80, s7, s11, $0xb8;
	[tilespmem:$0x1CC00] =	vst v63  }
0xe7: {  	_ =	swait.ge [sflag:s30], $0x4000  }
0xe8: {  	[sflag:s30] =	ssyncset.done $0x0  }
0xe9: {  	s11 =	sadd.s32 $0xA00, s5;
	[sflag:s30] =	ssyncadd.s32 $0xFFFFC000  }
0xea: {  	[spmem:s1] =	stream.indirect.scatter.add.f32 [tilespmem:s28], [sflag:$0x5], $0x80, s11, s26, $0xb8;
	[tilespmem:$0x1CC00] =	vst v63  }
0xeb: {  	_ =	swait.ge [sflag:s16], $0x4000  }
0xec: {  	s13 =	rddreg [dreg:$0x7]  }
0xed: {  	[sflag:s16] =	ssyncset.done $0x0;
	p1 =	sge.u32 s20, s13  }
0xee: {  	[sflag:s16] =	ssyncadd.s32 $0xFFFFC000;
	s7 =	sand.u32 @!p1 $0x80, s21  }
0xef: {  	s11 =	simm.s32 @!p1 $0x80;
	s13 =	simm.s32 @!p1 $0x1000;
	s7 =	sor.u32 @!p1 $0x600, s7  }
0xf0: {  	[tilespmem:s13], [sflag:$0x1] =	stream.indirect.gather @!p1 [hbm4b:s4+s11], $0x80, s7, s11, $0xb8;
	[tilespmem:$0x1CC00] =	vst v63  }
0xf1: {  	_ =	swait.ge [sflag:s31], $0x4000  }
0xf2: {  	[sflag:s31] =	ssyncset.done $0x0  }
0xf3: {  	s14 =	sadd.s32 $0xA80, s5;
	[sflag:s31] =	ssyncadd.s32 $0xFFFFC000  }
0xf4: {  	[spmem:s1] =	stream.indirect.scatter.add.f32 [tilespmem:s29], [sflag:$0x5], $0x80, s14, s26, $0xb8;
	[tilespmem:$0x1CC00] =	vst v63  }
0xf5: {  	_ =	swait.ge [sflag:s16], $0x4000  }
0xf6: {  	s15 =	rddreg [dreg:$0x8]  }
0xf7: {  	[sflag:s16] =	ssyncset.done $0x0;
	p1 =	sge.u32 s20, s15  }
0xf8: {  	[sflag:s16] =	ssyncadd.s32 $0xFFFFC000;
	s7 =	sand.u32 @!p1 $0x80, s21  }
0xf9: {  	s11 =	simm.s32 @!p1 $0x80;
	s13 =	simm.s32 @!p1 $0x5000;
	s7 =	sor.u32 @!p1 $0x700, s7  }
0xfa: {  	[tilespmem:s13], [sflag:$0x2] =	stream.indirect.gather @!p1 [hbm4b:s4+s11], $0x80, s7, s11, $0xb8;
	[tilespmem:$0x1CC00] =	vst v63  }
0xfb: {  	s24 =	smov.u32 s20;
	_ =	swait.ge [sflag:s30], $0x4000  }
0xfc: {  	s24 =	sadd.s32 $0x9, s24;
	[sflag:s30] =	ssyncset.done $0x0  }
0xfd: {  	s17 =	sadd.s32 $0xB00, s5;
	s20 =	sadd.s32 $0x8, s20;
	[sflag:s30] =	ssyncadd.s32 $0xFFFFC000  }
0xfe: {  	[spmem:s1] =	stream.indirect.scatter.add.f32 [tilespmem:s28], [sflag:$0x5], $0x80, s17, s26, $0xb8;
	[tilespmem:$0x1CC00] =	vst v63  }
0xff: {  	p2 =	sge.u32 s24, s6;
	p1 =	sge.u32 s20, s6;
	_ =	swait.ge [sflag:s16], $0x4000  }
0x100: {  	s7 =	sxor.u32 @!p1 $0xFFFFFFFF, s21;
	s11 =	simm.s32 @!p1 $0x1000;
	[sflag:s16] =	ssyncset.done $0x0  }
0x101: {  	s13 =	simm.s32 @!p1 $0x80;
	s7 =	sand.u32 @!p1 $0x80, s7;
	[sflag:s16] =	ssyncadd.s32 $0xFFFFC000  }
0x102: {  	[tilespmem:s11], [sflag:$0x1] =	stream.indirect.gather @!p1 [hbm4b:s4+s13], $0x80, s7, s13, $0xb8;
	[tilespmem:$0x1CC00] =	vst v63  }
0x103: {  	s24 =	simm.s32 @!p2 $0x5000;
	_ =	swait.ge [sflag:s31], $0x4000  }
0x104: {  	s25 =	sadd.s32 $0x2, s23;
	s5 =	sadd.s32 $0xB80, s5;
	[sflag:s31] =	ssyncset.done $0x0  }
0x105: {  	s14 =	simm.s32 @!p2 $0x80;
	p1 =	sge.u32 s25, s9;
	[sflag:s31] =	ssyncadd.s32 $0xFFFFC000  }
0x106: {  	[spmem:s1] =	stream.indirect.scatter.add.f32 [tilespmem:s29], [sflag:$0x5], $0x80, s5, s26, $0xb8;
	[tilespmem:$0x1CC00] =	vst v63  }
0x107: {  	s23 =	sand.u32 @!p1 $0x1, s23;
	s5 =	sadd.s32 @!p2 $0x90, s21;
	_ =	swait.ge [sflag:s16], $0x4000  }
0x108: {  	s15 =	sshll.u32 @!p1 s23, $0x7;
	s7 =	sand.u32 @!p2 $0x80, s5;
	[sflag:s16] =	ssyncset.done $0x0  }
0x109: {  	s11 =	rddreg [dreg:$0x9];
	s13 =	sor.u32 @!p2 $0x100, s7;
	[sflag:s16] =	ssyncadd.s32 $0xFFFFC000  }
0x10a: {  	[tilespmem:s24], [sflag:$0x2] =	stream.indirect.gather @!p2 [hbm4b:s4+s14], $0x80, s13, s14, $0xb8;
	[tilespmem:$0x1CC00] =	vst v63  }
0x10b: {  	s5 =	simm.s32 @!p1 $0x0;
	s7 =	sadd.s32 @!p1 $0x3, s23;
	s11 =	sadd.s32 @!p1 s21, s11  }
0x10c: {  	[tilespmem:s15], [sflag:s7] =	stream.linear.gather @!p1 [hbm4b:s11+s5], $0x80, $0x38;
	[tilespmem:$0x1CC00] =	vst v63  }
0x10d: {  	s19 =	sadd.s32 $0x80, s19;
	s13 =	sor.u32 @!p1 $0x100, s15;
	s24 =	sadd.s32 @!p1 $0x10, s11  }
0x10e: {  	[tilespmem:s13], [sflag:s7] =	stream.linear.gather @!p1 [hbm4b:s24+s5], $0x80, $0x38;
	[tilespmem:$0x1CC00] =	vst v63  }
0x10f: {  	s3 =	sor.u32 @!p1 $0x400, s15;
	s14 =	sor.u32 @!p1 $0x200, s15;
	s8 =	sadd.s32 @!p1 $0x20, s11  }
0x110: {  	[tilespmem:s14], [sflag:s7] =	stream.linear.gather @!p1 [hbm4b:s8+s5], $0x80, $0x38;
	[tilespmem:$0x1CC00] =	vst v63  }
0x111: {  	s17 =	rddreg [dreg:$0xb];
	s25 =	sadd.s32 @!p1 $0x30, s11;
	s13 =	sor.u32 @!p1 $0x300, s15  }
0x112: {  	[tilespmem:s13], [sflag:s7] =	stream.linear.gather @!p1 [hbm4b:s25+s5], $0x80, $0x38;
	[tilespmem:$0x1CC00] =	vst v63  }
0x113: {  	s0 =	sadd.s32 @!p1 $0x60, s11;
	p2 =	sne.s32 s17, s19;
	s24 =	sadd.s32 @!p1 $0x40, s11  }
0x114: {  	[tilespmem:s3], [sflag:s7] =	stream.linear.gather @!p1 [hbm4b:s24+s5], $0x80, $0x38;
	[tilespmem:$0x1CC00] =	vst v63  }
.Ltmp1:
0x115: {  	s8 =	sadd.s32 @!p1 $0x50, s11;
	s14 =	sor.u32 @!p1 $0x500, s15;
	(pc) =	sbr.rel @p2 .LBB2_2-.Ltmp1, $4  }
0x116: {  	s11 =	sadd.s32 @!p1 $0x70, s11;
	s25 =	sor.u32 @!p1 $0x600, s15;
	s3 =	sshll.u32 @!p1 s23, $0xA  }
0x117: {  	[tilespmem:s14], [sflag:s7] =	stream.linear.gather @!p1 [hbm4b:s8+s5], $0x80, $0x38;
	[tilespmem:$0x1CC00] =	vst v63  }
0x118: {  	s13 =	sor.u32 @!p1 $0x700, s15;
	s23 =	rddreg [dreg:$0xa];
	s14 =	sor.u32 @!p1 $0x800, s3  }
0x119: {  	[tilespmem:s25], [sflag:s7] =	stream.linear.gather @!p1 [hbm4b:s0+s5], $0x80, $0x38;
	[tilespmem:$0x1CC00] =	vst v63  }
.LBB2_3:
0x11a: {  	[tilespmem:s13], [sflag:s7] =	stream.linear.gather @!p1 [hbm4b:s11+s5], $0x80, $0x38;
	[tilespmem:$0x1CC00] =	vst v63  }
0x11b: {  	s0 =	sadd.s32 @!p1 s21, s23  }
0x11c: {  	[tilespmem:s14], [sflag:s7] =	stream.linear.gather @!p1 [hbm4b:s0+s5], $0x400, $0x38;
	[tilespmem:$0x1CC00] =	vst v63  }
0x11d: {  	[bflag:$0x0] =	sbarrier.arrive $0xFFFF  }
0x11e: {  	s8 =	rddreg [dreg:$0xe]  }
0x11f: {  	s23 =	rddreg [dreg:$0x11]  }
0x120: {  	s3 =	rddreg [dreg:$0x14]  }
0x121: {  	[hbm:s23], [sflag:s8] =	dma.local [spmem:s3], $0x2780  }
0x122: {  	_ =	swait.ge [sflag:s16], $0x2780  }
0x123: {  	s24 =	rddreg [dreg:$0x13]  }
0x124: {  	s25 =	rddreg [dreg:$0x12];
	s3 =	sadd.s32 $0x1, s24  }
0x125: {  	p1 =	sne.s32 s3, s25  }
.Ltmp2:
0x126: {  	_ = 	snop;
	(pc) =	sbr.rel @p1 .LBB2_1-.Ltmp2, $3  }
0x127: {  	_ =	sdelay $0x1  }
0x128: {  	[sflag:s16] =	ssyncset.done $0x0  }
0x129: {  	[sflag:s16] =	ssyncadd.s32 $0xFFFFD880  }
0x12a: {  	_ =	sfence.sel $0x180000  }
0x12b: {  	[bflag:$0x0] =	sbarrier.arrive $0xFFFF  }
0x12c: {  	_ =	strace $0x9000004A  }
0x12d: {  	s0 =	stileid.u32;
	[bflag:$0x2] =	sbarrier.arrive $0xFFFF  }
0x12e: {  	p0 =	sne.s32 s0, $0x0;
	s0 =	rddreg [dreg:$0x2]  }
0x12f: {  	s0 =	sadd.s32 @!p0 $0x100000, s0  }
0x130: {  	[sflag:s0] =	ssyncadd.tile.s32 @!p0 $0x1;
	_ =	shalt  }
.Lfunc_end2:
_tile_overlayer_lowered:
.L_overlay_start_2:
0x131: {  	(tag) =	ssettag $0x2  }
0x132: {  	s0 =	rddreg [dreg:$0x0];
	s2 =	stileid.u32  }
0x133: {  	s1 =	rddreg [dreg:$0x1];
	p0 =	sne.s32 s2, $0x0  }
0x134: {  	s3 =	rddreg [dreg:$0x2];
	[bflag:$0x3] =	sbarrier.arrive $0xFFFF;
	s2 =	simm.s32 @!p0 $0x1C05  }
0x135: {  	[timem:s3], [sflag:s2] =	dma.local @!p0 [hbm:s0], s1  }
0x136: {  	s0 =	simm.s32 @!p0 $0x5  }
0x137: {  	_ =	swait.ge @!p0 [sflag:s0], s1  }
0x138: {  	s1 =	ssub.s32 @!p0 $0x0, s1;
	[sflag:s0] =	ssyncset.done @!p0 $0x0  }
0x139: {  	[sflag:s0] =	ssyncadd.s32 @!p0 s1  }
0x13a: {  	[bflag:$0x3] =	sbarrier.arrive $0xFFFF  }
0x13b: {  	_ =	shalt  }

// kernel: kernel.14.cloned.1.call-start
scs
__scs_entry_jumppad:
0x0: {  	(pc) =	sbr.rel $0x88, $3  }
0x1: {  	(tag) =	ssettag $0x0;
	lr =	simm.s32 $0x1  }
0x2: {  	[smem:$0x3F98] =	sst lr;
	_ =	strace $0xD0000000  }
0x3: {  	_ = 	snop  }
0x4: {  	_ = 	snop  }
0x5: {  	_ = 	snop  }
0x6: {  	_ = 	snop  }
0x7: {  	_ = 	snop  }
__scs_overlays_trampoline_lowered:
0x8: {  	[smem:$0x3FA7] =	sst s0  }
0x9: {  	[smem:$0x3FA8] =	sst s1  }
0xa: {  	[smem:$0x3FA9] =	sst s2  }
0xb: {  	[smem:$0x3FAA] =	sst s3  }
0xc: {  	[smem:$0x3FAB] =	sst s4  }
0xd: {  	[smem:$0x3FAC] =	sst s5  }
0xe: {  	[smem:$0x3FAD] =	sst s6  }
0xf: {  	[smem:$0x3FAE] =	sst s7  }
0x10: {  	[smem:$0x3FAF] =	sst s8  }
0x11: {  	[smem:$0x3FB0] =	sst s9;
	s0 =	simm.s32 @!p0 $0x0  }
0x12: {  	s1 =	sld [smem:$0x3F96];
	s0 =	simm.s32 @p0 $0x1  }
0x13: {  	[smem:$0x3FB1] =	sst s0;
	s0 =	simm.s32 @!p1 $0x0  }
0x14: {  	s2 =	sld [smem:$0x3F95];
	s0 =	simm.s32 @p1 $0x1  }
0x15: {  	[smem:$0x3FB2] =	sst s0;
	s0 =	simm.s32 @!p2 $0x0  }
0x16: {  	s3 =	sld [smem:$0x3FDB];
	s0 =	simm.s32 @p2 $0x1  }
0x17: {  	s4 =	simm.s32 $0x1BF5;
	[smem:$0x3FB4] =	sst s0  }
0x18: {  	s0 =	sld [smem:$0x3F97];
	_ =	swait.ge [sflag:s4], $0x0  }
0x19: {  	s7 =	sld [smem:$0x3F98]  }
0x1a: {  	s8 =	sadd.s32 $0xFFFFE003, lr  }
0x1b: {  	s9 =	sadd.s32 $0xFFFFFEF7, lr;
	s5 =	simm.s32 $0xFFFFFFFF;
	p2 =	slt.u32 s8, $0xFFFFF086  }
0x1c: {  	p1 =	slt.u32 s9, $0xF7A;
	s5 =	simm.s32 @!p2 $0x0  }
0x1d: {  	s5 =	simm.s32 @p1 $0x1;
	p0 =	seq.s32 s7, s2  }
0x1e: {  	s7 =	smul.u32 @!p0 $0xF7A, s2;
	p2 =	seq.s32 @!p0 s5, $0x0  }
0x1f: {  	s9 =	smul.u32 $0xF7A, s1;
	s8 =	simm.s32 @!p0 $0x1BF5;
	p2 =	por !p2, p0  }
0x20: {  	[sflag:s8] =	ssyncset.s32 @!p0 $0xFFFFF086;
	s6 =	sadd.s32 @!p0 s3, s7;
	s7 =	simm.s32 @!p0 $0x108  }
0x21: {  	s3 =	sadd.s32 s3, s9;
	s6 =	sadd.s32 @!p0 $0x88, s6;
	s7 =	simm.s32 @p2 $0x1082  }
0x22: {  	[simem:s7], [sflag:s8] =	dma.local @!p0 [hbm:s6], $0xF7A  }
0x23: {  	s9 =	sor.u32 $0xD0000000, s2;
	s6 =	simm.s32 $0x108;
	_ =	swait.ge @!p0 [sflag:s8], $0x0  }
0x24: {  	s3 =	sadd.s32 $0x88, s3;
	s6 =	simm.s32 @!p1 $0x1082;
	[sflag:s4] =	ssyncset.s32 $0xFFFFF086  }
0x25: {  	[simem:s6], [sflag:s4] =	dma.local [hbm:s3], $0xF7A  }
0x26: {  	[smem:$0x3F98] =	sst s1;
	(tag) =	ssettag s2;
	_ =	strace s9  }
0x27: {  	s1 =	sld [smem:$0x3FA8]  }
0x28: {  	s2 =	sld [smem:$0x3FA9]  }
0x29: {  	s4 =	sld [smem:$0x3FAB]  }
0x2a: {  	p0 =	seq.s32 s5, $0x0;
	s5 =	sld [smem:$0x3FAC]  }
0x2b: {  	s6 =	sld [smem:$0x3FAD]  }
0x2c: {  	s7 =	sld [smem:$0x3FAE]  }
0x2d: {  	s3 =	simm.s32 $0x108;
	s8 =	sld [smem:$0x3FAF]  }
0x2e: {  	s3 =	simm.s32 @!p0 $0x1082;
	s9 =	sld [smem:$0x3FB0]  }
0x2f: {  	lr =	sadd.s32 s0, s3;
	s0 =	sld [smem:$0x3FA7]  }
0x30: {  	s3 =	sld [smem:$0x3FAA]  }
0x31: {  	[smem:$0x3FB3] =	sst s10  }
0x32: {  	s10 =	sld [smem:$0x3FB1];
	_ =	sdelay $0x3  }
0x33: {  	p0 =	seq.s32 s10, $0x1;
	s10 =	sld [smem:$0x3FB3];
	_ =	sdelay $0x3  }
0x34: {  	[smem:$0x3FB3] =	sst s10  }
0x35: {  	s10 =	sld [smem:$0x3FB2];
	_ =	sdelay $0x3  }
0x36: {  	p1 =	seq.s32 s10, $0x1;
	s10 =	sld [smem:$0x3FB3];
	_ =	sdelay $0x3  }
0x37: {  	[smem:$0x3FB3] =	sst s10  }
0x38: {  	s10 =	sld [smem:$0x3FB4]  }
0x39: {  	_ = 	snop;
	(pc) =	sbr.ind lr, $3  }
0x3a: {  	_ = 	snop  }
0x3b: {  	_ = 	snop  }
0x3c: {  	p2 =	seq.s32 s10, $0x1;
	s10 =	sld [smem:$0x3FB3]  }
0x3d: {  	_ =	shalt  }
0x3e: {  	_ =	shalt  }
0x3f: {  	_ =	shalt  }
0x40: {  	_ =	shalt  }
0x41: {  	_ =	shalt  }
0x42: {  	_ =	shalt  }
0x43: {  	_ =	shalt  }
0x44: {  	_ =	shalt  }
0x45: {  	_ =	shalt  }
0x46: {  	_ =	shalt  }
0x47: {  	_ =	shalt  }
0x48: {  	_ =	shalt  }
0x49: {  	_ =	shalt  }
0x4a: {  	_ =	shalt  }
0x4b: {  	_ =	shalt  }
0x4c: {  	_ =	shalt  }
0x4d: {  	_ =	shalt  }
0x4e: {  	_ =	shalt  }
0x4f: {  	_ =	shalt  }
0x50: {  	_ =	shalt  }
0x51: {  	_ =	shalt  }
0x52: {  	_ =	shalt  }
0x53: {  	_ =	shalt  }
0x54: {  	_ =	shalt  }
0x55: {  	_ =	shalt  }
0x56: {  	_ =	shalt  }
0x57: {  	_ =	shalt  }
0x58: {  	_ =	shalt  }
0x59: {  	_ =	shalt  }
0x5a: {  	_ =	shalt  }
0x5b: {  	_ =	shalt  }
0x5c: {  	_ =	shalt  }
0x5d: {  	_ =	shalt  }
0x5e: {  	_ =	shalt  }
0x5f: {  	_ =	shalt  }
0x60: {  	_ =	shalt  }
0x61: {  	_ =	shalt  }
0x62: {  	_ =	shalt  }
0x63: {  	_ =	shalt  }
0x64: {  	_ =	shalt  }
0x65: {  	_ =	shalt  }
0x66: {  	_ =	shalt  }
0x67: {  	_ =	shalt  }
0x68: {  	_ =	shalt  }
0x69: {  	_ =	shalt  }
0x6a: {  	_ =	shalt  }
0x6b: {  	_ =	shalt  }
0x6c: {  	_ =	shalt  }
0x6d: {  	_ =	shalt  }
0x6e: {  	_ =	shalt  }
0x6f: {  	_ =	shalt  }
0x70: {  	_ =	shalt  }
0x71: {  	_ =	shalt  }
0x72: {  	_ =	shalt  }
0x73: {  	_ =	shalt  }
0x74: {  	_ =	shalt  }
0x75: {  	_ =	shalt  }
0x76: {  	_ =	shalt  }
0x77: {  	_ =	shalt  }
0x78: {  	_ =	shalt  }
0x79: {  	_ =	shalt  }
0x7a: {  	_ =	shalt  }
0x7b: {  	_ =	shalt  }
0x7c: {  	_ =	shalt  }
0x7d: {  	_ =	shalt  }
0x7e: {  	_ =	shalt  }
0x7f: {  	_ =	shalt  }
0x80: {  	_ =	shalt  }
0x81: {  	_ =	shalt  }
0x82: {  	_ =	shalt  }
0x83: {  	_ =	shalt  }
0x84: {  	_ =	shalt  }
0x85: {  	_ =	shalt  }
0x86: {  	_ =	shalt  }
0x87: {  	_ =	shalt  }
.Lfunc_end0:
.L_simem_size_0:
called_computation.2_lowered:
.L_overlay_start_0:
0x88: {  	s2 =	sld [smem:$0x3FD9]  }
0x89: {  	s3 =	sld [smem:$0x3FFE];
	_ =	sdelay $0x1  }
0x8a: {  	s1 =	srdreg.scid  }
0x8b: {  	s0 =	sand.u32 $0x1, s1  }
0x8c: {  	s16 =	sshll.u32 s0, $0xA;
	s2 =	sadd.s32 s3, s2  }
0x8d: {  	s2 =	sadd.s32 s2, s16  }
0x8e: {  	[smem:$0x3FBF] =	sst s2  }
0x8f: {  	_ = 	snop  }
0x90: {  	(tm) =	ssettm $0x1  }
0x91: {  	s17 =	sld [smem:$0x3FFB];
	_ =	sdelay $0x3  }
0x92: {  	_ =	strace s17  }
0x93: {  	s2 =	sld [smem:$0x3FFC];
	_ =	sdelay $0x3  }
0x94: {  	_ =	strace s2  }
0x95: {  	s2 =	sld [smem:$0x3FFD];
	_ =	sdelay $0x3  }
0x96: {  	_ =	strace s2  }
0x97: {  	_ =	strace $0x8FFFFFFF  }
0x98: {  	s18 =	sld [smem:$0x3FDB];
	_ =	sdelay $0x1  }
0x99: {  	s19 =	simm.s32 $_scs_section_size  }
0x9a: {  	s4 =	simm.s32 $_size__tile_overlayer_lowered;
	s5 =	simm.s32 $_tile_overlayer_lowered  }
0x9b: {  	s22 =	simm.s32 $0x1BFF;
	s21 =	sshll.u32 s5, $0x1;
	s2 =	sadd.s32 s19, s18  }
0x9c: {  	s6 =	simm.s32 $0x0;
	s20 =	sshll.u32 s4, $0x1;
	s4 =	sadd.s32 s21, s2  }
0x9d: {  	[timem:s6], [sflag:s22] =	dma.local [hbm:s4], s20  }
0x9e: {  	_ =	swait.ge [sflag:s22], s20  }
0x9f: {  	s3 =	ssub.s32 $0x0, s20;
	[sflag:s22] =	ssyncset.done $0x0  }
0xa0: {  	[sflag:s22] =	ssyncadd.s32 s3;
	_ =	sdelay $0x1  }
0xa1: {  	s23 =	simm.s32 $0x1B8B  }
0xa2: {  	_ =	swait.ge [sflag:s23], $0x1  }
0xa3: {  	[sflag:s23] =	ssyncset.done $0x0  }
0xa4: {  	s25 =	simm.s32 $0x1B8E;
	s24 =	sld [smem:$0x3FFE];
	[sflag:s23] =	ssyncadd.s32 $0xFFFFFFFF  }
0xa5: {  	s26 =	simm.s32 $execute0_lowered;
	[smem:$0x3FD2] =	sst s25  }
0xa6: {  	s4 =	sshll.u32 s26, $0x1;
	_ =	strace $0x8000004C;
	[dreg:$0x1] =	wrdreg $0xFFFFFFFF  }
0xa7: {  	s28 =	simm.s32 $_size_execute0_lowered;
	s2 =	sadd.s32 s2, s4;
	[dreg:$0x0] =	wrdreg $0x0  }
0xa8: {  	s4 =	sshll.u32 s28, $0x1;
	[dreg:$0x2] =	wrdreg s2  }
0xa9: {  	[dreg:$0x3] =	wrdreg s4  }
0xaa: {  	[dreg:$0x4] =	wrdreg $0xC0  }
0xab: {  	_ =	task [dreg:s6], $0x5FFFF  }
0xac: {  	[dreg:$0x1] =	wrdreg $0xFFFFFFFF  }
0xad: {  	[dreg:$0x0] =	wrdreg $0x60  }
0xae: {  	[dreg:$0x2] =	wrdreg s24  }
0xaf: {  	[dreg:$0x3] =	wrdreg $0x90000  }
0xb0: {  	[dreg:$0x4] =	wrdreg $0x9  }
0xb1: {  	_ =	task.clear_ibuf [dreg:s6], $0x5FFFF;
	_ =	strace $0x9000004C  }
0xb2: {  	s29 =	simm.s32 $0x9;
	_ =	strace $0x8000004E  }
0xb3: {  	_ =	swait.ge [sflag:s29], $0x1  }
0xb4: {  	[sflag:s29] =	ssyncadd.s32 $0xFFFFFFFF  }
0xb5: {  	_ =	strace $0x9000004E  }
0xb6: {  	_ =	sfence  }
0xb7: {  	s30 =	sld [smem:$0x0];
	_ =	sdelay $0x2  }
0xb8: {  	s31 =	sshll.u32 s1, $0xD;
	s1 =	sshrl.u32 s1, $0x2  }
0xb9: {  	s3 =	sand.u32 $0x4000, s31;
	s1 =	sadd.s32 s1, s30  }
0xba: {  	s0 =	sor.u32 s3, s0;
	s1 =	sshll.u32 s1, $0x11  }
0xbb: {  	s0 =	sor.u32 s1, s0  }
0xbc: {  	s0 =	sadd.s32 $0x8F2B, s0  }
0xbd: {  	[sflag:s0] =	ssyncadd.remote.s32 $0x1  }
0xbe: {  	_ =	sfence.sel $0xFFFF  }
0xbf: {  	[dreg:$0x0] =	wrdreg $0xFFFFFFFF;
	(pc) =	sbr.abs _section_cstart, $3  }
0xc0: {  	[dreg:$0x1] =	wrdreg $0xFFFFFFFF  }
0xc1: {  	_ =	task.clear_ibuf [dreg:s6], $0x2FFFF;
	_ =	strace $0x9FFFFFFF  }
0xc2: {  	(tm) =	ssettm $0x7FFFFFFF  }
0xc3: {  	_ =	shalt  }
tec
execute0_lowered:
.L_overlay_start_1:
0x0: {  	(tag) =	ssettag $0x1  }
0x1: {  	s0 =	rddreg [dreg:$0x0]  }
0x2: {  	s1 =	rddreg [dreg:$0x1];
	s2 =	simm.s32 $0x0  }
0x3: {  	s3 =	srdreg.scid;
	s14 =	stileid.u32;
	s28 =	simm.s32 $0x1000  }
0x4: {  	s29 =	simm.s32 $0x5000;
	s30 =	simm.s32 $0x1;
	s31 =	simm.s32 $0x2  }
0x5: {  	[smem:$0x7FF] =	sst s2;
	s4 =	sadd.s32 $0x1A200, s0;
	s5 =	sadd.s32 $0xDA00, s0  }
0x6: {  	s3 =	sand.u32 $0x1, s3;
	s7 =	smul.u32 $0x2780, s14;
	s11 =	sadd.s32 $0x3A00, s0  }
0x7: {  	s6 =	sadd.s32 $0x17A00, s0;
	s9 =	smul.u32 $0x4F000, s14;
	s15 =	sshll.u32 s14, $0x6  }
0x8: {  	_ =	strace $0x8000004D;
	[dreg:$0xc] =	wrdreg s6;
	s8 =	smul.u32 $0x27800, s3  }
0x9: {  	p0 =	seq.s32 s3, $0x0;
	s6 =	simm.s32 $0x98;
	s10 =	ssub.s32 $0x2, s3  }
0xa: {  	s12 =	smul.u32 $0x980, s3;
	s6 =	simm.s32 @!p0 $0x8;
	s25 =	sshrl.u32 s10, $0x1  }
0xb: {  	p0 =	sne.s32 s3, $0x0;
	s7 =	sadd.s32 s7, s8;
	s18 =	sadd.s32 $0xFFFFFFFE, s6  }
0xc: {  	s13 =	smul.u32 s14, s6;
	s19 =	sadd.s32 $0xFFFFFFFD, s6;
	[dreg:$0x3] =	wrdreg s18  }
0xd: {  	s26 =	ssub.s32 s10, s25;
	s20 =	sadd.s32 $0xFFFFFFFC, s6;
	[dreg:$0x4] =	wrdreg s19  }
0xe: {  	s10 =	sshrl.u32 s9, $0x2;
	s21 =	sadd.s32 $0xFFFFFFFB, s6;
	[dreg:$0x5] =	wrdreg s20  }
0xf: {  	s9 =	sshrl.u32 s6, $0x3;
	s22 =	sadd.s32 $0xFFFFFFFA, s6;
	[dreg:$0x6] =	wrdreg s21  }
0x10: {  	s23 =	sadd.s32 $0xFFFFFFF9, s6;
	s0 =	sadd.s32 s7, s0;
	[dreg:$0x7] =	wrdreg s22  }
0x11: {  	s8 =	sadd.s32 s10, s1;
	[dreg:$0x8] =	wrdreg s23;
	s25 =	smax.u32 s26, $0x1  }
0x12: {  	s26 =	sshll.u32 s9, $0x7;
	[dreg:$0xd] =	wrdreg s8;
	s16 =	sadd.s32 s12, s13  }
0x13: {  	s8 =	sor.u32 $0x1C05, s15;
	s17 =	sshll.u32 s13, $0x4;
	[dreg:$0x12] =	wrdreg s25  }
0x14: {  	s15 =	smul.u32 $0x4C000, s3;
	s0 =	sadd.s32 $0x41400, s0;
	[dreg:$0xb] =	wrdreg s26  }
0x15: {  	s13 =	sshll.u32 s13, $0x7;
	s26 =	simm.s32 $0x80;
	[dreg:$0x11] =	wrdreg s0  }
0x16: {  	s3 =	simm.s32 $0x0;
	s12 =	sshll.u32 s16, $0x4;
	[dreg:$0xe] =	wrdreg s8  }
0x17: {  	s16 =	sadd.s32 s11, s12;
	s11 =	sadd.s32 s17, s11;
	s13 =	sadd.s32 s15, s13  }
0x18: {  	s13 =	sadd.s32 $0x800, s13;
	s11 =	sadd.s32 $0x80, s11;
	[dreg:$0xf] =	wrdreg s16  }
0x19: {  	s24 =	sadd.s32 $0x100, s16;
	s13 =	sshrl.u32 s13, $0x3;
	[dreg:$0x10] =	wrdreg s11  }
0x1a: {  	s10 =	sadd.s32 s5, s12;
	[dreg:$0xa] =	wrdreg s24;
	s5 =	sadd.s32 s13, s5  }
0x1b: {  	s12 =	sadd.s32 $0x80, s10;
	s16 =	simm.s32 $0x5;
	[dreg:$0x9] =	wrdreg s5  }
.LBB2_1:
0x1c: {  	[dreg:$0x13] =	wrdreg s3  }
0x1d: {  	s0 =	rddreg [dreg:$0xd]  }
0x1e: {  	s5 =	rddreg [dreg:$0xc];
	s0 =	sshrl.u32 s0, $0x3  }
0x1f: {  	[dreg:$0x14] =	wrdreg s0  }
0x20: {  	[spmem:s0], [sflag:s8] =	dma.local [hbm:s5], $0x2780  }
0x21: {  	_ =	swait.ge [sflag:s16], $0x2780  }
0x22: {  	[sflag:s16] =	ssyncset.done $0x0  }
0x23: {  	[sflag:s16] =	ssyncadd.s32 $0xFFFFD880  }
0x24: {  	[tilespmem:s2], [sflag:$0x3] =	stream.linear.gather [hbm4b:s10+s2], $0x80, $0x38;
	[tilespmem:$0x1CC00] =	vst v63  }
0x25: {  	s3 =	simm.s32 $0x100;
	s5 =	sadd.s32 $0x10, s10  }
0x26: {  	[tilespmem:s3], [sflag:$0x3] =	stream.linear.gather [hbm4b:s5+s2], $0x80, $0x38;
	[tilespmem:$0x1CC00] =	vst v63  }
0x27: {  	s7 =	sadd.s32 $0x20, s10;
	s8 =	simm.s32 $0x200  }
0x28: {  	[tilespmem:s8], [sflag:$0x3] =	stream.linear.gather [hbm4b:s7+s2], $0x80, $0x38;
	[tilespmem:$0x1CC00] =	vst v63  }
0x29: {  	s11 =	sadd.s32 $0x30, s10;
	s13 =	simm.s32 $0x300  }
0x2a: {  	[tilespmem:s13], [sflag:$0x3] =	stream.linear.gather [hbm4b:s11+s2], $0x80, $0x38;
	[tilespmem:$0x1CC00] =	vst v63  }
0x2b: {  	s14 =	sadd.s32 $0x40, s10;
	s15 =	simm.s32 $0x400  }
0x2c: {  	[tilespmem:s15], [sflag:$0x3] =	stream.linear.gather [hbm4b:s14+s2], $0x80, $0x38;
	[tilespmem:$0x1CC00] =	vst v63  }
0x2d: {  	s17 =	sadd.s32 $0x50, s10;
	s18 =	simm.s32 $0x500  }
0x2e: {  	[tilespmem:s18], [sflag:$0x3] =	stream.linear.gather [hbm4b:s17+s2], $0x80, $0x38;
	[tilespmem:$0x1CC00] =	vst v63  }
0x2f: {  	s19 =	sadd.s32 $0x60, s10;
	s20 =	simm.s32 $0x600  }
0x30: {  	[tilespmem:s20], [sflag:$0x3] =	stream.linear.gather [hbm4b:s19+s2], $0x80, $0x38;
	[tilespmem:$0x1CC00] =	vst v63  }
0x31: {  	s21 =	sadd.s32 $0x70, s10;
	s22 =	simm.s32 $0x700  }
0x32: {  	[tilespmem:s22], [sflag:$0x3] =	stream.linear.gather [hbm4b:s21+s2], $0x80, $0x38;
	[tilespmem:$0x1CC00] =	vst v63  }
0x33: {  	s24 =	simm.s32 $0x800;
	s23 =	rddreg [dreg:$0xf]  }
0x34: {  	[tilespmem:s24], [sflag:$0x3] =	stream.linear.gather [hbm4b:s23+s2], $0x400, $0x38;
	[tilespmem:$0x1CC00] =	vst v63  }
0x35: {  	s5 =	simm.s32 @!p0 $0x0;
	s7 =	simm.s32 @!p0 $0x80  }
0x36: {  	[tilespmem:s7], [sflag:$0x4] =	stream.linear.gather @!p0 [hbm4b:s12+s5], $0x80, $0x38;
	[tilespmem:$0x1CC00] =	vst v63  }
0x37: {  	s11 =	simm.s32 @!p0 $0x180;
	s7 =	sadd.s32 @!p0 $0x10, s12  }
0x38: {  	[tilespmem:s11], [sflag:$0x4] =	stream.linear.gather @!p0 [hbm4b:s7+s5], $0x80, $0x38;
	[tilespmem:$0x1CC00] =	vst v63  }
0x39: {  	s7 =	sadd.s32 @!p0 $0x20, s12;
	s11 =	simm.s32 @!p0 $0x280  }
0x3a: {  	[tilespmem:s11], [sflag:$0x4] =	stream.linear.gather @!p0 [hbm4b:s7+s5], $0x80, $0x38;
	[tilespmem:$0x1CC00] =	vst v63  }
0x3b: {  	s7 =	sadd.s32 @!p0 $0x30, s12;
	s11 =	simm.s32 @!p0 $0x380  }
0x3c: {  	[tilespmem:s11], [sflag:$0x4] =	stream.linear.gather @!p0 [hbm4b:s7+s5], $0x80, $0x38;
	[tilespmem:$0x1CC00] =	vst v63  }
0x3d: {  	s7 =	sadd.s32 @!p0 $0x40, s12;
	s11 =	simm.s32 @!p0 $0x480  }
0x3e: {  	[tilespmem:s11], [sflag:$0x4] =	stream.linear.gather @!p0 [hbm4b:s7+s5], $0x80, $0x38;
	[tilespmem:$0x1CC00] =	vst v63  }
0x3f: {  	s7 =	sadd.s32 @!p0 $0x50, s12;
	s11 =	simm.s32 @!p0 $0x580  }
0x40: {  	[tilespmem:s11], [sflag:$0x4] =	stream.linear.gather @!p0 [hbm4b:s7+s5], $0x80, $0x38;
	[tilespmem:$0x1CC00] =	vst v63  }
0x41: {  	s7 =	sadd.s32 @!p0 $0x60, s12;
	s11 =	simm.s32 @!p0 $0x680  }
0x42: {  	[tilespmem:s11], [sflag:$0x4] =	stream.linear.gather @!p0 [hbm4b:s7+s5], $0x80, $0x38;
	[tilespmem:$0x1CC00] =	vst v63  }
0x43: {  	s7 =	sadd.s32 @!p0 $0x70, s12;
	s11 =	simm.s32 @!p0 $0x780  }
0x44: {  	[tilespmem:s11], [sflag:$0x4] =	stream.linear.gather @!p0 [hbm4b:s7+s5], $0x80, $0x38;
	[tilespmem:$0x1CC00] =	vst v63  }
0x45: {  	s25 =	simm.s32 $0x3;
	s0 =	rddreg [dreg:$0x10];
	s7 =	simm.s32 @!p0 $0xC00  }
0x46: {  	[tilespmem:s7], [sflag:$0x4] =	stream.linear.gather @!p0 [hbm4b:s0+s5], $0x400, $0x38;
	[tilespmem:$0x1CC00] =	vst v63  }
0x47: {  	_ =	swait.ge [sflag:s25], $0x400  }
0x48: {  	[sflag:s25] =	ssyncset.done $0x0  }
0x49: {  	[sflag:s25] =	ssyncadd.s32 $0xFFFFFC00  }
0x4a: {  	_ =	swait.ge [sflag:s25], $0x400  }
0x4b: {  	[sflag:s25] =	ssyncset.done $0x0  }
0x4c: {  	p1 =	sle.u32 s9, $0x1;
	s18 =	simm.s32 $0x1;
	[sflag:s25] =	ssyncadd.s32 $0xFFFFFC00  }
0x4d: {  	[tilespmem:s28], [sflag:$0x1] =	stream.indirect.gather [hbm4b:s4+s26], $0x80, s2, s26, $0xb8;
	[tilespmem:$0x1CC00] =	vst v63  }
0x4e: {  	s5 =	sand.u32 @!p1 $0x1, s18  }
0x4f: {  	[tilespmem:s29], [sflag:$0x2] =	stream.indirect.gather [hbm4b:s4+s26], $0x80, s3, s26, $0xb8;
	[tilespmem:$0x1CC00] =	vst v63  }
0x50: {  	s5 =	sadd.s32 @!p1 $0x3, s5;
	[bflag:$0x0] =	sbarrier.arrive $0xFFFF  }
0x51: {  	_ =	swait.ge @!p1 [sflag:s5], $0x400  }
0x52: {  	[sflag:s5] =	ssyncset.done @!p1 $0x0  }
0x53: {  	[sflag:s5] =	ssyncadd.s32 @!p1 $0xFFFFFC00  }
0x54: {  	_ =	swait.ge @!p1 [sflag:s5], $0x400  }
0x55: {  	[sflag:s5] =	ssyncset.done @!p1 $0x0  }
0x56: {  	[sflag:s5] =	ssyncadd.s32 @!p1 $0xFFFFFC00  }
0x57: {  	_ =	swait.ge [sflag:s30], $0x4000  }
0x58: {  	s0 =	sand.u32 $0x400, s2;
	[sflag:s30] =	ssyncset.done $0x0  }
0x59: {  	s3 =	sor.u32 $0x800, s0;
	[sflag:s30] =	ssyncadd.s32 $0xFFFFC000  }
0x5a: {  	[spmem:s1] =	stream.indirect.scatter.add.f32 [tilespmem:s28], [sflag:$0x5], $0x80, s3, s26, $0xb8;
	[tilespmem:$0x1CC00] =	vst v63  }
0x5b: {  	_ =	swait.ge [sflag:s16], $0x4000  }
0x5c: {  	s8 =	rddreg [dreg:$0x3]  }
0x5d: {  	[sflag:s16] =	ssyncset.done $0x0;
	p1 =	sle.u32 s8, $0x0  }
0x5e: {  	[sflag:s16] =	ssyncadd.s32 $0xFFFFC000;
	s7 =	sand.u32 @!p1 $0x80, s2  }
0x5f: {  	s11 =	simm.s32 @!p1 $0x80;
	s13 =	simm.s32 @!p1 $0x1000;
	s7 =	sor.u32 @!p1 $0x200, s7  }
0x60: {  	[tilespmem:s13], [sflag:$0x1] =	stream.indirect.gather @!p1 [hbm4b:s4+s11], $0x80, s7, s11, $0xb8;
	[tilespmem:$0x1CC00] =	vst v63  }
0x61: {  	_ =	swait.ge [sflag:s31], $0x4000  }
0x62: {  	[sflag:s31] =	ssyncset.done $0x0  }
0x63: {  	s11 =	sadd.s32 $0x880, s0;
	[sflag:s31] =	ssyncadd.s32 $0xFFFFC000  }
0x64: {  	[spmem:s1] =	stream.indirect.scatter.add.f32 [tilespmem:s29], [sflag:$0x5], $0x80, s11, s26, $0xb8;
	[tilespmem:$0x1CC00] =	vst v63  }
0x65: {  	_ =	swait.ge [sflag:s16], $0x4000  }
0x66: {  	s13 =	rddreg [dreg:$0x4]  }
0x67: {  	[sflag:s16] =	ssyncset.done $0x0;
	p1 =	sle.u32 s13, $0x0  }
0x68: {  	[sflag:s16] =	ssyncadd.s32 $0xFFFFC000;
	s7 =	sand.u32 @!p1 $0x80, s2  }
0x69: {  	s11 =	simm.s32 @!p1 $0x80;
	s13 =	simm.s32 @!p1 $0x5000;
	s7 =	sor.u32 @!p1 $0x300, s7  }
0x6a: {  	[tilespmem:s13], [sflag:$0x2] =	stream.indirect.gather @!p1 [hbm4b:s4+s11], $0x80, s7, s11, $0xb8;
	[tilespmem:$0x1CC00] =	vst v63  }
0x6b: {  	_ =	swait.ge [sflag:s30], $0x4000  }
0x6c: {  	[sflag:s30] =	ssyncset.done $0x0  }
0x6d: {  	s14 =	sadd.s32 $0x900, s0;
	[sflag:s30] =	ssyncadd.s32 $0xFFFFC000  }
0x6e: {  	[spmem:s1] =	stream.indirect.scatter.add.f32 [tilespmem:s28], [sflag:$0x5], $0x80, s14, s26, $0xb8;
	[tilespmem:$0x1CC00] =	vst v63  }
0x6f: {  	_ =	swait.ge [sflag:s16], $0x4000  }
0x70: {  	s15 =	rddreg [dreg:$0x5]  }
0x71: {  	[sflag:s16] =	ssyncset.done $0x0;
	p1 =	sle.u32 s15, $0x0  }
0x72: {  	[sflag:s16] =	ssyncadd.s32 $0xFFFFC000;
	s7 =	sand.u32 @!p1 $0x80, s2  }
0x73: {  	s11 =	simm.s32 @!p1 $0x80;
	s13 =	simm.s32 @!p1 $0x1000;
	s7 =	sor.u32 @!p1 $0x400, s7  }
0x74: {  	[tilespmem:s13], [sflag:$0x1] =	stream.indirect.gather @!p1 [hbm4b:s4+s11], $0x80, s7, s11, $0xb8;
	[tilespmem:$0x1CC00] =	vst v63  }
0x75: {  	_ =	swait.ge [sflag:s31], $0x4000  }
0x76: {  	[sflag:s31] =	ssyncset.done $0x0  }
0x77: {  	s17 =	sadd.s32 $0x980, s0;
	[sflag:s31] =	ssyncadd.s32 $0xFFFFC000  }
0x78: {  	[spmem:s1] =	stream.indirect.scatter.add.f32 [tilespmem:s29], [sflag:$0x5], $0x80, s17, s26, $0xb8;
	[tilespmem:$0x1CC00] =	vst v63  }
0x79: {  	_ =	swait.ge [sflag:s16], $0x4000  }
0x7a: {  	s19 =	rddreg [dreg:$0x6]  }
0x7b: {  	[sflag:s16] =	ssyncset.done $0x0;
	p1 =	sle.u32 s19, $0x0  }
0x7c: {  	[sflag:s16] =	ssyncadd.s32 $0xFFFFC000;
	s7 =	sand.u32 @!p1 $0x80, s2  }
0x7d: {  	s11 =	simm.s32 @!p1 $0x80;
	s13 =	simm.s32 @!p1 $0x5000;
	s7 =	sor.u32 @!p1 $0x500, s7  }
0x7e: {  	[tilespmem:s13], [sflag:$0x2] =	stream.indirect.gather @!p1 [hbm4b:s4+s11], $0x80, s7, s11, $0xb8;
	[tilespmem:$0x1CC00] =	vst v63  }
0x7f: {  	_ =	swait.ge [sflag:s30], $0x4000  }
0x80: {  	[sflag:s30] =	ssyncset.done $0x0  }
0x81: {  	s20 =	sadd.s32 $0xA00, s0;
	[sflag:s30] =	ssyncadd.s32 $0xFFFFC000  }
0x82: {  	[spmem:s1] =	stream.indirect.scatter.add.f32 [tilespmem:s28], [sflag:$0x5], $0x80, s20, s26, $0xb8;
	[tilespmem:$0x1CC00] =	vst v63  }
0x83: {  	_ =	swait.ge [sflag:s16], $0x4000  }
0x84: {  	s21 =	rddreg [dreg:$0x7]  }
0x85: {  	[sflag:s16] =	ssyncset.done $0x0;
	p1 =	sle.u32 s21, $0x0  }
0x86: {  	[sflag:s16] =	ssyncadd.s32 $0xFFFFC000;
	s7 =	sand.u32 @!p1 $0x80, s2  }
0x87: {  	s11 =	simm.s32 @!p1 $0x80;
	s13 =	simm.s32 @!p1 $0x1000;
	s7 =	sor.u32 @!p1 $0x600, s7  }
0x88: {  	[tilespmem:s13], [sflag:$0x1] =	stream.indirect.gather @!p1 [hbm4b:s4+s11], $0x80, s7, s11, $0xb8;
	[tilespmem:$0x1CC00] =	vst v63  }
0x89: {  	_ =	swait.ge [sflag:s31], $0x4000  }
0x8a: {  	[sflag:s31] =	ssyncset.done $0x0  }
0x8b: {  	s22 =	sadd.s32 $0xA80, s0;
	[sflag:s31] =	ssyncadd.s32 $0xFFFFC000  }
0x8c: {  	[spmem:s1] =	stream.indirect.scatter.add.f32 [tilespmem:s29], [sflag:$0x5], $0x80, s22, s26, $0xb8;
	[tilespmem:$0x1CC00] =	vst v63  }
0x8d: {  	_ =	swait.ge [sflag:s16], $0x4000  }
0x8e: {  	s23 =	rddreg [dreg:$0x8]  }
0x8f: {  	[sflag:s16] =	ssyncset.done $0x0;
	p1 =	sle.u32 s23, $0x0  }
0x90: {  	[sflag:s16] =	ssyncadd.s32 $0xFFFFC000;
	s7 =	sand.u32 @!p1 $0x80, s2  }
0x91: {  	s11 =	simm.s32 @!p1 $0x80;
	s13 =	simm.s32 @!p1 $0x5000;
	s7 =	sor.u32 @!p1 $0x700, s7  }
0x92: {  	[tilespmem:s13], [sflag:$0x2] =	stream.indirect.gather @!p1 [hbm4b:s4+s11], $0x80, s7, s11, $0xb8;
	[tilespmem:$0x1CC00] =	vst v63  }
0x93: {  	_ =	swait.ge [sflag:s30], $0x4000  }
0x94: {  	[sflag:s30] =	ssyncset.done $0x0  }
0x95: {  	s24 =	sadd.s32 $0xB00, s0;
	[sflag:s30] =	ssyncadd.s32 $0xFFFFC000  }
0x96: {  	[spmem:s1] =	stream.indirect.scatter.add.f32 [tilespmem:s28], [sflag:$0x5], $0x80, s24, s26, $0xb8;
	[tilespmem:$0x1CC00] =	vst v63  }
0x97: {  	p1 =	sle.u32 s6, $0x8;
	_ =	swait.ge [sflag:s16], $0x4000  }
0x98: {  	s7 =	sxor.u32 @!p1 $0xFFFFFFFF, s2;
	s11 =	simm.s32 @!p1 $0x1000;
	[sflag:s16] =	ssyncset.done $0x0  }
0x99: {  	s13 =	simm.s32 @!p1 $0x80;
	s7 =	sand.u32 @!p1 $0x80, s7;
	[sflag:s16] =	ssyncadd.s32 $0xFFFFC000  }
0x9a: {  	[tilespmem:s11], [sflag:$0x1] =	stream.indirect.gather @!p1 [hbm4b:s4+s13], $0x80, s7, s13, $0xb8;
	[tilespmem:$0x1CC00] =	vst v63  }
0x9b: {  	p2 =	sle.u32 s6, $0x9;
	_ =	swait.ge [sflag:s31], $0x4000  }
0x9c: {  	s5 =	sadd.s32 $0xB80, s0;
	s14 =	simm.s32 @!p2 $0x5000;
	[sflag:s31] =	ssyncset.done $0x0  }
0x9d: {  	p1 =	sle.u32 s9, $0x2;
	s13 =	simm.s32 @!p2 $0x80;
	[sflag:s31] =	ssyncadd.s32 $0xFFFFC000  }
0x9e: {  	[spmem:s1] =	stream.indirect.scatter.add.f32 [tilespmem:s29], [sflag:$0x5], $0x80, s5, s26, $0xb8;
	[tilespmem:$0x1CC00] =	vst v63  }
0x9f: {  	s21 =	sand.u32 @!p1 $0x1, s2;
	s5 =	simm.s32 @!p2 $0x90;
	_ =	swait.ge [sflag:s16], $0x4000  }
0xa0: {  	s7 =	sand.u32 @!p2 $0x80, s5;
	s5 =	simm.s32 @!p1 $0x0;
	[sflag:s16] =	ssyncset.done $0x0  }
0xa1: {  	s11 =	rddreg [dreg:$0x9];
	s7 =	sor.u32 @!p2 $0x100, s7;
	[sflag:s16] =	ssyncadd.s32 $0xFFFFC000  }
0xa2: {  	[tilespmem:s14], [sflag:$0x2] =	stream.indirect.gather @!p2 [hbm4b:s4+s13], $0x80, s7, s13, $0xb8;
	[tilespmem:$0x1CC00] =	vst v63  }
0xa3: {  	s25 =	rddreg [dreg:$0xb];
	s11 =	sadd.s32 @!p1 $0x0, s11;
	s7 =	sadd.s32 @!p1 $0x3, s21  }
0xa4: {  	s13 =	sshll.u32 @!p1 s21, $0x7;
	s19 =	sadd.s32 @!p1 $0x10, s11;
	s22 =	sadd.s32 @!p1 $0x60, s11  }
0xa5: {  	[tilespmem:s13], [sflag:s7] =	stream.linear.gather @!p1 [hbm4b:s11+s5], $0x80, $0x38;
	[tilespmem:$0x1CC00] =	vst v63  }
0xa6: {  	s21 =	sshll.u32 @!p1 s21, $0xA;
	p2 =	sne.s32 s25, $0x80;
	s14 =	sor.u32 @!p1 $0x100, s13  }
0xa7: {  	[tilespmem:s14], [sflag:s7] =	stream.linear.gather @!p1 [hbm4b:s19+s5], $0x80, $0x38;
	[tilespmem:$0x1CC00] =	vst v63  }
0xa8: {  	s20 =	sor.u32 @!p1 $0x500, s13;
	s14 =	sor.u32 @!p1 $0x200, s13;
	s19 =	sadd.s32 @!p1 $0x20, s11  }
0xa9: {  	[tilespmem:s14], [sflag:s7] =	stream.linear.gather @!p1 [hbm4b:s19+s5], $0x80, $0x38;
	[tilespmem:$0x1CC00] =	vst v63  }
0xaa: {  	s23 =	sor.u32 @!p1 $0x600, s13;
	s14 =	sadd.s32 @!p1 $0x30, s11;
	s19 =	sor.u32 @!p1 $0x300, s13  }
0xab: {  	[tilespmem:s19], [sflag:s7] =	stream.linear.gather @!p1 [hbm4b:s14+s5], $0x80, $0x38;
	[tilespmem:$0x1CC00] =	vst v63  }
0xac: {  	s14 =	sadd.s32 @!p1 $0x40, s11;
	s19 =	sor.u32 @!p1 $0x400, s13;
	s13 =	sor.u32 @!p1 $0x700, s13  }
0xad: {  	[tilespmem:s19], [sflag:s7] =	stream.linear.gather @!p1 [hbm4b:s14+s5], $0x80, $0x38;
	[tilespmem:$0x1CC00] =	vst v63  }
.Ltmp0:
0xae: {  	s19 =	simm.s32 $0x80;
	s14 =	sadd.s32 @!p1 $0x50, s11;
	(pc) =	sbr.rel @!p2 .LBB2_3-.Ltmp0, $4  }
0xaf: {  	[tilespmem:s20], [sflag:s7] =	stream.linear.gather @!p1 [hbm4b:s14+s5], $0x80, $0x38;
	[tilespmem:$0x1CC00] =	vst v63  }
0xb0: {  	s11 =	sadd.s32 @!p1 $0x70, s11;
	s20 =	simm.s32 $0x8;
	s14 =	sor.u32 @!p1 $0x800, s21  }
0xb1: {  	[tilespmem:s23], [sflag:s7] =	stream.linear.gather @!p1 [hbm4b:s22+s5], $0x80, $0x38;
	[tilespmem:$0x1CC00] =	vst v63  }
0xb2: {  	s21 =	simm.s32 $0x0;
	s23 =	rddreg [dreg:$0xa];
	s22 =	simm.s32 $0x0  }
.LBB2_2:
0xb3: {  	[tilespmem:s13], [sflag:s7] =	stream.linear.gather @!p1 [hbm4b:s11+s5], $0x80, $0x38;
	[tilespmem:$0x1CC00] =	vst v63  }
0xb4: {  	s17 =	sadd.s32 @!p1 s21, s23;
	s23 =	smov.u32 s18;
	s18 =	sadd.s32 $0x1, s18  }
0xb5: {  	p2 =	sge.u32 s18, s9  }
0xb6: {  	s11 =	sand.u32 @!p2 $0x1, s18  }
0xb7: {  	[tilespmem:s14], [sflag:s7] =	stream.linear.gather @!p1 [hbm4b:s17+s5], $0x400, $0x38;
	[tilespmem:$0x1CC00] =	vst v63  }
0xb8: {  	s11 =	sadd.s32 @!p2 $0x3, s11  }
0xb9: {  	_ =	swait.ge @!p2 [sflag:s11], $0x400  }
0xba: {  	[sflag:s11] =	ssyncset.done @!p2 $0x0  }
0xbb: {  	[sflag:s11] =	ssyncadd.s32 @!p2 $0xFFFFFC00  }
0xbc: {  	_ =	swait.ge @!p2 [sflag:s11], $0x400  }
0xbd: {  	[sflag:s11] =	ssyncset.done @!p2 $0x0  }
0xbe: {  	[sflag:s11] =	ssyncadd.s32 @!p2 $0xFFFFFC00  }
0xbf: {  	s22 =	sadd.s32 $0x400, s22;
	_ =	swait.ge [sflag:s30], $0x4000  }
0xc0: {  	s5 =	sand.u32 $0x400, s22;
	[sflag:s30] =	ssyncset.done $0x0  }
0xc1: {  	s13 =	sor.u32 $0x800, s5;
	[sflag:s30] =	ssyncadd.s32 $0xFFFFC000  }
0xc2: {  	[spmem:s1] =	stream.indirect.scatter.add.f32 [tilespmem:s28], [sflag:$0x5], $0x80, s13, s26, $0xb8;
	[tilespmem:$0x1CC00] =	vst v63  }
0xc3: {  	_ =	swait.ge [sflag:s16], $0x4000  }
0xc4: {  	s14 =	rddreg [dreg:$0x3]  }
0xc5: {  	s21 =	smov.u32 s19;
	[sflag:s16] =	ssyncset.done $0x0;
	p1 =	sge.u32 s20, s14  }
0xc6: {  	[sflag:s16] =	ssyncadd.s32 $0xFFFFC000;
	s7 =	sand.u32 @!p1 $0x80, s21  }
0xc7: {  	s11 =	simm.s32 @!p1 $0x80;
	s13 =	simm.s32 @!p1 $0x1000;
	s7 =	sor.u32 @!p1 $0x200, s7  }
0xc8: {  	[tilespmem:s13], [sflag:$0x1] =	stream.indirect.gather @!p1 [hbm4b:s4+s11], $0x80, s7, s11, $0xb8;
	[tilespmem:$0x1CC00] =	vst v63  }
0xc9: {  	_ =	swait.ge [sflag:s31], $0x4000  }
0xca: {  	[sflag:s31] =	ssyncset.done $0x0  }
0xcb: {  	s15 =	sadd.s32 $0x880, s5;
	[sflag:s31] =	ssyncadd.s32 $0xFFFFC000  }
0xcc: {  	[spmem:s1] =	stream.indirect.scatter.add.f32 [tilespmem:s29], [sflag:$0x5], $0x80, s15, s26, $0xb8;
	[tilespmem:$0x1CC00] =	vst v63  }
0xcd: {  	_ =	swait.ge [sflag:s16], $0x4000  }
0xce: {  	s17 =	rddreg [dreg:$0x4]  }
0xcf: {  	[sflag:s16] =	ssyncset.done $0x0;
	p1 =	sge.u32 s20, s17  }
0xd0: {  	[sflag:s16] =	ssyncadd.s32 $0xFFFFC000;
	s7 =	sand.u32 @!p1 $0x80, s21  }
0xd1: {  	s11 =	simm.s32 @!p1 $0x80;
	s13 =	simm.s32 @!p1 $0x5000;
	s7 =	sor.u32 @!p1 $0x300, s7  }
0xd2: {  	[tilespmem:s13], [sflag:$0x2] =	stream.indirect.gather @!p1 [hbm4b:s4+s11], $0x80, s7, s11, $0xb8;
	[tilespmem:$0x1CC00] =	vst v63  }
0xd3: {  	_ =	swait.ge [sflag:s30], $0x4000  }
0xd4: {  	[sflag:s30] =	ssyncset.done $0x0  }
0xd5: {  	s25 =	sadd.s32 $0x900, s5;
	[sflag:s30] =	ssyncadd.s32 $0xFFFFC000  }
0xd6: {  	[spmem:s1] =	stream.indirect.scatter.add.f32 [tilespmem:s28], [sflag:$0x5], $0x80, s25, s26, $0xb8;
	[tilespmem:$0x1CC00] =	vst v63  }
0xd7: {  	_ =	swait.ge [sflag:s16], $0x4000  }
0xd8: {  	s0 =	rddreg [dreg:$0x5]  }
0xd9: {  	[sflag:s16] =	ssyncset.done $0x0;
	p1 =	sge.u32 s20, s0  }
0xda: {  	[sflag:s16] =	ssyncadd.s32 $0xFFFFC000;
	s7 =	sand.u32 @!p1 $0x80, s21  }
0xdb: {  	s11 =	simm.s32 @!p1 $0x80;
	s13 =	simm.s32 @!p1 $0x1000;
	s7 =	sor.u32 @!p1 $0x400, s7  }
0xdc: {  	[tilespmem:s13], [sflag:$0x1] =	stream.indirect.gather @!p1 [hbm4b:s4+s11], $0x80, s7, s11, $0xb8;
	[tilespmem:$0x1CC00] =	vst v63  }
0xdd: {  	_ =	swait.ge [sflag:s31], $0x4000  }
0xde: {  	[sflag:s31] =	ssyncset.done $0x0  }
0xdf: {  	s3 =	sadd.s32 $0x980, s5;
	[sflag:s31] =	ssyncadd.s32 $0xFFFFC000  }
0xe0: {  	[spmem:s1] =	stream.indirect.scatter.add.f32 [tilespmem:s29], [sflag:$0x5], $0x80, s3, s26, $0xb8;
	[tilespmem:$0x1CC00] =	vst v63  }
0xe1: {  	_ =	swait.ge [sflag:s16], $0x4000  }
0xe2: {  	s8 =	rddreg [dreg:$0x6]  }
0xe3: {  	[sflag:s16] =	ssyncset.done $0x0;
	p1 =	sge.u32 s20, s8  }
0xe4: {  	[sflag:s16] =	ssyncadd.s32 $0xFFFFC000;
	s7 =	sand.u32 @!p1 $0x80, s21  }
0xe5: {  	s11 =	simm.s32 @!p1 $0x80;
	s13 =	simm.s32 @!p1 $0x5000;
	s7 =	sor.u32 @!p1 $0x500, s7  }
0xe6: {  	[tilespmem:s13], [sflag:$0x2] =	stream.indirect.gather @!p1 [hbm4b:s4+s11], $0x80, s7, s11, $0xb8;
	[tilespmem:$0x1CC00] =	vst v63  }
0xe7: {  	_ =	swait.ge [sflag:s30], $0x4000  }
0xe8: {  	[sflag:s30] =	ssyncset.done $0x0  }
0xe9: {  	s11 =	sadd.s32 $0xA00, s5;
	[sflag:s30] =	ssyncadd.s32 $0xFFFFC000  }
0xea: {  	[spmem:s1] =	stream.indirect.scatter.add.f32 [tilespmem:s28], [sflag:$0x5], $0x80, s11, s26, $0xb8;
	[tilespmem:$0x1CC00] =	vst v63  }
0xeb: {  	_ =	swait.ge [sflag:s16], $0x4000  }
0xec: {  	s13 =	rddreg [dreg:$0x7]  }
0xed: {  	[sflag:s16] =	ssyncset.done $0x0;
	p1 =	sge.u32 s20, s13  }
0xee: {  	[sflag:s16] =	ssyncadd.s32 $0xFFFFC000;
	s7 =	sand.u32 @!p1 $0x80, s21  }
0xef: {  	s11 =	simm.s32 @!p1 $0x80;
	s13 =	simm.s32 @!p1 $0x1000;
	s7 =	sor.u32 @!p1 $0x600, s7  }
0xf0: {  	[tilespmem:s13], [sflag:$0x1] =	stream.indirect.gather @!p1 [hbm4b:s4+s11], $0x80, s7, s11, $0xb8;
	[tilespmem:$0x1CC00] =	vst v63  }
0xf1: {  	_ =	swait.ge [sflag:s31], $0x4000  }
0xf2: {  	[sflag:s31] =	ssyncset.done $0x0  }
0xf3: {  	s14 =	sadd.s32 $0xA80, s5;
	[sflag:s31] =	ssyncadd.s32 $0xFFFFC000  }
0xf4: {  	[spmem:s1] =	stream.indirect.scatter.add.f32 [tilespmem:s29], [sflag:$0x5], $0x80, s14, s26, $0xb8;
	[tilespmem:$0x1CC00] =	vst v63  }
0xf5: {  	_ =	swait.ge [sflag:s16], $0x4000  }
0xf6: {  	s15 =	rddreg [dreg:$0x8]  }
0xf7: {  	[sflag:s16] =	ssyncset.done $0x0;
	p1 =	sge.u32 s20, s15  }
0xf8: {  	[sflag:s16] =	ssyncadd.s32 $0xFFFFC000;
	s7 =	sand.u32 @!p1 $0x80, s21  }
0xf9: {  	s11 =	simm.s32 @!p1 $0x80;
	s13 =	simm.s32 @!p1 $0x5000;
	s7 =	sor.u32 @!p1 $0x700, s7  }
0xfa: {  	[tilespmem:s13], [sflag:$0x2] =	stream.indirect.gather @!p1 [hbm4b:s4+s11], $0x80, s7, s11, $0xb8;
	[tilespmem:$0x1CC00] =	vst v63  }
0xfb: {  	s24 =	smov.u32 s20;
	_ =	swait.ge [sflag:s30], $0x4000  }
0xfc: {  	s24 =	sadd.s32 $0x9, s24;
	[sflag:s30] =	ssyncset.done $0x0  }
0xfd: {  	s17 =	sadd.s32 $0xB00, s5;
	s20 =	sadd.s32 $0x8, s20;
	[sflag:s30] =	ssyncadd.s32 $0xFFFFC000  }
0xfe: {  	[spmem:s1] =	stream.indirect.scatter.add.f32 [tilespmem:s28], [sflag:$0x5], $0x80, s17, s26, $0xb8;
	[tilespmem:$0x1CC00] =	vst v63  }
0xff: {  	p2 =	sge.u32 s24, s6;
	p1 =	sge.u32 s20, s6;
	_ =	swait.ge [sflag:s16], $0x4000  }
0x100: {  	s7 =	sxor.u32 @!p1 $0xFFFFFFFF, s21;
	s11 =	simm.s32 @!p1 $0x1000;
	[sflag:s16] =	ssyncset.done $0x0  }
0x101: {  	s13 =	simm.s32 @!p1 $0x80;
	s7 =	sand.u32 @!p1 $0x80, s7;
	[sflag:s16] =	ssyncadd.s32 $0xFFFFC000  }
0x102: {  	[tilespmem:s11], [sflag:$0x1] =	stream.indirect.gather @!p1 [hbm4b:s4+s13], $0x80, s7, s13, $0xb8;
	[tilespmem:$0x1CC00] =	vst v63  }
0x103: {  	s24 =	simm.s32 @!p2 $0x5000;
	_ =	swait.ge [sflag:s31], $0x4000  }
0x104: {  	s25 =	sadd.s32 $0x2, s23;
	s5 =	sadd.s32 $0xB80, s5;
	[sflag:s31] =	ssyncset.done $0x0  }
0x105: {  	s14 =	simm.s32 @!p2 $0x80;
	p1 =	sge.u32 s25, s9;
	[sflag:s31] =	ssyncadd.s32 $0xFFFFC000  }
0x106: {  	[spmem:s1] =	stream.indirect.scatter.add.f32 [tilespmem:s29], [sflag:$0x5], $0x80, s5, s26, $0xb8;
	[tilespmem:$0x1CC00] =	vst v63  }
0x107: {  	s23 =	sand.u32 @!p1 $0x1, s23;
	s5 =	sadd.s32 @!p2 $0x90, s21;
	_ =	swait.ge [sflag:s16], $0x4000  }
0x108: {  	s15 =	sshll.u32 @!p1 s23, $0x7;
	s7 =	sand.u32 @!p2 $0x80, s5;
	[sflag:s16] =	ssyncset.done $0x0  }
0x109: {  	s11 =	rddreg [dreg:$0x9];
	s13 =	sor.u32 @!p2 $0x100, s7;
	[sflag:s16] =	ssyncadd.s32 $0xFFFFC000  }
0x10a: {  	[tilespmem:s24], [sflag:$0x2] =	stream.indirect.gather @!p2 [hbm4b:s4+s14], $0x80, s13, s14, $0xb8;
	[tilespmem:$0x1CC00] =	vst v63  }
0x10b: {  	s5 =	simm.s32 @!p1 $0x0;
	s7 =	sadd.s32 @!p1 $0x3, s23;
	s11 =	sadd.s32 @!p1 s21, s11  }
0x10c: {  	[tilespmem:s15], [sflag:s7] =	stream.linear.gather @!p1 [hbm4b:s11+s5], $0x80, $0x38;
	[tilespmem:$0x1CC00] =	vst v63  }
0x10d: {  	s19 =	sadd.s32 $0x80, s19;
	s13 =	sor.u32 @!p1 $0x100, s15;
	s24 =	sadd.s32 @!p1 $0x10, s11  }
0x10e: {  	[tilespmem:s13], [sflag:s7] =	stream.linear.gather @!p1 [hbm4b:s24+s5], $0x80, $0x38;
	[tilespmem:$0x1CC00] =	vst v63  }
0x10f: {  	s3 =	sor.u32 @!p1 $0x400, s15;
	s14 =	sor.u32 @!p1 $0x200, s15;
	s8 =	sadd.s32 @!p1 $0x20, s11  }
0x110: {  	[tilespmem:s14], [sflag:s7] =	stream.linear.gather @!p1 [hbm4b:s8+s5], $0x80, $0x38;
	[tilespmem:$0x1CC00] =	vst v63  }
0x111: {  	s17 =	rddreg [dreg:$0xb];
	s25 =	sadd.s32 @!p1 $0x30, s11;
	s13 =	sor.u32 @!p1 $0x300, s15  }
0x112: {  	[tilespmem:s13], [sflag:s7] =	stream.linear.gather @!p1 [hbm4b:s25+s5], $0x80, $0x38;
	[tilespmem:$0x1CC00] =	vst v63  }
0x113: {  	s0 =	sadd.s32 @!p1 $0x60, s11;
	p2 =	sne.s32 s17, s19;
	s24 =	sadd.s32 @!p1 $0x40, s11  }
0x114: {  	[tilespmem:s3], [sflag:s7] =	stream.linear.gather @!p1 [hbm4b:s24+s5], $0x80, $0x38;
	[tilespmem:$0x1CC00] =	vst v63  }
.Ltmp1:
0x115: {  	s8 =	sadd.s32 @!p1 $0x50, s11;
	s14 =	sor.u32 @!p1 $0x500, s15;
	(pc) =	sbr.rel @p2 .LBB2_2-.Ltmp1, $4  }
0x116: {  	s11 =	sadd.s32 @!p1 $0x70, s11;
	s25 =	sor.u32 @!p1 $0x600, s15;
	s3 =	sshll.u32 @!p1 s23, $0xA  }
0x117: {  	[tilespmem:s14], [sflag:s7] =	stream.linear.gather @!p1 [hbm4b:s8+s5], $0x80, $0x38;
	[tilespmem:$0x1CC00] =	vst v63  }
0x118: {  	s13 =	sor.u32 @!p1 $0x700, s15;
	s23 =	rddreg [dreg:$0xa];
	s14 =	sor.u32 @!p1 $0x800, s3  }
0x119: {  	[tilespmem:s25], [sflag:s7] =	stream.linear.gather @!p1 [hbm4b:s0+s5], $0x80, $0x38;
	[tilespmem:$0x1CC00] =	vst v63  }
.LBB2_3:
0x11a: {  	[tilespmem:s13], [sflag:s7] =	stream.linear.gather @!p1 [hbm4b:s11+s5], $0x80, $0x38;
	[tilespmem:$0x1CC00] =	vst v63  }
0x11b: {  	s0 =	sadd.s32 @!p1 s21, s23  }
0x11c: {  	[tilespmem:s14], [sflag:s7] =	stream.linear.gather @!p1 [hbm4b:s0+s5], $0x400, $0x38;
	[tilespmem:$0x1CC00] =	vst v63  }
0x11d: {  	[bflag:$0x0] =	sbarrier.arrive $0xFFFF  }
0x11e: {  	s8 =	rddreg [dreg:$0xe]  }
0x11f: {  	s23 =	rddreg [dreg:$0x11]  }
0x120: {  	s3 =	rddreg [dreg:$0x14]  }
0x121: {  	[hbm:s23], [sflag:s8] =	dma.local [spmem:s3], $0x2780  }
0x122: {  	_ =	swait.ge [sflag:s16], $0x2780  }
0x123: {  	s24 =	rddreg [dreg:$0x13]  }
0x124: {  	s25 =	rddreg [dreg:$0x12];
	s3 =	sadd.s32 $0x1, s24  }
0x125: {  	p1 =	sne.s32 s3, s25  }
.Ltmp2:
0x126: {  	_ = 	snop;
	(pc) =	sbr.rel @p1 .LBB2_1-.Ltmp2, $3  }
0x127: {  	_ =	sdelay $0x1  }
0x128: {  	[sflag:s16] =	ssyncset.done $0x0  }
0x129: {  	[sflag:s16] =	ssyncadd.s32 $0xFFFFD880  }
0x12a: {  	_ =	sfence.sel $0x180000  }
0x12b: {  	[bflag:$0x0] =	sbarrier.arrive $0xFFFF  }
0x12c: {  	_ =	strace $0x9000004D  }
0x12d: {  	s0 =	stileid.u32;
	[bflag:$0x2] =	sbarrier.arrive $0xFFFF  }
0x12e: {  	p0 =	sne.s32 s0, $0x0;
	s0 =	rddreg [dreg:$0x2]  }
0x12f: {  	s0 =	sadd.s32 @!p0 $0x100000, s0  }
0x130: {  	[sflag:s0] =	ssyncadd.tile.s32 @!p0 $0x1;
	_ =	shalt  }
.Lfunc_end2:
_tile_overlayer_lowered:
.L_overlay_start_2:
0x131: {  	(tag) =	ssettag $0x2  }
0x132: {  	s0 =	rddreg [dreg:$0x0];
	s2 =	stileid.u32  }
0x133: {  	s1 =	rddreg [dreg:$0x1];
	p0 =	sne.s32 s2, $0x0  }
0x134: {  	s3 =	rddreg [dreg:$0x2];
	[bflag:$0x3] =	sbarrier.arrive $0xFFFF;
	s2 =	simm.s32 @!p0 $0x1C05  }
0x135: {  	[timem:s3], [sflag:s2] =	dma.local @!p0 [hbm:s0], s1  }
0x136: {  	s0 =	simm.s32 @!p0 $0x5  }
0x137: {  	_ =	swait.ge @!p0 [sflag:s0], s1  }
0x138: {  	s1 =	ssub.s32 @!p0 $0x0, s1;
	[sflag:s0] =	ssyncset.done @!p0 $0x0  }
0x139: {  	[sflag:s0] =	ssyncadd.s32 @!p0 s1  }
0x13a: {  	[bflag:$0x3] =	sbarrier.arrive $0xFFFF  }
0x13b: {  	_ =	shalt  }

// kernel: kernel.8.cloned.1.call-start
scs
__scs_entry_jumppad:
0x0: {  	(pc) =	sbr.rel $0x88, $3  }
0x1: {  	(tag) =	ssettag $0x0;
	lr =	simm.s32 $0x1  }
0x2: {  	[smem:$0x3F98] =	sst lr;
	_ =	strace $0xD0000000  }
0x3: {  	_ = 	snop  }
0x4: {  	_ = 	snop  }
0x5: {  	_ = 	snop  }
0x6: {  	_ = 	snop  }
0x7: {  	_ = 	snop  }
__scs_overlays_trampoline_lowered:
0x8: {  	[smem:$0x3FA7] =	sst s0  }
0x9: {  	[smem:$0x3FA8] =	sst s1  }
0xa: {  	[smem:$0x3FA9] =	sst s2  }
0xb: {  	[smem:$0x3FAA] =	sst s3  }
0xc: {  	[smem:$0x3FAB] =	sst s4  }
0xd: {  	[smem:$0x3FAC] =	sst s5  }
0xe: {  	[smem:$0x3FAD] =	sst s6  }
0xf: {  	[smem:$0x3FAE] =	sst s7  }
0x10: {  	[smem:$0x3FAF] =	sst s8  }
0x11: {  	[smem:$0x3FB0] =	sst s9;
	s0 =	simm.s32 @!p0 $0x0  }
0x12: {  	s1 =	sld [smem:$0x3F96];
	s0 =	simm.s32 @p0 $0x1  }
0x13: {  	[smem:$0x3FB1] =	sst s0;
	s0 =	simm.s32 @!p1 $0x0  }
0x14: {  	s2 =	sld [smem:$0x3F95];
	s0 =	simm.s32 @p1 $0x1  }
0x15: {  	[smem:$0x3FB2] =	sst s0;
	s0 =	simm.s32 @!p2 $0x0  }
0x16: {  	s3 =	sld [smem:$0x3FDB];
	s0 =	simm.s32 @p2 $0x1  }
0x17: {  	s4 =	simm.s32 $0x1BF5;
	[smem:$0x3FB4] =	sst s0  }
0x18: {  	s0 =	sld [smem:$0x3F97];
	_ =	swait.ge [sflag:s4], $0x0  }
0x19: {  	s7 =	sld [smem:$0x3F98]  }
0x1a: {  	s8 =	sadd.s32 $0xFFFFE003, lr  }
0x1b: {  	s9 =	sadd.s32 $0xFFFFFEF7, lr;
	s5 =	simm.s32 $0xFFFFFFFF;
	p2 =	slt.u32 s8, $0xFFFFF086  }
0x1c: {  	p1 =	slt.u32 s9, $0xF7A;
	s5 =	simm.s32 @!p2 $0x0  }
0x1d: {  	s5 =	simm.s32 @p1 $0x1;
	p0 =	seq.s32 s7, s2  }
0x1e: {  	s7 =	smul.u32 @!p0 $0xF7A, s2;
	p2 =	seq.s32 @!p0 s5, $0x0  }
0x1f: {  	s9 =	smul.u32 $0xF7A, s1;
	s8 =	simm.s32 @!p0 $0x1BF5;
	p2 =	por !p2, p0  }
0x20: {  	[sflag:s8] =	ssyncset.s32 @!p0 $0xFFFFF086;
	s6 =	sadd.s32 @!p0 s3, s7;
	s7 =	simm.s32 @!p0 $0x108  }
0x21: {  	s3 =	sadd.s32 s3, s9;
	s6 =	sadd.s32 @!p0 $0x88, s6;
	s7 =	simm.s32 @p2 $0x1082  }
0x22: {  	[simem:s7], [sflag:s8] =	dma.local @!p0 [hbm:s6], $0xF7A  }
0x23: {  	s9 =	sor.u32 $0xD0000000, s2;
	s6 =	simm.s32 $0x108;
	_ =	swait.ge @!p0 [sflag:s8], $0x0  }
0x24: {  	s3 =	sadd.s32 $0x88, s3;
	s6 =	simm.s32 @!p1 $0x1082;
	[sflag:s4] =	ssyncset.s32 $0xFFFFF086  }
0x25: {  	[simem:s6], [sflag:s4] =	dma.local [hbm:s3], $0xF7A  }
0x26: {  	[smem:$0x3F98] =	sst s1;
	(tag) =	ssettag s2;
	_ =	strace s9  }
0x27: {  	s1 =	sld [smem:$0x3FA8]  }
0x28: {  	s2 =	sld [smem:$0x3FA9]  }
0x29: {  	s4 =	sld [smem:$0x3FAB]  }
0x2a: {  	p0 =	seq.s32 s5, $0x0;
	s5 =	sld [smem:$0x3FAC]  }
0x2b: {  	s6 =	sld [smem:$0x3FAD]  }
0x2c: {  	s7 =	sld [smem:$0x3FAE]  }
0x2d: {  	s3 =	simm.s32 $0x108;
	s8 =	sld [smem:$0x3FAF]  }
0x2e: {  	s3 =	simm.s32 @!p0 $0x1082;
	s9 =	sld [smem:$0x3FB0]  }
0x2f: {  	lr =	sadd.s32 s0, s3;
	s0 =	sld [smem:$0x3FA7]  }
0x30: {  	s3 =	sld [smem:$0x3FAA]  }
0x31: {  	[smem:$0x3FB3] =	sst s10  }
0x32: {  	s10 =	sld [smem:$0x3FB1];
	_ =	sdelay $0x3  }
0x33: {  	p0 =	seq.s32 s10, $0x1;
	s10 =	sld [smem:$0x3FB3];
	_ =	sdelay $0x3  }
0x34: {  	[smem:$0x3FB3] =	sst s10  }
0x35: {  	s10 =	sld [smem:$0x3FB2];
	_ =	sdelay $0x3  }
0x36: {  	p1 =	seq.s32 s10, $0x1;
	s10 =	sld [smem:$0x3FB3];
	_ =	sdelay $0x3  }
0x37: {  	[smem:$0x3FB3] =	sst s10  }
0x38: {  	s10 =	sld [smem:$0x3FB4]  }
0x39: {  	_ = 	snop;
	(pc) =	sbr.ind lr, $3  }
0x3a: {  	_ = 	snop  }
0x3b: {  	_ = 	snop  }
0x3c: {  	p2 =	seq.s32 s10, $0x1;
	s10 =	sld [smem:$0x3FB3]  }
0x3d: {  	_ =	shalt  }
0x3e: {  	_ =	shalt  }
0x3f: {  	_ =	shalt  }
0x40: {  	_ =	shalt  }
0x41: {  	_ =	shalt  }
0x42: {  	_ =	shalt  }
0x43: {  	_ =	shalt  }
0x44: {  	_ =	shalt  }
0x45: {  	_ =	shalt  }
0x46: {  	_ =	shalt  }
0x47: {  	_ =	shalt  }
0x48: {  	_ =	shalt  }
0x49: {  	_ =	shalt  }
0x4a: {  	_ =	shalt  }
0x4b: {  	_ =	shalt  }
0x4c: {  	_ =	shalt  }
0x4d: {  	_ =	shalt  }
0x4e: {  	_ =	shalt  }
0x4f: {  	_ =	shalt  }
0x50: {  	_ =	shalt  }
0x51: {  	_ =	shalt  }
0x52: {  	_ =	shalt  }
0x53: {  	_ =	shalt  }
0x54: {  	_ =	shalt  }
0x55: {  	_ =	shalt  }
0x56: {  	_ =	shalt  }
0x57: {  	_ =	shalt  }
0x58: {  	_ =	shalt  }
0x59: {  	_ =	shalt  }
0x5a: {  	_ =	shalt  }
0x5b: {  	_ =	shalt  }
0x5c: {  	_ =	shalt  }
0x5d: {  	_ =	shalt  }
0x5e: {  	_ =	shalt  }
0x5f: {  	_ =	shalt  }
0x60: {  	_ =	shalt  }
0x61: {  	_ =	shalt  }
0x62: {  	_ =	shalt  }
0x63: {  	_ =	shalt  }
0x64: {  	_ =	shalt  }
0x65: {  	_ =	shalt  }
0x66: {  	_ =	shalt  }
0x67: {  	_ =	shalt  }
0x68: {  	_ =	shalt  }
0x69: {  	_ =	shalt  }
0x6a: {  	_ =	shalt  }
0x6b: {  	_ =	shalt  }
0x6c: {  	_ =	shalt  }
0x6d: {  	_ =	shalt  }
0x6e: {  	_ =	shalt  }
0x6f: {  	_ =	shalt  }
0x70: {  	_ =	shalt  }
0x71: {  	_ =	shalt  }
0x72: {  	_ =	shalt  }
0x73: {  	_ =	shalt  }
0x74: {  	_ =	shalt  }
0x75: {  	_ =	shalt  }
0x76: {  	_ =	shalt  }
0x77: {  	_ =	shalt  }
0x78: {  	_ =	shalt  }
0x79: {  	_ =	shalt  }
0x7a: {  	_ =	shalt  }
0x7b: {  	_ =	shalt  }
0x7c: {  	_ =	shalt  }
0x7d: {  	_ =	shalt  }
0x7e: {  	_ =	shalt  }
0x7f: {  	_ =	shalt  }
0x80: {  	_ =	shalt  }
0x81: {  	_ =	shalt  }
0x82: {  	_ =	shalt  }
0x83: {  	_ =	shalt  }
0x84: {  	_ =	shalt  }
0x85: {  	_ =	shalt  }
0x86: {  	_ =	shalt  }
0x87: {  	_ =	shalt  }
.Lfunc_end0:
.L_simem_size_0:
called_computation_lowered:
.L_overlay_start_0:
0x88: {  	s2 =	sld [smem:$0x3FD9]  }
0x89: {  	s3 =	sld [smem:$0x3FFE];
	_ =	sdelay $0x1  }
0x8a: {  	s1 =	srdreg.scid  }
0x8b: {  	s0 =	sand.u32 $0x1, s1  }
0x8c: {  	s17 =	sshll.u32 s0, $0xA;
	s2 =	sadd.s32 s3, s2  }
0x8d: {  	s2 =	sadd.s32 s2, s17  }
0x8e: {  	[smem:$0x3FBF] =	sst s2  }
0x8f: {  	_ = 	snop  }
0x90: {  	s2 =	sld [smem:$0x3FC9];
	(tm) =	ssettm $0x1  }
0x91: {  	s18 =	sld [smem:$0x3FFB];
	_ =	sdelay $0x3  }
0x92: {  	_ =	strace s18  }
0x93: {  	s3 =	sld [smem:$0x3FFC];
	_ =	sdelay $0x3  }
0x94: {  	_ =	strace s3  }
0x95: {  	s3 =	sld [smem:$0x3FFD];
	_ =	sdelay $0x3  }
0x96: {  	_ =	strace s3  }
0x97: {  	_ =	strace $0x8FFFFFFF  }
0x98: {  	s19 =	sld [smem:$0x3FDB];
	_ =	sdelay $0x1  }
0x99: {  	s4 =	simm.s32 $_scs_section_size  }
0x9a: {  	s5 =	simm.s32 $_size__tile_overlayer_lowered;
	s6 =	simm.s32 $_tile_overlayer_lowered  }
0x9b: {  	s22 =	simm.s32 $0x1BFF;
	s21 =	sshll.u32 s6, $0x1;
	s3 =	sadd.s32 s4, s19  }
0x9c: {  	s7 =	simm.s32 $0x0;
	s20 =	sshll.u32 s5, $0x1;
	s5 =	sadd.s32 s21, s3  }
0x9d: {  	[timem:s7], [sflag:s22] =	dma.local [hbm:s5], s20  }
0x9e: {  	_ =	swait.ge [sflag:s22], s20  }
0x9f: {  	s4 =	ssub.s32 $0x0, s20;
	[sflag:s22] =	ssyncset.done $0x0  }
0xa0: {  	[sflag:s22] =	ssyncadd.s32 s4;
	_ =	sdelay $0x1  }
0xa1: {  	s23 =	simm.s32 $0x1B8B  }
0xa2: {  	_ =	swait.ge [sflag:s23], $0x1  }
0xa3: {  	[sflag:s23] =	ssyncset.done $0x0  }
0xa4: {  	s25 =	simm.s32 $0x1B8E;
	s24 =	sld [smem:$0x3FFE];
	[sflag:s23] =	ssyncadd.s32 $0xFFFFFFFF  }
0xa5: {  	s26 =	simm.s32 $execute0_lowered;
	[smem:$0x3FD2] =	sst s25  }
0xa6: {  	s5 =	sshll.u32 s26, $0x1;
	_ =	strace $0x80000046;
	[dreg:$0x1] =	wrdreg $0xFFFFFFFF  }
0xa7: {  	s28 =	simm.s32 $_size_execute0_lowered;
	s3 =	sadd.s32 s3, s5;
	[dreg:$0x0] =	wrdreg $0x0  }
0xa8: {  	s5 =	sshll.u32 s28, $0x1;
	[dreg:$0x2] =	wrdreg s3  }
0xa9: {  	[dreg:$0x3] =	wrdreg s5  }
0xaa: {  	[dreg:$0x4] =	wrdreg $0xC0  }
0xab: {  	_ =	task [dreg:s7], $0x5FFFF  }
0xac: {  	[dreg:$0x1] =	wrdreg $0xFFFFFFFF  }
0xad: {  	[dreg:$0x0] =	wrdreg $0x60  }
0xae: {  	[dreg:$0x2] =	wrdreg s2  }
0xaf: {  	[dreg:$0x3] =	wrdreg s24  }
0xb0: {  	[dreg:$0x4] =	wrdreg $0x90000  }
0xb1: {  	[dreg:$0x5] =	wrdreg $0x9  }
0xb2: {  	_ =	task.clear_ibuf [dreg:s7], $0x6FFFF;
	_ =	strace $0x90000046  }
0xb3: {  	s29 =	simm.s32 $0x9;
	_ =	strace $0x80000048  }
0xb4: {  	_ =	swait.ge [sflag:s29], $0x1  }
0xb5: {  	[sflag:s29] =	ssyncadd.s32 $0xFFFFFFFF  }
0xb6: {  	_ =	strace $0x90000048  }
0xb7: {  	_ =	sfence  }
0xb8: {  	s30 =	sld [smem:$0x0];
	_ =	sdelay $0x2  }
0xb9: {  	s31 =	sshll.u32 s1, $0xD;
	s1 =	sshrl.u32 s1, $0x2  }
0xba: {  	s3 =	sand.u32 $0x4000, s31;
	s1 =	sadd.s32 s1, s30  }
0xbb: {  	s0 =	sor.u32 s3, s0;
	s1 =	sshll.u32 s1, $0x11  }
0xbc: {  	s0 =	sor.u32 s1, s0  }
0xbd: {  	s0 =	sadd.s32 $0x8F2B, s0  }
0xbe: {  	[sflag:s0] =	ssyncadd.remote.s32 $0x1  }
0xbf: {  	_ =	sfence.sel $0xFFFF  }
0xc0: {  	[dreg:$0x0] =	wrdreg $0xFFFFFFFF;
	(pc) =	sbr.abs _section_cstart, $3  }
0xc1: {  	[dreg:$0x1] =	wrdreg $0xFFFFFFFF  }
0xc2: {  	_ =	task.clear_ibuf [dreg:s7], $0x2FFFF;
	_ =	strace $0x9FFFFFFF  }
0xc3: {  	(tm) =	ssettm $0x7FFFFFFF  }
tec
execute0_lowered:
.L_overlay_start_1:
0x0: {  	(tag) =	ssettag $0x1  }
0x1: {  	s1 =	rddreg [dreg:$0x0]  }
0x2: {  	s0 =	rddreg [dreg:$0x1]  }
0x3: {  	s2 =	rddreg [dreg:$0x2]  }
0x4: {  	s4 =	simm.s32 $0x0;
	s3 =	srdreg.scid;
	s14 =	stileid.u32  }
0x5: {  	s28 =	simm.s32 $0x1000;
	s29 =	simm.s32 $0x5000;
	s30 =	simm.s32 $0x1  }
0x6: {  	s31 =	simm.s32 $0x2;
	[smem:$0x7FF] =	sst s4;
	s5 =	sadd.s32 $0xDA00, s0  }
0x7: {  	s3 =	sand.u32 $0x1, s3;
	s7 =	smul.u32 $0x2780, s14;
	s11 =	sadd.s32 $0x3A00, s0  }
0x8: {  	s6 =	sadd.s32 $0x17A00, s0;
	s9 =	smul.u32 $0x4F000, s14;
	s15 =	sshll.u32 s14, $0x6  }
0x9: {  	_ =	strace $0x80000047;
	[dreg:$0xd] =	wrdreg s6;
	s8 =	smul.u32 $0x27800, s3  }
0xa: {  	p0 =	seq.s32 s3, $0x0;
	s6 =	simm.s32 $0x98;
	s10 =	ssub.s32 $0x2, s3  }
0xb: {  	s12 =	smul.u32 $0x980, s3;
	s6 =	simm.s32 @!p0 $0x8;
	s25 =	sshrl.u32 s10, $0x1  }
0xc: {  	p0 =	sne.s32 s3, $0x0;
	s7 =	sadd.s32 s7, s8;
	s18 =	sadd.s32 $0xFFFFFFFE, s6  }
0xd: {  	s13 =	smul.u32 s14, s6;
	s19 =	sadd.s32 $0xFFFFFFFD, s6;
	[dreg:$0x4] =	wrdreg s18  }
0xe: {  	s26 =	ssub.s32 s10, s25;
	s20 =	sadd.s32 $0xFFFFFFFC, s6;
	[dreg:$0x5] =	wrdreg s19  }
0xf: {  	s10 =	sshrl.u32 s9, $0x2;
	s21 =	sadd.s32 $0xFFFFFFFB, s6;
	[dreg:$0x6] =	wrdreg s20  }
0x10: {  	s9 =	sshrl.u32 s6, $0x3;
	s22 =	sadd.s32 $0xFFFFFFFA, s6;
	[dreg:$0x7] =	wrdreg s21  }
0x11: {  	s23 =	sadd.s32 $0xFFFFFFF9, s6;
	s0 =	sadd.s32 s7, s0;
	[dreg:$0x8] =	wrdreg s22  }
0x12: {  	s8 =	sadd.s32 s10, s2;
	[dreg:$0x9] =	wrdreg s23;
	s25 =	smax.u32 s26, $0x1  }
0x13: {  	s26 =	sshll.u32 s9, $0x7;
	[dreg:$0xe] =	wrdreg s8;
	s16 =	sadd.s32 s12, s13  }
0x14: {  	s8 =	sor.u32 $0x1C05, s15;
	s17 =	sshll.u32 s13, $0x4;
	[dreg:$0x13] =	wrdreg s25  }
0x15: {  	s15 =	smul.u32 $0x4C000, s3;
	s0 =	sadd.s32 $0x1A200, s0;
	[dreg:$0xc] =	wrdreg s26  }
0x16: {  	s13 =	sshll.u32 s13, $0x7;
	s26 =	simm.s32 $0x80;
	[dreg:$0x12] =	wrdreg s0  }
0x17: {  	s3 =	simm.s32 $0x0;
	s12 =	sshll.u32 s16, $0x4;
	[dreg:$0xf] =	wrdreg s8  }
0x18: {  	s16 =	sadd.s32 s11, s12;
	s11 =	sadd.s32 s17, s11;
	s13 =	sadd.s32 s15, s13  }
0x19: {  	s13 =	sadd.s32 $0x800, s13;
	s11 =	sadd.s32 $0x80, s11;
	[dreg:$0x10] =	wrdreg s16  }
0x1a: {  	s24 =	sadd.s32 $0x100, s16;
	s13 =	sshrl.u32 s13, $0x3;
	[dreg:$0x11] =	wrdreg s11  }
0x1b: {  	s10 =	sadd.s32 s5, s12;
	[dreg:$0xb] =	wrdreg s24;
	s5 =	sadd.s32 s13, s5  }
0x1c: {  	s12 =	sadd.s32 $0x80, s10;
	s16 =	simm.s32 $0x5;
	[dreg:$0xa] =	wrdreg s5  }
.LBB2_1:
0x1d: {  	[dreg:$0x14] =	wrdreg s3  }
0x1e: {  	s0 =	rddreg [dreg:$0xe]  }
0x1f: {  	s5 =	rddreg [dreg:$0xd];
	s0 =	sshrl.u32 s0, $0x3  }
0x20: {  	[dreg:$0x15] =	wrdreg s0  }
0x21: {  	[spmem:s0], [sflag:s8] =	dma.local [hbm:s5], $0x2780  }
0x22: {  	_ =	swait.ge [sflag:s16], $0x2780  }
0x23: {  	[sflag:s16] =	ssyncset.done $0x0  }
0x24: {  	[sflag:s16] =	ssyncadd.s32 $0xFFFFD880  }
0x25: {  	[tilespmem:s4], [sflag:$0x3] =	stream.linear.gather [hbm4b:s10+s4], $0x80, $0x38;
	[tilespmem:$0x1CC00] =	vst v63  }
0x26: {  	s3 =	simm.s32 $0x100;
	s5 =	sadd.s32 $0x10, s10  }
0x27: {  	[tilespmem:s3], [sflag:$0x3] =	stream.linear.gather [hbm4b:s5+s4], $0x80, $0x38;
	[tilespmem:$0x1CC00] =	vst v63  }
0x28: {  	s7 =	sadd.s32 $0x20, s10;
	s8 =	simm.s32 $0x200  }
0x29: {  	[tilespmem:s8], [sflag:$0x3] =	stream.linear.gather [hbm4b:s7+s4], $0x80, $0x38;
	[tilespmem:$0x1CC00] =	vst v63  }
0x2a: {  	s11 =	sadd.s32 $0x30, s10;
	s13 =	simm.s32 $0x300  }
0x2b: {  	[tilespmem:s13], [sflag:$0x3] =	stream.linear.gather [hbm4b:s11+s4], $0x80, $0x38;
	[tilespmem:$0x1CC00] =	vst v63  }
0x2c: {  	s14 =	sadd.s32 $0x40, s10;
	s15 =	simm.s32 $0x400  }
0x2d: {  	[tilespmem:s15], [sflag:$0x3] =	stream.linear.gather [hbm4b:s14+s4], $0x80, $0x38;
	[tilespmem:$0x1CC00] =	vst v63  }
0x2e: {  	s17 =	sadd.s32 $0x50, s10;
	s18 =	simm.s32 $0x500  }
0x2f: {  	[tilespmem:s18], [sflag:$0x3] =	stream.linear.gather [hbm4b:s17+s4], $0x80, $0x38;
	[tilespmem:$0x1CC00] =	vst v63  }
0x30: {  	s19 =	sadd.s32 $0x60, s10;
	s20 =	simm.s32 $0x600  }
0x31: {  	[tilespmem:s20], [sflag:$0x3] =	stream.linear.gather [hbm4b:s19+s4], $0x80, $0x38;
	[tilespmem:$0x1CC00] =	vst v63  }
0x32: {  	s21 =	sadd.s32 $0x70, s10;
	s22 =	simm.s32 $0x700  }
0x33: {  	[tilespmem:s22], [sflag:$0x3] =	stream.linear.gather [hbm4b:s21+s4], $0x80, $0x38;
	[tilespmem:$0x1CC00] =	vst v63  }
0x34: {  	s24 =	simm.s32 $0x800;
	s23 =	rddreg [dreg:$0x10]  }
0x35: {  	[tilespmem:s24], [sflag:$0x3] =	stream.linear.gather [hbm4b:s23+s4], $0x400, $0x38;
	[tilespmem:$0x1CC00] =	vst v63  }
0x36: {  	s5 =	simm.s32 @!p0 $0x0;
	s7 =	simm.s32 @!p0 $0x80  }
0x37: {  	[tilespmem:s7], [sflag:$0x4] =	stream.linear.gather @!p0 [hbm4b:s12+s5], $0x80, $0x38;
	[tilespmem:$0x1CC00] =	vst v63  }
0x38: {  	s11 =	simm.s32 @!p0 $0x180;
	s7 =	sadd.s32 @!p0 $0x10, s12  }
0x39: {  	[tilespmem:s11], [sflag:$0x4] =	stream.linear.gather @!p0 [hbm4b:s7+s5], $0x80, $0x38;
	[tilespmem:$0x1CC00] =	vst v63  }
0x3a: {  	s7 =	sadd.s32 @!p0 $0x20, s12;
	s11 =	simm.s32 @!p0 $0x280  }
0x3b: {  	[tilespmem:s11], [sflag:$0x4] =	stream.linear.gather @!p0 [hbm4b:s7+s5], $0x80, $0x38;
	[tilespmem:$0x1CC00] =	vst v63  }
0x3c: {  	s7 =	sadd.s32 @!p0 $0x30, s12;
	s11 =	simm.s32 @!p0 $0x380  }
0x3d: {  	[tilespmem:s11], [sflag:$0x4] =	stream.linear.gather @!p0 [hbm4b:s7+s5], $0x80, $0x38;
	[tilespmem:$0x1CC00] =	vst v63  }
0x3e: {  	s7 =	sadd.s32 @!p0 $0x40, s12;
	s11 =	simm.s32 @!p0 $0x480  }
0x3f: {  	[tilespmem:s11], [sflag:$0x4] =	stream.linear.gather @!p0 [hbm4b:s7+s5], $0x80, $0x38;
	[tilespmem:$0x1CC00] =	vst v63  }
0x40: {  	s7 =	sadd.s32 @!p0 $0x50, s12;
	s11 =	simm.s32 @!p0 $0x580  }
0x41: {  	[tilespmem:s11], [sflag:$0x4] =	stream.linear.gather @!p0 [hbm4b:s7+s5], $0x80, $0x38;
	[tilespmem:$0x1CC00] =	vst v63  }
0x42: {  	s7 =	sadd.s32 @!p0 $0x60, s12;
	s11 =	simm.s32 @!p0 $0x680  }
0x43: {  	[tilespmem:s11], [sflag:$0x4] =	stream.linear.gather @!p0 [hbm4b:s7+s5], $0x80, $0x38;
	[tilespmem:$0x1CC00] =	vst v63  }
0x44: {  	s7 =	sadd.s32 @!p0 $0x70, s12;
	s11 =	simm.s32 @!p0 $0x780  }
0x45: {  	[tilespmem:s11], [sflag:$0x4] =	stream.linear.gather @!p0 [hbm4b:s7+s5], $0x80, $0x38;
	[tilespmem:$0x1CC00] =	vst v63  }
0x46: {  	s25 =	simm.s32 $0x3;
	s0 =	rddreg [dreg:$0x11];
	s7 =	simm.s32 @!p0 $0xC00  }
0x47: {  	[tilespmem:s7], [sflag:$0x4] =	stream.linear.gather @!p0 [hbm4b:s0+s5], $0x400, $0x38;
	[tilespmem:$0x1CC00] =	vst v63  }
0x48: {  	_ =	swait.ge [sflag:s25], $0x400  }
0x49: {  	[sflag:s25] =	ssyncset.done $0x0  }
0x4a: {  	[sflag:s25] =	ssyncadd.s32 $0xFFFFFC00  }
0x4b: {  	_ =	swait.ge [sflag:s25], $0x400  }
0x4c: {  	[sflag:s25] =	ssyncset.done $0x0  }
0x4d: {  	p1 =	sle.u32 s9, $0x1;
	s18 =	simm.s32 $0x1;
	[sflag:s25] =	ssyncadd.s32 $0xFFFFFC00  }
0x4e: {  	[tilespmem:s28], [sflag:$0x1] =	stream.indirect.gather [hbm4b:s1+s26], $0x80, s4, s26, $0xb8;
	[tilespmem:$0x1CC00] =	vst v63  }
0x4f: {  	s5 =	sand.u32 @!p1 $0x1, s18  }
0x50: {  	[tilespmem:s29], [sflag:$0x2] =	stream.indirect.gather [hbm4b:s1+s26], $0x80, s3, s26, $0xb8;
	[tilespmem:$0x1CC00] =	vst v63  }
0x51: {  	s5 =	sadd.s32 @!p1 $0x3, s5;
	[bflag:$0x0] =	sbarrier.arrive $0xFFFF  }
0x52: {  	_ =	swait.ge @!p1 [sflag:s5], $0x400  }
0x53: {  	[sflag:s5] =	ssyncset.done @!p1 $0x0  }
0x54: {  	[sflag:s5] =	ssyncadd.s32 @!p1 $0xFFFFFC00  }
0x55: {  	_ =	swait.ge @!p1 [sflag:s5], $0x400  }
0x56: {  	[sflag:s5] =	ssyncset.done @!p1 $0x0  }
0x57: {  	[sflag:s5] =	ssyncadd.s32 @!p1 $0xFFFFFC00  }
0x58: {  	_ =	swait.ge [sflag:s30], $0x4000  }
0x59: {  	s0 =	sand.u32 $0x400, s4;
	[sflag:s30] =	ssyncset.done $0x0  }
0x5a: {  	s3 =	sor.u32 $0x800, s0;
	[sflag:s30] =	ssyncadd.s32 $0xFFFFC000  }
0x5b: {  	[spmem:s2] =	stream.indirect.scatter.add.f32 [tilespmem:s28], [sflag:$0x5], $0x80, s3, s26, $0xb8;
	[tilespmem:$0x1CC00] =	vst v63  }
0x5c: {  	_ =	swait.ge [sflag:s16], $0x4000  }
0x5d: {  	s8 =	rddreg [dreg:$0x4]  }
0x5e: {  	[sflag:s16] =	ssyncset.done $0x0;
	p1 =	sle.u32 s8, $0x0  }
0x5f: {  	[sflag:s16] =	ssyncadd.s32 $0xFFFFC000;
	s7 =	sand.u32 @!p1 $0x80, s4  }
0x60: {  	s11 =	simm.s32 @!p1 $0x80;
	s13 =	simm.s32 @!p1 $0x1000;
	s7 =	sor.u32 @!p1 $0x200, s7  }
0x61: {  	[tilespmem:s13], [sflag:$0x1] =	stream.indirect.gather @!p1 [hbm4b:s1+s11], $0x80, s7, s11, $0xb8;
	[tilespmem:$0x1CC00] =	vst v63  }
0x62: {  	_ =	swait.ge [sflag:s31], $0x4000  }
0x63: {  	[sflag:s31] =	ssyncset.done $0x0  }
0x64: {  	s11 =	sadd.s32 $0x880, s0;
	[sflag:s31] =	ssyncadd.s32 $0xFFFFC000  }
0x65: {  	[spmem:s2] =	stream.indirect.scatter.add.f32 [tilespmem:s29], [sflag:$0x5], $0x80, s11, s26, $0xb8;
	[tilespmem:$0x1CC00] =	vst v63  }
0x66: {  	_ =	swait.ge [sflag:s16], $0x4000  }
0x67: {  	s13 =	rddreg [dreg:$0x5]  }
0x68: {  	[sflag:s16] =	ssyncset.done $0x0;
	p1 =	sle.u32 s13, $0x0  }
0x69: {  	[sflag:s16] =	ssyncadd.s32 $0xFFFFC000;
	s7 =	sand.u32 @!p1 $0x80, s4  }
0x6a: {  	s11 =	simm.s32 @!p1 $0x80;
	s13 =	simm.s32 @!p1 $0x5000;
	s7 =	sor.u32 @!p1 $0x300, s7  }
0x6b: {  	[tilespmem:s13], [sflag:$0x2] =	stream.indirect.gather @!p1 [hbm4b:s1+s11], $0x80, s7, s11, $0xb8;
	[tilespmem:$0x1CC00] =	vst v63  }
0x6c: {  	_ =	swait.ge [sflag:s30], $0x4000  }
0x6d: {  	[sflag:s30] =	ssyncset.done $0x0  }
0x6e: {  	s14 =	sadd.s32 $0x900, s0;
	[sflag:s30] =	ssyncadd.s32 $0xFFFFC000  }
0x6f: {  	[spmem:s2] =	stream.indirect.scatter.add.f32 [tilespmem:s28], [sflag:$0x5], $0x80, s14, s26, $0xb8;
	[tilespmem:$0x1CC00] =	vst v63  }
0x70: {  	_ =	swait.ge [sflag:s16], $0x4000  }
0x71: {  	s15 =	rddreg [dreg:$0x6]  }
0x72: {  	[sflag:s16] =	ssyncset.done $0x0;
	p1 =	sle.u32 s15, $0x0  }
0x73: {  	[sflag:s16] =	ssyncadd.s32 $0xFFFFC000;
	s7 =	sand.u32 @!p1 $0x80, s4  }
0x74: {  	s11 =	simm.s32 @!p1 $0x80;
	s13 =	simm.s32 @!p1 $0x1000;
	s7 =	sor.u32 @!p1 $0x400, s7  }
0x75: {  	[tilespmem:s13], [sflag:$0x1] =	stream.indirect.gather @!p1 [hbm4b:s1+s11], $0x80, s7, s11, $0xb8;
	[tilespmem:$0x1CC00] =	vst v63  }
0x76: {  	_ =	swait.ge [sflag:s31], $0x4000  }
0x77: {  	[sflag:s31] =	ssyncset.done $0x0  }
0x78: {  	s17 =	sadd.s32 $0x980, s0;
	[sflag:s31] =	ssyncadd.s32 $0xFFFFC000  }
0x79: {  	[spmem:s2] =	stream.indirect.scatter.add.f32 [tilespmem:s29], [sflag:$0x5], $0x80, s17, s26, $0xb8;
	[tilespmem:$0x1CC00] =	vst v63  }
0x7a: {  	_ =	swait.ge [sflag:s16], $0x4000  }
0x7b: {  	s19 =	rddreg [dreg:$0x7]  }
0x7c: {  	[sflag:s16] =	ssyncset.done $0x0;
	p1 =	sle.u32 s19, $0x0  }
0x7d: {  	[sflag:s16] =	ssyncadd.s32 $0xFFFFC000;
	s7 =	sand.u32 @!p1 $0x80, s4  }
0x7e: {  	s11 =	simm.s32 @!p1 $0x80;
	s13 =	simm.s32 @!p1 $0x5000;
	s7 =	sor.u32 @!p1 $0x500, s7  }
0x7f: {  	[tilespmem:s13], [sflag:$0x2] =	stream.indirect.gather @!p1 [hbm4b:s1+s11], $0x80, s7, s11, $0xb8;
	[tilespmem:$0x1CC00] =	vst v63  }
0x80: {  	_ =	swait.ge [sflag:s30], $0x4000  }
0x81: {  	[sflag:s30] =	ssyncset.done $0x0  }
0x82: {  	s20 =	sadd.s32 $0xA00, s0;
	[sflag:s30] =	ssyncadd.s32 $0xFFFFC000  }
0x83: {  	[spmem:s2] =	stream.indirect.scatter.add.f32 [tilespmem:s28], [sflag:$0x5], $0x80, s20, s26, $0xb8;
	[tilespmem:$0x1CC00] =	vst v63  }
0x84: {  	_ =	swait.ge [sflag:s16], $0x4000  }
0x85: {  	s21 =	rddreg [dreg:$0x8]  }
0x86: {  	[sflag:s16] =	ssyncset.done $0x0;
	p1 =	sle.u32 s21, $0x0  }
0x87: {  	[sflag:s16] =	ssyncadd.s32 $0xFFFFC000;
	s7 =	sand.u32 @!p1 $0x80, s4  }
0x88: {  	s11 =	simm.s32 @!p1 $0x80;
	s13 =	simm.s32 @!p1 $0x1000;
	s7 =	sor.u32 @!p1 $0x600, s7  }
0x89: {  	[tilespmem:s13], [sflag:$0x1] =	stream.indirect.gather @!p1 [hbm4b:s1+s11], $0x80, s7, s11, $0xb8;
	[tilespmem:$0x1CC00] =	vst v63  }
0x8a: {  	_ =	swait.ge [sflag:s31], $0x4000  }
0x8b: {  	[sflag:s31] =	ssyncset.done $0x0  }
0x8c: {  	s22 =	sadd.s32 $0xA80, s0;
	[sflag:s31] =	ssyncadd.s32 $0xFFFFC000  }
0x8d: {  	[spmem:s2] =	stream.indirect.scatter.add.f32 [tilespmem:s29], [sflag:$0x5], $0x80, s22, s26, $0xb8;
	[tilespmem:$0x1CC00] =	vst v63  }
0x8e: {  	_ =	swait.ge [sflag:s16], $0x4000  }
0x8f: {  	s23 =	rddreg [dreg:$0x9]  }
0x90: {  	[sflag:s16] =	ssyncset.done $0x0;
	p1 =	sle.u32 s23, $0x0  }
0x91: {  	[sflag:s16] =	ssyncadd.s32 $0xFFFFC000;
	s7 =	sand.u32 @!p1 $0x80, s4  }
0x92: {  	s11 =	simm.s32 @!p1 $0x80;
	s13 =	simm.s32 @!p1 $0x5000;
	s7 =	sor.u32 @!p1 $0x700, s7  }
0x93: {  	[tilespmem:s13], [sflag:$0x2] =	stream.indirect.gather @!p1 [hbm4b:s1+s11], $0x80, s7, s11, $0xb8;
	[tilespmem:$0x1CC00] =	vst v63  }
0x94: {  	_ =	swait.ge [sflag:s30], $0x4000  }
0x95: {  	[sflag:s30] =	ssyncset.done $0x0  }
0x96: {  	s24 =	sadd.s32 $0xB00, s0;
	[sflag:s30] =	ssyncadd.s32 $0xFFFFC000  }
0x97: {  	[spmem:s2] =	stream.indirect.scatter.add.f32 [tilespmem:s28], [sflag:$0x5], $0x80, s24, s26, $0xb8;
	[tilespmem:$0x1CC00] =	vst v63  }
0x98: {  	p1 =	sle.u32 s6, $0x8;
	_ =	swait.ge [sflag:s16], $0x4000  }
0x99: {  	s7 =	sxor.u32 @!p1 $0xFFFFFFFF, s4;
	s11 =	simm.s32 @!p1 $0x1000;
	[sflag:s16] =	ssyncset.done $0x0  }
0x9a: {  	s13 =	simm.s32 @!p1 $0x80;
	s7 =	sand.u32 @!p1 $0x80, s7;
	[sflag:s16] =	ssyncadd.s32 $0xFFFFC000  }
0x9b: {  	[tilespmem:s11], [sflag:$0x1] =	stream.indirect.gather @!p1 [hbm4b:s1+s13], $0x80, s7, s13, $0xb8;
	[tilespmem:$0x1CC00] =	vst v63  }
0x9c: {  	p2 =	sle.u32 s6, $0x9;
	_ =	swait.ge [sflag:s31], $0x4000  }
0x9d: {  	s5 =	sadd.s32 $0xB80, s0;
	s14 =	simm.s32 @!p2 $0x5000;
	[sflag:s31] =	ssyncset.done $0x0  }
0x9e: {  	p1 =	sle.u32 s9, $0x2;
	s13 =	simm.s32 @!p2 $0x80;
	[sflag:s31] =	ssyncadd.s32 $0xFFFFC000  }
0x9f: {  	[spmem:s2] =	stream.indirect.scatter.add.f32 [tilespmem:s29], [sflag:$0x5], $0x80, s5, s26, $0xb8;
	[tilespmem:$0x1CC00] =	vst v63  }
0xa0: {  	s21 =	sand.u32 @!p1 $0x1, s4;
	s5 =	simm.s32 @!p2 $0x90;
	_ =	swait.ge [sflag:s16], $0x4000  }
0xa1: {  	s7 =	sand.u32 @!p2 $0x80, s5;
	s5 =	simm.s32 @!p1 $0x0;
	[sflag:s16] =	ssyncset.done $0x0  }
0xa2: {  	s11 =	rddreg [dreg:$0xa];
	s7 =	sor.u32 @!p2 $0x100, s7;
	[sflag:s16] =	ssyncadd.s32 $0xFFFFC000  }
0xa3: {  	[tilespmem:s14], [sflag:$0x2] =	stream.indirect.gather @!p2 [hbm4b:s1+s13], $0x80, s7, s13, $0xb8;
	[tilespmem:$0x1CC00] =	vst v63  }
0xa4: {  	s25 =	rddreg [dreg:$0xc];
	s11 =	sadd.s32 @!p1 $0x0, s11;
	s7 =	sadd.s32 @!p1 $0x3, s21  }
0xa5: {  	s13 =	sshll.u32 @!p1 s21, $0x7;
	s19 =	sadd.s32 @!p1 $0x10, s11;
	s22 =	sadd.s32 @!p1 $0x60, s11  }
0xa6: {  	[tilespmem:s13], [sflag:s7] =	stream.linear.gather @!p1 [hbm4b:s11+s5], $0x80, $0x38;
	[tilespmem:$0x1CC00] =	vst v63  }
0xa7: {  	s21 =	sshll.u32 @!p1 s21, $0xA;
	p2 =	sne.s32 s25, $0x80;
	s14 =	sor.u32 @!p1 $0x100, s13  }
0xa8: {  	[tilespmem:s14], [sflag:s7] =	stream.linear.gather @!p1 [hbm4b:s19+s5], $0x80, $0x38;
	[tilespmem:$0x1CC00] =	vst v63  }
0xa9: {  	s20 =	sor.u32 @!p1 $0x500, s13;
	s14 =	sor.u32 @!p1 $0x200, s13;
	s19 =	sadd.s32 @!p1 $0x20, s11  }
0xaa: {  	[tilespmem:s14], [sflag:s7] =	stream.linear.gather @!p1 [hbm4b:s19+s5], $0x80, $0x38;
	[tilespmem:$0x1CC00] =	vst v63  }
0xab: {  	s23 =	sor.u32 @!p1 $0x600, s13;
	s14 =	sadd.s32 @!p1 $0x30, s11;
	s19 =	sor.u32 @!p1 $0x300, s13  }
0xac: {  	[tilespmem:s19], [sflag:s7] =	stream.linear.gather @!p1 [hbm4b:s14+s5], $0x80, $0x38;
	[tilespmem:$0x1CC00] =	vst v63  }
0xad: {  	s14 =	sadd.s32 @!p1 $0x40, s11;
	s19 =	sor.u32 @!p1 $0x400, s13;
	s13 =	sor.u32 @!p1 $0x700, s13  }
0xae: {  	[tilespmem:s19], [sflag:s7] =	stream.linear.gather @!p1 [hbm4b:s14+s5], $0x80, $0x38;
	[tilespmem:$0x1CC00] =	vst v63  }
.Ltmp0:
0xaf: {  	s19 =	simm.s32 $0x80;
	s14 =	sadd.s32 @!p1 $0x50, s11;
	(pc) =	sbr.rel @!p2 .LBB2_3-.Ltmp0, $4  }
0xb0: {  	[tilespmem:s20], [sflag:s7] =	stream.linear.gather @!p1 [hbm4b:s14+s5], $0x80, $0x38;
	[tilespmem:$0x1CC00] =	vst v63  }
0xb1: {  	s11 =	sadd.s32 @!p1 $0x70, s11;
	s20 =	simm.s32 $0x8;
	s14 =	sor.u32 @!p1 $0x800, s21  }
0xb2: {  	[tilespmem:s23], [sflag:s7] =	stream.linear.gather @!p1 [hbm4b:s22+s5], $0x80, $0x38;
	[tilespmem:$0x1CC00] =	vst v63  }
0xb3: {  	s21 =	simm.s32 $0x0;
	s23 =	rddreg [dreg:$0xb];
	s22 =	simm.s32 $0x0  }
.LBB2_2:
0xb4: {  	[tilespmem:s13], [sflag:s7] =	stream.linear.gather @!p1 [hbm4b:s11+s5], $0x80, $0x38;
	[tilespmem:$0x1CC00] =	vst v63  }
0xb5: {  	s17 =	sadd.s32 @!p1 s21, s23;
	s23 =	smov.u32 s18;
	s18 =	sadd.s32 $0x1, s18  }
0xb6: {  	p2 =	sge.u32 s18, s9  }
0xb7: {  	s11 =	sand.u32 @!p2 $0x1, s18  }
0xb8: {  	[tilespmem:s14], [sflag:s7] =	stream.linear.gather @!p1 [hbm4b:s17+s5], $0x400, $0x38;
	[tilespmem:$0x1CC00] =	vst v63  }
0xb9: {  	s11 =	sadd.s32 @!p2 $0x3, s11  }
0xba: {  	_ =	swait.ge @!p2 [sflag:s11], $0x400  }
0xbb: {  	[sflag:s11] =	ssyncset.done @!p2 $0x0  }
0xbc: {  	[sflag:s11] =	ssyncadd.s32 @!p2 $0xFFFFFC00  }
0xbd: {  	_ =	swait.ge @!p2 [sflag:s11], $0x400  }
0xbe: {  	[sflag:s11] =	ssyncset.done @!p2 $0x0  }
0xbf: {  	[sflag:s11] =	ssyncadd.s32 @!p2 $0xFFFFFC00  }
0xc0: {  	s22 =	sadd.s32 $0x400, s22;
	_ =	swait.ge [sflag:s30], $0x4000  }
0xc1: {  	s5 =	sand.u32 $0x400, s22;
	[sflag:s30] =	ssyncset.done $0x0  }
0xc2: {  	s13 =	sor.u32 $0x800, s5;
	[sflag:s30] =	ssyncadd.s32 $0xFFFFC000  }
0xc3: {  	[spmem:s2] =	stream.indirect.scatter.add.f32 [tilespmem:s28], [sflag:$0x5], $0x80, s13, s26, $0xb8;
	[tilespmem:$0x1CC00] =	vst v63  }
0xc4: {  	_ =	swait.ge [sflag:s16], $0x4000  }
0xc5: {  	s14 =	rddreg [dreg:$0x4]  }
0xc6: {  	s21 =	smov.u32 s19;
	[sflag:s16] =	ssyncset.done $0x0;
	p1 =	sge.u32 s20, s14  }
0xc7: {  	[sflag:s16] =	ssyncadd.s32 $0xFFFFC000;
	s7 =	sand.u32 @!p1 $0x80, s21  }
0xc8: {  	s11 =	simm.s32 @!p1 $0x80;
	s13 =	simm.s32 @!p1 $0x1000;
	s7 =	sor.u32 @!p1 $0x200, s7  }
0xc9: {  	[tilespmem:s13], [sflag:$0x1] =	stream.indirect.gather @!p1 [hbm4b:s1+s11], $0x80, s7, s11, $0xb8;
	[tilespmem:$0x1CC00] =	vst v63  }
0xca: {  	_ =	swait.ge [sflag:s31], $0x4000  }
0xcb: {  	[sflag:s31] =	ssyncset.done $0x0  }
0xcc: {  	s15 =	sadd.s32 $0x880, s5;
	[sflag:s31] =	ssyncadd.s32 $0xFFFFC000  }
0xcd: {  	[spmem:s2] =	stream.indirect.scatter.add.f32 [tilespmem:s29], [sflag:$0x5], $0x80, s15, s26, $0xb8;
	[tilespmem:$0x1CC00] =	vst v63  }
0xce: {  	_ =	swait.ge [sflag:s16], $0x4000  }
0xcf: {  	s17 =	rddreg [dreg:$0x5]  }
0xd0: {  	[sflag:s16] =	ssyncset.done $0x0;
	p1 =	sge.u32 s20, s17  }
0xd1: {  	[sflag:s16] =	ssyncadd.s32 $0xFFFFC000;
	s7 =	sand.u32 @!p1 $0x80, s21  }
0xd2: {  	s11 =	simm.s32 @!p1 $0x80;
	s13 =	simm.s32 @!p1 $0x5000;
	s7 =	sor.u32 @!p1 $0x300, s7  }
0xd3: {  	[tilespmem:s13], [sflag:$0x2] =	stream.indirect.gather @!p1 [hbm4b:s1+s11], $0x80, s7, s11, $0xb8;
	[tilespmem:$0x1CC00] =	vst v63  }
0xd4: {  	_ =	swait.ge [sflag:s30], $0x4000  }
0xd5: {  	[sflag:s30] =	ssyncset.done $0x0  }
0xd6: {  	s25 =	sadd.s32 $0x900, s5;
	[sflag:s30] =	ssyncadd.s32 $0xFFFFC000  }
0xd7: {  	[spmem:s2] =	stream.indirect.scatter.add.f32 [tilespmem:s28], [sflag:$0x5], $0x80, s25, s26, $0xb8;
	[tilespmem:$0x1CC00] =	vst v63  }
0xd8: {  	_ =	swait.ge [sflag:s16], $0x4000  }
0xd9: {  	s0 =	rddreg [dreg:$0x6]  }
0xda: {  	[sflag:s16] =	ssyncset.done $0x0;
	p1 =	sge.u32 s20, s0  }
0xdb: {  	[sflag:s16] =	ssyncadd.s32 $0xFFFFC000;
	s7 =	sand.u32 @!p1 $0x80, s21  }
0xdc: {  	s11 =	simm.s32 @!p1 $0x80;
	s13 =	simm.s32 @!p1 $0x1000;
	s7 =	sor.u32 @!p1 $0x400, s7  }
0xdd: {  	[tilespmem:s13], [sflag:$0x1] =	stream.indirect.gather @!p1 [hbm4b:s1+s11], $0x80, s7, s11, $0xb8;
	[tilespmem:$0x1CC00] =	vst v63  }
0xde: {  	_ =	swait.ge [sflag:s31], $0x4000  }
0xdf: {  	[sflag:s31] =	ssyncset.done $0x0  }
0xe0: {  	s3 =	sadd.s32 $0x980, s5;
	[sflag:s31] =	ssyncadd.s32 $0xFFFFC000  }
0xe1: {  	[spmem:s2] =	stream.indirect.scatter.add.f32 [tilespmem:s29], [sflag:$0x5], $0x80, s3, s26, $0xb8;
	[tilespmem:$0x1CC00] =	vst v63  }
0xe2: {  	_ =	swait.ge [sflag:s16], $0x4000  }
0xe3: {  	s8 =	rddreg [dreg:$0x7]  }
0xe4: {  	[sflag:s16] =	ssyncset.done $0x0;
	p1 =	sge.u32 s20, s8  }
0xe5: {  	[sflag:s16] =	ssyncadd.s32 $0xFFFFC000;
	s7 =	sand.u32 @!p1 $0x80, s21  }
0xe6: {  	s11 =	simm.s32 @!p1 $0x80;
	s13 =	simm.s32 @!p1 $0x5000;
	s7 =	sor.u32 @!p1 $0x500, s7  }
0xe7: {  	[tilespmem:s13], [sflag:$0x2] =	stream.indirect.gather @!p1 [hbm4b:s1+s11], $0x80, s7, s11, $0xb8;
	[tilespmem:$0x1CC00] =	vst v63  }
0xe8: {  	_ =	swait.ge [sflag:s30], $0x4000  }
0xe9: {  	[sflag:s30] =	ssyncset.done $0x0  }
0xea: {  	s11 =	sadd.s32 $0xA00, s5;
	[sflag:s30] =	ssyncadd.s32 $0xFFFFC000  }
0xeb: {  	[spmem:s2] =	stream.indirect.scatter.add.f32 [tilespmem:s28], [sflag:$0x5], $0x80, s11, s26, $0xb8;
	[tilespmem:$0x1CC00] =	vst v63  }
0xec: {  	_ =	swait.ge [sflag:s16], $0x4000  }
0xed: {  	s13 =	rddreg [dreg:$0x8]  }
0xee: {  	[sflag:s16] =	ssyncset.done $0x0;
	p1 =	sge.u32 s20, s13  }
0xef: {  	[sflag:s16] =	ssyncadd.s32 $0xFFFFC000;
	s7 =	sand.u32 @!p1 $0x80, s21  }
0xf0: {  	s11 =	simm.s32 @!p1 $0x80;
	s13 =	simm.s32 @!p1 $0x1000;
	s7 =	sor.u32 @!p1 $0x600, s7  }
0xf1: {  	[tilespmem:s13], [sflag:$0x1] =	stream.indirect.gather @!p1 [hbm4b:s1+s11], $0x80, s7, s11, $0xb8;
	[tilespmem:$0x1CC00] =	vst v63  }
0xf2: {  	_ =	swait.ge [sflag:s31], $0x4000  }
0xf3: {  	[sflag:s31] =	ssyncset.done $0x0  }
0xf4: {  	s14 =	sadd.s32 $0xA80, s5;
	[sflag:s31] =	ssyncadd.s32 $0xFFFFC000  }
0xf5: {  	[spmem:s2] =	stream.indirect.scatter.add.f32 [tilespmem:s29], [sflag:$0x5], $0x80, s14, s26, $0xb8;
	[tilespmem:$0x1CC00] =	vst v63  }
0xf6: {  	_ =	swait.ge [sflag:s16], $0x4000  }
0xf7: {  	s15 =	rddreg [dreg:$0x9]  }
0xf8: {  	[sflag:s16] =	ssyncset.done $0x0;
	p1 =	sge.u32 s20, s15  }
0xf9: {  	[sflag:s16] =	ssyncadd.s32 $0xFFFFC000;
	s7 =	sand.u32 @!p1 $0x80, s21  }
0xfa: {  	s11 =	simm.s32 @!p1 $0x80;
	s13 =	simm.s32 @!p1 $0x5000;
	s7 =	sor.u32 @!p1 $0x700, s7  }
0xfb: {  	[tilespmem:s13], [sflag:$0x2] =	stream.indirect.gather @!p1 [hbm4b:s1+s11], $0x80, s7, s11, $0xb8;
	[tilespmem:$0x1CC00] =	vst v63  }
0xfc: {  	s24 =	smov.u32 s20;
	_ =	swait.ge [sflag:s30], $0x4000  }
0xfd: {  	s24 =	sadd.s32 $0x9, s24;
	[sflag:s30] =	ssyncset.done $0x0  }
0xfe: {  	s17 =	sadd.s32 $0xB00, s5;
	s20 =	sadd.s32 $0x8, s20;
	[sflag:s30] =	ssyncadd.s32 $0xFFFFC000  }
0xff: {  	[spmem:s2] =	stream.indirect.scatter.add.f32 [tilespmem:s28], [sflag:$0x5], $0x80, s17, s26, $0xb8;
	[tilespmem:$0x1CC00] =	vst v63  }
0x100: {  	p2 =	sge.u32 s24, s6;
	p1 =	sge.u32 s20, s6;
	_ =	swait.ge [sflag:s16], $0x4000  }
0x101: {  	s7 =	sxor.u32 @!p1 $0xFFFFFFFF, s21;
	s11 =	simm.s32 @!p1 $0x1000;
	[sflag:s16] =	ssyncset.done $0x0  }
0x102: {  	s13 =	simm.s32 @!p1 $0x80;
	s7 =	sand.u32 @!p1 $0x80, s7;
	[sflag:s16] =	ssyncadd.s32 $0xFFFFC000  }
0x103: {  	[tilespmem:s11], [sflag:$0x1] =	stream.indirect.gather @!p1 [hbm4b:s1+s13], $0x80, s7, s13, $0xb8;
	[tilespmem:$0x1CC00] =	vst v63  }
0x104: {  	s24 =	simm.s32 @!p2 $0x5000;
	_ =	swait.ge [sflag:s31], $0x4000  }
0x105: {  	s25 =	sadd.s32 $0x2, s23;
	s5 =	sadd.s32 $0xB80, s5;
	[sflag:s31] =	ssyncset.done $0x0  }
0x106: {  	s14 =	simm.s32 @!p2 $0x80;
	p1 =	sge.u32 s25, s9;
	[sflag:s31] =	ssyncadd.s32 $0xFFFFC000  }
0x107: {  	[spmem:s2] =	stream.indirect.scatter.add.f32 [tilespmem:s29], [sflag:$0x5], $0x80, s5, s26, $0xb8;
	[tilespmem:$0x1CC00] =	vst v63  }
0x108: {  	s23 =	sand.u32 @!p1 $0x1, s23;
	s5 =	sadd.s32 @!p2 $0x90, s21;
	_ =	swait.ge [sflag:s16], $0x4000  }
0x109: {  	s15 =	sshll.u32 @!p1 s23, $0x7;
	s7 =	sand.u32 @!p2 $0x80, s5;
	[sflag:s16] =	ssyncset.done $0x0  }
0x10a: {  	s11 =	rddreg [dreg:$0xa];
	s13 =	sor.u32 @!p2 $0x100, s7;
	[sflag:s16] =	ssyncadd.s32 $0xFFFFC000  }
0x10b: {  	[tilespmem:s24], [sflag:$0x2] =	stream.indirect.gather @!p2 [hbm4b:s1+s14], $0x80, s13, s14, $0xb8;
	[tilespmem:$0x1CC00] =	vst v63  }
0x10c: {  	s5 =	simm.s32 @!p1 $0x0;
	s7 =	sadd.s32 @!p1 $0x3, s23;
	s11 =	sadd.s32 @!p1 s21, s11  }
0x10d: {  	[tilespmem:s15], [sflag:s7] =	stream.linear.gather @!p1 [hbm4b:s11+s5], $0x80, $0x38;
	[tilespmem:$0x1CC00] =	vst v63  }
0x10e: {  	s19 =	sadd.s32 $0x80, s19;
	s13 =	sor.u32 @!p1 $0x100, s15;
	s24 =	sadd.s32 @!p1 $0x10, s11  }
0x10f: {  	[tilespmem:s13], [sflag:s7] =	stream.linear.gather @!p1 [hbm4b:s24+s5], $0x80, $0x38;
	[tilespmem:$0x1CC00] =	vst v63  }
0x110: {  	s3 =	sor.u32 @!p1 $0x400, s15;
	s14 =	sor.u32 @!p1 $0x200, s15;
	s8 =	sadd.s32 @!p1 $0x20, s11  }
0x111: {  	[tilespmem:s14], [sflag:s7] =	stream.linear.gather @!p1 [hbm4b:s8+s5], $0x80, $0x38;
	[tilespmem:$0x1CC00] =	vst v63  }
0x112: {  	s17 =	rddreg [dreg:$0xc];
	s25 =	sadd.s32 @!p1 $0x30, s11;
	s13 =	sor.u32 @!p1 $0x300, s15  }
0x113: {  	[tilespmem:s13], [sflag:s7] =	stream.linear.gather @!p1 [hbm4b:s25+s5], $0x80, $0x38;
	[tilespmem:$0x1CC00] =	vst v63  }
0x114: {  	s0 =	sadd.s32 @!p1 $0x60, s11;
	p2 =	sne.s32 s17, s19;
	s24 =	sadd.s32 @!p1 $0x40, s11  }
0x115: {  	[tilespmem:s3], [sflag:s7] =	stream.linear.gather @!p1 [hbm4b:s24+s5], $0x80, $0x38;
	[tilespmem:$0x1CC00] =	vst v63  }
.Ltmp1:
0x116: {  	s8 =	sadd.s32 @!p1 $0x50, s11;
	s14 =	sor.u32 @!p1 $0x500, s15;
	(pc) =	sbr.rel @p2 .LBB2_2-.Ltmp1, $4  }
0x117: {  	s11 =	sadd.s32 @!p1 $0x70, s11;
	s25 =	sor.u32 @!p1 $0x600, s15;
	s3 =	sshll.u32 @!p1 s23, $0xA  }
0x118: {  	[tilespmem:s14], [sflag:s7] =	stream.linear.gather @!p1 [hbm4b:s8+s5], $0x80, $0x38;
	[tilespmem:$0x1CC00] =	vst v63  }
0x119: {  	s13 =	sor.u32 @!p1 $0x700, s15;
	s23 =	rddreg [dreg:$0xb];
	s14 =	sor.u32 @!p1 $0x800, s3  }
0x11a: {  	[tilespmem:s25], [sflag:s7] =	stream.linear.gather @!p1 [hbm4b:s0+s5], $0x80, $0x38;
	[tilespmem:$0x1CC00] =	vst v63  }
.LBB2_3:
0x11b: {  	[tilespmem:s13], [sflag:s7] =	stream.linear.gather @!p1 [hbm4b:s11+s5], $0x80, $0x38;
	[tilespmem:$0x1CC00] =	vst v63  }
0x11c: {  	s0 =	sadd.s32 @!p1 s21, s23  }
0x11d: {  	[tilespmem:s14], [sflag:s7] =	stream.linear.gather @!p1 [hbm4b:s0+s5], $0x400, $0x38;
	[tilespmem:$0x1CC00] =	vst v63  }
0x11e: {  	[bflag:$0x0] =	sbarrier.arrive $0xFFFF  }
0x11f: {  	s8 =	rddreg [dreg:$0xf]  }
0x120: {  	s23 =	rddreg [dreg:$0x12]  }
0x121: {  	s3 =	rddreg [dreg:$0x15]  }
0x122: {  	[hbm:s23], [sflag:s8] =	dma.local [spmem:s3], $0x2780  }
0x123: {  	_ =	swait.ge [sflag:s16], $0x2780  }
0x124: {  	s24 =	rddreg [dreg:$0x14]  }
0x125: {  	s25 =	rddreg [dreg:$0x13];
	s3 =	sadd.s32 $0x1, s24  }
0x126: {  	p1 =	sne.s32 s3, s25  }
.Ltmp2:
0x127: {  	_ = 	snop;
	(pc) =	sbr.rel @p1 .LBB2_1-.Ltmp2, $3  }
0x128: {  	_ =	sdelay $0x1  }
0x129: {  	[sflag:s16] =	ssyncset.done $0x0  }
0x12a: {  	[sflag:s16] =	ssyncadd.s32 $0xFFFFD880  }
0x12b: {  	_ =	sfence.sel $0x180000  }
0x12c: {  	[bflag:$0x0] =	sbarrier.arrive $0xFFFF  }
0x12d: {  	_ =	strace $0x90000047  }
0x12e: {  	s0 =	stileid.u32;
	[bflag:$0x2] =	sbarrier.arrive $0xFFFF  }
0x12f: {  	p0 =	sne.s32 s0, $0x0;
	s0 =	rddreg [dreg:$0x3]  }
0x130: {  	s0 =	sadd.s32 @!p0 $0x100000, s0  }
0x131: {  	[sflag:s0] =	ssyncadd.tile.s32 @!p0 $0x1;
	_ =	shalt  }
.Lfunc_end2:
_tile_overlayer_lowered:
.L_overlay_start_2:
0x132: {  	(tag) =	ssettag $0x2  }
0x133: {  	s0 =	rddreg [dreg:$0x0];
	s2 =	stileid.u32  }
0x134: {  	s1 =	rddreg [dreg:$0x1];
	p0 =	sne.s32 s2, $0x0  }
0x135: {  	s3 =	rddreg [dreg:$0x2];
	[bflag:$0x3] =	sbarrier.arrive $0xFFFF;
	s2 =	simm.s32 @!p0 $0x1C05  }
0x136: {  	[timem:s3], [sflag:s2] =	dma.local @!p0 [hbm:s0], s1  }
0x137: {  	s0 =	simm.s32 @!p0 $0x5  }
0x138: {  	_ =	swait.ge @!p0 [sflag:s0], s1  }
0x139: {  	s1 =	ssub.s32 @!p0 $0x0, s1;
	[sflag:s0] =	ssyncset.done @!p0 $0x0  }
0x13a: {  	[sflag:s0] =	ssyncadd.s32 @!p0 s1  }
0x13b: {  	[bflag:$0x3] =	sbarrier.arrive $0xFFFF  }
0x13c: {  	_ =	shalt  }

</sc_bundles>
